<compile_context>
chip_gen: v7x
topology: tpu7x:2x2x1
jax: 0.10.2.dev20260603
libtpu: 0.0.44.dev20260713+nightly
codegen_flags: <defaults>
</compile_context>

<pallas_src>
import jax
import jax.numpy as jnp
from jax import lax
from jax.experimental import pallas as pl
from jax.experimental.pallas import tpu as pltpu
from jax.experimental.pallas import tpu_sc as plsc

_NC = 2
_NS = 16
_NW = _NC * _NS
_L = 16


def _make_scatter_add(M, D, B):
  mesh = plsc.VectorSubcoreMesh(
      core_axis_name="c", subcore_axis_name="s",
      num_cores=_NC, num_subcores=_NS)
  rpw = (M + _NW - 1) // _NW
  nvec = B // _L
  nchunk = D // _L
  KB = _L
  rpw_pad = ((rpw + KB - 1) // KB) * KB

  def body(out_hbm, idx_hbm, msk_hbm, upd_hbm,
           idx_v, msk_v, mi_v, mb_v, oi_v, ob_v, tab_v,
           acc_v, upd_v, vi_s, vb_s, acc_o, upd_o, vi_o, vb_o, gsem, ssem):
    c = lax.axis_index("c")
    s = lax.axis_index("s")
    wid = s * _NC + c
    lo = wid * rpw
    hi = jnp.minimum(lo + rpw, M)
    lanes = lax.iota(jnp.int32, _L)
    zeros = jnp.zeros((_L,), jnp.int32)
    ones = zeros + 1

    pltpu.sync_copy(idx_hbm, idx_v)
    pltpu.sync_copy(msk_hbm, msk_v)

    def clr_body(t, a):
      tab_v[pl.ds(t * _L, _L)] = zeros
      return a

    lax.fori_loop(0, rpw_pad // _L, clr_body, jnp.int32(0))

    def scan_body(j, cnt):
      base = j * _L
      vi = idx_v[pl.ds(base, _L)]
      vm = msk_v[pl.ds(base, _L)]
      m = (vi >= lo) & (vi < hi) & (vm != 0)
      rel = jnp.where(m, vi - lo, 0)
      c1 = plsc.cumsum(jnp.where(m, ones, zeros))
      pos = (cnt + c1) - 1
      plsc.store_scatter(tab_v, [rel], pos + 1, mask=m)
      plsc.store_scatter(idx_v, [pos], vi, mask=m)
      plsc.store_scatter(msk_v, [pos], base + lanes, mask=m)
      return cnt + jnp.sum(jnp.where(m, ones, zeros))

    cnt = lax.fori_loop(0, nvec, scan_body, jnp.int32(0))

    nl = (cnt + (_L - 1)) // _L

    def part_body(j, carry):
      cntm, cnto = carry
      base = j * _L
      pvec = base + lanes
      valid = pvec < cnt
      vi = idx_v[pl.ds(base, _L)]
      vb = msk_v[pl.ds(base, _L)]
      rel = jnp.where(valid, vi - lo, 0)
      tv = plsc.load_gather(tab_v, [rel])
      first = valid & (tv == pvec + 1)
      dup = valid & ~first
      c1 = plsc.cumsum(jnp.where(first, ones, zeros))
      posm = (cntm + c1) - 1
      plsc.store_scatter(mi_v, [posm], vi, mask=first)
      plsc.store_scatter(mb_v, [posm], vb, mask=first)
      c2 = plsc.cumsum(jnp.where(dup, ones, zeros))
      poso = (cnto + c2) - 1
      plsc.store_scatter(oi_v, [poso], vi, mask=dup)
      plsc.store_scatter(ob_v, [poso], vb, mask=dup)
      return (cntm + jnp.sum(jnp.where(first, ones, zeros)),
              cnto + jnp.sum(jnp.where(dup, ones, zeros)))

    cntm, cnto = lax.fori_loop(0, nl, part_body,
                               (jnp.int32(0), jnp.int32(0)))
    nbm = (cntm + (KB - 1)) // KB

    def add_rows(acc_r, upd_r, nrows):
      def add_body(i, a):
        rr = i // nchunk
        jj = i % nchunk
        u = upd_r[rr, pl.ds(jj * _L, _L)]
        plsc.addupdate(acc_r.at[rr, pl.ds(jj * _L, _L)], u)
        return a

      lax.fori_loop(0, nrows * nchunk, add_body, jnp.int32(0), unroll=16)

    def main_body(j, carry):
      base = j * KB
      b16 = jnp.broadcast_to(base, (_L,))
      vi0 = plsc.load_gather(mi_v, [b16])
      vb0 = plsc.load_gather(mb_v, [b16])
      for h in range(KB // _L):
        hb = base + h * _L
        valid = (hb + lanes) < cntm
        vi = mi_v[pl.ds(hb, _L)]
        vb = mb_v[pl.ds(hb, _L)]
        vi_s[pl.ds(h * _L, _L)] = jnp.where(valid, vi, vi0)
        vb_s[pl.ds(h * _L, _L)] = jnp.where(valid, vb, vb0)
      pltpu.async_copy(out_hbm.at[vi_s], acc_v, gsem)
      pltpu.async_copy(upd_hbm.at[vb_s], upd_v, gsem)
      pltpu.make_async_copy(out_hbm.at[vi_s], acc_v, gsem).wait()
      pltpu.make_async_copy(upd_hbm.at[vb_s], upd_v, gsem).wait()
      add_rows(acc_v, upd_v, KB)
      pltpu.async_copy(acc_v, out_hbm.at[vi_s], ssem).wait()
      return carry

    lax.fori_loop(jnp.int32(0), nbm, main_body, jnp.int32(0))

    nbo = (cnto + (_L - 1)) // _L

    def ovf_body(j, carry):
      base = j * _L
      valid = (base + lanes) < cnto
      vi = oi_v[pl.ds(base, _L)]
      vb = ob_v[pl.ds(base, _L)]
      vim = jnp.where(valid, vi, M + lanes)
      occ1, _ = plsc.scan_count(vim)
      occ = occ1 - 1
      rounds = jnp.max(jnp.where(valid, occ, 0)) + 1

      def round_body(r, rc):
        active = valid & (occ == r)
        f = jnp.broadcast_to(
            plsc.all_reduce_ffs(active), (_L,)).astype(jnp.int32)
        fb = base + f
        vi_o[...] = jnp.where(active, vi, plsc.load_gather(oi_v, [fb]))
        vb_o[...] = jnp.where(active, vb, plsc.load_gather(ob_v, [fb]))
        pltpu.async_copy(out_hbm.at[vi_o], acc_o, gsem)
        pltpu.async_copy(upd_hbm.at[vb_o], upd_o, gsem).wait()
        pltpu.make_async_copy(out_hbm.at[vi_o], acc_o, gsem).wait()
        add_rows(acc_o, upd_o, _L)
        pltpu.async_copy(acc_o, out_hbm.at[vi_o], ssem).wait()
        return rc

      lax.fori_loop(jnp.int32(0), rounds, round_body, jnp.int32(0))
      return carry

    lax.fori_loop(jnp.int32(0), nbo, ovf_body, jnp.int32(0))

  return pl.kernel(
      body,
      out_type=(),
      mesh=mesh,
      compiler_params=pltpu.CompilerParams(needs_layout_passes=False),
      scratch_types=[
          pltpu.VMEM((B,), jnp.int32),
          pltpu.VMEM((B,), jnp.int32),
          pltpu.VMEM((rpw_pad,), jnp.int32),
          pltpu.VMEM((rpw_pad,), jnp.int32),
          pltpu.VMEM((B,), jnp.int32),
          pltpu.VMEM((B,), jnp.int32),
          pltpu.VMEM((rpw_pad,), jnp.int32),
          pltpu.VMEM((KB, D), jnp.float32),
          pltpu.VMEM((KB, D), jnp.float32),
          pltpu.VMEM((KB,), jnp.int32),
          pltpu.VMEM((KB,), jnp.int32),
          pltpu.VMEM((_L, D), jnp.float32),
          pltpu.VMEM((_L, D), jnp.float32),
          pltpu.VMEM((_L,), jnp.int32),
          pltpu.VMEM((_L,), jnp.int32),
          pltpu.SemaphoreType.DMA,
          pltpu.SemaphoreType.DMA,
      ],
  )


def kernel(varRef, indice, updates, mask, axis):
  M, D = varRef.shape
  B = indice.shape[0]
  idx = (indice + axis).astype(jnp.int32)
  msk = jnp.where(mask, jnp.int32(1), jnp.int32(0))
  out_ref = jax.new_ref(varRef)
  _make_scatter_add(M, D, B)(out_ref, idx, msk, updates)
  return out_ref[...]

# --- scband reference (transcript-rebuilt; emitter-appended) ---
"""Pipeline reference for scband-model-new-60713657696967 (READ-ONLY COPY).

The authoritative reference and input builder live on the scoring server;
editing this copy changes nothing except your own understanding.
"""

import jax, jax.numpy as jnp
import numpy as np

M = 100000
D = 512
B = 16384

def setup_inputs(seed: int = 0) -> dict:
    key = jax.random.key(seed)
    k1, k2, k3, k4 = jax.random.split(key, 4)
    varRef = jax.random.normal(k1, (M, D), dtype=jnp.float32)
    indice = jax.random.randint(k2, (B,), 0, M, dtype=jnp.int64)
    updates = jax.random.normal(k3, (B, D), dtype=jnp.float32)
    mask = jax.random.randint(k4, (B,), 0, 2, dtype=jnp.int32).astype(jnp.bool_)
    axis = 0
    return {"varRef": varRef, "indice": indice, "updates": updates, "mask": mask, "axis": axis}

def reference(varRef, indice, updates, mask, axis):
    # scatter_list with reduce='add' along axis=0 into the (single) referenced
    # memory tensor; masked-out update rows are dropped.
    if mask is not None:
        upd = jnp.where(mask[:, None], updates, jnp.zeros_like(updates))
    else:
        upd = updates
    idx = indice + axis
    out = varRef.at[idx].add(upd)
    return out

if __name__ == "__main__":
    import jax
    _d = setup_inputs()
    print(jax.jit(kernel)(*tuple(_d.values())))

</pallas_src>

<mosaic_0001>
#map = affine_map<(d0, d1) -> (0, 0)>
#map1 = affine_map<(d0, d1) -> (0)>
module attributes {stable_mosaic.version = 14 : i64} {
  func.func @new_body(%arg0: i32, %arg1: i32, %arg2: memref<100000x512xf32, #tpu.memory_space<hbm>>, %arg3: memref<16384xi32, #tpu.memory_space<hbm>>, %arg4: memref<16384xi32, #tpu.memory_space<hbm>>, %arg5: memref<16384x512xf32, #tpu.memory_space<hbm>>, %arg6: memref<100000x512xf32, #tpu.memory_space<hbm>>, %arg7: memref<16384xi32, #tpu.memory_space<vmem>>, %arg8: memref<16384xi32, #tpu.memory_space<vmem>>, %arg9: memref<3136xi32, #tpu.memory_space<vmem>>, %arg10: memref<3136xi32, #tpu.memory_space<vmem>>, %arg11: memref<16384xi32, #tpu.memory_space<vmem>>, %arg12: memref<16384xi32, #tpu.memory_space<vmem>>, %arg13: memref<3136xi32, #tpu.memory_space<vmem>>, %arg14: memref<16x512xf32, #tpu.memory_space<vmem>>, %arg15: memref<16x512xf32, #tpu.memory_space<vmem>>, %arg16: memref<16xi32, #tpu.memory_space<vmem>>, %arg17: memref<16xi32, #tpu.memory_space<vmem>>, %arg18: memref<16x512xf32, #tpu.memory_space<vmem>>, %arg19: memref<16x512xf32, #tpu.memory_space<vmem>>, %arg20: memref<16xi32, #tpu.memory_space<vmem>>, %arg21: memref<16xi32, #tpu.memory_space<vmem>>, %arg22: memref<!tpu.dma_semaphore, #tpu.memory_space<semaphore_mem>>, %arg23: memref<!tpu.dma_semaphore, #tpu.memory_space<semaphore_mem>>) attributes {dimension_semantics = [#tpu.dimension_semantics<core_parallel>, #tpu.dimension_semantics<subcore_parallel>], iteration_bounds = array<i64: 2, 16>, scalar_prefetch = 0 : i64, scratch_operands = 17 : i64, tpu.core_type = #tpu.core_type<sc_vector_subcore>, window_params = [{transform_indices = #map}, {transform_indices = #map1}, {transform_indices = #map1}, {transform_indices = #map}, {transform_indices = #map}]} {
    %mul3A = arith.constant 2 : i32
    %mul3A_0 = arith.muli %arg1, %mul3A : i32
    %add3A = arith.addi %mul3A_0, %arg0 : i32
    %mul3A_1 = arith.constant 3125 : i32
    %mul3A_2 = arith.muli %add3A, %mul3A_1 : i32
    %add3A_3 = arith.constant 3125 : i32
    %add3A_4 = arith.addi %mul3A_2, %add3A_3 : i32
    %min3A = arith.constant 100000 : i32
    %min3A_5 = arith.minsi %add3A_4, %min3A : i32
    %iota3A = tpu.iota {dimensions = array<i32: 0>} : vector<16xi32>
    %broadcast_in_dim3A = arith.constant 0 : i32
    %broadcast_in_dim3A_6 = vector.broadcast %broadcast_in_dim3A : i32 to vector<16xi32>
    %add3A_7 = arith.constant 1 : i32
    %add3A_8 = vector.broadcast %add3A_7 : i32 to vector<16xi32>
    %add3A_9 = arith.addi %broadcast_in_dim3A_6, %add3A_8 : vector<16xi32>
    "tpu.region"() ({
      %run_scoped3A = tpu.sem_alloc : memref<!tpu.dma_semaphore, #tpu.memory_space<semaphore_mem>>
      tpu.enqueue_dma source(%arg3 : memref<16384xi32, #tpu.memory_space<hbm>>) target(%arg7 : memref<16384xi32, #tpu.memory_space<vmem>>) target_semaphore(%run_scoped3A : memref<!tpu.dma_semaphore, #tpu.memory_space<semaphore_mem>>)
      tpu.wait_dma2 semaphore(%run_scoped3A : memref<!tpu.dma_semaphore, #tpu.memory_space<semaphore_mem>>) src(%arg3 : memref<16384xi32, #tpu.memory_space<hbm>>) dst(%arg7 : memref<16384xi32, #tpu.memory_space<vmem>>)
      tpu.yield
    }) : () -> ()
    "tpu.region"() ({
      %run_scoped3A = tpu.sem_alloc : memref<!tpu.dma_semaphore, #tpu.memory_space<semaphore_mem>>
      tpu.enqueue_dma source(%arg4 : memref<16384xi32, #tpu.memory_space<hbm>>) target(%arg8 : memref<16384xi32, #tpu.memory_space<vmem>>) target_semaphore(%run_scoped3A : memref<!tpu.dma_semaphore, #tpu.memory_space<semaphore_mem>>)
      tpu.wait_dma2 semaphore(%run_scoped3A : memref<!tpu.dma_semaphore, #tpu.memory_space<semaphore_mem>>) src(%arg4 : memref<16384xi32, #tpu.memory_space<hbm>>) dst(%arg8 : memref<16384xi32, #tpu.memory_space<vmem>>)
      tpu.yield
    }) : () -> ()
    %scan3A = arith.constant 0 : i32
    %scan3A_10 = arith.constant 0 : i32
    %scan3A_11 = arith.constant 196 : i32
    %scan3A_12 = arith.addi %scan3A_10, %scan3A_11 : i32
    %scan3A_13 = arith.constant 1 : i32
    scf.for %scan3A_124 = %scan3A_10 to %scan3A_12 step %scan3A_13  : i32 {
      %mul3A_125 = arith.constant 16 : i32
      %mul3A_126 = arith.muli %scan3A_124, %mul3A_125 : i32
      %swap3A = arith.index_cast %mul3A_126 : i32 to index
      %swap3A_127 = tpu.vector_load %arg13[%swap3A] {strides = array<i32>} : memref<3136xi32, #tpu.memory_space<vmem>>, vector<16xi32>,
      tpu.vector_store %arg13[%swap3A], %broadcast_in_dim3A_6 {strides = array<i32>} : memref<3136xi32, #tpu.memory_space<vmem>>, vector<16xi32>,
    }
    %scan3A_14 = arith.constant 196 : i32
    %scan3A_15 = arith.constant 0 : i32
    %scan3A_16 = arith.constant 0 : i32
    %scan3A_17 = arith.constant 1024 : i32
    %scan3A_18 = arith.addi %scan3A_16, %scan3A_17 : i32
    %scan3A_19 = arith.constant 1 : i32
    %scan3A_20 = scf.for %scan3A_124 = %scan3A_16 to %scan3A_18 step %scan3A_19 iter_args(%scan3A_125 = %scan3A_15) -> (i32)  : i32 {
      %mul3A_126 = arith.constant 16 : i32
      %mul3A_127 = arith.muli %scan3A_124, %mul3A_126 : i32
      %get3A = arith.index_cast %mul3A_127 : i32 to index
      %get3A_128 = tpu.vector_load %arg7[%get3A] {strides = array<i32>} : memref<16384xi32, #tpu.memory_space<vmem>>, vector<16xi32>,
      %get3A_129 = arith.index_cast %mul3A_127 : i32 to index
      %get3A_130 = tpu.vector_load %arg8[%get3A_129] {strides = array<i32>} : memref<16384xi32, #tpu.memory_space<vmem>>, vector<16xi32>,
      %ge3A = vector.broadcast %mul3A_2 : i32 to vector<16xi32>
      %ge3A_131 = arith.cmpi sge, %get3A_128, %ge3A : vector<16xi32>
      %lt3A = vector.broadcast %min3A_5 : i32 to vector<16xi32>
      %lt3A_132 = arith.cmpi slt, %get3A_128, %lt3A : vector<16xi32>
      %and3A_133 = arith.andi %ge3A_131, %lt3A_132 : vector<16xi1>
      %ne3A_134 = arith.constant 0 : i32
      %ne3A_135 = vector.broadcast %ne3A_134 : i32 to vector<16xi32>
      %ne3A_136 = arith.cmpi ne, %get3A_130, %ne3A_135 : vector<16xi32>
      %and3A_137 = arith.andi %and3A_133, %ne3A_136 : vector<16xi1>
      %sub3A_138 = vector.broadcast %mul3A_2 : i32 to vector<16xi32>
      %sub3A_139 = arith.subi %get3A_128, %sub3A_138 : vector<16xi32>
      %jit3A_140 = arith.constant 0 : i32
      %broadcast_in_dim3A_141 = vector.broadcast %jit3A_140 : i32 to vector<16xi32>
      %select_n3A_142 = arith.select %and3A_137, %sub3A_139, %broadcast_in_dim3A_141 : vector<16xi1>, vector<16xi32>
      %select_n3A_143 = arith.select %and3A_137, %add3A_9, %broadcast_in_dim3A_6 : vector<16xi1>, vector<16xi32>
      %broadcast_in_dim3A_144 = arith.constant true
      %broadcast_in_dim3A_145 = vector.broadcast %broadcast_in_dim3A_144 : i1 to vector<16xi1>
      %masked_cumsum3A = tpu.scan <sum>, %select_n3A_143 masked %broadcast_in_dim3A_145 : vector<16xi32>, vector<16xi1> -> vector<16xi32>
      %add3A_146 = vector.broadcast %scan3A_125 : i32 to vector<16xi32>
      %add3A_147 = arith.addi %add3A_146, %masked_cumsum3A : vector<16xi32>
      %sub3A_148 = arith.constant 1 : i32
      %sub3A_149 = vector.broadcast %sub3A_148 : i32 to vector<16xi32>
      %sub3A_150 = arith.subi %add3A_147, %sub3A_149 : vector<16xi32>
      %add3A_151 = arith.constant 1 : i32
      %add3A_152 = vector.broadcast %add3A_151 : i32 to vector<16xi32>
      %add3A_153 = arith.addi %sub3A_150, %add3A_152 : vector<16xi32>
      tpu.vector_store_idx %arg13[%select_n3A_142], %add3A_153 masked %and3A_137 : memref<3136xi32, #tpu.memory_space<vmem>>[vector<16xi32>], vector<16xi32>, vector<16xi1>
      tpu.vector_store_idx %arg7[%sub3A_150], %get3A_128 masked %and3A_137 : memref<16384xi32, #tpu.memory_space<vmem>>[vector<16xi32>], vector<16xi32>, vector<16xi1>
      %add3A_154 = vector.broadcast %mul3A_127 : i32 to vector<16xi32>
      %add3A_155 = arith.addi %add3A_154, %iota3A : vector<16xi32>
      tpu.vector_store_idx %arg8[%sub3A_150], %add3A_155 masked %and3A_137 : memref<16384xi32, #tpu.memory_space<vmem>>[vector<16xi32>], vector<16xi32>, vector<16xi1>
      %select_n3A_156 = arith.select %and3A_137, %add3A_9, %broadcast_in_dim3A_6 : vector<16xi1>, vector<16xi32>
      %reduce_sum3A = arith.constant true
      %reduce_sum3A_157 = vector.broadcast %reduce_sum3A : i1 to vector<16xi1>
      %reduce_sum3A_158 = tpu.scan <sum>, %select_n3A_156 masked %reduce_sum3A_157 : vector<16xi32>, vector<16xi1> -> vector<16xi32>
      %reduce_sum3A_159 = vector.extract %reduce_sum3A_158[15] : i32 from vector<16xi32>
      %add3A_160 = arith.addi %scan3A_125, %reduce_sum3A_159 : i32
      scf.yield %add3A_160 : i32
    }
    %scan3A_21 = arith.constant 1024 : i32
    %add3A_22 = arith.constant 15 : i32
    %add3A_23 = arith.addi %scan3A_20, %add3A_22 : i32
    %jit3A = arith.constant 16 : i32
    %div3A = arith.divsi %add3A_23, %jit3A : i32
    %sign3A = arith.constant 0 : i32
    %sign3A_24 = arith.cmpi sgt, %add3A_23, %sign3A : i32
    %sign3A_25 = arith.extui %sign3A_24 : i1 to i32
    %sign3A_26 = arith.constant 0 : i32
    %sign3A_27 = arith.cmpi slt, %add3A_23, %sign3A_26 : i32
    %sign3A_28 = arith.extui %sign3A_27 : i1 to i32
    %sign3A_29 = arith.subi %sign3A_25, %sign3A_28 : i32
    %sign3A_30 = arith.constant 0 : i32
    %sign3A_31 = arith.cmpi sgt, %jit3A, %sign3A_30 : i32
    %sign3A_32 = arith.extui %sign3A_31 : i1 to i32
    %sign3A_33 = arith.constant 0 : i32
    %sign3A_34 = arith.cmpi slt, %jit3A, %sign3A_33 : i32
    %sign3A_35 = arith.extui %sign3A_34 : i1 to i32
    %sign3A_36 = arith.subi %sign3A_32, %sign3A_35 : i32
    %ne3A = arith.cmpi ne, %sign3A_29, %sign3A_36 : i32
    %rem3A = arith.remsi %add3A_23, %jit3A : i32
    %ne3A_37 = arith.constant 0 : i32
    %ne3A_38 = arith.cmpi ne, %rem3A, %ne3A_37 : i32
    %and3A = arith.andi %ne3A, %ne3A_38 : i1
    %sub3A = arith.constant 1 : i32
    %sub3A_39 = arith.subi %div3A, %sub3A : i32
    %select_n3A = arith.select %and3A, %sub3A_39, %div3A : i32
    %while3A = arith.constant 0 : i32
    %while3A_40 = arith.constant 0 : i32
    %while3A_41 = arith.constant 0 : i32
    %while3A_42 = arith.subi %select_n3A, %while3A : i32
    %while3A_43 = arith.addi %while3A, %while3A_42 : i32
    %while3A_44 = arith.constant 1 : i32
    %while3A_45 = arith.divsi %while3A_42, %while3A_44 : i32
    %while3A_46 = arith.muli %while3A_45, %while3A_44 : i32
    %while3A_47 = arith.addi %while3A, %while3A_46 : i32
    %while3A_48 = arith.constant 1 : i32
    %while3A_49:2 = scf.for %while3A_124 = %while3A to %while3A_47 step %while3A_48 iter_args(%while3A_125 = %while3A_40, %while3A_126 = %while3A_41) -> (i32, i32)  : i32 {
      %mul3A_127 = arith.constant 16 : i32
      %mul3A_128 = arith.muli %while3A_124, %mul3A_127 : i32
      %add3A_129 = vector.broadcast %mul3A_128 : i32 to vector<16xi32>
      %add3A_130 = arith.addi %add3A_129, %iota3A : vector<16xi32>
      %lt3A = vector.broadcast %scan3A_20 : i32 to vector<16xi32>
      %lt3A_131 = arith.cmpi slt, %add3A_130, %lt3A : vector<16xi32>
      %get3A = arith.index_cast %mul3A_128 : i32 to index
      %get3A_132 = tpu.vector_load %arg7[%get3A] {strides = array<i32>} : memref<16384xi32, #tpu.memory_space<vmem>>, vector<16xi32>,
      %get3A_133 = arith.index_cast %mul3A_128 : i32 to index
      %get3A_134 = tpu.vector_load %arg8[%get3A_133] {strides = array<i32>} : memref<16384xi32, #tpu.memory_space<vmem>>, vector<16xi32>,
      %sub3A_135 = vector.broadcast %mul3A_2 : i32 to vector<16xi32>
      %sub3A_136 = arith.subi %get3A_132, %sub3A_135 : vector<16xi32>
      %jit3A_137 = arith.constant 0 : i32
      %broadcast_in_dim3A_138 = vector.broadcast %jit3A_137 : i32 to vector<16xi32>
      %select_n3A_139 = arith.select %lt3A_131, %sub3A_136, %broadcast_in_dim3A_138 : vector<16xi1>, vector<16xi32>
      %gather3A = tpu.vector_load_idx %arg13[%select_n3A_139] : memref<3136xi32, #tpu.memory_space<vmem>>[vector<16xi32>], vector<16xi32>,
      %add3A_140 = arith.constant 1 : i32
      %add3A_141 = vector.broadcast %add3A_140 : i32 to vector<16xi32>
      %add3A_142 = arith.addi %add3A_130, %add3A_141 : vector<16xi32>
      %eq3A = arith.cmpi eq, %gather3A, %add3A_142 : vector<16xi32>
      %and3A_143 = arith.andi %lt3A_131, %eq3A : vector<16xi1>
      %not3A = arith.constant dense<true> : vector<16xi1>
      %not3A_144 = arith.xori %and3A_143, %not3A : vector<16xi1>
      %and3A_145 = arith.andi %lt3A_131, %not3A_144 : vector<16xi1>
      %select_n3A_146 = arith.select %and3A_143, %add3A_9, %broadcast_in_dim3A_6 : vector<16xi1>, vector<16xi32>
      %broadcast_in_dim3A_147 = arith.constant true
      %broadcast_in_dim3A_148 = vector.broadcast %broadcast_in_dim3A_147 : i1 to vector<16xi1>
      %masked_cumsum3A = tpu.scan <sum>, %select_n3A_146 masked %broadcast_in_dim3A_148 : vector<16xi32>, vector<16xi1> -> vector<16xi32>
      %add3A_149 = vector.broadcast %while3A_125 : i32 to vector<16xi32>
      %add3A_150 = arith.addi %add3A_149, %masked_cumsum3A : vector<16xi32>
      %sub3A_151 = arith.constant 1 : i32
      %sub3A_152 = vector.broadcast %sub3A_151 : i32 to vector<16xi32>
      %sub3A_153 = arith.subi %add3A_150, %sub3A_152 : vector<16xi32>
      tpu.vector_store_idx %arg9[%sub3A_153], %get3A_132 masked %and3A_143 : memref<3136xi32, #tpu.memory_space<vmem>>[vector<16xi32>], vector<16xi32>, vector<16xi1>
      tpu.vector_store_idx %arg10[%sub3A_153], %get3A_134 masked %and3A_143 : memref<3136xi32, #tpu.memory_space<vmem>>[vector<16xi32>], vector<16xi32>, vector<16xi1>
      %select_n3A_154 = arith.select %and3A_145, %add3A_9, %broadcast_in_dim3A_6 : vector<16xi1>, vector<16xi32>
      %broadcast_in_dim3A_155 = arith.constant true
      %broadcast_in_dim3A_156 = vector.broadcast %broadcast_in_dim3A_155 : i1 to vector<16xi1>
      %masked_cumsum3A_157 = tpu.scan <sum>, %select_n3A_154 masked %broadcast_in_dim3A_156 : vector<16xi32>, vector<16xi1> -> vector<16xi32>
      %add3A_158 = vector.broadcast %while3A_126 : i32 to vector<16xi32>
      %add3A_159 = arith.addi %add3A_158, %masked_cumsum3A_157 : vector<16xi32>
      %sub3A_160 = arith.constant 1 : i32
      %sub3A_161 = vector.broadcast %sub3A_160 : i32 to vector<16xi32>
      %sub3A_162 = arith.subi %add3A_159, %sub3A_161 : vector<16xi32>
      tpu.vector_store_idx %arg11[%sub3A_162], %get3A_132 masked %and3A_145 : memref<16384xi32, #tpu.memory_space<vmem>>[vector<16xi32>], vector<16xi32>, vector<16xi1>
      tpu.vector_store_idx %arg12[%sub3A_162], %get3A_134 masked %and3A_145 : memref<16384xi32, #tpu.memory_space<vmem>>[vector<16xi32>], vector<16xi32>, vector<16xi1>
      %select_n3A_163 = arith.select %and3A_143, %add3A_9, %broadcast_in_dim3A_6 : vector<16xi1>, vector<16xi32>
      %reduce_sum3A = arith.constant true
      %reduce_sum3A_164 = vector.broadcast %reduce_sum3A : i1 to vector<16xi1>
      %reduce_sum3A_165 = tpu.scan <sum>, %select_n3A_163 masked %reduce_sum3A_164 : vector<16xi32>, vector<16xi1> -> vector<16xi32>
      %reduce_sum3A_166 = vector.extract %reduce_sum3A_165[15] : i32 from vector<16xi32>
      %add3A_167 = arith.addi %while3A_125, %reduce_sum3A_166 : i32
      %select_n3A_168 = arith.select %and3A_145, %add3A_9, %broadcast_in_dim3A_6 : vector<16xi1>, vector<16xi32>
      %reduce_sum3A_169 = arith.constant true
      %reduce_sum3A_170 = vector.broadcast %reduce_sum3A_169 : i1 to vector<16xi1>
      %reduce_sum3A_171 = tpu.scan <sum>, %select_n3A_168 masked %reduce_sum3A_170 : vector<16xi32>, vector<16xi1> -> vector<16xi32>
      %reduce_sum3A_172 = vector.extract %reduce_sum3A_171[15] : i32 from vector<16xi32>
      %add3A_173 = arith.addi %while3A_126, %reduce_sum3A_172 : i32
      scf.yield %add3A_167, %add3A_173 : i32, i32
    }
    %while3A_50 = arith.constant 1 : i32
    %while3A_51:2 = scf.for %while3A_124 = %while3A_47 to %while3A_43 step %while3A_50 iter_args(%while3A_125 = %while3A_49#0, %while3A_126 = %while3A_49#1) -> (i32, i32)  : i32 {
      %mul3A_127 = arith.constant 16 : i32
      %mul3A_128 = arith.muli %while3A_124, %mul3A_127 : i32
      %add3A_129 = vector.broadcast %mul3A_128 : i32 to vector<16xi32>
      %add3A_130 = arith.addi %add3A_129, %iota3A : vector<16xi32>
      %lt3A = vector.broadcast %scan3A_20 : i32 to vector<16xi32>
      %lt3A_131 = arith.cmpi slt, %add3A_130, %lt3A : vector<16xi32>
      %get3A = arith.index_cast %mul3A_128 : i32 to index
      %get3A_132 = tpu.vector_load %arg7[%get3A] {strides = array<i32>} : memref<16384xi32, #tpu.memory_space<vmem>>, vector<16xi32>,
      %get3A_133 = arith.index_cast %mul3A_128 : i32 to index
      %get3A_134 = tpu.vector_load %arg8[%get3A_133] {strides = array<i32>} : memref<16384xi32, #tpu.memory_space<vmem>>, vector<16xi32>,
      %sub3A_135 = vector.broadcast %mul3A_2 : i32 to vector<16xi32>
      %sub3A_136 = arith.subi %get3A_132, %sub3A_135 : vector<16xi32>
      %jit3A_137 = arith.constant 0 : i32
      %broadcast_in_dim3A_138 = vector.broadcast %jit3A_137 : i32 to vector<16xi32>
      %select_n3A_139 = arith.select %lt3A_131, %sub3A_136, %broadcast_in_dim3A_138 : vector<16xi1>, vector<16xi32>
      %gather3A = tpu.vector_load_idx %arg13[%select_n3A_139] : memref<3136xi32, #tpu.memory_space<vmem>>[vector<16xi32>], vector<16xi32>,
      %add3A_140 = arith.constant 1 : i32
      %add3A_141 = vector.broadcast %add3A_140 : i32 to vector<16xi32>
      %add3A_142 = arith.addi %add3A_130, %add3A_141 : vector<16xi32>
      %eq3A = arith.cmpi eq, %gather3A, %add3A_142 : vector<16xi32>
      %and3A_143 = arith.andi %lt3A_131, %eq3A : vector<16xi1>
      %not3A = arith.constant dense<true> : vector<16xi1>
      %not3A_144 = arith.xori %and3A_143, %not3A : vector<16xi1>
      %and3A_145 = arith.andi %lt3A_131, %not3A_144 : vector<16xi1>
      %select_n3A_146 = arith.select %and3A_143, %add3A_9, %broadcast_in_dim3A_6 : vector<16xi1>, vector<16xi32>
      %broadcast_in_dim3A_147 = arith.constant true
      %broadcast_in_dim3A_148 = vector.broadcast %broadcast_in_dim3A_147 : i1 to vector<16xi1>
      %masked_cumsum3A = tpu.scan <sum>, %select_n3A_146 masked %broadcast_in_dim3A_148 : vector<16xi32>, vector<16xi1> -> vector<16xi32>
      %add3A_149 = vector.broadcast %while3A_125 : i32 to vector<16xi32>
      %add3A_150 = arith.addi %add3A_149, %masked_cumsum3A : vector<16xi32>
      %sub3A_151 = arith.constant 1 : i32
      %sub3A_152 = vector.broadcast %sub3A_151 : i32 to vector<16xi32>
      %sub3A_153 = arith.subi %add3A_150, %sub3A_152 : vector<16xi32>
      tpu.vector_store_idx %arg9[%sub3A_153], %get3A_132 masked %and3A_143 : memref<3136xi32, #tpu.memory_space<vmem>>[vector<16xi32>], vector<16xi32>, vector<16xi1>
      tpu.vector_store_idx %arg10[%sub3A_153], %get3A_134 masked %and3A_143 : memref<3136xi32, #tpu.memory_space<vmem>>[vector<16xi32>], vector<16xi32>, vector<16xi1>
      %select_n3A_154 = arith.select %and3A_145, %add3A_9, %broadcast_in_dim3A_6 : vector<16xi1>, vector<16xi32>
      %broadcast_in_dim3A_155 = arith.constant true
      %broadcast_in_dim3A_156 = vector.broadcast %broadcast_in_dim3A_155 : i1 to vector<16xi1>
      %masked_cumsum3A_157 = tpu.scan <sum>, %select_n3A_154 masked %broadcast_in_dim3A_156 : vector<16xi32>, vector<16xi1> -> vector<16xi32>
      %add3A_158 = vector.broadcast %while3A_126 : i32 to vector<16xi32>
      %add3A_159 = arith.addi %add3A_158, %masked_cumsum3A_157 : vector<16xi32>
      %sub3A_160 = arith.constant 1 : i32
      %sub3A_161 = vector.broadcast %sub3A_160 : i32 to vector<16xi32>
      %sub3A_162 = arith.subi %add3A_159, %sub3A_161 : vector<16xi32>
      tpu.vector_store_idx %arg11[%sub3A_162], %get3A_132 masked %and3A_145 : memref<16384xi32, #tpu.memory_space<vmem>>[vector<16xi32>], vector<16xi32>, vector<16xi1>
      tpu.vector_store_idx %arg12[%sub3A_162], %get3A_134 masked %and3A_145 : memref<16384xi32, #tpu.memory_space<vmem>>[vector<16xi32>], vector<16xi32>, vector<16xi1>
      %select_n3A_163 = arith.select %and3A_143, %add3A_9, %broadcast_in_dim3A_6 : vector<16xi1>, vector<16xi32>
      %reduce_sum3A = arith.constant true
      %reduce_sum3A_164 = vector.broadcast %reduce_sum3A : i1 to vector<16xi1>
      %reduce_sum3A_165 = tpu.scan <sum>, %select_n3A_163 masked %reduce_sum3A_164 : vector<16xi32>, vector<16xi1> -> vector<16xi32>
      %reduce_sum3A_166 = vector.extract %reduce_sum3A_165[15] : i32 from vector<16xi32>
      %add3A_167 = arith.addi %while3A_125, %reduce_sum3A_166 : i32
      %select_n3A_168 = arith.select %and3A_145, %add3A_9, %broadcast_in_dim3A_6 : vector<16xi1>, vector<16xi32>
      %reduce_sum3A_169 = arith.constant true
      %reduce_sum3A_170 = vector.broadcast %reduce_sum3A_169 : i1 to vector<16xi1>
      %reduce_sum3A_171 = tpu.scan <sum>, %select_n3A_168 masked %reduce_sum3A_170 : vector<16xi32>, vector<16xi1> -> vector<16xi32>
      %reduce_sum3A_172 = vector.extract %reduce_sum3A_171[15] : i32 from vector<16xi32>
      %add3A_173 = arith.addi %while3A_126, %reduce_sum3A_172 : i32
      scf.yield %add3A_167, %add3A_173 : i32, i32
    }
    %add3A_52 = arith.constant 15 : i32
    %add3A_53 = arith.addi %while3A_51#0, %add3A_52 : i32
    %jit3A_54 = arith.constant 16 : i32
    %div3A_55 = arith.divsi %add3A_53, %jit3A_54 : i32
    %sign3A_56 = arith.constant 0 : i32
    %sign3A_57 = arith.cmpi sgt, %add3A_53, %sign3A_56 : i32
    %sign3A_58 = arith.extui %sign3A_57 : i1 to i32
    %sign3A_59 = arith.constant 0 : i32
    %sign3A_60 = arith.cmpi slt, %add3A_53, %sign3A_59 : i32
    %sign3A_61 = arith.extui %sign3A_60 : i1 to i32
    %sign3A_62 = arith.subi %sign3A_58, %sign3A_61 : i32
    %sign3A_63 = arith.constant 0 : i32
    %sign3A_64 = arith.cmpi sgt, %jit3A_54, %sign3A_63 : i32
    %sign3A_65 = arith.extui %sign3A_64 : i1 to i32
    %sign3A_66 = arith.constant 0 : i32
    %sign3A_67 = arith.cmpi slt, %jit3A_54, %sign3A_66 : i32
    %sign3A_68 = arith.extui %sign3A_67 : i1 to i32
    %sign3A_69 = arith.subi %sign3A_65, %sign3A_68 : i32
    %ne3A_70 = arith.cmpi ne, %sign3A_62, %sign3A_69 : i32
    %rem3A_71 = arith.remsi %add3A_53, %jit3A_54 : i32
    %ne3A_72 = arith.constant 0 : i32
    %ne3A_73 = arith.cmpi ne, %rem3A_71, %ne3A_72 : i32
    %and3A_74 = arith.andi %ne3A_70, %ne3A_73 : i1
    %sub3A_75 = arith.constant 1 : i32
    %sub3A_76 = arith.subi %div3A_55, %sub3A_75 : i32
    %select_n3A_77 = arith.select %and3A_74, %sub3A_76, %div3A_55 : i32
    %while3A_78 = arith.constant 0 : i32
    %while3A_79 = arith.constant 0 : i32
    %while3A_80 = arith.subi %select_n3A_77, %while3A_79 : i32
    %while3A_81 = arith.addi %while3A_79, %while3A_80 : i32
    %while3A_82 = arith.constant 1 : i32
    %while3A_83 = arith.divsi %while3A_80, %while3A_82 : i32
    %while3A_84 = arith.muli %while3A_83, %while3A_82 : i32
    %while3A_85 = arith.addi %while3A_79, %while3A_84 : i32
    %while3A_86 = arith.constant 1 : i32
    scf.for %while3A_124 = %while3A_79 to %while3A_85 step %while3A_86  : i32 {
      %mul3A_125 = arith.constant 16 : i32
      %mul3A_126 = arith.muli %while3A_124, %mul3A_125 : i32
      %broadcast_in_dim3A_127 = vector.broadcast %mul3A_126 : i32 to vector<16xi32>
      %gather3A = tpu.vector_load_idx %arg9[%broadcast_in_dim3A_127] : memref<3136xi32, #tpu.memory_space<vmem>>[vector<16xi32>], vector<16xi32>,
      %gather3A_128 = tpu.vector_load_idx %arg10[%broadcast_in_dim3A_127] : memref<3136xi32, #tpu.memory_space<vmem>>[vector<16xi32>], vector<16xi32>,
      %add3A_129 = arith.constant 0 : i32
      %add3A_130 = arith.addi %mul3A_126, %add3A_129 : i32
      %add3A_131 = vector.broadcast %add3A_130 : i32 to vector<16xi32>
      %add3A_132 = arith.addi %add3A_131, %iota3A : vector<16xi32>
      %lt3A = vector.broadcast %while3A_51#0 : i32 to vector<16xi32>
      %lt3A_133 = arith.cmpi slt, %add3A_132, %lt3A : vector<16xi32>
      %get3A = arith.index_cast %add3A_130 : i32 to index
      %get3A_134 = tpu.vector_load %arg9[%get3A] {strides = array<i32>} : memref<3136xi32, #tpu.memory_space<vmem>>, vector<16xi32>,
      %get3A_135 = arith.index_cast %add3A_130 : i32 to index
      %get3A_136 = tpu.vector_load %arg10[%get3A_135] {strides = array<i32>} : memref<3136xi32, #tpu.memory_space<vmem>>, vector<16xi32>,
      %select_n3A_137 = arith.select %lt3A_133, %get3A_134, %gather3A : vector<16xi1>, vector<16xi32>
      %swap3A = arith.constant 0 : index
      %swap3A_138 = tpu.vector_load %arg16[%swap3A] {strides = array<i32>} : memref<16xi32, #tpu.memory_space<vmem>>, vector<16xi32>,
      tpu.vector_store %arg16[%swap3A], %select_n3A_137 {strides = array<i32>} : memref<16xi32, #tpu.memory_space<vmem>>, vector<16xi32>,
      %select_n3A_139 = arith.select %lt3A_133, %get3A_136, %gather3A_128 : vector<16xi1>, vector<16xi32>
      %swap3A_140 = arith.constant 0 : index
      %swap3A_141 = tpu.vector_load %arg17[%swap3A_140] {strides = array<i32>} : memref<16xi32, #tpu.memory_space<vmem>>, vector<16xi32>,
      tpu.vector_store %arg17[%swap3A_140], %select_n3A_139 {strides = array<i32>} : memref<16xi32, #tpu.memory_space<vmem>>, vector<16xi32>,
      %dma_start3A = arith.constant 0 : i32
      %dma_start3A_142 = arith.constant 0 : i32
      %dma_start3A_143 = tpu.memref_slice %arg2[%dma_start3A, %dma_start3A_142] : memref<100000x512xf32, #tpu.memory_space<hbm>> -> memref<100000x512xf32, #tpu.memory_space<hbm>>
      tpu.enqueue_indirect_dma source(%dma_start3A_143 : memref<100000x512xf32, #tpu.memory_space<hbm>>) target(%arg14 : memref<16x512xf32, #tpu.memory_space<vmem>>) offsets(%arg16 : memref<16xi32, #tpu.memory_space<vmem>>) semaphore(%arg22 : memref<!tpu.dma_semaphore, #tpu.memory_space<semaphore_mem>>)
      %dma_start3A_144 = arith.constant 0 : i32
      %dma_start3A_145 = arith.constant 0 : i32
      %dma_start3A_146 = tpu.memref_slice %arg5[%dma_start3A_144, %dma_start3A_145] : memref<16384x512xf32, #tpu.memory_space<hbm>> -> memref<16384x512xf32, #tpu.memory_space<hbm>>
      tpu.enqueue_indirect_dma source(%dma_start3A_146 : memref<16384x512xf32, #tpu.memory_space<hbm>>) target(%arg15 : memref<16x512xf32, #tpu.memory_space<vmem>>) offsets(%arg17 : memref<16xi32, #tpu.memory_space<vmem>>) semaphore(%arg22 : memref<!tpu.dma_semaphore, #tpu.memory_space<semaphore_mem>>)
      %dma_wait3A = arith.constant 0 : i32
      %dma_wait3A_147 = arith.constant 0 : i32
      %dma_wait3A_148 = tpu.memref_slice %arg2[%dma_wait3A, %dma_wait3A_147] : memref<100000x512xf32, #tpu.memory_space<hbm>> -> memref<100000x512xf32, #tpu.memory_space<hbm>>
      tpu.wait_indirect_dma semaphore(%arg22 : memref<!tpu.dma_semaphore, #tpu.memory_space<semaphore_mem>>) src(%dma_wait3A_148 : memref<100000x512xf32, #tpu.memory_space<hbm>>) dst(%arg14 : memref<16x512xf32, #tpu.memory_space<vmem>>)
      %dma_wait3A_149 = arith.constant 0 : i32
      %dma_wait3A_150 = arith.constant 0 : i32
      %dma_wait3A_151 = tpu.memref_slice %arg5[%dma_wait3A_149, %dma_wait3A_150] : memref<16384x512xf32, #tpu.memory_space<hbm>> -> memref<16384x512xf32, #tpu.memory_space<hbm>>
      tpu.wait_indirect_dma semaphore(%arg22 : memref<!tpu.dma_semaphore, #tpu.memory_space<semaphore_mem>>) src(%dma_wait3A_151 : memref<16384x512xf32, #tpu.memory_space<hbm>>) dst(%arg15 : memref<16x512xf32, #tpu.memory_space<vmem>>)
      %scan3A_152 = arith.constant 0 : i32
      %scan3A_153 = arith.constant 0 : i32
      %scan3A_154 = arith.constant 512 : i32
      %scan3A_155 = arith.addi %scan3A_153, %scan3A_154 : i32
      %scan3A_156 = arith.constant 16 : i32
      scf.for %scan3A_164 = %scan3A_153 to %scan3A_155 step %scan3A_156  : i32 {
        %jit3A_165 = arith.constant 32 : i32
        %div3A_166 = arith.divsi %scan3A_164, %jit3A_165 : i32
        %sign3A_167 = arith.constant 0 : i32
        %sign3A_168 = arith.cmpi sgt, %scan3A_164, %sign3A_167 : i32
        %sign3A_169 = arith.extui %sign3A_168 : i1 to i32
        %sign3A_170 = arith.constant 0 : i32
        %sign3A_171 = arith.cmpi slt, %scan3A_164, %sign3A_170 : i32
        %sign3A_172 = arith.extui %sign3A_171 : i1 to i32
        %sign3A_173 = arith.subi %sign3A_169, %sign3A_172 : i32
        %sign3A_174 = arith.constant 0 : i32
        %sign3A_175 = arith.cmpi sgt, %jit3A_165, %sign3A_174 : i32
        %sign3A_176 = arith.extui %sign3A_175 : i1 to i32
        %sign3A_177 = arith.constant 0 : i32
        %sign3A_178 = arith.cmpi slt, %jit3A_165, %sign3A_177 : i32
        %sign3A_179 = arith.extui %sign3A_178 : i1 to i32
        %sign3A_180 = arith.subi %sign3A_176, %sign3A_179 : i32
        %ne3A_181 = arith.cmpi ne, %sign3A_173, %sign3A_180 : i32
        %rem3A_182 = arith.remsi %scan3A_164, %jit3A_165 : i32
        %ne3A_183 = arith.constant 0 : i32
        %ne3A_184 = arith.cmpi ne, %rem3A_182, %ne3A_183 : i32
        %and3A_185 = arith.andi %ne3A_181, %ne3A_184 : i1
        %sub3A_186 = arith.constant 1 : i32
        %sub3A_187 = arith.subi %div3A_166, %sub3A_186 : i32
        %select_n3A_188 = arith.select %and3A_185, %sub3A_187, %div3A_166 : i32
        %jit3A_189 = arith.constant 32 : i32
        %eq3A = arith.constant 0 : i32
        %eq3A_190 = arith.cmpi eq, %jit3A_189, %eq3A : i32
        %jit3A_191 = arith.constant 1 : i32
        %select_n3A_192 = arith.select %eq3A_190, %jit3A_191, %jit3A_189 : i32
        %rem3A_193 = arith.remsi %scan3A_164, %select_n3A_192 : i32
        %ne3A_194 = arith.constant 0 : i32
        %ne3A_195 = arith.cmpi ne, %rem3A_193, %ne3A_194 : i32
        %lt3A_196 = arith.constant 0 : i32
        %lt3A_197 = arith.cmpi slt, %rem3A_193, %lt3A_196 : i32
        %lt3A_198 = arith.constant 0 : i32
        %lt3A_199 = arith.cmpi slt, %select_n3A_192, %lt3A_198 : i32
        %ne3A_200 = arith.xori %lt3A_197, %lt3A_199 : i1
        %and3A_201 = arith.andi %ne3A_200, %ne3A_195 : i1
        %add3A_202 = arith.addi %rem3A_193, %select_n3A_192 : i32
        %select_n3A_203 = arith.select %and3A_201, %add3A_202, %rem3A_193 : i32
        %mul3A_204 = arith.constant 16 : i32
        %mul3A_205 = arith.muli %select_n3A_203, %mul3A_204 : i32
        %get3A_206 = arith.index_cast %select_n3A_188 : i32 to index
        %get3A_207 = arith.index_cast %mul3A_205 : i32 to index
        %get3A_208 = tpu.vector_load %arg15[%get3A_206, %get3A_207] {strides = array<i32>} : memref<16x512xf32, #tpu.memory_space<vmem>>, vector<16xf32>,
        %mul3A_209 = arith.constant 16 : i32
        %mul3A_210 = arith.muli %select_n3A_203, %mul3A_209 : i32
        %swap3A_211 = arith.index_cast %select_n3A_188 : i32 to index
        %swap3A_212 = arith.index_cast %mul3A_210 : i32 to index
        %swap3A_213 = tpu.vector_load %arg14[%swap3A_211, %swap3A_212] {strides = array<i32>} : memref<16x512xf32, #tpu.memory_space<vmem>>, vector<16xf32>,
        tpu.vector_store %arg14[%swap3A_211, %swap3A_212], %get3A_208 {add = true, strides = array<i32>} : memref<16x512xf32, #tpu.memory_space<vmem>>, vector<16xf32>,
        %scan3A_214 = arith.constant 1 : i32
        %scan3A_215 = arith.addi %scan3A_164, %scan3A_214 : i32
        %jit3A_216 = arith.constant 32 : i32
        %div3A_217 = arith.divsi %scan3A_215, %jit3A_216 : i32
        %sign3A_218 = arith.constant 0 : i32
        %sign3A_219 = arith.cmpi sgt, %scan3A_215, %sign3A_218 : i32
        %sign3A_220 = arith.extui %sign3A_219 : i1 to i32
        %sign3A_221 = arith.constant 0 : i32
        %sign3A_222 = arith.cmpi slt, %scan3A_215, %sign3A_221 : i32
        %sign3A_223 = arith.extui %sign3A_222 : i1 to i32
        %sign3A_224 = arith.subi %sign3A_220, %sign3A_223 : i32
        %sign3A_225 = arith.constant 0 : i32
        %sign3A_226 = arith.cmpi sgt, %jit3A_216, %sign3A_225 : i32
        %sign3A_227 = arith.extui %sign3A_226 : i1 to i32
        %sign3A_228 = arith.constant 0 : i32
        %sign3A_229 = arith.cmpi slt, %jit3A_216, %sign3A_228 : i32
        %sign3A_230 = arith.extui %sign3A_229 : i1 to i32
        %sign3A_231 = arith.subi %sign3A_227, %sign3A_230 : i32
        %ne3A_232 = arith.cmpi ne, %sign3A_224, %sign3A_231 : i32
        %rem3A_233 = arith.remsi %scan3A_215, %jit3A_216 : i32
        %ne3A_234 = arith.constant 0 : i32
        %ne3A_235 = arith.cmpi ne, %rem3A_233, %ne3A_234 : i32
        %and3A_236 = arith.andi %ne3A_232, %ne3A_235 : i1
        %sub3A_237 = arith.constant 1 : i32
        %sub3A_238 = arith.subi %div3A_217, %sub3A_237 : i32
        %select_n3A_239 = arith.select %and3A_236, %sub3A_238, %div3A_217 : i32
        %jit3A_240 = arith.constant 32 : i32
        %eq3A_241 = arith.constant 0 : i32
        %eq3A_242 = arith.cmpi eq, %jit3A_240, %eq3A_241 : i32
        %jit3A_243 = arith.constant 1 : i32
        %select_n3A_244 = arith.select %eq3A_242, %jit3A_243, %jit3A_240 : i32
        %rem3A_245 = arith.remsi %scan3A_215, %select_n3A_244 : i32
        %ne3A_246 = arith.constant 0 : i32
        %ne3A_247 = arith.cmpi ne, %rem3A_245, %ne3A_246 : i32
        %lt3A_248 = arith.constant 0 : i32
        %lt3A_249 = arith.cmpi slt, %rem3A_245, %lt3A_248 : i32
        %lt3A_250 = arith.constant 0 : i32
        %lt3A_251 = arith.cmpi slt, %select_n3A_244, %lt3A_250 : i32
        %ne3A_252 = arith.xori %lt3A_249, %lt3A_251 : i1
        %and3A_253 = arith.andi %ne3A_252, %ne3A_247 : i1
        %add3A_254 = arith.addi %rem3A_245, %select_n3A_244 : i32
        %select_n3A_255 = arith.select %and3A_253, %add3A_254, %rem3A_245 : i32
        %mul3A_256 = arith.constant 16 : i32
        %mul3A_257 = arith.muli %select_n3A_255, %mul3A_256 : i32
        %get3A_258 = arith.index_cast %select_n3A_239 : i32 to index
        %get3A_259 = arith.index_cast %mul3A_257 : i32 to index
        %get3A_260 = tpu.vector_load %arg15[%get3A_258, %get3A_259] {strides = array<i32>} : memref<16x512xf32, #tpu.memory_space<vmem>>, vector<16xf32>,
        %mul3A_261 = arith.constant 16 : i32
        %mul3A_262 = arith.muli %select_n3A_255, %mul3A_261 : i32
        %swap3A_263 = arith.index_cast %select_n3A_239 : i32 to index
        %swap3A_264 = arith.index_cast %mul3A_262 : i32 to index
        %swap3A_265 = tpu.vector_load %arg14[%swap3A_263, %swap3A_264] {strides = array<i32>} : memref<16x512xf32, #tpu.memory_space<vmem>>, vector<16xf32>,
        tpu.vector_store %arg14[%swap3A_263, %swap3A_264], %get3A_260 {add = true, strides = array<i32>} : memref<16x512xf32, #tpu.memory_space<vmem>>, vector<16xf32>,
        %scan3A_266 = arith.constant 2 : i32
        %scan3A_267 = arith.addi %scan3A_164, %scan3A_266 : i32
        %jit3A_268 = arith.constant 32 : i32
        %div3A_269 = arith.divsi %scan3A_267, %jit3A_268 : i32
        %sign3A_270 = arith.constant 0 : i32
        %sign3A_271 = arith.cmpi sgt, %scan3A_267, %sign3A_270 : i32
        %sign3A_272 = arith.extui %sign3A_271 : i1 to i32
        %sign3A_273 = arith.constant 0 : i32
        %sign3A_274 = arith.cmpi slt, %scan3A_267, %sign3A_273 : i32
        %sign3A_275 = arith.extui %sign3A_274 : i1 to i32
        %sign3A_276 = arith.subi %sign3A_272, %sign3A_275 : i32
        %sign3A_277 = arith.constant 0 : i32
        %sign3A_278 = arith.cmpi sgt, %jit3A_268, %sign3A_277 : i32
        %sign3A_279 = arith.extui %sign3A_278 : i1 to i32
        %sign3A_280 = arith.constant 0 : i32
        %sign3A_281 = arith.cmpi slt, %jit3A_268, %sign3A_280 : i32
        %sign3A_282 = arith.extui %sign3A_281 : i1 to i32
        %sign3A_283 = arith.subi %sign3A_279, %sign3A_282 : i32
        %ne3A_284 = arith.cmpi ne, %sign3A_276, %sign3A_283 : i32
        %rem3A_285 = arith.remsi %scan3A_267, %jit3A_268 : i32
        %ne3A_286 = arith.constant 0 : i32
        %ne3A_287 = arith.cmpi ne, %rem3A_285, %ne3A_286 : i32
        %and3A_288 = arith.andi %ne3A_284, %ne3A_287 : i1
        %sub3A_289 = arith.constant 1 : i32
        %sub3A_290 = arith.subi %div3A_269, %sub3A_289 : i32
        %select_n3A_291 = arith.select %and3A_288, %sub3A_290, %div3A_269 : i32
        %jit3A_292 = arith.constant 32 : i32
        %eq3A_293 = arith.constant 0 : i32
        %eq3A_294 = arith.cmpi eq, %jit3A_292, %eq3A_293 : i32
        %jit3A_295 = arith.constant 1 : i32
        %select_n3A_296 = arith.select %eq3A_294, %jit3A_295, %jit3A_292 : i32
        %rem3A_297 = arith.remsi %scan3A_267, %select_n3A_296 : i32
        %ne3A_298 = arith.constant 0 : i32
        %ne3A_299 = arith.cmpi ne, %rem3A_297, %ne3A_298 : i32
        %lt3A_300 = arith.constant 0 : i32
        %lt3A_301 = arith.cmpi slt, %rem3A_297, %lt3A_300 : i32
        %lt3A_302 = arith.constant 0 : i32
        %lt3A_303 = arith.cmpi slt, %select_n3A_296, %lt3A_302 : i32
        %ne3A_304 = arith.xori %lt3A_301, %lt3A_303 : i1
        %and3A_305 = arith.andi %ne3A_304, %ne3A_299 : i1
        %add3A_306 = arith.addi %rem3A_297, %select_n3A_296 : i32
        %select_n3A_307 = arith.select %and3A_305, %add3A_306, %rem3A_297 : i32
        %mul3A_308 = arith.constant 16 : i32
        %mul3A_309 = arith.muli %select_n3A_307, %mul3A_308 : i32
        %get3A_310 = arith.index_cast %select_n3A_291 : i32 to index
        %get3A_311 = arith.index_cast %mul3A_309 : i32 to index
        %get3A_312 = tpu.vector_load %arg15[%get3A_310, %get3A_311] {strides = array<i32>} : memref<16x512xf32, #tpu.memory_space<vmem>>, vector<16xf32>,
        %mul3A_313 = arith.constant 16 : i32
        %mul3A_314 = arith.muli %select_n3A_307, %mul3A_313 : i32
        %swap3A_315 = arith.index_cast %select_n3A_291 : i32 to index
        %swap3A_316 = arith.index_cast %mul3A_314 : i32 to index
        %swap3A_317 = tpu.vector_load %arg14[%swap3A_315, %swap3A_316] {strides = array<i32>} : memref<16x512xf32, #tpu.memory_space<vmem>>, vector<16xf32>,
        tpu.vector_store %arg14[%swap3A_315, %swap3A_316], %get3A_312 {add = true, strides = array<i32>} : memref<16x512xf32, #tpu.memory_space<vmem>>, vector<16xf32>,
        %scan3A_318 = arith.constant 3 : i32
        %scan3A_319 = arith.addi %scan3A_164, %scan3A_318 : i32
        %jit3A_320 = arith.constant 32 : i32
        %div3A_321 = arith.divsi %scan3A_319, %jit3A_320 : i32
        %sign3A_322 = arith.constant 0 : i32
        %sign3A_323 = arith.cmpi sgt, %scan3A_319, %sign3A_322 : i32
        %sign3A_324 = arith.extui %sign3A_323 : i1 to i32
        %sign3A_325 = arith.constant 0 : i32
        %sign3A_326 = arith.cmpi slt, %scan3A_319, %sign3A_325 : i32
        %sign3A_327 = arith.extui %sign3A_326 : i1 to i32
        %sign3A_328 = arith.subi %sign3A_324, %sign3A_327 : i32
        %sign3A_329 = arith.constant 0 : i32
        %sign3A_330 = arith.cmpi sgt, %jit3A_320, %sign3A_329 : i32
        %sign3A_331 = arith.extui %sign3A_330 : i1 to i32
        %sign3A_332 = arith.constant 0 : i32
        %sign3A_333 = arith.cmpi slt, %jit3A_320, %sign3A_332 : i32
        %sign3A_334 = arith.extui %sign3A_333 : i1 to i32
        %sign3A_335 = arith.subi %sign3A_331, %sign3A_334 : i32
        %ne3A_336 = arith.cmpi ne, %sign3A_328, %sign3A_335 : i32
        %rem3A_337 = arith.remsi %scan3A_319, %jit3A_320 : i32
        %ne3A_338 = arith.constant 0 : i32
        %ne3A_339 = arith.cmpi ne, %rem3A_337, %ne3A_338 : i32
        %and3A_340 = arith.andi %ne3A_336, %ne3A_339 : i1
        %sub3A_341 = arith.constant 1 : i32
        %sub3A_342 = arith.subi %div3A_321, %sub3A_341 : i32
        %select_n3A_343 = arith.select %and3A_340, %sub3A_342, %div3A_321 : i32
        %jit3A_344 = arith.constant 32 : i32
        %eq3A_345 = arith.constant 0 : i32
        %eq3A_346 = arith.cmpi eq, %jit3A_344, %eq3A_345 : i32
        %jit3A_347 = arith.constant 1 : i32
        %select_n3A_348 = arith.select %eq3A_346, %jit3A_347, %jit3A_344 : i32
        %rem3A_349 = arith.remsi %scan3A_319, %select_n3A_348 : i32
        %ne3A_350 = arith.constant 0 : i32
        %ne3A_351 = arith.cmpi ne, %rem3A_349, %ne3A_350 : i32
        %lt3A_352 = arith.constant 0 : i32
        %lt3A_353 = arith.cmpi slt, %rem3A_349, %lt3A_352 : i32
        %lt3A_354 = arith.constant 0 : i32
        %lt3A_355 = arith.cmpi slt, %select_n3A_348, %lt3A_354 : i32
        %ne3A_356 = arith.xori %lt3A_353, %lt3A_355 : i1
        %and3A_357 = arith.andi %ne3A_356, %ne3A_351 : i1
        %add3A_358 = arith.addi %rem3A_349, %select_n3A_348 : i32
        %select_n3A_359 = arith.select %and3A_357, %add3A_358, %rem3A_349 : i32
        %mul3A_360 = arith.constant 16 : i32
        %mul3A_361 = arith.muli %select_n3A_359, %mul3A_360 : i32
        %get3A_362 = arith.index_cast %select_n3A_343 : i32 to index
        %get3A_363 = arith.index_cast %mul3A_361 : i32 to index
        %get3A_364 = tpu.vector_load %arg15[%get3A_362, %get3A_363] {strides = array<i32>} : memref<16x512xf32, #tpu.memory_space<vmem>>, vector<16xf32>,
        %mul3A_365 = arith.constant 16 : i32
        %mul3A_366 = arith.muli %select_n3A_359, %mul3A_365 : i32
        %swap3A_367 = arith.index_cast %select_n3A_343 : i32 to index
        %swap3A_368 = arith.index_cast %mul3A_366 : i32 to index
        %swap3A_369 = tpu.vector_load %arg14[%swap3A_367, %swap3A_368] {strides = array<i32>} : memref<16x512xf32, #tpu.memory_space<vmem>>, vector<16xf32>,
        tpu.vector_store %arg14[%swap3A_367, %swap3A_368], %get3A_364 {add = true, strides = array<i32>} : memref<16x512xf32, #tpu.memory_space<vmem>>, vector<16xf32>,
        %scan3A_370 = arith.constant 4 : i32
        %scan3A_371 = arith.addi %scan3A_164, %scan3A_370 : i32
        %jit3A_372 = arith.constant 32 : i32
        %div3A_373 = arith.divsi %scan3A_371, %jit3A_372 : i32
        %sign3A_374 = arith.constant 0 : i32
        %sign3A_375 = arith.cmpi sgt, %scan3A_371, %sign3A_374 : i32
        %sign3A_376 = arith.extui %sign3A_375 : i1 to i32
        %sign3A_377 = arith.constant 0 : i32
        %sign3A_378 = arith.cmpi slt, %scan3A_371, %sign3A_377 : i32
        %sign3A_379 = arith.extui %sign3A_378 : i1 to i32
        %sign3A_380 = arith.subi %sign3A_376, %sign3A_379 : i32
        %sign3A_381 = arith.constant 0 : i32
        %sign3A_382 = arith.cmpi sgt, %jit3A_372, %sign3A_381 : i32
        %sign3A_383 = arith.extui %sign3A_382 : i1 to i32
        %sign3A_384 = arith.constant 0 : i32
        %sign3A_385 = arith.cmpi slt, %jit3A_372, %sign3A_384 : i32
        %sign3A_386 = arith.extui %sign3A_385 : i1 to i32
        %sign3A_387 = arith.subi %sign3A_383, %sign3A_386 : i32
        %ne3A_388 = arith.cmpi ne, %sign3A_380, %sign3A_387 : i32
        %rem3A_389 = arith.remsi %scan3A_371, %jit3A_372 : i32
        %ne3A_390 = arith.constant 0 : i32
        %ne3A_391 = arith.cmpi ne, %rem3A_389, %ne3A_390 : i32
        %and3A_392 = arith.andi %ne3A_388, %ne3A_391 : i1
        %sub3A_393 = arith.constant 1 : i32
        %sub3A_394 = arith.subi %div3A_373, %sub3A_393 : i32
        %select_n3A_395 = arith.select %and3A_392, %sub3A_394, %div3A_373 : i32
        %jit3A_396 = arith.constant 32 : i32
        %eq3A_397 = arith.constant 0 : i32
        %eq3A_398 = arith.cmpi eq, %jit3A_396, %eq3A_397 : i32
        %jit3A_399 = arith.constant 1 : i32
        %select_n3A_400 = arith.select %eq3A_398, %jit3A_399, %jit3A_396 : i32
        %rem3A_401 = arith.remsi %scan3A_371, %select_n3A_400 : i32
        %ne3A_402 = arith.constant 0 : i32
        %ne3A_403 = arith.cmpi ne, %rem3A_401, %ne3A_402 : i32
        %lt3A_404 = arith.constant 0 : i32
        %lt3A_405 = arith.cmpi slt, %rem3A_401, %lt3A_404 : i32
        %lt3A_406 = arith.constant 0 : i32
        %lt3A_407 = arith.cmpi slt, %select_n3A_400, %lt3A_406 : i32
        %ne3A_408 = arith.xori %lt3A_405, %lt3A_407 : i1
        %and3A_409 = arith.andi %ne3A_408, %ne3A_403 : i1
        %add3A_410 = arith.addi %rem3A_401, %select_n3A_400 : i32
        %select_n3A_411 = arith.select %and3A_409, %add3A_410, %rem3A_401 : i32
        %mul3A_412 = arith.constant 16 : i32
        %mul3A_413 = arith.muli %select_n3A_411, %mul3A_412 : i32
        %get3A_414 = arith.index_cast %select_n3A_395 : i32 to index
        %get3A_415 = arith.index_cast %mul3A_413 : i32 to index
        %get3A_416 = tpu.vector_load %arg15[%get3A_414, %get3A_415] {strides = array<i32>} : memref<16x512xf32, #tpu.memory_space<vmem>>, vector<16xf32>,
        %mul3A_417 = arith.constant 16 : i32
        %mul3A_418 = arith.muli %select_n3A_411, %mul3A_417 : i32
        %swap3A_419 = arith.index_cast %select_n3A_395 : i32 to index
        %swap3A_420 = arith.index_cast %mul3A_418 : i32 to index
        %swap3A_421 = tpu.vector_load %arg14[%swap3A_419, %swap3A_420] {strides = array<i32>} : memref<16x512xf32, #tpu.memory_space<vmem>>, vector<16xf32>,
        tpu.vector_store %arg14[%swap3A_419, %swap3A_420], %get3A_416 {add = true, strides = array<i32>} : memref<16x512xf32, #tpu.memory_space<vmem>>, vector<16xf32>,
        %scan3A_422 = arith.constant 5 : i32
        %scan3A_423 = arith.addi %scan3A_164, %scan3A_422 : i32
        %jit3A_424 = arith.constant 32 : i32
        %div3A_425 = arith.divsi %scan3A_423, %jit3A_424 : i32
        %sign3A_426 = arith.constant 0 : i32
        %sign3A_427 = arith.cmpi sgt, %scan3A_423, %sign3A_426 : i32
        %sign3A_428 = arith.extui %sign3A_427 : i1 to i32
        %sign3A_429 = arith.constant 0 : i32
        %sign3A_430 = arith.cmpi slt, %scan3A_423, %sign3A_429 : i32
        %sign3A_431 = arith.extui %sign3A_430 : i1 to i32
        %sign3A_432 = arith.subi %sign3A_428, %sign3A_431 : i32
        %sign3A_433 = arith.constant 0 : i32
        %sign3A_434 = arith.cmpi sgt, %jit3A_424, %sign3A_433 : i32
        %sign3A_435 = arith.extui %sign3A_434 : i1 to i32
        %sign3A_436 = arith.constant 0 : i32
        %sign3A_437 = arith.cmpi slt, %jit3A_424, %sign3A_436 : i32
        %sign3A_438 = arith.extui %sign3A_437 : i1 to i32
        %sign3A_439 = arith.subi %sign3A_435, %sign3A_438 : i32
        %ne3A_440 = arith.cmpi ne, %sign3A_432, %sign3A_439 : i32
        %rem3A_441 = arith.remsi %scan3A_423, %jit3A_424 : i32
        %ne3A_442 = arith.constant 0 : i32
        %ne3A_443 = arith.cmpi ne, %rem3A_441, %ne3A_442 : i32
        %and3A_444 = arith.andi %ne3A_440, %ne3A_443 : i1
        %sub3A_445 = arith.constant 1 : i32
        %sub3A_446 = arith.subi %div3A_425, %sub3A_445 : i32
        %select_n3A_447 = arith.select %and3A_444, %sub3A_446, %div3A_425 : i32
        %jit3A_448 = arith.constant 32 : i32
        %eq3A_449 = arith.constant 0 : i32
        %eq3A_450 = arith.cmpi eq, %jit3A_448, %eq3A_449 : i32
        %jit3A_451 = arith.constant 1 : i32
        %select_n3A_452 = arith.select %eq3A_450, %jit3A_451, %jit3A_448 : i32
        %rem3A_453 = arith.remsi %scan3A_423, %select_n3A_452 : i32
        %ne3A_454 = arith.constant 0 : i32
        %ne3A_455 = arith.cmpi ne, %rem3A_453, %ne3A_454 : i32
        %lt3A_456 = arith.constant 0 : i32
        %lt3A_457 = arith.cmpi slt, %rem3A_453, %lt3A_456 : i32
        %lt3A_458 = arith.constant 0 : i32
        %lt3A_459 = arith.cmpi slt, %select_n3A_452, %lt3A_458 : i32
        %ne3A_460 = arith.xori %lt3A_457, %lt3A_459 : i1
        %and3A_461 = arith.andi %ne3A_460, %ne3A_455 : i1
        %add3A_462 = arith.addi %rem3A_453, %select_n3A_452 : i32
        %select_n3A_463 = arith.select %and3A_461, %add3A_462, %rem3A_453 : i32
        %mul3A_464 = arith.constant 16 : i32
        %mul3A_465 = arith.muli %select_n3A_463, %mul3A_464 : i32
        %get3A_466 = arith.index_cast %select_n3A_447 : i32 to index
        %get3A_467 = arith.index_cast %mul3A_465 : i32 to index
        %get3A_468 = tpu.vector_load %arg15[%get3A_466, %get3A_467] {strides = array<i32>} : memref<16x512xf32, #tpu.memory_space<vmem>>, vector<16xf32>,
        %mul3A_469 = arith.constant 16 : i32
        %mul3A_470 = arith.muli %select_n3A_463, %mul3A_469 : i32
        %swap3A_471 = arith.index_cast %select_n3A_447 : i32 to index
        %swap3A_472 = arith.index_cast %mul3A_470 : i32 to index
        %swap3A_473 = tpu.vector_load %arg14[%swap3A_471, %swap3A_472] {strides = array<i32>} : memref<16x512xf32, #tpu.memory_space<vmem>>, vector<16xf32>,
        tpu.vector_store %arg14[%swap3A_471, %swap3A_472], %get3A_468 {add = true, strides = array<i32>} : memref<16x512xf32, #tpu.memory_space<vmem>>, vector<16xf32>,
        %scan3A_474 = arith.constant 6 : i32
        %scan3A_475 = arith.addi %scan3A_164, %scan3A_474 : i32
        %jit3A_476 = arith.constant 32 : i32
        %div3A_477 = arith.divsi %scan3A_475, %jit3A_476 : i32
        %sign3A_478 = arith.constant 0 : i32
        %sign3A_479 = arith.cmpi sgt, %scan3A_475, %sign3A_478 : i32
        %sign3A_480 = arith.extui %sign3A_479 : i1 to i32
        %sign3A_481 = arith.constant 0 : i32
        %sign3A_482 = arith.cmpi slt, %scan3A_475, %sign3A_481 : i32
        %sign3A_483 = arith.extui %sign3A_482 : i1 to i32
        %sign3A_484 = arith.subi %sign3A_480, %sign3A_483 : i32
        %sign3A_485 = arith.constant 0 : i32
        %sign3A_486 = arith.cmpi sgt, %jit3A_476, %sign3A_485 : i32
        %sign3A_487 = arith.extui %sign3A_486 : i1 to i32
        %sign3A_488 = arith.constant 0 : i32
        %sign3A_489 = arith.cmpi slt, %jit3A_476, %sign3A_488 : i32
        %sign3A_490 = arith.extui %sign3A_489 : i1 to i32
        %sign3A_491 = arith.subi %sign3A_487, %sign3A_490 : i32
        %ne3A_492 = arith.cmpi ne, %sign3A_484, %sign3A_491 : i32
        %rem3A_493 = arith.remsi %scan3A_475, %jit3A_476 : i32
        %ne3A_494 = arith.constant 0 : i32
        %ne3A_495 = arith.cmpi ne, %rem3A_493, %ne3A_494 : i32
        %and3A_496 = arith.andi %ne3A_492, %ne3A_495 : i1
        %sub3A_497 = arith.constant 1 : i32
        %sub3A_498 = arith.subi %div3A_477, %sub3A_497 : i32
        %select_n3A_499 = arith.select %and3A_496, %sub3A_498, %div3A_477 : i32
        %jit3A_500 = arith.constant 32 : i32
        %eq3A_501 = arith.constant 0 : i32
        %eq3A_502 = arith.cmpi eq, %jit3A_500, %eq3A_501 : i32
        %jit3A_503 = arith.constant 1 : i32
        %select_n3A_504 = arith.select %eq3A_502, %jit3A_503, %jit3A_500 : i32
        %rem3A_505 = arith.remsi %scan3A_475, %select_n3A_504 : i32
        %ne3A_506 = arith.constant 0 : i32
        %ne3A_507 = arith.cmpi ne, %rem3A_505, %ne3A_506 : i32
        %lt3A_508 = arith.constant 0 : i32
        %lt3A_509 = arith.cmpi slt, %rem3A_505, %lt3A_508 : i32
        %lt3A_510 = arith.constant 0 : i32
        %lt3A_511 = arith.cmpi slt, %select_n3A_504, %lt3A_510 : i32
        %ne3A_512 = arith.xori %lt3A_509, %lt3A_511 : i1
        %and3A_513 = arith.andi %ne3A_512, %ne3A_507 : i1
        %add3A_514 = arith.addi %rem3A_505, %select_n3A_504 : i32
        %select_n3A_515 = arith.select %and3A_513, %add3A_514, %rem3A_505 : i32
        %mul3A_516 = arith.constant 16 : i32
        %mul3A_517 = arith.muli %select_n3A_515, %mul3A_516 : i32
        %get3A_518 = arith.index_cast %select_n3A_499 : i32 to index
        %get3A_519 = arith.index_cast %mul3A_517 : i32 to index
        %get3A_520 = tpu.vector_load %arg15[%get3A_518, %get3A_519] {strides = array<i32>} : memref<16x512xf32, #tpu.memory_space<vmem>>, vector<16xf32>,
        %mul3A_521 = arith.constant 16 : i32
        %mul3A_522 = arith.muli %select_n3A_515, %mul3A_521 : i32
        %swap3A_523 = arith.index_cast %select_n3A_499 : i32 to index
        %swap3A_524 = arith.index_cast %mul3A_522 : i32 to index
        %swap3A_525 = tpu.vector_load %arg14[%swap3A_523, %swap3A_524] {strides = array<i32>} : memref<16x512xf32, #tpu.memory_space<vmem>>, vector<16xf32>,
        tpu.vector_store %arg14[%swap3A_523, %swap3A_524], %get3A_520 {add = true, strides = array<i32>} : memref<16x512xf32, #tpu.memory_space<vmem>>, vector<16xf32>,
        %scan3A_526 = arith.constant 7 : i32
        %scan3A_527 = arith.addi %scan3A_164, %scan3A_526 : i32
        %jit3A_528 = arith.constant 32 : i32
        %div3A_529 = arith.divsi %scan3A_527, %jit3A_528 : i32
        %sign3A_530 = arith.constant 0 : i32
        %sign3A_531 = arith.cmpi sgt, %scan3A_527, %sign3A_530 : i32
        %sign3A_532 = arith.extui %sign3A_531 : i1 to i32
        %sign3A_533 = arith.constant 0 : i32
        %sign3A_534 = arith.cmpi slt, %scan3A_527, %sign3A_533 : i32
        %sign3A_535 = arith.extui %sign3A_534 : i1 to i32
        %sign3A_536 = arith.subi %sign3A_532, %sign3A_535 : i32
        %sign3A_537 = arith.constant 0 : i32
        %sign3A_538 = arith.cmpi sgt, %jit3A_528, %sign3A_537 : i32
        %sign3A_539 = arith.extui %sign3A_538 : i1 to i32
        %sign3A_540 = arith.constant 0 : i32
        %sign3A_541 = arith.cmpi slt, %jit3A_528, %sign3A_540 : i32
        %sign3A_542 = arith.extui %sign3A_541 : i1 to i32
        %sign3A_543 = arith.subi %sign3A_539, %sign3A_542 : i32
        %ne3A_544 = arith.cmpi ne, %sign3A_536, %sign3A_543 : i32
        %rem3A_545 = arith.remsi %scan3A_527, %jit3A_528 : i32
        %ne3A_546 = arith.constant 0 : i32
        %ne3A_547 = arith.cmpi ne, %rem3A_545, %ne3A_546 : i32
        %and3A_548 = arith.andi %ne3A_544, %ne3A_547 : i1
        %sub3A_549 = arith.constant 1 : i32
        %sub3A_550 = arith.subi %div3A_529, %sub3A_549 : i32
        %select_n3A_551 = arith.select %and3A_548, %sub3A_550, %div3A_529 : i32
        %jit3A_552 = arith.constant 32 : i32
        %eq3A_553 = arith.constant 0 : i32
        %eq3A_554 = arith.cmpi eq, %jit3A_552, %eq3A_553 : i32
        %jit3A_555 = arith.constant 1 : i32
        %select_n3A_556 = arith.select %eq3A_554, %jit3A_555, %jit3A_552 : i32
        %rem3A_557 = arith.remsi %scan3A_527, %select_n3A_556 : i32
        %ne3A_558 = arith.constant 0 : i32
        %ne3A_559 = arith.cmpi ne, %rem3A_557, %ne3A_558 : i32
        %lt3A_560 = arith.constant 0 : i32
        %lt3A_561 = arith.cmpi slt, %rem3A_557, %lt3A_560 : i32
        %lt3A_562 = arith.constant 0 : i32
        %lt3A_563 = arith.cmpi slt, %select_n3A_556, %lt3A_562 : i32
        %ne3A_564 = arith.xori %lt3A_561, %lt3A_563 : i1
        %and3A_565 = arith.andi %ne3A_564, %ne3A_559 : i1
        %add3A_566 = arith.addi %rem3A_557, %select_n3A_556 : i32
        %select_n3A_567 = arith.select %and3A_565, %add3A_566, %rem3A_557 : i32
        %mul3A_568 = arith.constant 16 : i32
        %mul3A_569 = arith.muli %select_n3A_567, %mul3A_568 : i32
        %get3A_570 = arith.index_cast %select_n3A_551 : i32 to index
        %get3A_571 = arith.index_cast %mul3A_569 : i32 to index
        %get3A_572 = tpu.vector_load %arg15[%get3A_570, %get3A_571] {strides = array<i32>} : memref<16x512xf32, #tpu.memory_space<vmem>>, vector<16xf32>,
        %mul3A_573 = arith.constant 16 : i32
        %mul3A_574 = arith.muli %select_n3A_567, %mul3A_573 : i32
        %swap3A_575 = arith.index_cast %select_n3A_551 : i32 to index
        %swap3A_576 = arith.index_cast %mul3A_574 : i32 to index
        %swap3A_577 = tpu.vector_load %arg14[%swap3A_575, %swap3A_576] {strides = array<i32>} : memref<16x512xf32, #tpu.memory_space<vmem>>, vector<16xf32>,
        tpu.vector_store %arg14[%swap3A_575, %swap3A_576], %get3A_572 {add = true, strides = array<i32>} : memref<16x512xf32, #tpu.memory_space<vmem>>, vector<16xf32>,
        %scan3A_578 = arith.constant 8 : i32
        %scan3A_579 = arith.addi %scan3A_164, %scan3A_578 : i32
        %jit3A_580 = arith.constant 32 : i32
        %div3A_581 = arith.divsi %scan3A_579, %jit3A_580 : i32
        %sign3A_582 = arith.constant 0 : i32
        %sign3A_583 = arith.cmpi sgt, %scan3A_579, %sign3A_582 : i32
        %sign3A_584 = arith.extui %sign3A_583 : i1 to i32
        %sign3A_585 = arith.constant 0 : i32
        %sign3A_586 = arith.cmpi slt, %scan3A_579, %sign3A_585 : i32
        %sign3A_587 = arith.extui %sign3A_586 : i1 to i32
        %sign3A_588 = arith.subi %sign3A_584, %sign3A_587 : i32
        %sign3A_589 = arith.constant 0 : i32
        %sign3A_590 = arith.cmpi sgt, %jit3A_580, %sign3A_589 : i32
        %sign3A_591 = arith.extui %sign3A_590 : i1 to i32
        %sign3A_592 = arith.constant 0 : i32
        %sign3A_593 = arith.cmpi slt, %jit3A_580, %sign3A_592 : i32
        %sign3A_594 = arith.extui %sign3A_593 : i1 to i32
        %sign3A_595 = arith.subi %sign3A_591, %sign3A_594 : i32
        %ne3A_596 = arith.cmpi ne, %sign3A_588, %sign3A_595 : i32
        %rem3A_597 = arith.remsi %scan3A_579, %jit3A_580 : i32
        %ne3A_598 = arith.constant 0 : i32
        %ne3A_599 = arith.cmpi ne, %rem3A_597, %ne3A_598 : i32
        %and3A_600 = arith.andi %ne3A_596, %ne3A_599 : i1
        %sub3A_601 = arith.constant 1 : i32
        %sub3A_602 = arith.subi %div3A_581, %sub3A_601 : i32
        %select_n3A_603 = arith.select %and3A_600, %sub3A_602, %div3A_581 : i32
        %jit3A_604 = arith.constant 32 : i32
        %eq3A_605 = arith.constant 0 : i32
        %eq3A_606 = arith.cmpi eq, %jit3A_604, %eq3A_605 : i32
        %jit3A_607 = arith.constant 1 : i32
        %select_n3A_608 = arith.select %eq3A_606, %jit3A_607, %jit3A_604 : i32
        %rem3A_609 = arith.remsi %scan3A_579, %select_n3A_608 : i32
        %ne3A_610 = arith.constant 0 : i32
        %ne3A_611 = arith.cmpi ne, %rem3A_609, %ne3A_610 : i32
        %lt3A_612 = arith.constant 0 : i32
        %lt3A_613 = arith.cmpi slt, %rem3A_609, %lt3A_612 : i32
        %lt3A_614 = arith.constant 0 : i32
        %lt3A_615 = arith.cmpi slt, %select_n3A_608, %lt3A_614 : i32
        %ne3A_616 = arith.xori %lt3A_613, %lt3A_615 : i1
        %and3A_617 = arith.andi %ne3A_616, %ne3A_611 : i1
        %add3A_618 = arith.addi %rem3A_609, %select_n3A_608 : i32
        %select_n3A_619 = arith.select %and3A_617, %add3A_618, %rem3A_609 : i32
        %mul3A_620 = arith.constant 16 : i32
        %mul3A_621 = arith.muli %select_n3A_619, %mul3A_620 : i32
        %get3A_622 = arith.index_cast %select_n3A_603 : i32 to index
        %get3A_623 = arith.index_cast %mul3A_621 : i32 to index
        %get3A_624 = tpu.vector_load %arg15[%get3A_622, %get3A_623] {strides = array<i32>} : memref<16x512xf32, #tpu.memory_space<vmem>>, vector<16xf32>,
        %mul3A_625 = arith.constant 16 : i32
        %mul3A_626 = arith.muli %select_n3A_619, %mul3A_625 : i32
        %swap3A_627 = arith.index_cast %select_n3A_603 : i32 to index
        %swap3A_628 = arith.index_cast %mul3A_626 : i32 to index
        %swap3A_629 = tpu.vector_load %arg14[%swap3A_627, %swap3A_628] {strides = array<i32>} : memref<16x512xf32, #tpu.memory_space<vmem>>, vector<16xf32>,
        tpu.vector_store %arg14[%swap3A_627, %swap3A_628], %get3A_624 {add = true, strides = array<i32>} : memref<16x512xf32, #tpu.memory_space<vmem>>, vector<16xf32>,
        %scan3A_630 = arith.constant 9 : i32
        %scan3A_631 = arith.addi %scan3A_164, %scan3A_630 : i32
        %jit3A_632 = arith.constant 32 : i32
        %div3A_633 = arith.divsi %scan3A_631, %jit3A_632 : i32
        %sign3A_634 = arith.constant 0 : i32
        %sign3A_635 = arith.cmpi sgt, %scan3A_631, %sign3A_634 : i32
        %sign3A_636 = arith.extui %sign3A_635 : i1 to i32
        %sign3A_637 = arith.constant 0 : i32
        %sign3A_638 = arith.cmpi slt, %scan3A_631, %sign3A_637 : i32
        %sign3A_639 = arith.extui %sign3A_638 : i1 to i32
        %sign3A_640 = arith.subi %sign3A_636, %sign3A_639 : i32
        %sign3A_641 = arith.constant 0 : i32
        %sign3A_642 = arith.cmpi sgt, %jit3A_632, %sign3A_641 : i32
        %sign3A_643 = arith.extui %sign3A_642 : i1 to i32
        %sign3A_644 = arith.constant 0 : i32
        %sign3A_645 = arith.cmpi slt, %jit3A_632, %sign3A_644 : i32
        %sign3A_646 = arith.extui %sign3A_645 : i1 to i32
        %sign3A_647 = arith.subi %sign3A_643, %sign3A_646 : i32
        %ne3A_648 = arith.cmpi ne, %sign3A_640, %sign3A_647 : i32
        %rem3A_649 = arith.remsi %scan3A_631, %jit3A_632 : i32
        %ne3A_650 = arith.constant 0 : i32
        %ne3A_651 = arith.cmpi ne, %rem3A_649, %ne3A_650 : i32
        %and3A_652 = arith.andi %ne3A_648, %ne3A_651 : i1
        %sub3A_653 = arith.constant 1 : i32
        %sub3A_654 = arith.subi %div3A_633, %sub3A_653 : i32
        %select_n3A_655 = arith.select %and3A_652, %sub3A_654, %div3A_633 : i32
        %jit3A_656 = arith.constant 32 : i32
        %eq3A_657 = arith.constant 0 : i32
        %eq3A_658 = arith.cmpi eq, %jit3A_656, %eq3A_657 : i32
        %jit3A_659 = arith.constant 1 : i32
        %select_n3A_660 = arith.select %eq3A_658, %jit3A_659, %jit3A_656 : i32
        %rem3A_661 = arith.remsi %scan3A_631, %select_n3A_660 : i32
        %ne3A_662 = arith.constant 0 : i32
        %ne3A_663 = arith.cmpi ne, %rem3A_661, %ne3A_662 : i32
        %lt3A_664 = arith.constant 0 : i32
        %lt3A_665 = arith.cmpi slt, %rem3A_661, %lt3A_664 : i32
        %lt3A_666 = arith.constant 0 : i32
        %lt3A_667 = arith.cmpi slt, %select_n3A_660, %lt3A_666 : i32
        %ne3A_668 = arith.xori %lt3A_665, %lt3A_667 : i1
        %and3A_669 = arith.andi %ne3A_668, %ne3A_663 : i1
        %add3A_670 = arith.addi %rem3A_661, %select_n3A_660 : i32
        %select_n3A_671 = arith.select %and3A_669, %add3A_670, %rem3A_661 : i32
        %mul3A_672 = arith.constant 16 : i32
        %mul3A_673 = arith.muli %select_n3A_671, %mul3A_672 : i32
        %get3A_674 = arith.index_cast %select_n3A_655 : i32 to index
        %get3A_675 = arith.index_cast %mul3A_673 : i32 to index
        %get3A_676 = tpu.vector_load %arg15[%get3A_674, %get3A_675] {strides = array<i32>} : memref<16x512xf32, #tpu.memory_space<vmem>>, vector<16xf32>,
        %mul3A_677 = arith.constant 16 : i32
        %mul3A_678 = arith.muli %select_n3A_671, %mul3A_677 : i32
        %swap3A_679 = arith.index_cast %select_n3A_655 : i32 to index
        %swap3A_680 = arith.index_cast %mul3A_678 : i32 to index
        %swap3A_681 = tpu.vector_load %arg14[%swap3A_679, %swap3A_680] {strides = array<i32>} : memref<16x512xf32, #tpu.memory_space<vmem>>, vector<16xf32>,
        tpu.vector_store %arg14[%swap3A_679, %swap3A_680], %get3A_676 {add = true, strides = array<i32>} : memref<16x512xf32, #tpu.memory_space<vmem>>, vector<16xf32>,
        %scan3A_682 = arith.constant 10 : i32
        %scan3A_683 = arith.addi %scan3A_164, %scan3A_682 : i32
        %jit3A_684 = arith.constant 32 : i32
        %div3A_685 = arith.divsi %scan3A_683, %jit3A_684 : i32
        %sign3A_686 = arith.constant 0 : i32
        %sign3A_687 = arith.cmpi sgt, %scan3A_683, %sign3A_686 : i32
        %sign3A_688 = arith.extui %sign3A_687 : i1 to i32
        %sign3A_689 = arith.constant 0 : i32
        %sign3A_690 = arith.cmpi slt, %scan3A_683, %sign3A_689 : i32
        %sign3A_691 = arith.extui %sign3A_690 : i1 to i32
        %sign3A_692 = arith.subi %sign3A_688, %sign3A_691 : i32
        %sign3A_693 = arith.constant 0 : i32
        %sign3A_694 = arith.cmpi sgt, %jit3A_684, %sign3A_693 : i32
        %sign3A_695 = arith.extui %sign3A_694 : i1 to i32
        %sign3A_696 = arith.constant 0 : i32
        %sign3A_697 = arith.cmpi slt, %jit3A_684, %sign3A_696 : i32
        %sign3A_698 = arith.extui %sign3A_697 : i1 to i32
        %sign3A_699 = arith.subi %sign3A_695, %sign3A_698 : i32
        %ne3A_700 = arith.cmpi ne, %sign3A_692, %sign3A_699 : i32
        %rem3A_701 = arith.remsi %scan3A_683, %jit3A_684 : i32
        %ne3A_702 = arith.constant 0 : i32
        %ne3A_703 = arith.cmpi ne, %rem3A_701, %ne3A_702 : i32
        %and3A_704 = arith.andi %ne3A_700, %ne3A_703 : i1
        %sub3A_705 = arith.constant 1 : i32
        %sub3A_706 = arith.subi %div3A_685, %sub3A_705 : i32
        %select_n3A_707 = arith.select %and3A_704, %sub3A_706, %div3A_685 : i32
        %jit3A_708 = arith.constant 32 : i32
        %eq3A_709 = arith.constant 0 : i32
        %eq3A_710 = arith.cmpi eq, %jit3A_708, %eq3A_709 : i32
        %jit3A_711 = arith.constant 1 : i32
        %select_n3A_712 = arith.select %eq3A_710, %jit3A_711, %jit3A_708 : i32
        %rem3A_713 = arith.remsi %scan3A_683, %select_n3A_712 : i32
        %ne3A_714 = arith.constant 0 : i32
        %ne3A_715 = arith.cmpi ne, %rem3A_713, %ne3A_714 : i32
        %lt3A_716 = arith.constant 0 : i32
        %lt3A_717 = arith.cmpi slt, %rem3A_713, %lt3A_716 : i32
        %lt3A_718 = arith.constant 0 : i32
        %lt3A_719 = arith.cmpi slt, %select_n3A_712, %lt3A_718 : i32
        %ne3A_720 = arith.xori %lt3A_717, %lt3A_719 : i1
        %and3A_721 = arith.andi %ne3A_720, %ne3A_715 : i1
        %add3A_722 = arith.addi %rem3A_713, %select_n3A_712 : i32
        %select_n3A_723 = arith.select %and3A_721, %add3A_722, %rem3A_713 : i32
        %mul3A_724 = arith.constant 16 : i32
        %mul3A_725 = arith.muli %select_n3A_723, %mul3A_724 : i32
        %get3A_726 = arith.index_cast %select_n3A_707 : i32 to index
        %get3A_727 = arith.index_cast %mul3A_725 : i32 to index
        %get3A_728 = tpu.vector_load %arg15[%get3A_726, %get3A_727] {strides = array<i32>} : memref<16x512xf32, #tpu.memory_space<vmem>>, vector<16xf32>,
        %mul3A_729 = arith.constant 16 : i32
        %mul3A_730 = arith.muli %select_n3A_723, %mul3A_729 : i32
        %swap3A_731 = arith.index_cast %select_n3A_707 : i32 to index
        %swap3A_732 = arith.index_cast %mul3A_730 : i32 to index
        %swap3A_733 = tpu.vector_load %arg14[%swap3A_731, %swap3A_732] {strides = array<i32>} : memref<16x512xf32, #tpu.memory_space<vmem>>, vector<16xf32>,
        tpu.vector_store %arg14[%swap3A_731, %swap3A_732], %get3A_728 {add = true, strides = array<i32>} : memref<16x512xf32, #tpu.memory_space<vmem>>, vector<16xf32>,
        %scan3A_734 = arith.constant 11 : i32
        %scan3A_735 = arith.addi %scan3A_164, %scan3A_734 : i32
        %jit3A_736 = arith.constant 32 : i32
        %div3A_737 = arith.divsi %scan3A_735, %jit3A_736 : i32
        %sign3A_738 = arith.constant 0 : i32
        %sign3A_739 = arith.cmpi sgt, %scan3A_735, %sign3A_738 : i32
        %sign3A_740 = arith.extui %sign3A_739 : i1 to i32
        %sign3A_741 = arith.constant 0 : i32
        %sign3A_742 = arith.cmpi slt, %scan3A_735, %sign3A_741 : i32
        %sign3A_743 = arith.extui %sign3A_742 : i1 to i32
        %sign3A_744 = arith.subi %sign3A_740, %sign3A_743 : i32
        %sign3A_745 = arith.constant 0 : i32
        %sign3A_746 = arith.cmpi sgt, %jit3A_736, %sign3A_745 : i32
        %sign3A_747 = arith.extui %sign3A_746 : i1 to i32
        %sign3A_748 = arith.constant 0 : i32
        %sign3A_749 = arith.cmpi slt, %jit3A_736, %sign3A_748 : i32
        %sign3A_750 = arith.extui %sign3A_749 : i1 to i32
        %sign3A_751 = arith.subi %sign3A_747, %sign3A_750 : i32
        %ne3A_752 = arith.cmpi ne, %sign3A_744, %sign3A_751 : i32
        %rem3A_753 = arith.remsi %scan3A_735, %jit3A_736 : i32
        %ne3A_754 = arith.constant 0 : i32
        %ne3A_755 = arith.cmpi ne, %rem3A_753, %ne3A_754 : i32
        %and3A_756 = arith.andi %ne3A_752, %ne3A_755 : i1
        %sub3A_757 = arith.constant 1 : i32
        %sub3A_758 = arith.subi %div3A_737, %sub3A_757 : i32
        %select_n3A_759 = arith.select %and3A_756, %sub3A_758, %div3A_737 : i32
        %jit3A_760 = arith.constant 32 : i32
        %eq3A_761 = arith.constant 0 : i32
        %eq3A_762 = arith.cmpi eq, %jit3A_760, %eq3A_761 : i32
        %jit3A_763 = arith.constant 1 : i32
        %select_n3A_764 = arith.select %eq3A_762, %jit3A_763, %jit3A_760 : i32
        %rem3A_765 = arith.remsi %scan3A_735, %select_n3A_764 : i32
        %ne3A_766 = arith.constant 0 : i32
        %ne3A_767 = arith.cmpi ne, %rem3A_765, %ne3A_766 : i32
        %lt3A_768 = arith.constant 0 : i32
        %lt3A_769 = arith.cmpi slt, %rem3A_765, %lt3A_768 : i32
        %lt3A_770 = arith.constant 0 : i32
        %lt3A_771 = arith.cmpi slt, %select_n3A_764, %lt3A_770 : i32
        %ne3A_772 = arith.xori %lt3A_769, %lt3A_771 : i1
        %and3A_773 = arith.andi %ne3A_772, %ne3A_767 : i1
        %add3A_774 = arith.addi %rem3A_765, %select_n3A_764 : i32
        %select_n3A_775 = arith.select %and3A_773, %add3A_774, %rem3A_765 : i32
        %mul3A_776 = arith.constant 16 : i32
        %mul3A_777 = arith.muli %select_n3A_775, %mul3A_776 : i32
        %get3A_778 = arith.index_cast %select_n3A_759 : i32 to index
        %get3A_779 = arith.index_cast %mul3A_777 : i32 to index
        %get3A_780 = tpu.vector_load %arg15[%get3A_778, %get3A_779] {strides = array<i32>} : memref<16x512xf32, #tpu.memory_space<vmem>>, vector<16xf32>,
        %mul3A_781 = arith.constant 16 : i32
        %mul3A_782 = arith.muli %select_n3A_775, %mul3A_781 : i32
        %swap3A_783 = arith.index_cast %select_n3A_759 : i32 to index
        %swap3A_784 = arith.index_cast %mul3A_782 : i32 to index
        %swap3A_785 = tpu.vector_load %arg14[%swap3A_783, %swap3A_784] {strides = array<i32>} : memref<16x512xf32, #tpu.memory_space<vmem>>, vector<16xf32>,
        tpu.vector_store %arg14[%swap3A_783, %swap3A_784], %get3A_780 {add = true, strides = array<i32>} : memref<16x512xf32, #tpu.memory_space<vmem>>, vector<16xf32>,
        %scan3A_786 = arith.constant 12 : i32
        %scan3A_787 = arith.addi %scan3A_164, %scan3A_786 : i32
        %jit3A_788 = arith.constant 32 : i32
        %div3A_789 = arith.divsi %scan3A_787, %jit3A_788 : i32
        %sign3A_790 = arith.constant 0 : i32
        %sign3A_791 = arith.cmpi sgt, %scan3A_787, %sign3A_790 : i32
        %sign3A_792 = arith.extui %sign3A_791 : i1 to i32
        %sign3A_793 = arith.constant 0 : i32
        %sign3A_794 = arith.cmpi slt, %scan3A_787, %sign3A_793 : i32
        %sign3A_795 = arith.extui %sign3A_794 : i1 to i32
        %sign3A_796 = arith.subi %sign3A_792, %sign3A_795 : i32
        %sign3A_797 = arith.constant 0 : i32
        %sign3A_798 = arith.cmpi sgt, %jit3A_788, %sign3A_797 : i32
        %sign3A_799 = arith.extui %sign3A_798 : i1 to i32
        %sign3A_800 = arith.constant 0 : i32
        %sign3A_801 = arith.cmpi slt, %jit3A_788, %sign3A_800 : i32
        %sign3A_802 = arith.extui %sign3A_801 : i1 to i32
        %sign3A_803 = arith.subi %sign3A_799, %sign3A_802 : i32
        %ne3A_804 = arith.cmpi ne, %sign3A_796, %sign3A_803 : i32
        %rem3A_805 = arith.remsi %scan3A_787, %jit3A_788 : i32
        %ne3A_806 = arith.constant 0 : i32
        %ne3A_807 = arith.cmpi ne, %rem3A_805, %ne3A_806 : i32
        %and3A_808 = arith.andi %ne3A_804, %ne3A_807 : i1
        %sub3A_809 = arith.constant 1 : i32
        %sub3A_810 = arith.subi %div3A_789, %sub3A_809 : i32
        %select_n3A_811 = arith.select %and3A_808, %sub3A_810, %div3A_789 : i32
        %jit3A_812 = arith.constant 32 : i32
        %eq3A_813 = arith.constant 0 : i32
        %eq3A_814 = arith.cmpi eq, %jit3A_812, %eq3A_813 : i32
        %jit3A_815 = arith.constant 1 : i32
        %select_n3A_816 = arith.select %eq3A_814, %jit3A_815, %jit3A_812 : i32
        %rem3A_817 = arith.remsi %scan3A_787, %select_n3A_816 : i32
        %ne3A_818 = arith.constant 0 : i32
        %ne3A_819 = arith.cmpi ne, %rem3A_817, %ne3A_818 : i32
        %lt3A_820 = arith.constant 0 : i32
        %lt3A_821 = arith.cmpi slt, %rem3A_817, %lt3A_820 : i32
        %lt3A_822 = arith.constant 0 : i32
        %lt3A_823 = arith.cmpi slt, %select_n3A_816, %lt3A_822 : i32
        %ne3A_824 = arith.xori %lt3A_821, %lt3A_823 : i1
        %and3A_825 = arith.andi %ne3A_824, %ne3A_819 : i1
        %add3A_826 = arith.addi %rem3A_817, %select_n3A_816 : i32
        %select_n3A_827 = arith.select %and3A_825, %add3A_826, %rem3A_817 : i32
        %mul3A_828 = arith.constant 16 : i32
        %mul3A_829 = arith.muli %select_n3A_827, %mul3A_828 : i32
        %get3A_830 = arith.index_cast %select_n3A_811 : i32 to index
        %get3A_831 = arith.index_cast %mul3A_829 : i32 to index
        %get3A_832 = tpu.vector_load %arg15[%get3A_830, %get3A_831] {strides = array<i32>} : memref<16x512xf32, #tpu.memory_space<vmem>>, vector<16xf32>,
        %mul3A_833 = arith.constant 16 : i32
        %mul3A_834 = arith.muli %select_n3A_827, %mul3A_833 : i32
        %swap3A_835 = arith.index_cast %select_n3A_811 : i32 to index
        %swap3A_836 = arith.index_cast %mul3A_834 : i32 to index
        %swap3A_837 = tpu.vector_load %arg14[%swap3A_835, %swap3A_836] {strides = array<i32>} : memref<16x512xf32, #tpu.memory_space<vmem>>, vector<16xf32>,
        tpu.vector_store %arg14[%swap3A_835, %swap3A_836], %get3A_832 {add = true, strides = array<i32>} : memref<16x512xf32, #tpu.memory_space<vmem>>, vector<16xf32>,
        %scan3A_838 = arith.constant 13 : i32
        %scan3A_839 = arith.addi %scan3A_164, %scan3A_838 : i32
        %jit3A_840 = arith.constant 32 : i32
        %div3A_841 = arith.divsi %scan3A_839, %jit3A_840 : i32
        %sign3A_842 = arith.constant 0 : i32
        %sign3A_843 = arith.cmpi sgt, %scan3A_839, %sign3A_842 : i32
        %sign3A_844 = arith.extui %sign3A_843 : i1 to i32
        %sign3A_845 = arith.constant 0 : i32
        %sign3A_846 = arith.cmpi slt, %scan3A_839, %sign3A_845 : i32
        %sign3A_847 = arith.extui %sign3A_846 : i1 to i32
        %sign3A_848 = arith.subi %sign3A_844, %sign3A_847 : i32
        %sign3A_849 = arith.constant 0 : i32
        %sign3A_850 = arith.cmpi sgt, %jit3A_840, %sign3A_849 : i32
        %sign3A_851 = arith.extui %sign3A_850 : i1 to i32
        %sign3A_852 = arith.constant 0 : i32
        %sign3A_853 = arith.cmpi slt, %jit3A_840, %sign3A_852 : i32
        %sign3A_854 = arith.extui %sign3A_853 : i1 to i32
        %sign3A_855 = arith.subi %sign3A_851, %sign3A_854 : i32
        %ne3A_856 = arith.cmpi ne, %sign3A_848, %sign3A_855 : i32
        %rem3A_857 = arith.remsi %scan3A_839, %jit3A_840 : i32
        %ne3A_858 = arith.constant 0 : i32
        %ne3A_859 = arith.cmpi ne, %rem3A_857, %ne3A_858 : i32
        %and3A_860 = arith.andi %ne3A_856, %ne3A_859 : i1
        %sub3A_861 = arith.constant 1 : i32
        %sub3A_862 = arith.subi %div3A_841, %sub3A_861 : i32
        %select_n3A_863 = arith.select %and3A_860, %sub3A_862, %div3A_841 : i32
        %jit3A_864 = arith.constant 32 : i32
        %eq3A_865 = arith.constant 0 : i32
        %eq3A_866 = arith.cmpi eq, %jit3A_864, %eq3A_865 : i32
        %jit3A_867 = arith.constant 1 : i32
        %select_n3A_868 = arith.select %eq3A_866, %jit3A_867, %jit3A_864 : i32
        %rem3A_869 = arith.remsi %scan3A_839, %select_n3A_868 : i32
        %ne3A_870 = arith.constant 0 : i32
        %ne3A_871 = arith.cmpi ne, %rem3A_869, %ne3A_870 : i32
        %lt3A_872 = arith.constant 0 : i32
        %lt3A_873 = arith.cmpi slt, %rem3A_869, %lt3A_872 : i32
        %lt3A_874 = arith.constant 0 : i32
        %lt3A_875 = arith.cmpi slt, %select_n3A_868, %lt3A_874 : i32
        %ne3A_876 = arith.xori %lt3A_873, %lt3A_875 : i1
        %and3A_877 = arith.andi %ne3A_876, %ne3A_871 : i1
        %add3A_878 = arith.addi %rem3A_869, %select_n3A_868 : i32
        %select_n3A_879 = arith.select %and3A_877, %add3A_878, %rem3A_869 : i32
        %mul3A_880 = arith.constant 16 : i32
        %mul3A_881 = arith.muli %select_n3A_879, %mul3A_880 : i32
        %get3A_882 = arith.index_cast %select_n3A_863 : i32 to index
        %get3A_883 = arith.index_cast %mul3A_881 : i32 to index
        %get3A_884 = tpu.vector_load %arg15[%get3A_882, %get3A_883] {strides = array<i32>} : memref<16x512xf32, #tpu.memory_space<vmem>>, vector<16xf32>,
        %mul3A_885 = arith.constant 16 : i32
        %mul3A_886 = arith.muli %select_n3A_879, %mul3A_885 : i32
        %swap3A_887 = arith.index_cast %select_n3A_863 : i32 to index
        %swap3A_888 = arith.index_cast %mul3A_886 : i32 to index
        %swap3A_889 = tpu.vector_load %arg14[%swap3A_887, %swap3A_888] {strides = array<i32>} : memref<16x512xf32, #tpu.memory_space<vmem>>, vector<16xf32>,
        tpu.vector_store %arg14[%swap3A_887, %swap3A_888], %get3A_884 {add = true, strides = array<i32>} : memref<16x512xf32, #tpu.memory_space<vmem>>, vector<16xf32>,
        %scan3A_890 = arith.constant 14 : i32
        %scan3A_891 = arith.addi %scan3A_164, %scan3A_890 : i32
        %jit3A_892 = arith.constant 32 : i32
        %div3A_893 = arith.divsi %scan3A_891, %jit3A_892 : i32
        %sign3A_894 = arith.constant 0 : i32
        %sign3A_895 = arith.cmpi sgt, %scan3A_891, %sign3A_894 : i32
        %sign3A_896 = arith.extui %sign3A_895 : i1 to i32
        %sign3A_897 = arith.constant 0 : i32
        %sign3A_898 = arith.cmpi slt, %scan3A_891, %sign3A_897 : i32
        %sign3A_899 = arith.extui %sign3A_898 : i1 to i32
        %sign3A_900 = arith.subi %sign3A_896, %sign3A_899 : i32
        %sign3A_901 = arith.constant 0 : i32
        %sign3A_902 = arith.cmpi sgt, %jit3A_892, %sign3A_901 : i32
        %sign3A_903 = arith.extui %sign3A_902 : i1 to i32
        %sign3A_904 = arith.constant 0 : i32
        %sign3A_905 = arith.cmpi slt, %jit3A_892, %sign3A_904 : i32
        %sign3A_906 = arith.extui %sign3A_905 : i1 to i32
        %sign3A_907 = arith.subi %sign3A_903, %sign3A_906 : i32
        %ne3A_908 = arith.cmpi ne, %sign3A_900, %sign3A_907 : i32
        %rem3A_909 = arith.remsi %scan3A_891, %jit3A_892 : i32
        %ne3A_910 = arith.constant 0 : i32
        %ne3A_911 = arith.cmpi ne, %rem3A_909, %ne3A_910 : i32
        %and3A_912 = arith.andi %ne3A_908, %ne3A_911 : i1
        %sub3A_913 = arith.constant 1 : i32
        %sub3A_914 = arith.subi %div3A_893, %sub3A_913 : i32
        %select_n3A_915 = arith.select %and3A_912, %sub3A_914, %div3A_893 : i32
        %jit3A_916 = arith.constant 32 : i32
        %eq3A_917 = arith.constant 0 : i32
        %eq3A_918 = arith.cmpi eq, %jit3A_916, %eq3A_917 : i32
        %jit3A_919 = arith.constant 1 : i32
        %select_n3A_920 = arith.select %eq3A_918, %jit3A_919, %jit3A_916 : i32
        %rem3A_921 = arith.remsi %scan3A_891, %select_n3A_920 : i32
        %ne3A_922 = arith.constant 0 : i32
        %ne3A_923 = arith.cmpi ne, %rem3A_921, %ne3A_922 : i32
        %lt3A_924 = arith.constant 0 : i32
        %lt3A_925 = arith.cmpi slt, %rem3A_921, %lt3A_924 : i32
        %lt3A_926 = arith.constant 0 : i32
        %lt3A_927 = arith.cmpi slt, %select_n3A_920, %lt3A_926 : i32
        %ne3A_928 = arith.xori %lt3A_925, %lt3A_927 : i1
        %and3A_929 = arith.andi %ne3A_928, %ne3A_923 : i1
        %add3A_930 = arith.addi %rem3A_921, %select_n3A_920 : i32
        %select_n3A_931 = arith.select %and3A_929, %add3A_930, %rem3A_921 : i32
        %mul3A_932 = arith.constant 16 : i32
        %mul3A_933 = arith.muli %select_n3A_931, %mul3A_932 : i32
        %get3A_934 = arith.index_cast %select_n3A_915 : i32 to index
        %get3A_935 = arith.index_cast %mul3A_933 : i32 to index
        %get3A_936 = tpu.vector_load %arg15[%get3A_934, %get3A_935] {strides = array<i32>} : memref<16x512xf32, #tpu.memory_space<vmem>>, vector<16xf32>,
        %mul3A_937 = arith.constant 16 : i32
        %mul3A_938 = arith.muli %select_n3A_931, %mul3A_937 : i32
        %swap3A_939 = arith.index_cast %select_n3A_915 : i32 to index
        %swap3A_940 = arith.index_cast %mul3A_938 : i32 to index
        %swap3A_941 = tpu.vector_load %arg14[%swap3A_939, %swap3A_940] {strides = array<i32>} : memref<16x512xf32, #tpu.memory_space<vmem>>, vector<16xf32>,
        tpu.vector_store %arg14[%swap3A_939, %swap3A_940], %get3A_936 {add = true, strides = array<i32>} : memref<16x512xf32, #tpu.memory_space<vmem>>, vector<16xf32>,
        %scan3A_942 = arith.constant 15 : i32
        %scan3A_943 = arith.addi %scan3A_164, %scan3A_942 : i32
        %jit3A_944 = arith.constant 32 : i32
        %div3A_945 = arith.divsi %scan3A_943, %jit3A_944 : i32
        %sign3A_946 = arith.constant 0 : i32
        %sign3A_947 = arith.cmpi sgt, %scan3A_943, %sign3A_946 : i32
        %sign3A_948 = arith.extui %sign3A_947 : i1 to i32
        %sign3A_949 = arith.constant 0 : i32
        %sign3A_950 = arith.cmpi slt, %scan3A_943, %sign3A_949 : i32
        %sign3A_951 = arith.extui %sign3A_950 : i1 to i32
        %sign3A_952 = arith.subi %sign3A_948, %sign3A_951 : i32
        %sign3A_953 = arith.constant 0 : i32
        %sign3A_954 = arith.cmpi sgt, %jit3A_944, %sign3A_953 : i32
        %sign3A_955 = arith.extui %sign3A_954 : i1 to i32
        %sign3A_956 = arith.constant 0 : i32
        %sign3A_957 = arith.cmpi slt, %jit3A_944, %sign3A_956 : i32
        %sign3A_958 = arith.extui %sign3A_957 : i1 to i32
        %sign3A_959 = arith.subi %sign3A_955, %sign3A_958 : i32
        %ne3A_960 = arith.cmpi ne, %sign3A_952, %sign3A_959 : i32
        %rem3A_961 = arith.remsi %scan3A_943, %jit3A_944 : i32
        %ne3A_962 = arith.constant 0 : i32
        %ne3A_963 = arith.cmpi ne, %rem3A_961, %ne3A_962 : i32
        %and3A_964 = arith.andi %ne3A_960, %ne3A_963 : i1
        %sub3A_965 = arith.constant 1 : i32
        %sub3A_966 = arith.subi %div3A_945, %sub3A_965 : i32
        %select_n3A_967 = arith.select %and3A_964, %sub3A_966, %div3A_945 : i32
        %jit3A_968 = arith.constant 32 : i32
        %eq3A_969 = arith.constant 0 : i32
        %eq3A_970 = arith.cmpi eq, %jit3A_968, %eq3A_969 : i32
        %jit3A_971 = arith.constant 1 : i32
        %select_n3A_972 = arith.select %eq3A_970, %jit3A_971, %jit3A_968 : i32
        %rem3A_973 = arith.remsi %scan3A_943, %select_n3A_972 : i32
        %ne3A_974 = arith.constant 0 : i32
        %ne3A_975 = arith.cmpi ne, %rem3A_973, %ne3A_974 : i32
        %lt3A_976 = arith.constant 0 : i32
        %lt3A_977 = arith.cmpi slt, %rem3A_973, %lt3A_976 : i32
        %lt3A_978 = arith.constant 0 : i32
        %lt3A_979 = arith.cmpi slt, %select_n3A_972, %lt3A_978 : i32
        %ne3A_980 = arith.xori %lt3A_977, %lt3A_979 : i1
        %and3A_981 = arith.andi %ne3A_980, %ne3A_975 : i1
        %add3A_982 = arith.addi %rem3A_973, %select_n3A_972 : i32
        %select_n3A_983 = arith.select %and3A_981, %add3A_982, %rem3A_973 : i32
        %mul3A_984 = arith.constant 16 : i32
        %mul3A_985 = arith.muli %select_n3A_983, %mul3A_984 : i32
        %get3A_986 = arith.index_cast %select_n3A_967 : i32 to index
        %get3A_987 = arith.index_cast %mul3A_985 : i32 to index
        %get3A_988 = tpu.vector_load %arg15[%get3A_986, %get3A_987] {strides = array<i32>} : memref<16x512xf32, #tpu.memory_space<vmem>>, vector<16xf32>,
        %mul3A_989 = arith.constant 16 : i32
        %mul3A_990 = arith.muli %select_n3A_983, %mul3A_989 : i32
        %swap3A_991 = arith.index_cast %select_n3A_967 : i32 to index
        %swap3A_992 = arith.index_cast %mul3A_990 : i32 to index
        %swap3A_993 = tpu.vector_load %arg14[%swap3A_991, %swap3A_992] {strides = array<i32>} : memref<16x512xf32, #tpu.memory_space<vmem>>, vector<16xf32>,
        tpu.vector_store %arg14[%swap3A_991, %swap3A_992], %get3A_988 {add = true, strides = array<i32>} : memref<16x512xf32, #tpu.memory_space<vmem>>, vector<16xf32>,
      }
      %scan3A_157 = arith.constant 512 : i32
      %dma_start3A_158 = arith.constant 0 : i32
      %dma_start3A_159 = arith.constant 0 : i32
      %dma_start3A_160 = tpu.memref_slice %arg2[%dma_start3A_158, %dma_start3A_159] : memref<100000x512xf32, #tpu.memory_space<hbm>> -> memref<100000x512xf32, #tpu.memory_space<hbm>>
      tpu.enqueue_indirect_dma source(%arg14 : memref<16x512xf32, #tpu.memory_space<vmem>>) target(%dma_start3A_160 : memref<100000x512xf32, #tpu.memory_space<hbm>>) offsets(%arg16 : memref<16xi32, #tpu.memory_space<vmem>>) semaphore(%arg23 : memref<!tpu.dma_semaphore, #tpu.memory_space<semaphore_mem>>)
      %dma_wait3A_161 = arith.constant 0 : i32
      %dma_wait3A_162 = arith.constant 0 : i32
      %dma_wait3A_163 = tpu.memref_slice %arg2[%dma_wait3A_161, %dma_wait3A_162] : memref<100000x512xf32, #tpu.memory_space<hbm>> -> memref<100000x512xf32, #tpu.memory_space<hbm>>
      tpu.wait_indirect_dma semaphore(%arg23 : memref<!tpu.dma_semaphore, #tpu.memory_space<semaphore_mem>>) src(%arg14 : memref<16x512xf32, #tpu.memory_space<vmem>>) dst(%dma_wait3A_163 : memref<100000x512xf32, #tpu.memory_space<hbm>>)
    }
    %while3A_87 = arith.constant 1 : i32
    scf.for %while3A_124 = %while3A_85 to %while3A_81 step %while3A_87  : i32 {
      %mul3A_125 = arith.constant 16 : i32
      %mul3A_126 = arith.muli %while3A_124, %mul3A_125 : i32
      %broadcast_in_dim3A_127 = vector.broadcast %mul3A_126 : i32 to vector<16xi32>
      %gather3A = tpu.vector_load_idx %arg9[%broadcast_in_dim3A_127] : memref<3136xi32, #tpu.memory_space<vmem>>[vector<16xi32>], vector<16xi32>,
      %gather3A_128 = tpu.vector_load_idx %arg10[%broadcast_in_dim3A_127] : memref<3136xi32, #tpu.memory_space<vmem>>[vector<16xi32>], vector<16xi32>,
      %add3A_129 = arith.constant 0 : i32
      %add3A_130 = arith.addi %mul3A_126, %add3A_129 : i32
      %add3A_131 = vector.broadcast %add3A_130 : i32 to vector<16xi32>
      %add3A_132 = arith.addi %add3A_131, %iota3A : vector<16xi32>
      %lt3A = vector.broadcast %while3A_51#0 : i32 to vector<16xi32>
      %lt3A_133 = arith.cmpi slt, %add3A_132, %lt3A : vector<16xi32>
      %get3A = arith.index_cast %add3A_130 : i32 to index
      %get3A_134 = tpu.vector_load %arg9[%get3A] {strides = array<i32>} : memref<3136xi32, #tpu.memory_space<vmem>>, vector<16xi32>,
      %get3A_135 = arith.index_cast %add3A_130 : i32 to index
      %get3A_136 = tpu.vector_load %arg10[%get3A_135] {strides = array<i32>} : memref<3136xi32, #tpu.memory_space<vmem>>, vector<16xi32>,
      %select_n3A_137 = arith.select %lt3A_133, %get3A_134, %gather3A : vector<16xi1>, vector<16xi32>
      %swap3A = arith.constant 0 : index
      %swap3A_138 = tpu.vector_load %arg16[%swap3A] {strides = array<i32>} : memref<16xi32, #tpu.memory_space<vmem>>, vector<16xi32>,
      tpu.vector_store %arg16[%swap3A], %select_n3A_137 {strides = array<i32>} : memref<16xi32, #tpu.memory_space<vmem>>, vector<16xi32>,
      %select_n3A_139 = arith.select %lt3A_133, %get3A_136, %gather3A_128 : vector<16xi1>, vector<16xi32>
      %swap3A_140 = arith.constant 0 : index
      %swap3A_141 = tpu.vector_load %arg17[%swap3A_140] {strides = array<i32>} : memref<16xi32, #tpu.memory_space<vmem>>, vector<16xi32>,
      tpu.vector_store %arg17[%swap3A_140], %select_n3A_139 {strides = array<i32>} : memref<16xi32, #tpu.memory_space<vmem>>, vector<16xi32>,
      %dma_start3A = arith.constant 0 : i32
      %dma_start3A_142 = arith.constant 0 : i32
      %dma_start3A_143 = tpu.memref_slice %arg2[%dma_start3A, %dma_start3A_142] : memref<100000x512xf32, #tpu.memory_space<hbm>> -> memref<100000x512xf32, #tpu.memory_space<hbm>>
      tpu.enqueue_indirect_dma source(%dma_start3A_143 : memref<100000x512xf32, #tpu.memory_space<hbm>>) target(%arg14 : memref<16x512xf32, #tpu.memory_space<vmem>>) offsets(%arg16 : memref<16xi32, #tpu.memory_space<vmem>>) semaphore(%arg22 : memref<!tpu.dma_semaphore, #tpu.memory_space<semaphore_mem>>)
      %dma_start3A_144 = arith.constant 0 : i32
      %dma_start3A_145 = arith.constant 0 : i32
      %dma_start3A_146 = tpu.memref_slice %arg5[%dma_start3A_144, %dma_start3A_145] : memref<16384x512xf32, #tpu.memory_space<hbm>> -> memref<16384x512xf32, #tpu.memory_space<hbm>>
      tpu.enqueue_indirect_dma source(%dma_start3A_146 : memref<16384x512xf32, #tpu.memory_space<hbm>>) target(%arg15 : memref<16x512xf32, #tpu.memory_space<vmem>>) offsets(%arg17 : memref<16xi32, #tpu.memory_space<vmem>>) semaphore(%arg22 : memref<!tpu.dma_semaphore, #tpu.memory_space<semaphore_mem>>)
      %dma_wait3A = arith.constant 0 : i32
      %dma_wait3A_147 = arith.constant 0 : i32
      %dma_wait3A_148 = tpu.memref_slice %arg2[%dma_wait3A, %dma_wait3A_147] : memref<100000x512xf32, #tpu.memory_space<hbm>> -> memref<100000x512xf32, #tpu.memory_space<hbm>>
      tpu.wait_indirect_dma semaphore(%arg22 : memref<!tpu.dma_semaphore, #tpu.memory_space<semaphore_mem>>) src(%dma_wait3A_148 : memref<100000x512xf32, #tpu.memory_space<hbm>>) dst(%arg14 : memref<16x512xf32, #tpu.memory_space<vmem>>)
      %dma_wait3A_149 = arith.constant 0 : i32
      %dma_wait3A_150 = arith.constant 0 : i32
      %dma_wait3A_151 = tpu.memref_slice %arg5[%dma_wait3A_149, %dma_wait3A_150] : memref<16384x512xf32, #tpu.memory_space<hbm>> -> memref<16384x512xf32, #tpu.memory_space<hbm>>
      tpu.wait_indirect_dma semaphore(%arg22 : memref<!tpu.dma_semaphore, #tpu.memory_space<semaphore_mem>>) src(%dma_wait3A_151 : memref<16384x512xf32, #tpu.memory_space<hbm>>) dst(%arg15 : memref<16x512xf32, #tpu.memory_space<vmem>>)
      %scan3A_152 = arith.constant 0 : i32
      %scan3A_153 = arith.constant 0 : i32
      %scan3A_154 = arith.constant 512 : i32
      %scan3A_155 = arith.addi %scan3A_153, %scan3A_154 : i32
      %scan3A_156 = arith.constant 16 : i32
      scf.for %scan3A_164 = %scan3A_153 to %scan3A_155 step %scan3A_156  : i32 {
        %jit3A_165 = arith.constant 32 : i32
        %div3A_166 = arith.divsi %scan3A_164, %jit3A_165 : i32
        %sign3A_167 = arith.constant 0 : i32
        %sign3A_168 = arith.cmpi sgt, %scan3A_164, %sign3A_167 : i32
        %sign3A_169 = arith.extui %sign3A_168 : i1 to i32
        %sign3A_170 = arith.constant 0 : i32
        %sign3A_171 = arith.cmpi slt, %scan3A_164, %sign3A_170 : i32
        %sign3A_172 = arith.extui %sign3A_171 : i1 to i32
        %sign3A_173 = arith.subi %sign3A_169, %sign3A_172 : i32
        %sign3A_174 = arith.constant 0 : i32
        %sign3A_175 = arith.cmpi sgt, %jit3A_165, %sign3A_174 : i32
        %sign3A_176 = arith.extui %sign3A_175 : i1 to i32
        %sign3A_177 = arith.constant 0 : i32
        %sign3A_178 = arith.cmpi slt, %jit3A_165, %sign3A_177 : i32
        %sign3A_179 = arith.extui %sign3A_178 : i1 to i32
        %sign3A_180 = arith.subi %sign3A_176, %sign3A_179 : i32
        %ne3A_181 = arith.cmpi ne, %sign3A_173, %sign3A_180 : i32
        %rem3A_182 = arith.remsi %scan3A_164, %jit3A_165 : i32
        %ne3A_183 = arith.constant 0 : i32
        %ne3A_184 = arith.cmpi ne, %rem3A_182, %ne3A_183 : i32
        %and3A_185 = arith.andi %ne3A_181, %ne3A_184 : i1
        %sub3A_186 = arith.constant 1 : i32
        %sub3A_187 = arith.subi %div3A_166, %sub3A_186 : i32
        %select_n3A_188 = arith.select %and3A_185, %sub3A_187, %div3A_166 : i32
        %jit3A_189 = arith.constant 32 : i32
        %eq3A = arith.constant 0 : i32
        %eq3A_190 = arith.cmpi eq, %jit3A_189, %eq3A : i32
        %jit3A_191 = arith.constant 1 : i32
        %select_n3A_192 = arith.select %eq3A_190, %jit3A_191, %jit3A_189 : i32
        %rem3A_193 = arith.remsi %scan3A_164, %select_n3A_192 : i32
        %ne3A_194 = arith.constant 0 : i32
        %ne3A_195 = arith.cmpi ne, %rem3A_193, %ne3A_194 : i32
        %lt3A_196 = arith.constant 0 : i32
        %lt3A_197 = arith.cmpi slt, %rem3A_193, %lt3A_196 : i32
        %lt3A_198 = arith.constant 0 : i32
        %lt3A_199 = arith.cmpi slt, %select_n3A_192, %lt3A_198 : i32
        %ne3A_200 = arith.xori %lt3A_197, %lt3A_199 : i1
        %and3A_201 = arith.andi %ne3A_200, %ne3A_195 : i1
        %add3A_202 = arith.addi %rem3A_193, %select_n3A_192 : i32
        %select_n3A_203 = arith.select %and3A_201, %add3A_202, %rem3A_193 : i32
        %mul3A_204 = arith.constant 16 : i32
        %mul3A_205 = arith.muli %select_n3A_203, %mul3A_204 : i32
        %get3A_206 = arith.index_cast %select_n3A_188 : i32 to index
        %get3A_207 = arith.index_cast %mul3A_205 : i32 to index
        %get3A_208 = tpu.vector_load %arg15[%get3A_206, %get3A_207] {strides = array<i32>} : memref<16x512xf32, #tpu.memory_space<vmem>>, vector<16xf32>,
        %mul3A_209 = arith.constant 16 : i32
        %mul3A_210 = arith.muli %select_n3A_203, %mul3A_209 : i32
        %swap3A_211 = arith.index_cast %select_n3A_188 : i32 to index
        %swap3A_212 = arith.index_cast %mul3A_210 : i32 to index
        %swap3A_213 = tpu.vector_load %arg14[%swap3A_211, %swap3A_212] {strides = array<i32>} : memref<16x512xf32, #tpu.memory_space<vmem>>, vector<16xf32>,
        tpu.vector_store %arg14[%swap3A_211, %swap3A_212], %get3A_208 {add = true, strides = array<i32>} : memref<16x512xf32, #tpu.memory_space<vmem>>, vector<16xf32>,
        %scan3A_214 = arith.constant 1 : i32
        %scan3A_215 = arith.addi %scan3A_164, %scan3A_214 : i32
        %jit3A_216 = arith.constant 32 : i32
        %div3A_217 = arith.divsi %scan3A_215, %jit3A_216 : i32
        %sign3A_218 = arith.constant 0 : i32
        %sign3A_219 = arith.cmpi sgt, %scan3A_215, %sign3A_218 : i32
        %sign3A_220 = arith.extui %sign3A_219 : i1 to i32
        %sign3A_221 = arith.constant 0 : i32
        %sign3A_222 = arith.cmpi slt, %scan3A_215, %sign3A_221 : i32
        %sign3A_223 = arith.extui %sign3A_222 : i1 to i32
        %sign3A_224 = arith.subi %sign3A_220, %sign3A_223 : i32
        %sign3A_225 = arith.constant 0 : i32
        %sign3A_226 = arith.cmpi sgt, %jit3A_216, %sign3A_225 : i32
        %sign3A_227 = arith.extui %sign3A_226 : i1 to i32
        %sign3A_228 = arith.constant 0 : i32
        %sign3A_229 = arith.cmpi slt, %jit3A_216, %sign3A_228 : i32
        %sign3A_230 = arith.extui %sign3A_229 : i1 to i32
        %sign3A_231 = arith.subi %sign3A_227, %sign3A_230 : i32
        %ne3A_232 = arith.cmpi ne, %sign3A_224, %sign3A_231 : i32
        %rem3A_233 = arith.remsi %scan3A_215, %jit3A_216 : i32
        %ne3A_234 = arith.constant 0 : i32
        %ne3A_235 = arith.cmpi ne, %rem3A_233, %ne3A_234 : i32
        %and3A_236 = arith.andi %ne3A_232, %ne3A_235 : i1
        %sub3A_237 = arith.constant 1 : i32
        %sub3A_238 = arith.subi %div3A_217, %sub3A_237 : i32
        %select_n3A_239 = arith.select %and3A_236, %sub3A_238, %div3A_217 : i32
        %jit3A_240 = arith.constant 32 : i32
        %eq3A_241 = arith.constant 0 : i32
        %eq3A_242 = arith.cmpi eq, %jit3A_240, %eq3A_241 : i32
        %jit3A_243 = arith.constant 1 : i32
        %select_n3A_244 = arith.select %eq3A_242, %jit3A_243, %jit3A_240 : i32
        %rem3A_245 = arith.remsi %scan3A_215, %select_n3A_244 : i32
        %ne3A_246 = arith.constant 0 : i32
        %ne3A_247 = arith.cmpi ne, %rem3A_245, %ne3A_246 : i32
        %lt3A_248 = arith.constant 0 : i32
        %lt3A_249 = arith.cmpi slt, %rem3A_245, %lt3A_248 : i32
        %lt3A_250 = arith.constant 0 : i32
        %lt3A_251 = arith.cmpi slt, %select_n3A_244, %lt3A_250 : i32
        %ne3A_252 = arith.xori %lt3A_249, %lt3A_251 : i1
        %and3A_253 = arith.andi %ne3A_252, %ne3A_247 : i1
        %add3A_254 = arith.addi %rem3A_245, %select_n3A_244 : i32
        %select_n3A_255 = arith.select %and3A_253, %add3A_254, %rem3A_245 : i32
        %mul3A_256 = arith.constant 16 : i32
        %mul3A_257 = arith.muli %select_n3A_255, %mul3A_256 : i32
        %get3A_258 = arith.index_cast %select_n3A_239 : i32 to index
        %get3A_259 = arith.index_cast %mul3A_257 : i32 to index
        %get3A_260 = tpu.vector_load %arg15[%get3A_258, %get3A_259] {strides = array<i32>} : memref<16x512xf32, #tpu.memory_space<vmem>>, vector<16xf32>,
        %mul3A_261 = arith.constant 16 : i32
        %mul3A_262 = arith.muli %select_n3A_255, %mul3A_261 : i32
        %swap3A_263 = arith.index_cast %select_n3A_239 : i32 to index
        %swap3A_264 = arith.index_cast %mul3A_262 : i32 to index
        %swap3A_265 = tpu.vector_load %arg14[%swap3A_263, %swap3A_264] {strides = array<i32>} : memref<16x512xf32, #tpu.memory_space<vmem>>, vector<16xf32>,
        tpu.vector_store %arg14[%swap3A_263, %swap3A_264], %get3A_260 {add = true, strides = array<i32>} : memref<16x512xf32, #tpu.memory_space<vmem>>, vector<16xf32>,
        %scan3A_266 = arith.constant 2 : i32
        %scan3A_267 = arith.addi %scan3A_164, %scan3A_266 : i32
        %jit3A_268 = arith.constant 32 : i32
        %div3A_269 = arith.divsi %scan3A_267, %jit3A_268 : i32
        %sign3A_270 = arith.constant 0 : i32
        %sign3A_271 = arith.cmpi sgt, %scan3A_267, %sign3A_270 : i32
        %sign3A_272 = arith.extui %sign3A_271 : i1 to i32
        %sign3A_273 = arith.constant 0 : i32
        %sign3A_274 = arith.cmpi slt, %scan3A_267, %sign3A_273 : i32
        %sign3A_275 = arith.extui %sign3A_274 : i1 to i32
        %sign3A_276 = arith.subi %sign3A_272, %sign3A_275 : i32
        %sign3A_277 = arith.constant 0 : i32
        %sign3A_278 = arith.cmpi sgt, %jit3A_268, %sign3A_277 : i32
        %sign3A_279 = arith.extui %sign3A_278 : i1 to i32
        %sign3A_280 = arith.constant 0 : i32
        %sign3A_281 = arith.cmpi slt, %jit3A_268, %sign3A_280 : i32
        %sign3A_282 = arith.extui %sign3A_281 : i1 to i32
        %sign3A_283 = arith.subi %sign3A_279, %sign3A_282 : i32
        %ne3A_284 = arith.cmpi ne, %sign3A_276, %sign3A_283 : i32
        %rem3A_285 = arith.remsi %scan3A_267, %jit3A_268 : i32
        %ne3A_286 = arith.constant 0 : i32
        %ne3A_287 = arith.cmpi ne, %rem3A_285, %ne3A_286 : i32
        %and3A_288 = arith.andi %ne3A_284, %ne3A_287 : i1
        %sub3A_289 = arith.constant 1 : i32
        %sub3A_290 = arith.subi %div3A_269, %sub3A_289 : i32
        %select_n3A_291 = arith.select %and3A_288, %sub3A_290, %div3A_269 : i32
        %jit3A_292 = arith.constant 32 : i32
        %eq3A_293 = arith.constant 0 : i32
        %eq3A_294 = arith.cmpi eq, %jit3A_292, %eq3A_293 : i32
        %jit3A_295 = arith.constant 1 : i32
        %select_n3A_296 = arith.select %eq3A_294, %jit3A_295, %jit3A_292 : i32
        %rem3A_297 = arith.remsi %scan3A_267, %select_n3A_296 : i32
        %ne3A_298 = arith.constant 0 : i32
        %ne3A_299 = arith.cmpi ne, %rem3A_297, %ne3A_298 : i32
        %lt3A_300 = arith.constant 0 : i32
        %lt3A_301 = arith.cmpi slt, %rem3A_297, %lt3A_300 : i32
        %lt3A_302 = arith.constant 0 : i32
        %lt3A_303 = arith.cmpi slt, %select_n3A_296, %lt3A_302 : i32
        %ne3A_304 = arith.xori %lt3A_301, %lt3A_303 : i1
        %and3A_305 = arith.andi %ne3A_304, %ne3A_299 : i1
        %add3A_306 = arith.addi %rem3A_297, %select_n3A_296 : i32
        %select_n3A_307 = arith.select %and3A_305, %add3A_306, %rem3A_297 : i32
        %mul3A_308 = arith.constant 16 : i32
        %mul3A_309 = arith.muli %select_n3A_307, %mul3A_308 : i32
        %get3A_310 = arith.index_cast %select_n3A_291 : i32 to index
        %get3A_311 = arith.index_cast %mul3A_309 : i32 to index
        %get3A_312 = tpu.vector_load %arg15[%get3A_310, %get3A_311] {strides = array<i32>} : memref<16x512xf32, #tpu.memory_space<vmem>>, vector<16xf32>,
        %mul3A_313 = arith.constant 16 : i32
        %mul3A_314 = arith.muli %select_n3A_307, %mul3A_313 : i32
        %swap3A_315 = arith.index_cast %select_n3A_291 : i32 to index
        %swap3A_316 = arith.index_cast %mul3A_314 : i32 to index
        %swap3A_317 = tpu.vector_load %arg14[%swap3A_315, %swap3A_316] {strides = array<i32>} : memref<16x512xf32, #tpu.memory_space<vmem>>, vector<16xf32>,
        tpu.vector_store %arg14[%swap3A_315, %swap3A_316], %get3A_312 {add = true, strides = array<i32>} : memref<16x512xf32, #tpu.memory_space<vmem>>, vector<16xf32>,
        %scan3A_318 = arith.constant 3 : i32
        %scan3A_319 = arith.addi %scan3A_164, %scan3A_318 : i32
        %jit3A_320 = arith.constant 32 : i32
        %div3A_321 = arith.divsi %scan3A_319, %jit3A_320 : i32
        %sign3A_322 = arith.constant 0 : i32
        %sign3A_323 = arith.cmpi sgt, %scan3A_319, %sign3A_322 : i32
        %sign3A_324 = arith.extui %sign3A_323 : i1 to i32
        %sign3A_325 = arith.constant 0 : i32
        %sign3A_326 = arith.cmpi slt, %scan3A_319, %sign3A_325 : i32
        %sign3A_327 = arith.extui %sign3A_326 : i1 to i32
        %sign3A_328 = arith.subi %sign3A_324, %sign3A_327 : i32
        %sign3A_329 = arith.constant 0 : i32
        %sign3A_330 = arith.cmpi sgt, %jit3A_320, %sign3A_329 : i32
        %sign3A_331 = arith.extui %sign3A_330 : i1 to i32
        %sign3A_332 = arith.constant 0 : i32
        %sign3A_333 = arith.cmpi slt, %jit3A_320, %sign3A_332 : i32
        %sign3A_334 = arith.extui %sign3A_333 : i1 to i32
        %sign3A_335 = arith.subi %sign3A_331, %sign3A_334 : i32
        %ne3A_336 = arith.cmpi ne, %sign3A_328, %sign3A_335 : i32
        %rem3A_337 = arith.remsi %scan3A_319, %jit3A_320 : i32
        %ne3A_338 = arith.constant 0 : i32
        %ne3A_339 = arith.cmpi ne, %rem3A_337, %ne3A_338 : i32
        %and3A_340 = arith.andi %ne3A_336, %ne3A_339 : i1
        %sub3A_341 = arith.constant 1 : i32
        %sub3A_342 = arith.subi %div3A_321, %sub3A_341 : i32
        %select_n3A_343 = arith.select %and3A_340, %sub3A_342, %div3A_321 : i32
        %jit3A_344 = arith.constant 32 : i32
        %eq3A_345 = arith.constant 0 : i32
        %eq3A_346 = arith.cmpi eq, %jit3A_344, %eq3A_345 : i32
        %jit3A_347 = arith.constant 1 : i32
        %select_n3A_348 = arith.select %eq3A_346, %jit3A_347, %jit3A_344 : i32
        %rem3A_349 = arith.remsi %scan3A_319, %select_n3A_348 : i32
        %ne3A_350 = arith.constant 0 : i32
        %ne3A_351 = arith.cmpi ne, %rem3A_349, %ne3A_350 : i32
        %lt3A_352 = arith.constant 0 : i32
        %lt3A_353 = arith.cmpi slt, %rem3A_349, %lt3A_352 : i32
        %lt3A_354 = arith.constant 0 : i32
        %lt3A_355 = arith.cmpi slt, %select_n3A_348, %lt3A_354 : i32
        %ne3A_356 = arith.xori %lt3A_353, %lt3A_355 : i1
        %and3A_357 = arith.andi %ne3A_356, %ne3A_351 : i1
        %add3A_358 = arith.addi %rem3A_349, %select_n3A_348 : i32
        %select_n3A_359 = arith.select %and3A_357, %add3A_358, %rem3A_349 : i32
        %mul3A_360 = arith.constant 16 : i32
        %mul3A_361 = arith.muli %select_n3A_359, %mul3A_360 : i32
        %get3A_362 = arith.index_cast %select_n3A_343 : i32 to index
        %get3A_363 = arith.index_cast %mul3A_361 : i32 to index
        %get3A_364 = tpu.vector_load %arg15[%get3A_362, %get3A_363] {strides = array<i32>} : memref<16x512xf32, #tpu.memory_space<vmem>>, vector<16xf32>,
        %mul3A_365 = arith.constant 16 : i32
        %mul3A_366 = arith.muli %select_n3A_359, %mul3A_365 : i32
        %swap3A_367 = arith.index_cast %select_n3A_343 : i32 to index
        %swap3A_368 = arith.index_cast %mul3A_366 : i32 to index
        %swap3A_369 = tpu.vector_load %arg14[%swap3A_367, %swap3A_368] {strides = array<i32>} : memref<16x512xf32, #tpu.memory_space<vmem>>, vector<16xf32>,
        tpu.vector_store %arg14[%swap3A_367, %swap3A_368], %get3A_364 {add = true, strides = array<i32>} : memref<16x512xf32, #tpu.memory_space<vmem>>, vector<16xf32>,
        %scan3A_370 = arith.constant 4 : i32
        %scan3A_371 = arith.addi %scan3A_164, %scan3A_370 : i32
        %jit3A_372 = arith.constant 32 : i32
        %div3A_373 = arith.divsi %scan3A_371, %jit3A_372 : i32
        %sign3A_374 = arith.constant 0 : i32
        %sign3A_375 = arith.cmpi sgt, %scan3A_371, %sign3A_374 : i32
        %sign3A_376 = arith.extui %sign3A_375 : i1 to i32
        %sign3A_377 = arith.constant 0 : i32
        %sign3A_378 = arith.cmpi slt, %scan3A_371, %sign3A_377 : i32
        %sign3A_379 = arith.extui %sign3A_378 : i1 to i32
        %sign3A_380 = arith.subi %sign3A_376, %sign3A_379 : i32
        %sign3A_381 = arith.constant 0 : i32
        %sign3A_382 = arith.cmpi sgt, %jit3A_372, %sign3A_381 : i32
        %sign3A_383 = arith.extui %sign3A_382 : i1 to i32
        %sign3A_384 = arith.constant 0 : i32
        %sign3A_385 = arith.cmpi slt, %jit3A_372, %sign3A_384 : i32
        %sign3A_386 = arith.extui %sign3A_385 : i1 to i32
        %sign3A_387 = arith.subi %sign3A_383, %sign3A_386 : i32
        %ne3A_388 = arith.cmpi ne, %sign3A_380, %sign3A_387 : i32
        %rem3A_389 = arith.remsi %scan3A_371, %jit3A_372 : i32
        %ne3A_390 = arith.constant 0 : i32
        %ne3A_391 = arith.cmpi ne, %rem3A_389, %ne3A_390 : i32
        %and3A_392 = arith.andi %ne3A_388, %ne3A_391 : i1
        %sub3A_393 = arith.constant 1 : i32
        %sub3A_394 = arith.subi %div3A_373, %sub3A_393 : i32
        %select_n3A_395 = arith.select %and3A_392, %sub3A_394, %div3A_373 : i32
        %jit3A_396 = arith.constant 32 : i32
        %eq3A_397 = arith.constant 0 : i32
        %eq3A_398 = arith.cmpi eq, %jit3A_396, %eq3A_397 : i32
        %jit3A_399 = arith.constant 1 : i32
        %select_n3A_400 = arith.select %eq3A_398, %jit3A_399, %jit3A_396 : i32
        %rem3A_401 = arith.remsi %scan3A_371, %select_n3A_400 : i32
        %ne3A_402 = arith.constant 0 : i32
        %ne3A_403 = arith.cmpi ne, %rem3A_401, %ne3A_402 : i32
        %lt3A_404 = arith.constant 0 : i32
        %lt3A_405 = arith.cmpi slt, %rem3A_401, %lt3A_404 : i32
        %lt3A_406 = arith.constant 0 : i32
        %lt3A_407 = arith.cmpi slt, %select_n3A_400, %lt3A_406 : i32
        %ne3A_408 = arith.xori %lt3A_405, %lt3A_407 : i1
        %and3A_409 = arith.andi %ne3A_408, %ne3A_403 : i1
        %add3A_410 = arith.addi %rem3A_401, %select_n3A_400 : i32
        %select_n3A_411 = arith.select %and3A_409, %add3A_410, %rem3A_401 : i32
        %mul3A_412 = arith.constant 16 : i32
        %mul3A_413 = arith.muli %select_n3A_411, %mul3A_412 : i32
        %get3A_414 = arith.index_cast %select_n3A_395 : i32 to index
        %get3A_415 = arith.index_cast %mul3A_413 : i32 to index
        %get3A_416 = tpu.vector_load %arg15[%get3A_414, %get3A_415] {strides = array<i32>} : memref<16x512xf32, #tpu.memory_space<vmem>>, vector<16xf32>,
        %mul3A_417 = arith.constant 16 : i32
        %mul3A_418 = arith.muli %select_n3A_411, %mul3A_417 : i32
        %swap3A_419 = arith.index_cast %select_n3A_395 : i32 to index
        %swap3A_420 = arith.index_cast %mul3A_418 : i32 to index
        %swap3A_421 = tpu.vector_load %arg14[%swap3A_419, %swap3A_420] {strides = array<i32>} : memref<16x512xf32, #tpu.memory_space<vmem>>, vector<16xf32>,
        tpu.vector_store %arg14[%swap3A_419, %swap3A_420], %get3A_416 {add = true, strides = array<i32>} : memref<16x512xf32, #tpu.memory_space<vmem>>, vector<16xf32>,
        %scan3A_422 = arith.constant 5 : i32
        %scan3A_423 = arith.addi %scan3A_164, %scan3A_422 : i32
        %jit3A_424 = arith.constant 32 : i32
        %div3A_425 = arith.divsi %scan3A_423, %jit3A_424 : i32
        %sign3A_426 = arith.constant 0 : i32
        %sign3A_427 = arith.cmpi sgt, %scan3A_423, %sign3A_426 : i32
        %sign3A_428 = arith.extui %sign3A_427 : i1 to i32
        %sign3A_429 = arith.constant 0 : i32
        %sign3A_430 = arith.cmpi slt, %scan3A_423, %sign3A_429 : i32
        %sign3A_431 = arith.extui %sign3A_430 : i1 to i32
        %sign3A_432 = arith.subi %sign3A_428, %sign3A_431 : i32
        %sign3A_433 = arith.constant 0 : i32
        %sign3A_434 = arith.cmpi sgt, %jit3A_424, %sign3A_433 : i32
        %sign3A_435 = arith.extui %sign3A_434 : i1 to i32
        %sign3A_436 = arith.constant 0 : i32
        %sign3A_437 = arith.cmpi slt, %jit3A_424, %sign3A_436 : i32
        %sign3A_438 = arith.extui %sign3A_437 : i1 to i32
        %sign3A_439 = arith.subi %sign3A_435, %sign3A_438 : i32
        %ne3A_440 = arith.cmpi ne, %sign3A_432, %sign3A_439 : i32
        %rem3A_441 = arith.remsi %scan3A_423, %jit3A_424 : i32
        %ne3A_442 = arith.constant 0 : i32
        %ne3A_443 = arith.cmpi ne, %rem3A_441, %ne3A_442 : i32
        %and3A_444 = arith.andi %ne3A_440, %ne3A_443 : i1
        %sub3A_445 = arith.constant 1 : i32
        %sub3A_446 = arith.subi %div3A_425, %sub3A_445 : i32
        %select_n3A_447 = arith.select %and3A_444, %sub3A_446, %div3A_425 : i32
        %jit3A_448 = arith.constant 32 : i32
        %eq3A_449 = arith.constant 0 : i32
        %eq3A_450 = arith.cmpi eq, %jit3A_448, %eq3A_449 : i32
        %jit3A_451 = arith.constant 1 : i32
        %select_n3A_452 = arith.select %eq3A_450, %jit3A_451, %jit3A_448 : i32
        %rem3A_453 = arith.remsi %scan3A_423, %select_n3A_452 : i32
        %ne3A_454 = arith.constant 0 : i32
        %ne3A_455 = arith.cmpi ne, %rem3A_453, %ne3A_454 : i32
        %lt3A_456 = arith.constant 0 : i32
        %lt3A_457 = arith.cmpi slt, %rem3A_453, %lt3A_456 : i32
        %lt3A_458 = arith.constant 0 : i32
        %lt3A_459 = arith.cmpi slt, %select_n3A_452, %lt3A_458 : i32
        %ne3A_460 = arith.xori %lt3A_457, %lt3A_459 : i1
        %and3A_461 = arith.andi %ne3A_460, %ne3A_455 : i1
        %add3A_462 = arith.addi %rem3A_453, %select_n3A_452 : i32
        %select_n3A_463 = arith.select %and3A_461, %add3A_462, %rem3A_453 : i32
        %mul3A_464 = arith.constant 16 : i32
        %mul3A_465 = arith.muli %select_n3A_463, %mul3A_464 : i32
        %get3A_466 = arith.index_cast %select_n3A_447 : i32 to index
        %get3A_467 = arith.index_cast %mul3A_465 : i32 to index
        %get3A_468 = tpu.vector_load %arg15[%get3A_466, %get3A_467] {strides = array<i32>} : memref<16x512xf32, #tpu.memory_space<vmem>>, vector<16xf32>,
        %mul3A_469 = arith.constant 16 : i32
        %mul3A_470 = arith.muli %select_n3A_463, %mul3A_469 : i32
        %swap3A_471 = arith.index_cast %select_n3A_447 : i32 to index
        %swap3A_472 = arith.index_cast %mul3A_470 : i32 to index
        %swap3A_473 = tpu.vector_load %arg14[%swap3A_471, %swap3A_472] {strides = array<i32>} : memref<16x512xf32, #tpu.memory_space<vmem>>, vector<16xf32>,
        tpu.vector_store %arg14[%swap3A_471, %swap3A_472], %get3A_468 {add = true, strides = array<i32>} : memref<16x512xf32, #tpu.memory_space<vmem>>, vector<16xf32>,
        %scan3A_474 = arith.constant 6 : i32
        %scan3A_475 = arith.addi %scan3A_164, %scan3A_474 : i32
        %jit3A_476 = arith.constant 32 : i32
        %div3A_477 = arith.divsi %scan3A_475, %jit3A_476 : i32
        %sign3A_478 = arith.constant 0 : i32
        %sign3A_479 = arith.cmpi sgt, %scan3A_475, %sign3A_478 : i32
        %sign3A_480 = arith.extui %sign3A_479 : i1 to i32
        %sign3A_481 = arith.constant 0 : i32
        %sign3A_482 = arith.cmpi slt, %scan3A_475, %sign3A_481 : i32
        %sign3A_483 = arith.extui %sign3A_482 : i1 to i32
        %sign3A_484 = arith.subi %sign3A_480, %sign3A_483 : i32
        %sign3A_485 = arith.constant 0 : i32
        %sign3A_486 = arith.cmpi sgt, %jit3A_476, %sign3A_485 : i32
        %sign3A_487 = arith.extui %sign3A_486 : i1 to i32
        %sign3A_488 = arith.constant 0 : i32
        %sign3A_489 = arith.cmpi slt, %jit3A_476, %sign3A_488 : i32
        %sign3A_490 = arith.extui %sign3A_489 : i1 to i32
        %sign3A_491 = arith.subi %sign3A_487, %sign3A_490 : i32
        %ne3A_492 = arith.cmpi ne, %sign3A_484, %sign3A_491 : i32
        %rem3A_493 = arith.remsi %scan3A_475, %jit3A_476 : i32
        %ne3A_494 = arith.constant 0 : i32
        %ne3A_495 = arith.cmpi ne, %rem3A_493, %ne3A_494 : i32
        %and3A_496 = arith.andi %ne3A_492, %ne3A_495 : i1
        %sub3A_497 = arith.constant 1 : i32
        %sub3A_498 = arith.subi %div3A_477, %sub3A_497 : i32
        %select_n3A_499 = arith.select %and3A_496, %sub3A_498, %div3A_477 : i32
        %jit3A_500 = arith.constant 32 : i32
        %eq3A_501 = arith.constant 0 : i32
        %eq3A_502 = arith.cmpi eq, %jit3A_500, %eq3A_501 : i32
        %jit3A_503 = arith.constant 1 : i32
        %select_n3A_504 = arith.select %eq3A_502, %jit3A_503, %jit3A_500 : i32
        %rem3A_505 = arith.remsi %scan3A_475, %select_n3A_504 : i32
        %ne3A_506 = arith.constant 0 : i32
        %ne3A_507 = arith.cmpi ne, %rem3A_505, %ne3A_506 : i32
        %lt3A_508 = arith.constant 0 : i32
        %lt3A_509 = arith.cmpi slt, %rem3A_505, %lt3A_508 : i32
        %lt3A_510 = arith.constant 0 : i32
        %lt3A_511 = arith.cmpi slt, %select_n3A_504, %lt3A_510 : i32
        %ne3A_512 = arith.xori %lt3A_509, %lt3A_511 : i1
        %and3A_513 = arith.andi %ne3A_512, %ne3A_507 : i1
        %add3A_514 = arith.addi %rem3A_505, %select_n3A_504 : i32
        %select_n3A_515 = arith.select %and3A_513, %add3A_514, %rem3A_505 : i32
        %mul3A_516 = arith.constant 16 : i32
        %mul3A_517 = arith.muli %select_n3A_515, %mul3A_516 : i32
        %get3A_518 = arith.index_cast %select_n3A_499 : i32 to index
        %get3A_519 = arith.index_cast %mul3A_517 : i32 to index
        %get3A_520 = tpu.vector_load %arg15[%get3A_518, %get3A_519] {strides = array<i32>} : memref<16x512xf32, #tpu.memory_space<vmem>>, vector<16xf32>,
        %mul3A_521 = arith.constant 16 : i32
        %mul3A_522 = arith.muli %select_n3A_515, %mul3A_521 : i32
        %swap3A_523 = arith.index_cast %select_n3A_499 : i32 to index
        %swap3A_524 = arith.index_cast %mul3A_522 : i32 to index
        %swap3A_525 = tpu.vector_load %arg14[%swap3A_523, %swap3A_524] {strides = array<i32>} : memref<16x512xf32, #tpu.memory_space<vmem>>, vector<16xf32>,
        tpu.vector_store %arg14[%swap3A_523, %swap3A_524], %get3A_520 {add = true, strides = array<i32>} : memref<16x512xf32, #tpu.memory_space<vmem>>, vector<16xf32>,
        %scan3A_526 = arith.constant 7 : i32
        %scan3A_527 = arith.addi %scan3A_164, %scan3A_526 : i32
        %jit3A_528 = arith.constant 32 : i32
        %div3A_529 = arith.divsi %scan3A_527, %jit3A_528 : i32
        %sign3A_530 = arith.constant 0 : i32
        %sign3A_531 = arith.cmpi sgt, %scan3A_527, %sign3A_530 : i32
        %sign3A_532 = arith.extui %sign3A_531 : i1 to i32
        %sign3A_533 = arith.constant 0 : i32
        %sign3A_534 = arith.cmpi slt, %scan3A_527, %sign3A_533 : i32
        %sign3A_535 = arith.extui %sign3A_534 : i1 to i32
        %sign3A_536 = arith.subi %sign3A_532, %sign3A_535 : i32
        %sign3A_537 = arith.constant 0 : i32
        %sign3A_538 = arith.cmpi sgt, %jit3A_528, %sign3A_537 : i32
        %sign3A_539 = arith.extui %sign3A_538 : i1 to i32
        %sign3A_540 = arith.constant 0 : i32
        %sign3A_541 = arith.cmpi slt, %jit3A_528, %sign3A_540 : i32
        %sign3A_542 = arith.extui %sign3A_541 : i1 to i32
        %sign3A_543 = arith.subi %sign3A_539, %sign3A_542 : i32
        %ne3A_544 = arith.cmpi ne, %sign3A_536, %sign3A_543 : i32
        %rem3A_545 = arith.remsi %scan3A_527, %jit3A_528 : i32
        %ne3A_546 = arith.constant 0 : i32
        %ne3A_547 = arith.cmpi ne, %rem3A_545, %ne3A_546 : i32
        %and3A_548 = arith.andi %ne3A_544, %ne3A_547 : i1
        %sub3A_549 = arith.constant 1 : i32
        %sub3A_550 = arith.subi %div3A_529, %sub3A_549 : i32
        %select_n3A_551 = arith.select %and3A_548, %sub3A_550, %div3A_529 : i32
        %jit3A_552 = arith.constant 32 : i32
        %eq3A_553 = arith.constant 0 : i32
        %eq3A_554 = arith.cmpi eq, %jit3A_552, %eq3A_553 : i32
        %jit3A_555 = arith.constant 1 : i32
        %select_n3A_556 = arith.select %eq3A_554, %jit3A_555, %jit3A_552 : i32
        %rem3A_557 = arith.remsi %scan3A_527, %select_n3A_556 : i32
        %ne3A_558 = arith.constant 0 : i32
        %ne3A_559 = arith.cmpi ne, %rem3A_557, %ne3A_558 : i32
        %lt3A_560 = arith.constant 0 : i32
        %lt3A_561 = arith.cmpi slt, %rem3A_557, %lt3A_560 : i32
        %lt3A_562 = arith.constant 0 : i32
        %lt3A_563 = arith.cmpi slt, %select_n3A_556, %lt3A_562 : i32
        %ne3A_564 = arith.xori %lt3A_561, %lt3A_563 : i1
        %and3A_565 = arith.andi %ne3A_564, %ne3A_559 : i1
        %add3A_566 = arith.addi %rem3A_557, %select_n3A_556 : i32
        %select_n3A_567 = arith.select %and3A_565, %add3A_566, %rem3A_557 : i32
        %mul3A_568 = arith.constant 16 : i32
        %mul3A_569 = arith.muli %select_n3A_567, %mul3A_568 : i32
        %get3A_570 = arith.index_cast %select_n3A_551 : i32 to index
        %get3A_571 = arith.index_cast %mul3A_569 : i32 to index
        %get3A_572 = tpu.vector_load %arg15[%get3A_570, %get3A_571] {strides = array<i32>} : memref<16x512xf32, #tpu.memory_space<vmem>>, vector<16xf32>,
        %mul3A_573 = arith.constant 16 : i32
        %mul3A_574 = arith.muli %select_n3A_567, %mul3A_573 : i32
        %swap3A_575 = arith.index_cast %select_n3A_551 : i32 to index
        %swap3A_576 = arith.index_cast %mul3A_574 : i32 to index
        %swap3A_577 = tpu.vector_load %arg14[%swap3A_575, %swap3A_576] {strides = array<i32>} : memref<16x512xf32, #tpu.memory_space<vmem>>, vector<16xf32>,
        tpu.vector_store %arg14[%swap3A_575, %swap3A_576], %get3A_572 {add = true, strides = array<i32>} : memref<16x512xf32, #tpu.memory_space<vmem>>, vector<16xf32>,
        %scan3A_578 = arith.constant 8 : i32
        %scan3A_579 = arith.addi %scan3A_164, %scan3A_578 : i32
        %jit3A_580 = arith.constant 32 : i32
        %div3A_581 = arith.divsi %scan3A_579, %jit3A_580 : i32
        %sign3A_582 = arith.constant 0 : i32
        %sign3A_583 = arith.cmpi sgt, %scan3A_579, %sign3A_582 : i32
        %sign3A_584 = arith.extui %sign3A_583 : i1 to i32
        %sign3A_585 = arith.constant 0 : i32
        %sign3A_586 = arith.cmpi slt, %scan3A_579, %sign3A_585 : i32
        %sign3A_587 = arith.extui %sign3A_586 : i1 to i32
        %sign3A_588 = arith.subi %sign3A_584, %sign3A_587 : i32
        %sign3A_589 = arith.constant 0 : i32
        %sign3A_590 = arith.cmpi sgt, %jit3A_580, %sign3A_589 : i32
        %sign3A_591 = arith.extui %sign3A_590 : i1 to i32
        %sign3A_592 = arith.constant 0 : i32
        %sign3A_593 = arith.cmpi slt, %jit3A_580, %sign3A_592 : i32
        %sign3A_594 = arith.extui %sign3A_593 : i1 to i32
        %sign3A_595 = arith.subi %sign3A_591, %sign3A_594 : i32
        %ne3A_596 = arith.cmpi ne, %sign3A_588, %sign3A_595 : i32
        %rem3A_597 = arith.remsi %scan3A_579, %jit3A_580 : i32
        %ne3A_598 = arith.constant 0 : i32
        %ne3A_599 = arith.cmpi ne, %rem3A_597, %ne3A_598 : i32
        %and3A_600 = arith.andi %ne3A_596, %ne3A_599 : i1
        %sub3A_601 = arith.constant 1 : i32
        %sub3A_602 = arith.subi %div3A_581, %sub3A_601 : i32
        %select_n3A_603 = arith.select %and3A_600, %sub3A_602, %div3A_581 : i32
        %jit3A_604 = arith.constant 32 : i32
        %eq3A_605 = arith.constant 0 : i32
        %eq3A_606 = arith.cmpi eq, %jit3A_604, %eq3A_605 : i32
        %jit3A_607 = arith.constant 1 : i32
        %select_n3A_608 = arith.select %eq3A_606, %jit3A_607, %jit3A_604 : i32
        %rem3A_609 = arith.remsi %scan3A_579, %select_n3A_608 : i32
        %ne3A_610 = arith.constant 0 : i32
        %ne3A_611 = arith.cmpi ne, %rem3A_609, %ne3A_610 : i32
        %lt3A_612 = arith.constant 0 : i32
        %lt3A_613 = arith.cmpi slt, %rem3A_609, %lt3A_612 : i32
        %lt3A_614 = arith.constant 0 : i32
        %lt3A_615 = arith.cmpi slt, %select_n3A_608, %lt3A_614 : i32
        %ne3A_616 = arith.xori %lt3A_613, %lt3A_615 : i1
        %and3A_617 = arith.andi %ne3A_616, %ne3A_611 : i1
        %add3A_618 = arith.addi %rem3A_609, %select_n3A_608 : i32
        %select_n3A_619 = arith.select %and3A_617, %add3A_618, %rem3A_609 : i32
        %mul3A_620 = arith.constant 16 : i32
        %mul3A_621 = arith.muli %select_n3A_619, %mul3A_620 : i32
        %get3A_622 = arith.index_cast %select_n3A_603 : i32 to index
        %get3A_623 = arith.index_cast %mul3A_621 : i32 to index
        %get3A_624 = tpu.vector_load %arg15[%get3A_622, %get3A_623] {strides = array<i32>} : memref<16x512xf32, #tpu.memory_space<vmem>>, vector<16xf32>,
        %mul3A_625 = arith.constant 16 : i32
        %mul3A_626 = arith.muli %select_n3A_619, %mul3A_625 : i32
        %swap3A_627 = arith.index_cast %select_n3A_603 : i32 to index
        %swap3A_628 = arith.index_cast %mul3A_626 : i32 to index
        %swap3A_629 = tpu.vector_load %arg14[%swap3A_627, %swap3A_628] {strides = array<i32>} : memref<16x512xf32, #tpu.memory_space<vmem>>, vector<16xf32>,
        tpu.vector_store %arg14[%swap3A_627, %swap3A_628], %get3A_624 {add = true, strides = array<i32>} : memref<16x512xf32, #tpu.memory_space<vmem>>, vector<16xf32>,
        %scan3A_630 = arith.constant 9 : i32
        %scan3A_631 = arith.addi %scan3A_164, %scan3A_630 : i32
        %jit3A_632 = arith.constant 32 : i32
        %div3A_633 = arith.divsi %scan3A_631, %jit3A_632 : i32
        %sign3A_634 = arith.constant 0 : i32
        %sign3A_635 = arith.cmpi sgt, %scan3A_631, %sign3A_634 : i32
        %sign3A_636 = arith.extui %sign3A_635 : i1 to i32
        %sign3A_637 = arith.constant 0 : i32
        %sign3A_638 = arith.cmpi slt, %scan3A_631, %sign3A_637 : i32
        %sign3A_639 = arith.extui %sign3A_638 : i1 to i32
        %sign3A_640 = arith.subi %sign3A_636, %sign3A_639 : i32
        %sign3A_641 = arith.constant 0 : i32
        %sign3A_642 = arith.cmpi sgt, %jit3A_632, %sign3A_641 : i32
        %sign3A_643 = arith.extui %sign3A_642 : i1 to i32
        %sign3A_644 = arith.constant 0 : i32
        %sign3A_645 = arith.cmpi slt, %jit3A_632, %sign3A_644 : i32
        %sign3A_646 = arith.extui %sign3A_645 : i1 to i32
        %sign3A_647 = arith.subi %sign3A_643, %sign3A_646 : i32
        %ne3A_648 = arith.cmpi ne, %sign3A_640, %sign3A_647 : i32
        %rem3A_649 = arith.remsi %scan3A_631, %jit3A_632 : i32
        %ne3A_650 = arith.constant 0 : i32
        %ne3A_651 = arith.cmpi ne, %rem3A_649, %ne3A_650 : i32
        %and3A_652 = arith.andi %ne3A_648, %ne3A_651 : i1
        %sub3A_653 = arith.constant 1 : i32
        %sub3A_654 = arith.subi %div3A_633, %sub3A_653 : i32
        %select_n3A_655 = arith.select %and3A_652, %sub3A_654, %div3A_633 : i32
        %jit3A_656 = arith.constant 32 : i32
        %eq3A_657 = arith.constant 0 : i32
        %eq3A_658 = arith.cmpi eq, %jit3A_656, %eq3A_657 : i32
        %jit3A_659 = arith.constant 1 : i32
        %select_n3A_660 = arith.select %eq3A_658, %jit3A_659, %jit3A_656 : i32
        %rem3A_661 = arith.remsi %scan3A_631, %select_n3A_660 : i32
        %ne3A_662 = arith.constant 0 : i32
        %ne3A_663 = arith.cmpi ne, %rem3A_661, %ne3A_662 : i32
        %lt3A_664 = arith.constant 0 : i32
        %lt3A_665 = arith.cmpi slt, %rem3A_661, %lt3A_664 : i32
        %lt3A_666 = arith.constant 0 : i32
        %lt3A_667 = arith.cmpi slt, %select_n3A_660, %lt3A_666 : i32
        %ne3A_668 = arith.xori %lt3A_665, %lt3A_667 : i1
        %and3A_669 = arith.andi %ne3A_668, %ne3A_663 : i1
        %add3A_670 = arith.addi %rem3A_661, %select_n3A_660 : i32
        %select_n3A_671 = arith.select %and3A_669, %add3A_670, %rem3A_661 : i32
        %mul3A_672 = arith.constant 16 : i32
        %mul3A_673 = arith.muli %select_n3A_671, %mul3A_672 : i32
        %get3A_674 = arith.index_cast %select_n3A_655 : i32 to index
        %get3A_675 = arith.index_cast %mul3A_673 : i32 to index
        %get3A_676 = tpu.vector_load %arg15[%get3A_674, %get3A_675] {strides = array<i32>} : memref<16x512xf32, #tpu.memory_space<vmem>>, vector<16xf32>,
        %mul3A_677 = arith.constant 16 : i32
        %mul3A_678 = arith.muli %select_n3A_671, %mul3A_677 : i32
        %swap3A_679 = arith.index_cast %select_n3A_655 : i32 to index
        %swap3A_680 = arith.index_cast %mul3A_678 : i32 to index
        %swap3A_681 = tpu.vector_load %arg14[%swap3A_679, %swap3A_680] {strides = array<i32>} : memref<16x512xf32, #tpu.memory_space<vmem>>, vector<16xf32>,
        tpu.vector_store %arg14[%swap3A_679, %swap3A_680], %get3A_676 {add = true, strides = array<i32>} : memref<16x512xf32, #tpu.memory_space<vmem>>, vector<16xf32>,
        %scan3A_682 = arith.constant 10 : i32
        %scan3A_683 = arith.addi %scan3A_164, %scan3A_682 : i32
        %jit3A_684 = arith.constant 32 : i32
        %div3A_685 = arith.divsi %scan3A_683, %jit3A_684 : i32
        %sign3A_686 = arith.constant 0 : i32
        %sign3A_687 = arith.cmpi sgt, %scan3A_683, %sign3A_686 : i32
        %sign3A_688 = arith.extui %sign3A_687 : i1 to i32
        %sign3A_689 = arith.constant 0 : i32
        %sign3A_690 = arith.cmpi slt, %scan3A_683, %sign3A_689 : i32
        %sign3A_691 = arith.extui %sign3A_690 : i1 to i32
        %sign3A_692 = arith.subi %sign3A_688, %sign3A_691 : i32
        %sign3A_693 = arith.constant 0 : i32
        %sign3A_694 = arith.cmpi sgt, %jit3A_684, %sign3A_693 : i32
        %sign3A_695 = arith.extui %sign3A_694 : i1 to i32
        %sign3A_696 = arith.constant 0 : i32
        %sign3A_697 = arith.cmpi slt, %jit3A_684, %sign3A_696 : i32
        %sign3A_698 = arith.extui %sign3A_697 : i1 to i32
        %sign3A_699 = arith.subi %sign3A_695, %sign3A_698 : i32
        %ne3A_700 = arith.cmpi ne, %sign3A_692, %sign3A_699 : i32
        %rem3A_701 = arith.remsi %scan3A_683, %jit3A_684 : i32
        %ne3A_702 = arith.constant 0 : i32
        %ne3A_703 = arith.cmpi ne, %rem3A_701, %ne3A_702 : i32
        %and3A_704 = arith.andi %ne3A_700, %ne3A_703 : i1
        %sub3A_705 = arith.constant 1 : i32
        %sub3A_706 = arith.subi %div3A_685, %sub3A_705 : i32
        %select_n3A_707 = arith.select %and3A_704, %sub3A_706, %div3A_685 : i32
        %jit3A_708 = arith.constant 32 : i32
        %eq3A_709 = arith.constant 0 : i32
        %eq3A_710 = arith.cmpi eq, %jit3A_708, %eq3A_709 : i32
        %jit3A_711 = arith.constant 1 : i32
        %select_n3A_712 = arith.select %eq3A_710, %jit3A_711, %jit3A_708 : i32
        %rem3A_713 = arith.remsi %scan3A_683, %select_n3A_712 : i32
        %ne3A_714 = arith.constant 0 : i32
        %ne3A_715 = arith.cmpi ne, %rem3A_713, %ne3A_714 : i32
        %lt3A_716 = arith.constant 0 : i32
        %lt3A_717 = arith.cmpi slt, %rem3A_713, %lt3A_716 : i32
        %lt3A_718 = arith.constant 0 : i32
        %lt3A_719 = arith.cmpi slt, %select_n3A_712, %lt3A_718 : i32
        %ne3A_720 = arith.xori %lt3A_717, %lt3A_719 : i1
        %and3A_721 = arith.andi %ne3A_720, %ne3A_715 : i1
        %add3A_722 = arith.addi %rem3A_713, %select_n3A_712 : i32
        %select_n3A_723 = arith.select %and3A_721, %add3A_722, %rem3A_713 : i32
        %mul3A_724 = arith.constant 16 : i32
        %mul3A_725 = arith.muli %select_n3A_723, %mul3A_724 : i32
        %get3A_726 = arith.index_cast %select_n3A_707 : i32 to index
        %get3A_727 = arith.index_cast %mul3A_725 : i32 to index
        %get3A_728 = tpu.vector_load %arg15[%get3A_726, %get3A_727] {strides = array<i32>} : memref<16x512xf32, #tpu.memory_space<vmem>>, vector<16xf32>,
        %mul3A_729 = arith.constant 16 : i32
        %mul3A_730 = arith.muli %select_n3A_723, %mul3A_729 : i32
        %swap3A_731 = arith.index_cast %select_n3A_707 : i32 to index
        %swap3A_732 = arith.index_cast %mul3A_730 : i32 to index
        %swap3A_733 = tpu.vector_load %arg14[%swap3A_731, %swap3A_732] {strides = array<i32>} : memref<16x512xf32, #tpu.memory_space<vmem>>, vector<16xf32>,
        tpu.vector_store %arg14[%swap3A_731, %swap3A_732], %get3A_728 {add = true, strides = array<i32>} : memref<16x512xf32, #tpu.memory_space<vmem>>, vector<16xf32>,
        %scan3A_734 = arith.constant 11 : i32
        %scan3A_735 = arith.addi %scan3A_164, %scan3A_734 : i32
        %jit3A_736 = arith.constant 32 : i32
        %div3A_737 = arith.divsi %scan3A_735, %jit3A_736 : i32
        %sign3A_738 = arith.constant 0 : i32
        %sign3A_739 = arith.cmpi sgt, %scan3A_735, %sign3A_738 : i32
        %sign3A_740 = arith.extui %sign3A_739 : i1 to i32
        %sign3A_741 = arith.constant 0 : i32
        %sign3A_742 = arith.cmpi slt, %scan3A_735, %sign3A_741 : i32
        %sign3A_743 = arith.extui %sign3A_742 : i1 to i32
        %sign3A_744 = arith.subi %sign3A_740, %sign3A_743 : i32
        %sign3A_745 = arith.constant 0 : i32
        %sign3A_746 = arith.cmpi sgt, %jit3A_736, %sign3A_745 : i32
        %sign3A_747 = arith.extui %sign3A_746 : i1 to i32
        %sign3A_748 = arith.constant 0 : i32
        %sign3A_749 = arith.cmpi slt, %jit3A_736, %sign3A_748 : i32
        %sign3A_750 = arith.extui %sign3A_749 : i1 to i32
        %sign3A_751 = arith.subi %sign3A_747, %sign3A_750 : i32
        %ne3A_752 = arith.cmpi ne, %sign3A_744, %sign3A_751 : i32
        %rem3A_753 = arith.remsi %scan3A_735, %jit3A_736 : i32
        %ne3A_754 = arith.constant 0 : i32
        %ne3A_755 = arith.cmpi ne, %rem3A_753, %ne3A_754 : i32
        %and3A_756 = arith.andi %ne3A_752, %ne3A_755 : i1
        %sub3A_757 = arith.constant 1 : i32
        %sub3A_758 = arith.subi %div3A_737, %sub3A_757 : i32
        %select_n3A_759 = arith.select %and3A_756, %sub3A_758, %div3A_737 : i32
        %jit3A_760 = arith.constant 32 : i32
        %eq3A_761 = arith.constant 0 : i32
        %eq3A_762 = arith.cmpi eq, %jit3A_760, %eq3A_761 : i32
        %jit3A_763 = arith.constant 1 : i32
        %select_n3A_764 = arith.select %eq3A_762, %jit3A_763, %jit3A_760 : i32
        %rem3A_765 = arith.remsi %scan3A_735, %select_n3A_764 : i32
        %ne3A_766 = arith.constant 0 : i32
        %ne3A_767 = arith.cmpi ne, %rem3A_765, %ne3A_766 : i32
        %lt3A_768 = arith.constant 0 : i32
        %lt3A_769 = arith.cmpi slt, %rem3A_765, %lt3A_768 : i32
        %lt3A_770 = arith.constant 0 : i32
        %lt3A_771 = arith.cmpi slt, %select_n3A_764, %lt3A_770 : i32
        %ne3A_772 = arith.xori %lt3A_769, %lt3A_771 : i1
        %and3A_773 = arith.andi %ne3A_772, %ne3A_767 : i1
        %add3A_774 = arith.addi %rem3A_765, %select_n3A_764 : i32
        %select_n3A_775 = arith.select %and3A_773, %add3A_774, %rem3A_765 : i32
        %mul3A_776 = arith.constant 16 : i32
        %mul3A_777 = arith.muli %select_n3A_775, %mul3A_776 : i32
        %get3A_778 = arith.index_cast %select_n3A_759 : i32 to index
        %get3A_779 = arith.index_cast %mul3A_777 : i32 to index
        %get3A_780 = tpu.vector_load %arg15[%get3A_778, %get3A_779] {strides = array<i32>} : memref<16x512xf32, #tpu.memory_space<vmem>>, vector<16xf32>,
        %mul3A_781 = arith.constant 16 : i32
        %mul3A_782 = arith.muli %select_n3A_775, %mul3A_781 : i32
        %swap3A_783 = arith.index_cast %select_n3A_759 : i32 to index
        %swap3A_784 = arith.index_cast %mul3A_782 : i32 to index
        %swap3A_785 = tpu.vector_load %arg14[%swap3A_783, %swap3A_784] {strides = array<i32>} : memref<16x512xf32, #tpu.memory_space<vmem>>, vector<16xf32>,
        tpu.vector_store %arg14[%swap3A_783, %swap3A_784], %get3A_780 {add = true, strides = array<i32>} : memref<16x512xf32, #tpu.memory_space<vmem>>, vector<16xf32>,
        %scan3A_786 = arith.constant 12 : i32
        %scan3A_787 = arith.addi %scan3A_164, %scan3A_786 : i32
        %jit3A_788 = arith.constant 32 : i32
        %div3A_789 = arith.divsi %scan3A_787, %jit3A_788 : i32
        %sign3A_790 = arith.constant 0 : i32
        %sign3A_791 = arith.cmpi sgt, %scan3A_787, %sign3A_790 : i32
        %sign3A_792 = arith.extui %sign3A_791 : i1 to i32
        %sign3A_793 = arith.constant 0 : i32
        %sign3A_794 = arith.cmpi slt, %scan3A_787, %sign3A_793 : i32
        %sign3A_795 = arith.extui %sign3A_794 : i1 to i32
        %sign3A_796 = arith.subi %sign3A_792, %sign3A_795 : i32
        %sign3A_797 = arith.constant 0 : i32
        %sign3A_798 = arith.cmpi sgt, %jit3A_788, %sign3A_797 : i32
        %sign3A_799 = arith.extui %sign3A_798 : i1 to i32
        %sign3A_800 = arith.constant 0 : i32
        %sign3A_801 = arith.cmpi slt, %jit3A_788, %sign3A_800 : i32
        %sign3A_802 = arith.extui %sign3A_801 : i1 to i32
        %sign3A_803 = arith.subi %sign3A_799, %sign3A_802 : i32
        %ne3A_804 = arith.cmpi ne, %sign3A_796, %sign3A_803 : i32
        %rem3A_805 = arith.remsi %scan3A_787, %jit3A_788 : i32
        %ne3A_806 = arith.constant 0 : i32
        %ne3A_807 = arith.cmpi ne, %rem3A_805, %ne3A_806 : i32
        %and3A_808 = arith.andi %ne3A_804, %ne3A_807 : i1
        %sub3A_809 = arith.constant 1 : i32
        %sub3A_810 = arith.subi %div3A_789, %sub3A_809 : i32
        %select_n3A_811 = arith.select %and3A_808, %sub3A_810, %div3A_789 : i32
        %jit3A_812 = arith.constant 32 : i32
        %eq3A_813 = arith.constant 0 : i32
        %eq3A_814 = arith.cmpi eq, %jit3A_812, %eq3A_813 : i32
        %jit3A_815 = arith.constant 1 : i32
        %select_n3A_816 = arith.select %eq3A_814, %jit3A_815, %jit3A_812 : i32
        %rem3A_817 = arith.remsi %scan3A_787, %select_n3A_816 : i32
        %ne3A_818 = arith.constant 0 : i32
        %ne3A_819 = arith.cmpi ne, %rem3A_817, %ne3A_818 : i32
        %lt3A_820 = arith.constant 0 : i32
        %lt3A_821 = arith.cmpi slt, %rem3A_817, %lt3A_820 : i32
        %lt3A_822 = arith.constant 0 : i32
        %lt3A_823 = arith.cmpi slt, %select_n3A_816, %lt3A_822 : i32
        %ne3A_824 = arith.xori %lt3A_821, %lt3A_823 : i1
        %and3A_825 = arith.andi %ne3A_824, %ne3A_819 : i1
        %add3A_826 = arith.addi %rem3A_817, %select_n3A_816 : i32
        %select_n3A_827 = arith.select %and3A_825, %add3A_826, %rem3A_817 : i32
        %mul3A_828 = arith.constant 16 : i32
        %mul3A_829 = arith.muli %select_n3A_827, %mul3A_828 : i32
        %get3A_830 = arith.index_cast %select_n3A_811 : i32 to index
        %get3A_831 = arith.index_cast %mul3A_829 : i32 to index
        %get3A_832 = tpu.vector_load %arg15[%get3A_830, %get3A_831] {strides = array<i32>} : memref<16x512xf32, #tpu.memory_space<vmem>>, vector<16xf32>,
        %mul3A_833 = arith.constant 16 : i32
        %mul3A_834 = arith.muli %select_n3A_827, %mul3A_833 : i32
        %swap3A_835 = arith.index_cast %select_n3A_811 : i32 to index
        %swap3A_836 = arith.index_cast %mul3A_834 : i32 to index
        %swap3A_837 = tpu.vector_load %arg14[%swap3A_835, %swap3A_836] {strides = array<i32>} : memref<16x512xf32, #tpu.memory_space<vmem>>, vector<16xf32>,
        tpu.vector_store %arg14[%swap3A_835, %swap3A_836], %get3A_832 {add = true, strides = array<i32>} : memref<16x512xf32, #tpu.memory_space<vmem>>, vector<16xf32>,
        %scan3A_838 = arith.constant 13 : i32
        %scan3A_839 = arith.addi %scan3A_164, %scan3A_838 : i32
        %jit3A_840 = arith.constant 32 : i32
        %div3A_841 = arith.divsi %scan3A_839, %jit3A_840 : i32
        %sign3A_842 = arith.constant 0 : i32
        %sign3A_843 = arith.cmpi sgt, %scan3A_839, %sign3A_842 : i32
        %sign3A_844 = arith.extui %sign3A_843 : i1 to i32
        %sign3A_845 = arith.constant 0 : i32
        %sign3A_846 = arith.cmpi slt, %scan3A_839, %sign3A_845 : i32
        %sign3A_847 = arith.extui %sign3A_846 : i1 to i32
        %sign3A_848 = arith.subi %sign3A_844, %sign3A_847 : i32
        %sign3A_849 = arith.constant 0 : i32
        %sign3A_850 = arith.cmpi sgt, %jit3A_840, %sign3A_849 : i32
        %sign3A_851 = arith.extui %sign3A_850 : i1 to i32
        %sign3A_852 = arith.constant 0 : i32
        %sign3A_853 = arith.cmpi slt, %jit3A_840, %sign3A_852 : i32
        %sign3A_854 = arith.extui %sign3A_853 : i1 to i32
        %sign3A_855 = arith.subi %sign3A_851, %sign3A_854 : i32
        %ne3A_856 = arith.cmpi ne, %sign3A_848, %sign3A_855 : i32
        %rem3A_857 = arith.remsi %scan3A_839, %jit3A_840 : i32
        %ne3A_858 = arith.constant 0 : i32
        %ne3A_859 = arith.cmpi ne, %rem3A_857, %ne3A_858 : i32
        %and3A_860 = arith.andi %ne3A_856, %ne3A_859 : i1
        %sub3A_861 = arith.constant 1 : i32
        %sub3A_862 = arith.subi %div3A_841, %sub3A_861 : i32
        %select_n3A_863 = arith.select %and3A_860, %sub3A_862, %div3A_841 : i32
        %jit3A_864 = arith.constant 32 : i32
        %eq3A_865 = arith.constant 0 : i32
        %eq3A_866 = arith.cmpi eq, %jit3A_864, %eq3A_865 : i32
        %jit3A_867 = arith.constant 1 : i32
        %select_n3A_868 = arith.select %eq3A_866, %jit3A_867, %jit3A_864 : i32
        %rem3A_869 = arith.remsi %scan3A_839, %select_n3A_868 : i32
        %ne3A_870 = arith.constant 0 : i32
        %ne3A_871 = arith.cmpi ne, %rem3A_869, %ne3A_870 : i32
        %lt3A_872 = arith.constant 0 : i32
        %lt3A_873 = arith.cmpi slt, %rem3A_869, %lt3A_872 : i32
        %lt3A_874 = arith.constant 0 : i32
        %lt3A_875 = arith.cmpi slt, %select_n3A_868, %lt3A_874 : i32
        %ne3A_876 = arith.xori %lt3A_873, %lt3A_875 : i1
        %and3A_877 = arith.andi %ne3A_876, %ne3A_871 : i1
        %add3A_878 = arith.addi %rem3A_869, %select_n3A_868 : i32
        %select_n3A_879 = arith.select %and3A_877, %add3A_878, %rem3A_869 : i32
        %mul3A_880 = arith.constant 16 : i32
        %mul3A_881 = arith.muli %select_n3A_879, %mul3A_880 : i32
        %get3A_882 = arith.index_cast %select_n3A_863 : i32 to index
        %get3A_883 = arith.index_cast %mul3A_881 : i32 to index
        %get3A_884 = tpu.vector_load %arg15[%get3A_882, %get3A_883] {strides = array<i32>} : memref<16x512xf32, #tpu.memory_space<vmem>>, vector<16xf32>,
        %mul3A_885 = arith.constant 16 : i32
        %mul3A_886 = arith.muli %select_n3A_879, %mul3A_885 : i32
        %swap3A_887 = arith.index_cast %select_n3A_863 : i32 to index
        %swap3A_888 = arith.index_cast %mul3A_886 : i32 to index
        %swap3A_889 = tpu.vector_load %arg14[%swap3A_887, %swap3A_888] {strides = array<i32>} : memref<16x512xf32, #tpu.memory_space<vmem>>, vector<16xf32>,
        tpu.vector_store %arg14[%swap3A_887, %swap3A_888], %get3A_884 {add = true, strides = array<i32>} : memref<16x512xf32, #tpu.memory_space<vmem>>, vector<16xf32>,
        %scan3A_890 = arith.constant 14 : i32
        %scan3A_891 = arith.addi %scan3A_164, %scan3A_890 : i32
        %jit3A_892 = arith.constant 32 : i32
        %div3A_893 = arith.divsi %scan3A_891, %jit3A_892 : i32
        %sign3A_894 = arith.constant 0 : i32
        %sign3A_895 = arith.cmpi sgt, %scan3A_891, %sign3A_894 : i32
        %sign3A_896 = arith.extui %sign3A_895 : i1 to i32
        %sign3A_897 = arith.constant 0 : i32
        %sign3A_898 = arith.cmpi slt, %scan3A_891, %sign3A_897 : i32
        %sign3A_899 = arith.extui %sign3A_898 : i1 to i32
        %sign3A_900 = arith.subi %sign3A_896, %sign3A_899 : i32
        %sign3A_901 = arith.constant 0 : i32
        %sign3A_902 = arith.cmpi sgt, %jit3A_892, %sign3A_901 : i32
        %sign3A_903 = arith.extui %sign3A_902 : i1 to i32
        %sign3A_904 = arith.constant 0 : i32
        %sign3A_905 = arith.cmpi slt, %jit3A_892, %sign3A_904 : i32
        %sign3A_906 = arith.extui %sign3A_905 : i1 to i32
        %sign3A_907 = arith.subi %sign3A_903, %sign3A_906 : i32
        %ne3A_908 = arith.cmpi ne, %sign3A_900, %sign3A_907 : i32
        %rem3A_909 = arith.remsi %scan3A_891, %jit3A_892 : i32
        %ne3A_910 = arith.constant 0 : i32
        %ne3A_911 = arith.cmpi ne, %rem3A_909, %ne3A_910 : i32
        %and3A_912 = arith.andi %ne3A_908, %ne3A_911 : i1
        %sub3A_913 = arith.constant 1 : i32
        %sub3A_914 = arith.subi %div3A_893, %sub3A_913 : i32
        %select_n3A_915 = arith.select %and3A_912, %sub3A_914, %div3A_893 : i32
        %jit3A_916 = arith.constant 32 : i32
        %eq3A_917 = arith.constant 0 : i32
        %eq3A_918 = arith.cmpi eq, %jit3A_916, %eq3A_917 : i32
        %jit3A_919 = arith.constant 1 : i32
        %select_n3A_920 = arith.select %eq3A_918, %jit3A_919, %jit3A_916 : i32
        %rem3A_921 = arith.remsi %scan3A_891, %select_n3A_920 : i32
        %ne3A_922 = arith.constant 0 : i32
        %ne3A_923 = arith.cmpi ne, %rem3A_921, %ne3A_922 : i32
        %lt3A_924 = arith.constant 0 : i32
        %lt3A_925 = arith.cmpi slt, %rem3A_921, %lt3A_924 : i32
        %lt3A_926 = arith.constant 0 : i32
        %lt3A_927 = arith.cmpi slt, %select_n3A_920, %lt3A_926 : i32
        %ne3A_928 = arith.xori %lt3A_925, %lt3A_927 : i1
        %and3A_929 = arith.andi %ne3A_928, %ne3A_923 : i1
        %add3A_930 = arith.addi %rem3A_921, %select_n3A_920 : i32
        %select_n3A_931 = arith.select %and3A_929, %add3A_930, %rem3A_921 : i32
        %mul3A_932 = arith.constant 16 : i32
        %mul3A_933 = arith.muli %select_n3A_931, %mul3A_932 : i32
        %get3A_934 = arith.index_cast %select_n3A_915 : i32 to index
        %get3A_935 = arith.index_cast %mul3A_933 : i32 to index
        %get3A_936 = tpu.vector_load %arg15[%get3A_934, %get3A_935] {strides = array<i32>} : memref<16x512xf32, #tpu.memory_space<vmem>>, vector<16xf32>,
        %mul3A_937 = arith.constant 16 : i32
        %mul3A_938 = arith.muli %select_n3A_931, %mul3A_937 : i32
        %swap3A_939 = arith.index_cast %select_n3A_915 : i32 to index
        %swap3A_940 = arith.index_cast %mul3A_938 : i32 to index
        %swap3A_941 = tpu.vector_load %arg14[%swap3A_939, %swap3A_940] {strides = array<i32>} : memref<16x512xf32, #tpu.memory_space<vmem>>, vector<16xf32>,
        tpu.vector_store %arg14[%swap3A_939, %swap3A_940], %get3A_936 {add = true, strides = array<i32>} : memref<16x512xf32, #tpu.memory_space<vmem>>, vector<16xf32>,
        %scan3A_942 = arith.constant 15 : i32
        %scan3A_943 = arith.addi %scan3A_164, %scan3A_942 : i32
        %jit3A_944 = arith.constant 32 : i32
        %div3A_945 = arith.divsi %scan3A_943, %jit3A_944 : i32
        %sign3A_946 = arith.constant 0 : i32
        %sign3A_947 = arith.cmpi sgt, %scan3A_943, %sign3A_946 : i32
        %sign3A_948 = arith.extui %sign3A_947 : i1 to i32
        %sign3A_949 = arith.constant 0 : i32
        %sign3A_950 = arith.cmpi slt, %scan3A_943, %sign3A_949 : i32
        %sign3A_951 = arith.extui %sign3A_950 : i1 to i32
        %sign3A_952 = arith.subi %sign3A_948, %sign3A_951 : i32
        %sign3A_953 = arith.constant 0 : i32
        %sign3A_954 = arith.cmpi sgt, %jit3A_944, %sign3A_953 : i32
        %sign3A_955 = arith.extui %sign3A_954 : i1 to i32
        %sign3A_956 = arith.constant 0 : i32
        %sign3A_957 = arith.cmpi slt, %jit3A_944, %sign3A_956 : i32
        %sign3A_958 = arith.extui %sign3A_957 : i1 to i32
        %sign3A_959 = arith.subi %sign3A_955, %sign3A_958 : i32
        %ne3A_960 = arith.cmpi ne, %sign3A_952, %sign3A_959 : i32
        %rem3A_961 = arith.remsi %scan3A_943, %jit3A_944 : i32
        %ne3A_962 = arith.constant 0 : i32
        %ne3A_963 = arith.cmpi ne, %rem3A_961, %ne3A_962 : i32
        %and3A_964 = arith.andi %ne3A_960, %ne3A_963 : i1
        %sub3A_965 = arith.constant 1 : i32
        %sub3A_966 = arith.subi %div3A_945, %sub3A_965 : i32
        %select_n3A_967 = arith.select %and3A_964, %sub3A_966, %div3A_945 : i32
        %jit3A_968 = arith.constant 32 : i32
        %eq3A_969 = arith.constant 0 : i32
        %eq3A_970 = arith.cmpi eq, %jit3A_968, %eq3A_969 : i32
        %jit3A_971 = arith.constant 1 : i32
        %select_n3A_972 = arith.select %eq3A_970, %jit3A_971, %jit3A_968 : i32
        %rem3A_973 = arith.remsi %scan3A_943, %select_n3A_972 : i32
        %ne3A_974 = arith.constant 0 : i32
        %ne3A_975 = arith.cmpi ne, %rem3A_973, %ne3A_974 : i32
        %lt3A_976 = arith.constant 0 : i32
        %lt3A_977 = arith.cmpi slt, %rem3A_973, %lt3A_976 : i32
        %lt3A_978 = arith.constant 0 : i32
        %lt3A_979 = arith.cmpi slt, %select_n3A_972, %lt3A_978 : i32
        %ne3A_980 = arith.xori %lt3A_977, %lt3A_979 : i1
        %and3A_981 = arith.andi %ne3A_980, %ne3A_975 : i1
        %add3A_982 = arith.addi %rem3A_973, %select_n3A_972 : i32
        %select_n3A_983 = arith.select %and3A_981, %add3A_982, %rem3A_973 : i32
        %mul3A_984 = arith.constant 16 : i32
        %mul3A_985 = arith.muli %select_n3A_983, %mul3A_984 : i32
        %get3A_986 = arith.index_cast %select_n3A_967 : i32 to index
        %get3A_987 = arith.index_cast %mul3A_985 : i32 to index
        %get3A_988 = tpu.vector_load %arg15[%get3A_986, %get3A_987] {strides = array<i32>} : memref<16x512xf32, #tpu.memory_space<vmem>>, vector<16xf32>,
        %mul3A_989 = arith.constant 16 : i32
        %mul3A_990 = arith.muli %select_n3A_983, %mul3A_989 : i32
        %swap3A_991 = arith.index_cast %select_n3A_967 : i32 to index
        %swap3A_992 = arith.index_cast %mul3A_990 : i32 to index
        %swap3A_993 = tpu.vector_load %arg14[%swap3A_991, %swap3A_992] {strides = array<i32>} : memref<16x512xf32, #tpu.memory_space<vmem>>, vector<16xf32>,
        tpu.vector_store %arg14[%swap3A_991, %swap3A_992], %get3A_988 {add = true, strides = array<i32>} : memref<16x512xf32, #tpu.memory_space<vmem>>, vector<16xf32>,
      }
      %scan3A_157 = arith.constant 512 : i32
      %dma_start3A_158 = arith.constant 0 : i32
      %dma_start3A_159 = arith.constant 0 : i32
      %dma_start3A_160 = tpu.memref_slice %arg2[%dma_start3A_158, %dma_start3A_159] : memref<100000x512xf32, #tpu.memory_space<hbm>> -> memref<100000x512xf32, #tpu.memory_space<hbm>>
      tpu.enqueue_indirect_dma source(%arg14 : memref<16x512xf32, #tpu.memory_space<vmem>>) target(%dma_start3A_160 : memref<100000x512xf32, #tpu.memory_space<hbm>>) offsets(%arg16 : memref<16xi32, #tpu.memory_space<vmem>>) semaphore(%arg23 : memref<!tpu.dma_semaphore, #tpu.memory_space<semaphore_mem>>)
      %dma_wait3A_161 = arith.constant 0 : i32
      %dma_wait3A_162 = arith.constant 0 : i32
      %dma_wait3A_163 = tpu.memref_slice %arg2[%dma_wait3A_161, %dma_wait3A_162] : memref<100000x512xf32, #tpu.memory_space<hbm>> -> memref<100000x512xf32, #tpu.memory_space<hbm>>
      tpu.wait_indirect_dma semaphore(%arg23 : memref<!tpu.dma_semaphore, #tpu.memory_space<semaphore_mem>>) src(%arg14 : memref<16x512xf32, #tpu.memory_space<vmem>>) dst(%dma_wait3A_163 : memref<100000x512xf32, #tpu.memory_space<hbm>>)
    }
    %add3A_88 = arith.constant 15 : i32
    %add3A_89 = arith.addi %while3A_51#1, %add3A_88 : i32
    %jit3A_90 = arith.constant 16 : i32
    %div3A_91 = arith.divsi %add3A_89, %jit3A_90 : i32
    %sign3A_92 = arith.constant 0 : i32
    %sign3A_93 = arith.cmpi sgt, %add3A_89, %sign3A_92 : i32
    %sign3A_94 = arith.extui %sign3A_93 : i1 to i32
    %sign3A_95 = arith.constant 0 : i32
    %sign3A_96 = arith.cmpi slt, %add3A_89, %sign3A_95 : i32
    %sign3A_97 = arith.extui %sign3A_96 : i1 to i32
    %sign3A_98 = arith.subi %sign3A_94, %sign3A_97 : i32
    %sign3A_99 = arith.constant 0 : i32
    %sign3A_100 = arith.cmpi sgt, %jit3A_90, %sign3A_99 : i32
    %sign3A_101 = arith.extui %sign3A_100 : i1 to i32
    %sign3A_102 = arith.constant 0 : i32
    %sign3A_103 = arith.cmpi slt, %jit3A_90, %sign3A_102 : i32
    %sign3A_104 = arith.extui %sign3A_103 : i1 to i32
    %sign3A_105 = arith.subi %sign3A_101, %sign3A_104 : i32
    %ne3A_106 = arith.cmpi ne, %sign3A_98, %sign3A_105 : i32
    %rem3A_107 = arith.remsi %add3A_89, %jit3A_90 : i32
    %ne3A_108 = arith.constant 0 : i32
    %ne3A_109 = arith.cmpi ne, %rem3A_107, %ne3A_108 : i32
    %and3A_110 = arith.andi %ne3A_106, %ne3A_109 : i1
    %sub3A_111 = arith.constant 1 : i32
    %sub3A_112 = arith.subi %div3A_91, %sub3A_111 : i32
    %select_n3A_113 = arith.select %and3A_110, %sub3A_112, %div3A_91 : i32
    %while3A_114 = arith.constant 0 : i32
    %while3A_115 = arith.constant 0 : i32
    %while3A_116 = arith.subi %select_n3A_113, %while3A_115 : i32
    %while3A_117 = arith.addi %while3A_115, %while3A_116 : i32
    %while3A_118 = arith.constant 1 : i32
    %while3A_119 = arith.divsi %while3A_116, %while3A_118 : i32
    %while3A_120 = arith.muli %while3A_119, %while3A_118 : i32
    %while3A_121 = arith.addi %while3A_115, %while3A_120 : i32
    %while3A_122 = arith.constant 1 : i32
    scf.for %while3A_124 = %while3A_115 to %while3A_121 step %while3A_122  : i32 {
      %mul3A_125 = arith.constant 16 : i32
      %mul3A_126 = arith.muli %while3A_124, %mul3A_125 : i32
      %add3A_127 = vector.broadcast %mul3A_126 : i32 to vector<16xi32>
      %add3A_128 = arith.addi %add3A_127, %iota3A : vector<16xi32>
      %lt3A = vector.broadcast %while3A_51#1 : i32 to vector<16xi32>
      %lt3A_129 = arith.cmpi slt, %add3A_128, %lt3A : vector<16xi32>
      %get3A = arith.index_cast %mul3A_126 : i32 to index
      %get3A_130 = tpu.vector_load %arg11[%get3A] {strides = array<i32>} : memref<16384xi32, #tpu.memory_space<vmem>>, vector<16xi32>,
      %get3A_131 = arith.index_cast %mul3A_126 : i32 to index
      %get3A_132 = tpu.vector_load %arg12[%get3A_131] {strides = array<i32>} : memref<16384xi32, #tpu.memory_space<vmem>>, vector<16xi32>,
      %add3A_133 = arith.constant 100000 : i32
      %add3A_134 = vector.broadcast %add3A_133 : i32 to vector<16xi32>
      %add3A_135 = arith.addi %add3A_134, %iota3A : vector<16xi32>
      %select_n3A_136 = arith.select %lt3A_129, %get3A_130, %add3A_135 : vector<16xi1>, vector<16xi32>
      %broadcast_in_dim3A_137 = arith.constant true
      %broadcast_in_dim3A_138 = vector.broadcast %broadcast_in_dim3A_137 : i1 to vector<16xi1>
      %unique3A, %unique3A_139 = tpu.scan_count mask(%broadcast_in_dim3A_138 : vector<16xi1>) value(%select_n3A_136 : vector<16xi32>) : vector<16xi1>, vector<16xi32>
      %sub3A_140 = arith.constant 1 : i32
      %sub3A_141 = vector.broadcast %sub3A_140 : i32 to vector<16xi32>
      %sub3A_142 = arith.subi %unique3A_139, %sub3A_141 : vector<16xi32>
      %jit3A_143 = arith.constant 0 : i32
      %broadcast_in_dim3A_144 = vector.broadcast %jit3A_143 : i32 to vector<16xi32>
      %select_n3A_145 = arith.select %lt3A_129, %sub3A_142, %broadcast_in_dim3A_144 : vector<16xi1>, vector<16xi32>
      %reduce_max3A = arith.constant true
      %reduce_max3A_146 = vector.broadcast %reduce_max3A : i1 to vector<16xi1>
      %reduce_max3A_147 = arith.constant -2147483648 : i32
      %reduce_max3A_148 = vector.broadcast %reduce_max3A_147 : i32 to vector<16xi32>
      %reduce_max3A_149 = arith.xori %select_n3A_145, %reduce_max3A_148 : vector<16xi32>
      %reduce_max3A_150 = tpu.scan <max>, %reduce_max3A_149 masked %reduce_max3A_146 : vector<16xi32>, vector<16xi1> -> vector<16xi32>
      %reduce_max3A_151 = arith.xori %reduce_max3A_150, %reduce_max3A_148 : vector<16xi32>
      %reduce_max3A_152 = vector.extract %reduce_max3A_151[15] : i32 from vector<16xi32>
      %add3A_153 = arith.constant 1 : i32
      %add3A_154 = arith.addi %reduce_max3A_152, %add3A_153 : i32
      %while3A_155 = arith.constant 0 : i32
      %while3A_156 = arith.constant 0 : i32
      %while3A_157 = arith.subi %add3A_154, %while3A_156 : i32
      %while3A_158 = arith.addi %while3A_156, %while3A_157 : i32
      %while3A_159 = arith.constant 1 : i32
      %while3A_160 = arith.divsi %while3A_157, %while3A_159 : i32
      %while3A_161 = arith.muli %while3A_160, %while3A_159 : i32
      %while3A_162 = arith.addi %while3A_156, %while3A_161 : i32
      %while3A_163 = arith.constant 1 : i32
      scf.for %while3A_165 = %while3A_156 to %while3A_162 step %while3A_163  : i32 {
        %eq3A = vector.broadcast %while3A_165 : i32 to vector<16xi32>
        %eq3A_166 = arith.cmpi eq, %sub3A_142, %eq3A : vector<16xi32>
        %and3A_167 = arith.andi %lt3A_129, %eq3A_166 : vector<16xi1>
        %all_reduce_ffs3A = tpu.all_reduce %and3A_167 {dim = 0 : i64, kind = #tpu.reduction_kind<find_first_set>} : vector<16xi1> -> vector<16xi32>
        %add3A_168 = vector.broadcast %mul3A_126 : i32 to vector<16xi32>
        %add3A_169 = arith.addi %add3A_168, %all_reduce_ffs3A : vector<16xi32>
        %gather3A = tpu.vector_load_idx %arg11[%add3A_169] : memref<16384xi32, #tpu.memory_space<vmem>>[vector<16xi32>], vector<16xi32>,
        %select_n3A_170 = arith.select %and3A_167, %get3A_130, %gather3A : vector<16xi1>, vector<16xi32>
        %swap3A = arith.constant 0 : index
        %swap3A_171 = tpu.vector_load %arg20[%swap3A] {strides = array<i32>} : memref<16xi32, #tpu.memory_space<vmem>>, vector<16xi32>,
        tpu.vector_store %arg20[%swap3A], %select_n3A_170 {strides = array<i32>} : memref<16xi32, #tpu.memory_space<vmem>>, vector<16xi32>,
        %gather3A_172 = tpu.vector_load_idx %arg12[%add3A_169] : memref<16384xi32, #tpu.memory_space<vmem>>[vector<16xi32>], vector<16xi32>,
        %select_n3A_173 = arith.select %and3A_167, %get3A_132, %gather3A_172 : vector<16xi1>, vector<16xi32>
        %swap3A_174 = arith.constant 0 : index
        %swap3A_175 = tpu.vector_load %arg21[%swap3A_174] {strides = array<i32>} : memref<16xi32, #tpu.memory_space<vmem>>, vector<16xi32>,
        tpu.vector_store %arg21[%swap3A_174], %select_n3A_173 {strides = array<i32>} : memref<16xi32, #tpu.memory_space<vmem>>, vector<16xi32>,
        %dma_start3A = arith.constant 0 : i32
        %dma_start3A_176 = arith.constant 0 : i32
        %dma_start3A_177 = tpu.memref_slice %arg2[%dma_start3A, %dma_start3A_176] : memref<100000x512xf32, #tpu.memory_space<hbm>> -> memref<100000x512xf32, #tpu.memory_space<hbm>>
        tpu.enqueue_indirect_dma source(%dma_start3A_177 : memref<100000x512xf32, #tpu.memory_space<hbm>>) target(%arg18 : memref<16x512xf32, #tpu.memory_space<vmem>>) offsets(%arg20 : memref<16xi32, #tpu.memory_space<vmem>>) semaphore(%arg22 : memref<!tpu.dma_semaphore, #tpu.memory_space<semaphore_mem>>)
        %dma_start3A_178 = arith.constant 0 : i32
        %dma_start3A_179 = arith.constant 0 : i32
        %dma_start3A_180 = tpu.memref_slice %arg5[%dma_start3A_178, %dma_start3A_179] : memref<16384x512xf32, #tpu.memory_space<hbm>> -> memref<16384x512xf32, #tpu.memory_space<hbm>>
        tpu.enqueue_indirect_dma source(%dma_start3A_180 : memref<16384x512xf32, #tpu.memory_space<hbm>>) target(%arg19 : memref<16x512xf32, #tpu.memory_space<vmem>>) offsets(%arg21 : memref<16xi32, #tpu.memory_space<vmem>>) semaphore(%arg22 : memref<!tpu.dma_semaphore, #tpu.memory_space<semaphore_mem>>)
        %dma_wait3A = arith.constant 0 : i32
        %dma_wait3A_181 = arith.constant 0 : i32
        %dma_wait3A_182 = tpu.memref_slice %arg5[%dma_wait3A, %dma_wait3A_181] : memref<16384x512xf32, #tpu.memory_space<hbm>> -> memref<16384x512xf32, #tpu.memory_space<hbm>>
        tpu.wait_indirect_dma semaphore(%arg22 : memref<!tpu.dma_semaphore, #tpu.memory_space<semaphore_mem>>) src(%dma_wait3A_182 : memref<16384x512xf32, #tpu.memory_space<hbm>>) dst(%arg19 : memref<16x512xf32, #tpu.memory_space<vmem>>)
        %dma_wait3A_183 = arith.constant 0 : i32
        %dma_wait3A_184 = arith.constant 0 : i32
        %dma_wait3A_185 = tpu.memref_slice %arg2[%dma_wait3A_183, %dma_wait3A_184] : memref<100000x512xf32, #tpu.memory_space<hbm>> -> memref<100000x512xf32, #tpu.memory_space<hbm>>
        tpu.wait_indirect_dma semaphore(%arg22 : memref<!tpu.dma_semaphore, #tpu.memory_space<semaphore_mem>>) src(%dma_wait3A_185 : memref<100000x512xf32, #tpu.memory_space<hbm>>) dst(%arg18 : memref<16x512xf32, #tpu.memory_space<vmem>>)
        %scan3A_186 = arith.constant 0 : i32
        %scan3A_187 = arith.constant 0 : i32
        %scan3A_188 = arith.constant 512 : i32
        %scan3A_189 = arith.addi %scan3A_187, %scan3A_188 : i32
        %scan3A_190 = arith.constant 16 : i32
        scf.for %scan3A_198 = %scan3A_187 to %scan3A_189 step %scan3A_190  : i32 {
          %jit3A_199 = arith.constant 32 : i32
          %div3A_200 = arith.divsi %scan3A_198, %jit3A_199 : i32
          %sign3A_201 = arith.constant 0 : i32
          %sign3A_202 = arith.cmpi sgt, %scan3A_198, %sign3A_201 : i32
          %sign3A_203 = arith.extui %sign3A_202 : i1 to i32
          %sign3A_204 = arith.constant 0 : i32
          %sign3A_205 = arith.cmpi slt, %scan3A_198, %sign3A_204 : i32
          %sign3A_206 = arith.extui %sign3A_205 : i1 to i32
          %sign3A_207 = arith.subi %sign3A_203, %sign3A_206 : i32
          %sign3A_208 = arith.constant 0 : i32
          %sign3A_209 = arith.cmpi sgt, %jit3A_199, %sign3A_208 : i32
          %sign3A_210 = arith.extui %sign3A_209 : i1 to i32
          %sign3A_211 = arith.constant 0 : i32
          %sign3A_212 = arith.cmpi slt, %jit3A_199, %sign3A_211 : i32
          %sign3A_213 = arith.extui %sign3A_212 : i1 to i32
          %sign3A_214 = arith.subi %sign3A_210, %sign3A_213 : i32
          %ne3A_215 = arith.cmpi ne, %sign3A_207, %sign3A_214 : i32
          %rem3A_216 = arith.remsi %scan3A_198, %jit3A_199 : i32
          %ne3A_217 = arith.constant 0 : i32
          %ne3A_218 = arith.cmpi ne, %rem3A_216, %ne3A_217 : i32
          %and3A_219 = arith.andi %ne3A_215, %ne3A_218 : i1
          %sub3A_220 = arith.constant 1 : i32
          %sub3A_221 = arith.subi %div3A_200, %sub3A_220 : i32
          %select_n3A_222 = arith.select %and3A_219, %sub3A_221, %div3A_200 : i32
          %jit3A_223 = arith.constant 32 : i32
          %eq3A_224 = arith.constant 0 : i32
          %eq3A_225 = arith.cmpi eq, %jit3A_223, %eq3A_224 : i32
          %jit3A_226 = arith.constant 1 : i32
          %select_n3A_227 = arith.select %eq3A_225, %jit3A_226, %jit3A_223 : i32
          %rem3A_228 = arith.remsi %scan3A_198, %select_n3A_227 : i32
          %ne3A_229 = arith.constant 0 : i32
          %ne3A_230 = arith.cmpi ne, %rem3A_228, %ne3A_229 : i32
          %lt3A_231 = arith.constant 0 : i32
          %lt3A_232 = arith.cmpi slt, %rem3A_228, %lt3A_231 : i32
          %lt3A_233 = arith.constant 0 : i32
          %lt3A_234 = arith.cmpi slt, %select_n3A_227, %lt3A_233 : i32
          %ne3A_235 = arith.xori %lt3A_232, %lt3A_234 : i1
          %and3A_236 = arith.andi %ne3A_235, %ne3A_230 : i1
          %add3A_237 = arith.addi %rem3A_228, %select_n3A_227 : i32
          %select_n3A_238 = arith.select %and3A_236, %add3A_237, %rem3A_228 : i32
          %mul3A_239 = arith.constant 16 : i32
          %mul3A_240 = arith.muli %select_n3A_238, %mul3A_239 : i32
          %get3A_241 = arith.index_cast %select_n3A_222 : i32 to index
          %get3A_242 = arith.index_cast %mul3A_240 : i32 to index
          %get3A_243 = tpu.vector_load %arg19[%get3A_241, %get3A_242] {strides = array<i32>} : memref<16x512xf32, #tpu.memory_space<vmem>>, vector<16xf32>,
          %mul3A_244 = arith.constant 16 : i32
          %mul3A_245 = arith.muli %select_n3A_238, %mul3A_244 : i32
          %swap3A_246 = arith.index_cast %select_n3A_222 : i32 to index
          %swap3A_247 = arith.index_cast %mul3A_245 : i32 to index
          %swap3A_248 = tpu.vector_load %arg18[%swap3A_246, %swap3A_247] {strides = array<i32>} : memref<16x512xf32, #tpu.memory_space<vmem>>, vector<16xf32>,
          tpu.vector_store %arg18[%swap3A_246, %swap3A_247], %get3A_243 {add = true, strides = array<i32>} : memref<16x512xf32, #tpu.memory_space<vmem>>, vector<16xf32>,
          %scan3A_249 = arith.constant 1 : i32
          %scan3A_250 = arith.addi %scan3A_198, %scan3A_249 : i32
          %jit3A_251 = arith.constant 32 : i32
          %div3A_252 = arith.divsi %scan3A_250, %jit3A_251 : i32
          %sign3A_253 = arith.constant 0 : i32
          %sign3A_254 = arith.cmpi sgt, %scan3A_250, %sign3A_253 : i32
          %sign3A_255 = arith.extui %sign3A_254 : i1 to i32
          %sign3A_256 = arith.constant 0 : i32
          %sign3A_257 = arith.cmpi slt, %scan3A_250, %sign3A_256 : i32
          %sign3A_258 = arith.extui %sign3A_257 : i1 to i32
          %sign3A_259 = arith.subi %sign3A_255, %sign3A_258 : i32
          %sign3A_260 = arith.constant 0 : i32
          %sign3A_261 = arith.cmpi sgt, %jit3A_251, %sign3A_260 : i32
          %sign3A_262 = arith.extui %sign3A_261 : i1 to i32
          %sign3A_263 = arith.constant 0 : i32
          %sign3A_264 = arith.cmpi slt, %jit3A_251, %sign3A_263 : i32
          %sign3A_265 = arith.extui %sign3A_264 : i1 to i32
          %sign3A_266 = arith.subi %sign3A_262, %sign3A_265 : i32
          %ne3A_267 = arith.cmpi ne, %sign3A_259, %sign3A_266 : i32
          %rem3A_268 = arith.remsi %scan3A_250, %jit3A_251 : i32
          %ne3A_269 = arith.constant 0 : i32
          %ne3A_270 = arith.cmpi ne, %rem3A_268, %ne3A_269 : i32
          %and3A_271 = arith.andi %ne3A_267, %ne3A_270 : i1
          %sub3A_272 = arith.constant 1 : i32
          %sub3A_273 = arith.subi %div3A_252, %sub3A_272 : i32
          %select_n3A_274 = arith.select %and3A_271, %sub3A_273, %div3A_252 : i32
          %jit3A_275 = arith.constant 32 : i32
          %eq3A_276 = arith.constant 0 : i32
          %eq3A_277 = arith.cmpi eq, %jit3A_275, %eq3A_276 : i32
          %jit3A_278 = arith.constant 1 : i32
          %select_n3A_279 = arith.select %eq3A_277, %jit3A_278, %jit3A_275 : i32
          %rem3A_280 = arith.remsi %scan3A_250, %select_n3A_279 : i32
          %ne3A_281 = arith.constant 0 : i32
          %ne3A_282 = arith.cmpi ne, %rem3A_280, %ne3A_281 : i32
          %lt3A_283 = arith.constant 0 : i32
          %lt3A_284 = arith.cmpi slt, %rem3A_280, %lt3A_283 : i32
          %lt3A_285 = arith.constant 0 : i32
          %lt3A_286 = arith.cmpi slt, %select_n3A_279, %lt3A_285 : i32
          %ne3A_287 = arith.xori %lt3A_284, %lt3A_286 : i1
          %and3A_288 = arith.andi %ne3A_287, %ne3A_282 : i1
          %add3A_289 = arith.addi %rem3A_280, %select_n3A_279 : i32
          %select_n3A_290 = arith.select %and3A_288, %add3A_289, %rem3A_280 : i32
          %mul3A_291 = arith.constant 16 : i32
          %mul3A_292 = arith.muli %select_n3A_290, %mul3A_291 : i32
          %get3A_293 = arith.index_cast %select_n3A_274 : i32 to index
          %get3A_294 = arith.index_cast %mul3A_292 : i32 to index
          %get3A_295 = tpu.vector_load %arg19[%get3A_293, %get3A_294] {strides = array<i32>} : memref<16x512xf32, #tpu.memory_space<vmem>>, vector<16xf32>,
          %mul3A_296 = arith.constant 16 : i32
          %mul3A_297 = arith.muli %select_n3A_290, %mul3A_296 : i32
          %swap3A_298 = arith.index_cast %select_n3A_274 : i32 to index
          %swap3A_299 = arith.index_cast %mul3A_297 : i32 to index
          %swap3A_300 = tpu.vector_load %arg18[%swap3A_298, %swap3A_299] {strides = array<i32>} : memref<16x512xf32, #tpu.memory_space<vmem>>, vector<16xf32>,
          tpu.vector_store %arg18[%swap3A_298, %swap3A_299], %get3A_295 {add = true, strides = array<i32>} : memref<16x512xf32, #tpu.memory_space<vmem>>, vector<16xf32>,
          %scan3A_301 = arith.constant 2 : i32
          %scan3A_302 = arith.addi %scan3A_198, %scan3A_301 : i32
          %jit3A_303 = arith.constant 32 : i32
          %div3A_304 = arith.divsi %scan3A_302, %jit3A_303 : i32
          %sign3A_305 = arith.constant 0 : i32
          %sign3A_306 = arith.cmpi sgt, %scan3A_302, %sign3A_305 : i32
          %sign3A_307 = arith.extui %sign3A_306 : i1 to i32
          %sign3A_308 = arith.constant 0 : i32
          %sign3A_309 = arith.cmpi slt, %scan3A_302, %sign3A_308 : i32
          %sign3A_310 = arith.extui %sign3A_309 : i1 to i32
          %sign3A_311 = arith.subi %sign3A_307, %sign3A_310 : i32
          %sign3A_312 = arith.constant 0 : i32
          %sign3A_313 = arith.cmpi sgt, %jit3A_303, %sign3A_312 : i32
          %sign3A_314 = arith.extui %sign3A_313 : i1 to i32
          %sign3A_315 = arith.constant 0 : i32
          %sign3A_316 = arith.cmpi slt, %jit3A_303, %sign3A_315 : i32
          %sign3A_317 = arith.extui %sign3A_316 : i1 to i32
          %sign3A_318 = arith.subi %sign3A_314, %sign3A_317 : i32
          %ne3A_319 = arith.cmpi ne, %sign3A_311, %sign3A_318 : i32
          %rem3A_320 = arith.remsi %scan3A_302, %jit3A_303 : i32
          %ne3A_321 = arith.constant 0 : i32
          %ne3A_322 = arith.cmpi ne, %rem3A_320, %ne3A_321 : i32
          %and3A_323 = arith.andi %ne3A_319, %ne3A_322 : i1
          %sub3A_324 = arith.constant 1 : i32
          %sub3A_325 = arith.subi %div3A_304, %sub3A_324 : i32
          %select_n3A_326 = arith.select %and3A_323, %sub3A_325, %div3A_304 : i32
          %jit3A_327 = arith.constant 32 : i32
          %eq3A_328 = arith.constant 0 : i32
          %eq3A_329 = arith.cmpi eq, %jit3A_327, %eq3A_328 : i32
          %jit3A_330 = arith.constant 1 : i32
          %select_n3A_331 = arith.select %eq3A_329, %jit3A_330, %jit3A_327 : i32
          %rem3A_332 = arith.remsi %scan3A_302, %select_n3A_331 : i32
          %ne3A_333 = arith.constant 0 : i32
          %ne3A_334 = arith.cmpi ne, %rem3A_332, %ne3A_333 : i32
          %lt3A_335 = arith.constant 0 : i32
          %lt3A_336 = arith.cmpi slt, %rem3A_332, %lt3A_335 : i32
          %lt3A_337 = arith.constant 0 : i32
          %lt3A_338 = arith.cmpi slt, %select_n3A_331, %lt3A_337 : i32
          %ne3A_339 = arith.xori %lt3A_336, %lt3A_338 : i1
          %and3A_340 = arith.andi %ne3A_339, %ne3A_334 : i1
          %add3A_341 = arith.addi %rem3A_332, %select_n3A_331 : i32
          %select_n3A_342 = arith.select %and3A_340, %add3A_341, %rem3A_332 : i32
          %mul3A_343 = arith.constant 16 : i32
          %mul3A_344 = arith.muli %select_n3A_342, %mul3A_343 : i32
          %get3A_345 = arith.index_cast %select_n3A_326 : i32 to index
          %get3A_346 = arith.index_cast %mul3A_344 : i32 to index
          %get3A_347 = tpu.vector_load %arg19[%get3A_345, %get3A_346] {strides = array<i32>} : memref<16x512xf32, #tpu.memory_space<vmem>>, vector<16xf32>,
          %mul3A_348 = arith.constant 16 : i32
          %mul3A_349 = arith.muli %select_n3A_342, %mul3A_348 : i32
          %swap3A_350 = arith.index_cast %select_n3A_326 : i32 to index
          %swap3A_351 = arith.index_cast %mul3A_349 : i32 to index
          %swap3A_352 = tpu.vector_load %arg18[%swap3A_350, %swap3A_351] {strides = array<i32>} : memref<16x512xf32, #tpu.memory_space<vmem>>, vector<16xf32>,
          tpu.vector_store %arg18[%swap3A_350, %swap3A_351], %get3A_347 {add = true, strides = array<i32>} : memref<16x512xf32, #tpu.memory_space<vmem>>, vector<16xf32>,
          %scan3A_353 = arith.constant 3 : i32
          %scan3A_354 = arith.addi %scan3A_198, %scan3A_353 : i32
          %jit3A_355 = arith.constant 32 : i32
          %div3A_356 = arith.divsi %scan3A_354, %jit3A_355 : i32
          %sign3A_357 = arith.constant 0 : i32
          %sign3A_358 = arith.cmpi sgt, %scan3A_354, %sign3A_357 : i32
          %sign3A_359 = arith.extui %sign3A_358 : i1 to i32
          %sign3A_360 = arith.constant 0 : i32
          %sign3A_361 = arith.cmpi slt, %scan3A_354, %sign3A_360 : i32
          %sign3A_362 = arith.extui %sign3A_361 : i1 to i32
          %sign3A_363 = arith.subi %sign3A_359, %sign3A_362 : i32
          %sign3A_364 = arith.constant 0 : i32
          %sign3A_365 = arith.cmpi sgt, %jit3A_355, %sign3A_364 : i32
          %sign3A_366 = arith.extui %sign3A_365 : i1 to i32
          %sign3A_367 = arith.constant 0 : i32
          %sign3A_368 = arith.cmpi slt, %jit3A_355, %sign3A_367 : i32
          %sign3A_369 = arith.extui %sign3A_368 : i1 to i32
          %sign3A_370 = arith.subi %sign3A_366, %sign3A_369 : i32
          %ne3A_371 = arith.cmpi ne, %sign3A_363, %sign3A_370 : i32
          %rem3A_372 = arith.remsi %scan3A_354, %jit3A_355 : i32
          %ne3A_373 = arith.constant 0 : i32
          %ne3A_374 = arith.cmpi ne, %rem3A_372, %ne3A_373 : i32
          %and3A_375 = arith.andi %ne3A_371, %ne3A_374 : i1
          %sub3A_376 = arith.constant 1 : i32
          %sub3A_377 = arith.subi %div3A_356, %sub3A_376 : i32
          %select_n3A_378 = arith.select %and3A_375, %sub3A_377, %div3A_356 : i32
          %jit3A_379 = arith.constant 32 : i32
          %eq3A_380 = arith.constant 0 : i32
          %eq3A_381 = arith.cmpi eq, %jit3A_379, %eq3A_380 : i32
          %jit3A_382 = arith.constant 1 : i32
          %select_n3A_383 = arith.select %eq3A_381, %jit3A_382, %jit3A_379 : i32
          %rem3A_384 = arith.remsi %scan3A_354, %select_n3A_383 : i32
          %ne3A_385 = arith.constant 0 : i32
          %ne3A_386 = arith.cmpi ne, %rem3A_384, %ne3A_385 : i32
          %lt3A_387 = arith.constant 0 : i32
          %lt3A_388 = arith.cmpi slt, %rem3A_384, %lt3A_387 : i32
          %lt3A_389 = arith.constant 0 : i32
          %lt3A_390 = arith.cmpi slt, %select_n3A_383, %lt3A_389 : i32
          %ne3A_391 = arith.xori %lt3A_388, %lt3A_390 : i1
          %and3A_392 = arith.andi %ne3A_391, %ne3A_386 : i1
          %add3A_393 = arith.addi %rem3A_384, %select_n3A_383 : i32
          %select_n3A_394 = arith.select %and3A_392, %add3A_393, %rem3A_384 : i32
          %mul3A_395 = arith.constant 16 : i32
          %mul3A_396 = arith.muli %select_n3A_394, %mul3A_395 : i32
          %get3A_397 = arith.index_cast %select_n3A_378 : i32 to index
          %get3A_398 = arith.index_cast %mul3A_396 : i32 to index
          %get3A_399 = tpu.vector_load %arg19[%get3A_397, %get3A_398] {strides = array<i32>} : memref<16x512xf32, #tpu.memory_space<vmem>>, vector<16xf32>,
          %mul3A_400 = arith.constant 16 : i32
          %mul3A_401 = arith.muli %select_n3A_394, %mul3A_400 : i32
          %swap3A_402 = arith.index_cast %select_n3A_378 : i32 to index
          %swap3A_403 = arith.index_cast %mul3A_401 : i32 to index
          %swap3A_404 = tpu.vector_load %arg18[%swap3A_402, %swap3A_403] {strides = array<i32>} : memref<16x512xf32, #tpu.memory_space<vmem>>, vector<16xf32>,
          tpu.vector_store %arg18[%swap3A_402, %swap3A_403], %get3A_399 {add = true, strides = array<i32>} : memref<16x512xf32, #tpu.memory_space<vmem>>, vector<16xf32>,
          %scan3A_405 = arith.constant 4 : i32
          %scan3A_406 = arith.addi %scan3A_198, %scan3A_405 : i32
          %jit3A_407 = arith.constant 32 : i32
          %div3A_408 = arith.divsi %scan3A_406, %jit3A_407 : i32
          %sign3A_409 = arith.constant 0 : i32
          %sign3A_410 = arith.cmpi sgt, %scan3A_406, %sign3A_409 : i32
          %sign3A_411 = arith.extui %sign3A_410 : i1 to i32
          %sign3A_412 = arith.constant 0 : i32
          %sign3A_413 = arith.cmpi slt, %scan3A_406, %sign3A_412 : i32
          %sign3A_414 = arith.extui %sign3A_413 : i1 to i32
          %sign3A_415 = arith.subi %sign3A_411, %sign3A_414 : i32
          %sign3A_416 = arith.constant 0 : i32
          %sign3A_417 = arith.cmpi sgt, %jit3A_407, %sign3A_416 : i32
          %sign3A_418 = arith.extui %sign3A_417 : i1 to i32
          %sign3A_419 = arith.constant 0 : i32
          %sign3A_420 = arith.cmpi slt, %jit3A_407, %sign3A_419 : i32
          %sign3A_421 = arith.extui %sign3A_420 : i1 to i32
          %sign3A_422 = arith.subi %sign3A_418, %sign3A_421 : i32
          %ne3A_423 = arith.cmpi ne, %sign3A_415, %sign3A_422 : i32
          %rem3A_424 = arith.remsi %scan3A_406, %jit3A_407 : i32
          %ne3A_425 = arith.constant 0 : i32
          %ne3A_426 = arith.cmpi ne, %rem3A_424, %ne3A_425 : i32
          %and3A_427 = arith.andi %ne3A_423, %ne3A_426 : i1
          %sub3A_428 = arith.constant 1 : i32
          %sub3A_429 = arith.subi %div3A_408, %sub3A_428 : i32
          %select_n3A_430 = arith.select %and3A_427, %sub3A_429, %div3A_408 : i32
          %jit3A_431 = arith.constant 32 : i32
          %eq3A_432 = arith.constant 0 : i32
          %eq3A_433 = arith.cmpi eq, %jit3A_431, %eq3A_432 : i32
          %jit3A_434 = arith.constant 1 : i32
          %select_n3A_435 = arith.select %eq3A_433, %jit3A_434, %jit3A_431 : i32
          %rem3A_436 = arith.remsi %scan3A_406, %select_n3A_435 : i32
          %ne3A_437 = arith.constant 0 : i32
          %ne3A_438 = arith.cmpi ne, %rem3A_436, %ne3A_437 : i32
          %lt3A_439 = arith.constant 0 : i32
          %lt3A_440 = arith.cmpi slt, %rem3A_436, %lt3A_439 : i32
          %lt3A_441 = arith.constant 0 : i32
          %lt3A_442 = arith.cmpi slt, %select_n3A_435, %lt3A_441 : i32
          %ne3A_443 = arith.xori %lt3A_440, %lt3A_442 : i1
          %and3A_444 = arith.andi %ne3A_443, %ne3A_438 : i1
          %add3A_445 = arith.addi %rem3A_436, %select_n3A_435 : i32
          %select_n3A_446 = arith.select %and3A_444, %add3A_445, %rem3A_436 : i32
          %mul3A_447 = arith.constant 16 : i32
          %mul3A_448 = arith.muli %select_n3A_446, %mul3A_447 : i32
          %get3A_449 = arith.index_cast %select_n3A_430 : i32 to index
          %get3A_450 = arith.index_cast %mul3A_448 : i32 to index
          %get3A_451 = tpu.vector_load %arg19[%get3A_449, %get3A_450] {strides = array<i32>} : memref<16x512xf32, #tpu.memory_space<vmem>>, vector<16xf32>,
          %mul3A_452 = arith.constant 16 : i32
          %mul3A_453 = arith.muli %select_n3A_446, %mul3A_452 : i32
          %swap3A_454 = arith.index_cast %select_n3A_430 : i32 to index
          %swap3A_455 = arith.index_cast %mul3A_453 : i32 to index
          %swap3A_456 = tpu.vector_load %arg18[%swap3A_454, %swap3A_455] {strides = array<i32>} : memref<16x512xf32, #tpu.memory_space<vmem>>, vector<16xf32>,
          tpu.vector_store %arg18[%swap3A_454, %swap3A_455], %get3A_451 {add = true, strides = array<i32>} : memref<16x512xf32, #tpu.memory_space<vmem>>, vector<16xf32>,
          %scan3A_457 = arith.constant 5 : i32
          %scan3A_458 = arith.addi %scan3A_198, %scan3A_457 : i32
          %jit3A_459 = arith.constant 32 : i32
          %div3A_460 = arith.divsi %scan3A_458, %jit3A_459 : i32
          %sign3A_461 = arith.constant 0 : i32
          %sign3A_462 = arith.cmpi sgt, %scan3A_458, %sign3A_461 : i32
          %sign3A_463 = arith.extui %sign3A_462 : i1 to i32
          %sign3A_464 = arith.constant 0 : i32
          %sign3A_465 = arith.cmpi slt, %scan3A_458, %sign3A_464 : i32
          %sign3A_466 = arith.extui %sign3A_465 : i1 to i32
          %sign3A_467 = arith.subi %sign3A_463, %sign3A_466 : i32
          %sign3A_468 = arith.constant 0 : i32
          %sign3A_469 = arith.cmpi sgt, %jit3A_459, %sign3A_468 : i32
          %sign3A_470 = arith.extui %sign3A_469 : i1 to i32
          %sign3A_471 = arith.constant 0 : i32
          %sign3A_472 = arith.cmpi slt, %jit3A_459, %sign3A_471 : i32
          %sign3A_473 = arith.extui %sign3A_472 : i1 to i32
          %sign3A_474 = arith.subi %sign3A_470, %sign3A_473 : i32
          %ne3A_475 = arith.cmpi ne, %sign3A_467, %sign3A_474 : i32
          %rem3A_476 = arith.remsi %scan3A_458, %jit3A_459 : i32
          %ne3A_477 = arith.constant 0 : i32
          %ne3A_478 = arith.cmpi ne, %rem3A_476, %ne3A_477 : i32
          %and3A_479 = arith.andi %ne3A_475, %ne3A_478 : i1
          %sub3A_480 = arith.constant 1 : i32
          %sub3A_481 = arith.subi %div3A_460, %sub3A_480 : i32
          %select_n3A_482 = arith.select %and3A_479, %sub3A_481, %div3A_460 : i32
          %jit3A_483 = arith.constant 32 : i32
          %eq3A_484 = arith.constant 0 : i32
          %eq3A_485 = arith.cmpi eq, %jit3A_483, %eq3A_484 : i32
          %jit3A_486 = arith.constant 1 : i32
          %select_n3A_487 = arith.select %eq3A_485, %jit3A_486, %jit3A_483 : i32
          %rem3A_488 = arith.remsi %scan3A_458, %select_n3A_487 : i32
          %ne3A_489 = arith.constant 0 : i32
          %ne3A_490 = arith.cmpi ne, %rem3A_488, %ne3A_489 : i32
          %lt3A_491 = arith.constant 0 : i32
          %lt3A_492 = arith.cmpi slt, %rem3A_488, %lt3A_491 : i32
          %lt3A_493 = arith.constant 0 : i32
          %lt3A_494 = arith.cmpi slt, %select_n3A_487, %lt3A_493 : i32
          %ne3A_495 = arith.xori %lt3A_492, %lt3A_494 : i1
          %and3A_496 = arith.andi %ne3A_495, %ne3A_490 : i1
          %add3A_497 = arith.addi %rem3A_488, %select_n3A_487 : i32
          %select_n3A_498 = arith.select %and3A_496, %add3A_497, %rem3A_488 : i32
          %mul3A_499 = arith.constant 16 : i32
          %mul3A_500 = arith.muli %select_n3A_498, %mul3A_499 : i32
          %get3A_501 = arith.index_cast %select_n3A_482 : i32 to index
          %get3A_502 = arith.index_cast %mul3A_500 : i32 to index
          %get3A_503 = tpu.vector_load %arg19[%get3A_501, %get3A_502] {strides = array<i32>} : memref<16x512xf32, #tpu.memory_space<vmem>>, vector<16xf32>,
          %mul3A_504 = arith.constant 16 : i32
          %mul3A_505 = arith.muli %select_n3A_498, %mul3A_504 : i32
          %swap3A_506 = arith.index_cast %select_n3A_482 : i32 to index
          %swap3A_507 = arith.index_cast %mul3A_505 : i32 to index
          %swap3A_508 = tpu.vector_load %arg18[%swap3A_506, %swap3A_507] {strides = array<i32>} : memref<16x512xf32, #tpu.memory_space<vmem>>, vector<16xf32>,
          tpu.vector_store %arg18[%swap3A_506, %swap3A_507], %get3A_503 {add = true, strides = array<i32>} : memref<16x512xf32, #tpu.memory_space<vmem>>, vector<16xf32>,
          %scan3A_509 = arith.constant 6 : i32
          %scan3A_510 = arith.addi %scan3A_198, %scan3A_509 : i32
          %jit3A_511 = arith.constant 32 : i32
          %div3A_512 = arith.divsi %scan3A_510, %jit3A_511 : i32
          %sign3A_513 = arith.constant 0 : i32
          %sign3A_514 = arith.cmpi sgt, %scan3A_510, %sign3A_513 : i32
          %sign3A_515 = arith.extui %sign3A_514 : i1 to i32
          %sign3A_516 = arith.constant 0 : i32
          %sign3A_517 = arith.cmpi slt, %scan3A_510, %sign3A_516 : i32
          %sign3A_518 = arith.extui %sign3A_517 : i1 to i32
          %sign3A_519 = arith.subi %sign3A_515, %sign3A_518 : i32
          %sign3A_520 = arith.constant 0 : i32
          %sign3A_521 = arith.cmpi sgt, %jit3A_511, %sign3A_520 : i32
          %sign3A_522 = arith.extui %sign3A_521 : i1 to i32
          %sign3A_523 = arith.constant 0 : i32
          %sign3A_524 = arith.cmpi slt, %jit3A_511, %sign3A_523 : i32
          %sign3A_525 = arith.extui %sign3A_524 : i1 to i32
          %sign3A_526 = arith.subi %sign3A_522, %sign3A_525 : i32
          %ne3A_527 = arith.cmpi ne, %sign3A_519, %sign3A_526 : i32
          %rem3A_528 = arith.remsi %scan3A_510, %jit3A_511 : i32
          %ne3A_529 = arith.constant 0 : i32
          %ne3A_530 = arith.cmpi ne, %rem3A_528, %ne3A_529 : i32
          %and3A_531 = arith.andi %ne3A_527, %ne3A_530 : i1
          %sub3A_532 = arith.constant 1 : i32
          %sub3A_533 = arith.subi %div3A_512, %sub3A_532 : i32
          %select_n3A_534 = arith.select %and3A_531, %sub3A_533, %div3A_512 : i32
          %jit3A_535 = arith.constant 32 : i32
          %eq3A_536 = arith.constant 0 : i32
          %eq3A_537 = arith.cmpi eq, %jit3A_535, %eq3A_536 : i32
          %jit3A_538 = arith.constant 1 : i32
          %select_n3A_539 = arith.select %eq3A_537, %jit3A_538, %jit3A_535 : i32
          %rem3A_540 = arith.remsi %scan3A_510, %select_n3A_539 : i32
          %ne3A_541 = arith.constant 0 : i32
          %ne3A_542 = arith.cmpi ne, %rem3A_540, %ne3A_541 : i32
          %lt3A_543 = arith.constant 0 : i32
          %lt3A_544 = arith.cmpi slt, %rem3A_540, %lt3A_543 : i32
          %lt3A_545 = arith.constant 0 : i32
          %lt3A_546 = arith.cmpi slt, %select_n3A_539, %lt3A_545 : i32
          %ne3A_547 = arith.xori %lt3A_544, %lt3A_546 : i1
          %and3A_548 = arith.andi %ne3A_547, %ne3A_542 : i1
          %add3A_549 = arith.addi %rem3A_540, %select_n3A_539 : i32
          %select_n3A_550 = arith.select %and3A_548, %add3A_549, %rem3A_540 : i32
          %mul3A_551 = arith.constant 16 : i32
          %mul3A_552 = arith.muli %select_n3A_550, %mul3A_551 : i32
          %get3A_553 = arith.index_cast %select_n3A_534 : i32 to index
          %get3A_554 = arith.index_cast %mul3A_552 : i32 to index
          %get3A_555 = tpu.vector_load %arg19[%get3A_553, %get3A_554] {strides = array<i32>} : memref<16x512xf32, #tpu.memory_space<vmem>>, vector<16xf32>,
          %mul3A_556 = arith.constant 16 : i32
          %mul3A_557 = arith.muli %select_n3A_550, %mul3A_556 : i32
          %swap3A_558 = arith.index_cast %select_n3A_534 : i32 to index
          %swap3A_559 = arith.index_cast %mul3A_557 : i32 to index
          %swap3A_560 = tpu.vector_load %arg18[%swap3A_558, %swap3A_559] {strides = array<i32>} : memref<16x512xf32, #tpu.memory_space<vmem>>, vector<16xf32>,
          tpu.vector_store %arg18[%swap3A_558, %swap3A_559], %get3A_555 {add = true, strides = array<i32>} : memref<16x512xf32, #tpu.memory_space<vmem>>, vector<16xf32>,
          %scan3A_561 = arith.constant 7 : i32
          %scan3A_562 = arith.addi %scan3A_198, %scan3A_561 : i32
          %jit3A_563 = arith.constant 32 : i32
          %div3A_564 = arith.divsi %scan3A_562, %jit3A_563 : i32
          %sign3A_565 = arith.constant 0 : i32
          %sign3A_566 = arith.cmpi sgt, %scan3A_562, %sign3A_565 : i32
          %sign3A_567 = arith.extui %sign3A_566 : i1 to i32
          %sign3A_568 = arith.constant 0 : i32
          %sign3A_569 = arith.cmpi slt, %scan3A_562, %sign3A_568 : i32
          %sign3A_570 = arith.extui %sign3A_569 : i1 to i32
          %sign3A_571 = arith.subi %sign3A_567, %sign3A_570 : i32
          %sign3A_572 = arith.constant 0 : i32
          %sign3A_573 = arith.cmpi sgt, %jit3A_563, %sign3A_572 : i32
          %sign3A_574 = arith.extui %sign3A_573 : i1 to i32
          %sign3A_575 = arith.constant 0 : i32
          %sign3A_576 = arith.cmpi slt, %jit3A_563, %sign3A_575 : i32
          %sign3A_577 = arith.extui %sign3A_576 : i1 to i32
          %sign3A_578 = arith.subi %sign3A_574, %sign3A_577 : i32
          %ne3A_579 = arith.cmpi ne, %sign3A_571, %sign3A_578 : i32
          %rem3A_580 = arith.remsi %scan3A_562, %jit3A_563 : i32
          %ne3A_581 = arith.constant 0 : i32
          %ne3A_582 = arith.cmpi ne, %rem3A_580, %ne3A_581 : i32
          %and3A_583 = arith.andi %ne3A_579, %ne3A_582 : i1
          %sub3A_584 = arith.constant 1 : i32
          %sub3A_585 = arith.subi %div3A_564, %sub3A_584 : i32
          %select_n3A_586 = arith.select %and3A_583, %sub3A_585, %div3A_564 : i32
          %jit3A_587 = arith.constant 32 : i32
          %eq3A_588 = arith.constant 0 : i32
          %eq3A_589 = arith.cmpi eq, %jit3A_587, %eq3A_588 : i32
          %jit3A_590 = arith.constant 1 : i32
          %select_n3A_591 = arith.select %eq3A_589, %jit3A_590, %jit3A_587 : i32
          %rem3A_592 = arith.remsi %scan3A_562, %select_n3A_591 : i32
          %ne3A_593 = arith.constant 0 : i32
          %ne3A_594 = arith.cmpi ne, %rem3A_592, %ne3A_593 : i32
          %lt3A_595 = arith.constant 0 : i32
          %lt3A_596 = arith.cmpi slt, %rem3A_592, %lt3A_595 : i32
          %lt3A_597 = arith.constant 0 : i32
          %lt3A_598 = arith.cmpi slt, %select_n3A_591, %lt3A_597 : i32
          %ne3A_599 = arith.xori %lt3A_596, %lt3A_598 : i1
          %and3A_600 = arith.andi %ne3A_599, %ne3A_594 : i1
          %add3A_601 = arith.addi %rem3A_592, %select_n3A_591 : i32
          %select_n3A_602 = arith.select %and3A_600, %add3A_601, %rem3A_592 : i32
          %mul3A_603 = arith.constant 16 : i32
          %mul3A_604 = arith.muli %select_n3A_602, %mul3A_603 : i32
          %get3A_605 = arith.index_cast %select_n3A_586 : i32 to index
          %get3A_606 = arith.index_cast %mul3A_604 : i32 to index
          %get3A_607 = tpu.vector_load %arg19[%get3A_605, %get3A_606] {strides = array<i32>} : memref<16x512xf32, #tpu.memory_space<vmem>>, vector<16xf32>,
          %mul3A_608 = arith.constant 16 : i32
          %mul3A_609 = arith.muli %select_n3A_602, %mul3A_608 : i32
          %swap3A_610 = arith.index_cast %select_n3A_586 : i32 to index
          %swap3A_611 = arith.index_cast %mul3A_609 : i32 to index
          %swap3A_612 = tpu.vector_load %arg18[%swap3A_610, %swap3A_611] {strides = array<i32>} : memref<16x512xf32, #tpu.memory_space<vmem>>, vector<16xf32>,
          tpu.vector_store %arg18[%swap3A_610, %swap3A_611], %get3A_607 {add = true, strides = array<i32>} : memref<16x512xf32, #tpu.memory_space<vmem>>, vector<16xf32>,
          %scan3A_613 = arith.constant 8 : i32
          %scan3A_614 = arith.addi %scan3A_198, %scan3A_613 : i32
          %jit3A_615 = arith.constant 32 : i32
          %div3A_616 = arith.divsi %scan3A_614, %jit3A_615 : i32
          %sign3A_617 = arith.constant 0 : i32
          %sign3A_618 = arith.cmpi sgt, %scan3A_614, %sign3A_617 : i32
          %sign3A_619 = arith.extui %sign3A_618 : i1 to i32
          %sign3A_620 = arith.constant 0 : i32
          %sign3A_621 = arith.cmpi slt, %scan3A_614, %sign3A_620 : i32
          %sign3A_622 = arith.extui %sign3A_621 : i1 to i32
          %sign3A_623 = arith.subi %sign3A_619, %sign3A_622 : i32
          %sign3A_624 = arith.constant 0 : i32
          %sign3A_625 = arith.cmpi sgt, %jit3A_615, %sign3A_624 : i32
          %sign3A_626 = arith.extui %sign3A_625 : i1 to i32
          %sign3A_627 = arith.constant 0 : i32
          %sign3A_628 = arith.cmpi slt, %jit3A_615, %sign3A_627 : i32
          %sign3A_629 = arith.extui %sign3A_628 : i1 to i32
          %sign3A_630 = arith.subi %sign3A_626, %sign3A_629 : i32
          %ne3A_631 = arith.cmpi ne, %sign3A_623, %sign3A_630 : i32
          %rem3A_632 = arith.remsi %scan3A_614, %jit3A_615 : i32
          %ne3A_633 = arith.constant 0 : i32
          %ne3A_634 = arith.cmpi ne, %rem3A_632, %ne3A_633 : i32
          %and3A_635 = arith.andi %ne3A_631, %ne3A_634 : i1
          %sub3A_636 = arith.constant 1 : i32
          %sub3A_637 = arith.subi %div3A_616, %sub3A_636 : i32
          %select_n3A_638 = arith.select %and3A_635, %sub3A_637, %div3A_616 : i32
          %jit3A_639 = arith.constant 32 : i32
          %eq3A_640 = arith.constant 0 : i32
          %eq3A_641 = arith.cmpi eq, %jit3A_639, %eq3A_640 : i32
          %jit3A_642 = arith.constant 1 : i32
          %select_n3A_643 = arith.select %eq3A_641, %jit3A_642, %jit3A_639 : i32
          %rem3A_644 = arith.remsi %scan3A_614, %select_n3A_643 : i32
          %ne3A_645 = arith.constant 0 : i32
          %ne3A_646 = arith.cmpi ne, %rem3A_644, %ne3A_645 : i32
          %lt3A_647 = arith.constant 0 : i32
          %lt3A_648 = arith.cmpi slt, %rem3A_644, %lt3A_647 : i32
          %lt3A_649 = arith.constant 0 : i32
          %lt3A_650 = arith.cmpi slt, %select_n3A_643, %lt3A_649 : i32
          %ne3A_651 = arith.xori %lt3A_648, %lt3A_650 : i1
          %and3A_652 = arith.andi %ne3A_651, %ne3A_646 : i1
          %add3A_653 = arith.addi %rem3A_644, %select_n3A_643 : i32
          %select_n3A_654 = arith.select %and3A_652, %add3A_653, %rem3A_644 : i32
          %mul3A_655 = arith.constant 16 : i32
          %mul3A_656 = arith.muli %select_n3A_654, %mul3A_655 : i32
          %get3A_657 = arith.index_cast %select_n3A_638 : i32 to index
          %get3A_658 = arith.index_cast %mul3A_656 : i32 to index
          %get3A_659 = tpu.vector_load %arg19[%get3A_657, %get3A_658] {strides = array<i32>} : memref<16x512xf32, #tpu.memory_space<vmem>>, vector<16xf32>,
          %mul3A_660 = arith.constant 16 : i32
          %mul3A_661 = arith.muli %select_n3A_654, %mul3A_660 : i32
          %swap3A_662 = arith.index_cast %select_n3A_638 : i32 to index
          %swap3A_663 = arith.index_cast %mul3A_661 : i32 to index
          %swap3A_664 = tpu.vector_load %arg18[%swap3A_662, %swap3A_663] {strides = array<i32>} : memref<16x512xf32, #tpu.memory_space<vmem>>, vector<16xf32>,
          tpu.vector_store %arg18[%swap3A_662, %swap3A_663], %get3A_659 {add = true, strides = array<i32>} : memref<16x512xf32, #tpu.memory_space<vmem>>, vector<16xf32>,
          %scan3A_665 = arith.constant 9 : i32
          %scan3A_666 = arith.addi %scan3A_198, %scan3A_665 : i32
          %jit3A_667 = arith.constant 32 : i32
          %div3A_668 = arith.divsi %scan3A_666, %jit3A_667 : i32
          %sign3A_669 = arith.constant 0 : i32
          %sign3A_670 = arith.cmpi sgt, %scan3A_666, %sign3A_669 : i32
          %sign3A_671 = arith.extui %sign3A_670 : i1 to i32
          %sign3A_672 = arith.constant 0 : i32
          %sign3A_673 = arith.cmpi slt, %scan3A_666, %sign3A_672 : i32
          %sign3A_674 = arith.extui %sign3A_673 : i1 to i32
          %sign3A_675 = arith.subi %sign3A_671, %sign3A_674 : i32
          %sign3A_676 = arith.constant 0 : i32
          %sign3A_677 = arith.cmpi sgt, %jit3A_667, %sign3A_676 : i32
          %sign3A_678 = arith.extui %sign3A_677 : i1 to i32
          %sign3A_679 = arith.constant 0 : i32
          %sign3A_680 = arith.cmpi slt, %jit3A_667, %sign3A_679 : i32
          %sign3A_681 = arith.extui %sign3A_680 : i1 to i32
          %sign3A_682 = arith.subi %sign3A_678, %sign3A_681 : i32
          %ne3A_683 = arith.cmpi ne, %sign3A_675, %sign3A_682 : i32
          %rem3A_684 = arith.remsi %scan3A_666, %jit3A_667 : i32
          %ne3A_685 = arith.constant 0 : i32
          %ne3A_686 = arith.cmpi ne, %rem3A_684, %ne3A_685 : i32
          %and3A_687 = arith.andi %ne3A_683, %ne3A_686 : i1
          %sub3A_688 = arith.constant 1 : i32
          %sub3A_689 = arith.subi %div3A_668, %sub3A_688 : i32
          %select_n3A_690 = arith.select %and3A_687, %sub3A_689, %div3A_668 : i32
          %jit3A_691 = arith.constant 32 : i32
          %eq3A_692 = arith.constant 0 : i32
          %eq3A_693 = arith.cmpi eq, %jit3A_691, %eq3A_692 : i32
          %jit3A_694 = arith.constant 1 : i32
          %select_n3A_695 = arith.select %eq3A_693, %jit3A_694, %jit3A_691 : i32
          %rem3A_696 = arith.remsi %scan3A_666, %select_n3A_695 : i32
          %ne3A_697 = arith.constant 0 : i32
          %ne3A_698 = arith.cmpi ne, %rem3A_696, %ne3A_697 : i32
          %lt3A_699 = arith.constant 0 : i32
          %lt3A_700 = arith.cmpi slt, %rem3A_696, %lt3A_699 : i32
          %lt3A_701 = arith.constant 0 : i32
          %lt3A_702 = arith.cmpi slt, %select_n3A_695, %lt3A_701 : i32
          %ne3A_703 = arith.xori %lt3A_700, %lt3A_702 : i1
          %and3A_704 = arith.andi %ne3A_703, %ne3A_698 : i1
          %add3A_705 = arith.addi %rem3A_696, %select_n3A_695 : i32
          %select_n3A_706 = arith.select %and3A_704, %add3A_705, %rem3A_696 : i32
          %mul3A_707 = arith.constant 16 : i32
          %mul3A_708 = arith.muli %select_n3A_706, %mul3A_707 : i32
          %get3A_709 = arith.index_cast %select_n3A_690 : i32 to index
          %get3A_710 = arith.index_cast %mul3A_708 : i32 to index
          %get3A_711 = tpu.vector_load %arg19[%get3A_709, %get3A_710] {strides = array<i32>} : memref<16x512xf32, #tpu.memory_space<vmem>>, vector<16xf32>,
          %mul3A_712 = arith.constant 16 : i32
          %mul3A_713 = arith.muli %select_n3A_706, %mul3A_712 : i32
          %swap3A_714 = arith.index_cast %select_n3A_690 : i32 to index
          %swap3A_715 = arith.index_cast %mul3A_713 : i32 to index
          %swap3A_716 = tpu.vector_load %arg18[%swap3A_714, %swap3A_715] {strides = array<i32>} : memref<16x512xf32, #tpu.memory_space<vmem>>, vector<16xf32>,
          tpu.vector_store %arg18[%swap3A_714, %swap3A_715], %get3A_711 {add = true, strides = array<i32>} : memref<16x512xf32, #tpu.memory_space<vmem>>, vector<16xf32>,
          %scan3A_717 = arith.constant 10 : i32
          %scan3A_718 = arith.addi %scan3A_198, %scan3A_717 : i32
          %jit3A_719 = arith.constant 32 : i32
          %div3A_720 = arith.divsi %scan3A_718, %jit3A_719 : i32
          %sign3A_721 = arith.constant 0 : i32
          %sign3A_722 = arith.cmpi sgt, %scan3A_718, %sign3A_721 : i32
          %sign3A_723 = arith.extui %sign3A_722 : i1 to i32
          %sign3A_724 = arith.constant 0 : i32
          %sign3A_725 = arith.cmpi slt, %scan3A_718, %sign3A_724 : i32
          %sign3A_726 = arith.extui %sign3A_725 : i1 to i32
          %sign3A_727 = arith.subi %sign3A_723, %sign3A_726 : i32
          %sign3A_728 = arith.constant 0 : i32
          %sign3A_729 = arith.cmpi sgt, %jit3A_719, %sign3A_728 : i32
          %sign3A_730 = arith.extui %sign3A_729 : i1 to i32
          %sign3A_731 = arith.constant 0 : i32
          %sign3A_732 = arith.cmpi slt, %jit3A_719, %sign3A_731 : i32
          %sign3A_733 = arith.extui %sign3A_732 : i1 to i32
          %sign3A_734 = arith.subi %sign3A_730, %sign3A_733 : i32
          %ne3A_735 = arith.cmpi ne, %sign3A_727, %sign3A_734 : i32
          %rem3A_736 = arith.remsi %scan3A_718, %jit3A_719 : i32
          %ne3A_737 = arith.constant 0 : i32
          %ne3A_738 = arith.cmpi ne, %rem3A_736, %ne3A_737 : i32
          %and3A_739 = arith.andi %ne3A_735, %ne3A_738 : i1
          %sub3A_740 = arith.constant 1 : i32
          %sub3A_741 = arith.subi %div3A_720, %sub3A_740 : i32
          %select_n3A_742 = arith.select %and3A_739, %sub3A_741, %div3A_720 : i32
          %jit3A_743 = arith.constant 32 : i32
          %eq3A_744 = arith.constant 0 : i32
          %eq3A_745 = arith.cmpi eq, %jit3A_743, %eq3A_744 : i32
          %jit3A_746 = arith.constant 1 : i32
          %select_n3A_747 = arith.select %eq3A_745, %jit3A_746, %jit3A_743 : i32
          %rem3A_748 = arith.remsi %scan3A_718, %select_n3A_747 : i32
          %ne3A_749 = arith.constant 0 : i32
          %ne3A_750 = arith.cmpi ne, %rem3A_748, %ne3A_749 : i32
          %lt3A_751 = arith.constant 0 : i32
          %lt3A_752 = arith.cmpi slt, %rem3A_748, %lt3A_751 : i32
          %lt3A_753 = arith.constant 0 : i32
          %lt3A_754 = arith.cmpi slt, %select_n3A_747, %lt3A_753 : i32
          %ne3A_755 = arith.xori %lt3A_752, %lt3A_754 : i1
          %and3A_756 = arith.andi %ne3A_755, %ne3A_750 : i1
          %add3A_757 = arith.addi %rem3A_748, %select_n3A_747 : i32
          %select_n3A_758 = arith.select %and3A_756, %add3A_757, %rem3A_748 : i32
          %mul3A_759 = arith.constant 16 : i32
          %mul3A_760 = arith.muli %select_n3A_758, %mul3A_759 : i32
          %get3A_761 = arith.index_cast %select_n3A_742 : i32 to index
          %get3A_762 = arith.index_cast %mul3A_760 : i32 to index
          %get3A_763 = tpu.vector_load %arg19[%get3A_761, %get3A_762] {strides = array<i32>} : memref<16x512xf32, #tpu.memory_space<vmem>>, vector<16xf32>,
          %mul3A_764 = arith.constant 16 : i32
          %mul3A_765 = arith.muli %select_n3A_758, %mul3A_764 : i32
          %swap3A_766 = arith.index_cast %select_n3A_742 : i32 to index
          %swap3A_767 = arith.index_cast %mul3A_765 : i32 to index
          %swap3A_768 = tpu.vector_load %arg18[%swap3A_766, %swap3A_767] {strides = array<i32>} : memref<16x512xf32, #tpu.memory_space<vmem>>, vector<16xf32>,
          tpu.vector_store %arg18[%swap3A_766, %swap3A_767], %get3A_763 {add = true, strides = array<i32>} : memref<16x512xf32, #tpu.memory_space<vmem>>, vector<16xf32>,
          %scan3A_769 = arith.constant 11 : i32
          %scan3A_770 = arith.addi %scan3A_198, %scan3A_769 : i32
          %jit3A_771 = arith.constant 32 : i32
          %div3A_772 = arith.divsi %scan3A_770, %jit3A_771 : i32
          %sign3A_773 = arith.constant 0 : i32
          %sign3A_774 = arith.cmpi sgt, %scan3A_770, %sign3A_773 : i32
          %sign3A_775 = arith.extui %sign3A_774 : i1 to i32
          %sign3A_776 = arith.constant 0 : i32
          %sign3A_777 = arith.cmpi slt, %scan3A_770, %sign3A_776 : i32
          %sign3A_778 = arith.extui %sign3A_777 : i1 to i32
          %sign3A_779 = arith.subi %sign3A_775, %sign3A_778 : i32
          %sign3A_780 = arith.constant 0 : i32
          %sign3A_781 = arith.cmpi sgt, %jit3A_771, %sign3A_780 : i32
          %sign3A_782 = arith.extui %sign3A_781 : i1 to i32
          %sign3A_783 = arith.constant 0 : i32
          %sign3A_784 = arith.cmpi slt, %jit3A_771, %sign3A_783 : i32
          %sign3A_785 = arith.extui %sign3A_784 : i1 to i32
          %sign3A_786 = arith.subi %sign3A_782, %sign3A_785 : i32
          %ne3A_787 = arith.cmpi ne, %sign3A_779, %sign3A_786 : i32
          %rem3A_788 = arith.remsi %scan3A_770, %jit3A_771 : i32
          %ne3A_789 = arith.constant 0 : i32
          %ne3A_790 = arith.cmpi ne, %rem3A_788, %ne3A_789 : i32
          %and3A_791 = arith.andi %ne3A_787, %ne3A_790 : i1
          %sub3A_792 = arith.constant 1 : i32
          %sub3A_793 = arith.subi %div3A_772, %sub3A_792 : i32
          %select_n3A_794 = arith.select %and3A_791, %sub3A_793, %div3A_772 : i32
          %jit3A_795 = arith.constant 32 : i32
          %eq3A_796 = arith.constant 0 : i32
          %eq3A_797 = arith.cmpi eq, %jit3A_795, %eq3A_796 : i32
          %jit3A_798 = arith.constant 1 : i32
          %select_n3A_799 = arith.select %eq3A_797, %jit3A_798, %jit3A_795 : i32
          %rem3A_800 = arith.remsi %scan3A_770, %select_n3A_799 : i32
          %ne3A_801 = arith.constant 0 : i32
          %ne3A_802 = arith.cmpi ne, %rem3A_800, %ne3A_801 : i32
          %lt3A_803 = arith.constant 0 : i32
          %lt3A_804 = arith.cmpi slt, %rem3A_800, %lt3A_803 : i32
          %lt3A_805 = arith.constant 0 : i32
          %lt3A_806 = arith.cmpi slt, %select_n3A_799, %lt3A_805 : i32
          %ne3A_807 = arith.xori %lt3A_804, %lt3A_806 : i1
          %and3A_808 = arith.andi %ne3A_807, %ne3A_802 : i1
          %add3A_809 = arith.addi %rem3A_800, %select_n3A_799 : i32
          %select_n3A_810 = arith.select %and3A_808, %add3A_809, %rem3A_800 : i32
          %mul3A_811 = arith.constant 16 : i32
          %mul3A_812 = arith.muli %select_n3A_810, %mul3A_811 : i32
          %get3A_813 = arith.index_cast %select_n3A_794 : i32 to index
          %get3A_814 = arith.index_cast %mul3A_812 : i32 to index
          %get3A_815 = tpu.vector_load %arg19[%get3A_813, %get3A_814] {strides = array<i32>} : memref<16x512xf32, #tpu.memory_space<vmem>>, vector<16xf32>,
          %mul3A_816 = arith.constant 16 : i32
          %mul3A_817 = arith.muli %select_n3A_810, %mul3A_816 : i32
          %swap3A_818 = arith.index_cast %select_n3A_794 : i32 to index
          %swap3A_819 = arith.index_cast %mul3A_817 : i32 to index
          %swap3A_820 = tpu.vector_load %arg18[%swap3A_818, %swap3A_819] {strides = array<i32>} : memref<16x512xf32, #tpu.memory_space<vmem>>, vector<16xf32>,
          tpu.vector_store %arg18[%swap3A_818, %swap3A_819], %get3A_815 {add = true, strides = array<i32>} : memref<16x512xf32, #tpu.memory_space<vmem>>, vector<16xf32>,
          %scan3A_821 = arith.constant 12 : i32
          %scan3A_822 = arith.addi %scan3A_198, %scan3A_821 : i32
          %jit3A_823 = arith.constant 32 : i32
          %div3A_824 = arith.divsi %scan3A_822, %jit3A_823 : i32
          %sign3A_825 = arith.constant 0 : i32
          %sign3A_826 = arith.cmpi sgt, %scan3A_822, %sign3A_825 : i32
          %sign3A_827 = arith.extui %sign3A_826 : i1 to i32
          %sign3A_828 = arith.constant 0 : i32
          %sign3A_829 = arith.cmpi slt, %scan3A_822, %sign3A_828 : i32
          %sign3A_830 = arith.extui %sign3A_829 : i1 to i32
          %sign3A_831 = arith.subi %sign3A_827, %sign3A_830 : i32
          %sign3A_832 = arith.constant 0 : i32
          %sign3A_833 = arith.cmpi sgt, %jit3A_823, %sign3A_832 : i32
          %sign3A_834 = arith.extui %sign3A_833 : i1 to i32
          %sign3A_835 = arith.constant 0 : i32
          %sign3A_836 = arith.cmpi slt, %jit3A_823, %sign3A_835 : i32
          %sign3A_837 = arith.extui %sign3A_836 : i1 to i32
          %sign3A_838 = arith.subi %sign3A_834, %sign3A_837 : i32
          %ne3A_839 = arith.cmpi ne, %sign3A_831, %sign3A_838 : i32
          %rem3A_840 = arith.remsi %scan3A_822, %jit3A_823 : i32
          %ne3A_841 = arith.constant 0 : i32
          %ne3A_842 = arith.cmpi ne, %rem3A_840, %ne3A_841 : i32
          %and3A_843 = arith.andi %ne3A_839, %ne3A_842 : i1
          %sub3A_844 = arith.constant 1 : i32
          %sub3A_845 = arith.subi %div3A_824, %sub3A_844 : i32
          %select_n3A_846 = arith.select %and3A_843, %sub3A_845, %div3A_824 : i32
          %jit3A_847 = arith.constant 32 : i32
          %eq3A_848 = arith.constant 0 : i32
          %eq3A_849 = arith.cmpi eq, %jit3A_847, %eq3A_848 : i32
          %jit3A_850 = arith.constant 1 : i32
          %select_n3A_851 = arith.select %eq3A_849, %jit3A_850, %jit3A_847 : i32
          %rem3A_852 = arith.remsi %scan3A_822, %select_n3A_851 : i32
          %ne3A_853 = arith.constant 0 : i32
          %ne3A_854 = arith.cmpi ne, %rem3A_852, %ne3A_853 : i32
          %lt3A_855 = arith.constant 0 : i32
          %lt3A_856 = arith.cmpi slt, %rem3A_852, %lt3A_855 : i32
          %lt3A_857 = arith.constant 0 : i32
          %lt3A_858 = arith.cmpi slt, %select_n3A_851, %lt3A_857 : i32
          %ne3A_859 = arith.xori %lt3A_856, %lt3A_858 : i1
          %and3A_860 = arith.andi %ne3A_859, %ne3A_854 : i1
          %add3A_861 = arith.addi %rem3A_852, %select_n3A_851 : i32
          %select_n3A_862 = arith.select %and3A_860, %add3A_861, %rem3A_852 : i32
          %mul3A_863 = arith.constant 16 : i32
          %mul3A_864 = arith.muli %select_n3A_862, %mul3A_863 : i32
          %get3A_865 = arith.index_cast %select_n3A_846 : i32 to index
          %get3A_866 = arith.index_cast %mul3A_864 : i32 to index
          %get3A_867 = tpu.vector_load %arg19[%get3A_865, %get3A_866] {strides = array<i32>} : memref<16x512xf32, #tpu.memory_space<vmem>>, vector<16xf32>,
          %mul3A_868 = arith.constant 16 : i32
          %mul3A_869 = arith.muli %select_n3A_862, %mul3A_868 : i32
          %swap3A_870 = arith.index_cast %select_n3A_846 : i32 to index
          %swap3A_871 = arith.index_cast %mul3A_869 : i32 to index
          %swap3A_872 = tpu.vector_load %arg18[%swap3A_870, %swap3A_871] {strides = array<i32>} : memref<16x512xf32, #tpu.memory_space<vmem>>, vector<16xf32>,
          tpu.vector_store %arg18[%swap3A_870, %swap3A_871], %get3A_867 {add = true, strides = array<i32>} : memref<16x512xf32, #tpu.memory_space<vmem>>, vector<16xf32>,
          %scan3A_873 = arith.constant 13 : i32
          %scan3A_874 = arith.addi %scan3A_198, %scan3A_873 : i32
          %jit3A_875 = arith.constant 32 : i32
          %div3A_876 = arith.divsi %scan3A_874, %jit3A_875 : i32
          %sign3A_877 = arith.constant 0 : i32
          %sign3A_878 = arith.cmpi sgt, %scan3A_874, %sign3A_877 : i32
          %sign3A_879 = arith.extui %sign3A_878 : i1 to i32
          %sign3A_880 = arith.constant 0 : i32
          %sign3A_881 = arith.cmpi slt, %scan3A_874, %sign3A_880 : i32
          %sign3A_882 = arith.extui %sign3A_881 : i1 to i32
          %sign3A_883 = arith.subi %sign3A_879, %sign3A_882 : i32
          %sign3A_884 = arith.constant 0 : i32
          %sign3A_885 = arith.cmpi sgt, %jit3A_875, %sign3A_884 : i32
          %sign3A_886 = arith.extui %sign3A_885 : i1 to i32
          %sign3A_887 = arith.constant 0 : i32
          %sign3A_888 = arith.cmpi slt, %jit3A_875, %sign3A_887 : i32
          %sign3A_889 = arith.extui %sign3A_888 : i1 to i32
          %sign3A_890 = arith.subi %sign3A_886, %sign3A_889 : i32
          %ne3A_891 = arith.cmpi ne, %sign3A_883, %sign3A_890 : i32
          %rem3A_892 = arith.remsi %scan3A_874, %jit3A_875 : i32
          %ne3A_893 = arith.constant 0 : i32
          %ne3A_894 = arith.cmpi ne, %rem3A_892, %ne3A_893 : i32
          %and3A_895 = arith.andi %ne3A_891, %ne3A_894 : i1
          %sub3A_896 = arith.constant 1 : i32
          %sub3A_897 = arith.subi %div3A_876, %sub3A_896 : i32
          %select_n3A_898 = arith.select %and3A_895, %sub3A_897, %div3A_876 : i32
          %jit3A_899 = arith.constant 32 : i32
          %eq3A_900 = arith.constant 0 : i32
          %eq3A_901 = arith.cmpi eq, %jit3A_899, %eq3A_900 : i32
          %jit3A_902 = arith.constant 1 : i32
          %select_n3A_903 = arith.select %eq3A_901, %jit3A_902, %jit3A_899 : i32
          %rem3A_904 = arith.remsi %scan3A_874, %select_n3A_903 : i32
          %ne3A_905 = arith.constant 0 : i32
          %ne3A_906 = arith.cmpi ne, %rem3A_904, %ne3A_905 : i32
          %lt3A_907 = arith.constant 0 : i32
          %lt3A_908 = arith.cmpi slt, %rem3A_904, %lt3A_907 : i32
          %lt3A_909 = arith.constant 0 : i32
          %lt3A_910 = arith.cmpi slt, %select_n3A_903, %lt3A_909 : i32
          %ne3A_911 = arith.xori %lt3A_908, %lt3A_910 : i1
          %and3A_912 = arith.andi %ne3A_911, %ne3A_906 : i1
          %add3A_913 = arith.addi %rem3A_904, %select_n3A_903 : i32
          %select_n3A_914 = arith.select %and3A_912, %add3A_913, %rem3A_904 : i32
          %mul3A_915 = arith.constant 16 : i32
          %mul3A_916 = arith.muli %select_n3A_914, %mul3A_915 : i32
          %get3A_917 = arith.index_cast %select_n3A_898 : i32 to index
          %get3A_918 = arith.index_cast %mul3A_916 : i32 to index
          %get3A_919 = tpu.vector_load %arg19[%get3A_917, %get3A_918] {strides = array<i32>} : memref<16x512xf32, #tpu.memory_space<vmem>>, vector<16xf32>,
          %mul3A_920 = arith.constant 16 : i32
          %mul3A_921 = arith.muli %select_n3A_914, %mul3A_920 : i32
          %swap3A_922 = arith.index_cast %select_n3A_898 : i32 to index
          %swap3A_923 = arith.index_cast %mul3A_921 : i32 to index
          %swap3A_924 = tpu.vector_load %arg18[%swap3A_922, %swap3A_923] {strides = array<i32>} : memref<16x512xf32, #tpu.memory_space<vmem>>, vector<16xf32>,
          tpu.vector_store %arg18[%swap3A_922, %swap3A_923], %get3A_919 {add = true, strides = array<i32>} : memref<16x512xf32, #tpu.memory_space<vmem>>, vector<16xf32>,
          %scan3A_925 = arith.constant 14 : i32
          %scan3A_926 = arith.addi %scan3A_198, %scan3A_925 : i32
          %jit3A_927 = arith.constant 32 : i32
          %div3A_928 = arith.divsi %scan3A_926, %jit3A_927 : i32
          %sign3A_929 = arith.constant 0 : i32
          %sign3A_930 = arith.cmpi sgt, %scan3A_926, %sign3A_929 : i32
          %sign3A_931 = arith.extui %sign3A_930 : i1 to i32
          %sign3A_932 = arith.constant 0 : i32
          %sign3A_933 = arith.cmpi slt, %scan3A_926, %sign3A_932 : i32
          %sign3A_934 = arith.extui %sign3A_933 : i1 to i32
          %sign3A_935 = arith.subi %sign3A_931, %sign3A_934 : i32
          %sign3A_936 = arith.constant 0 : i32
          %sign3A_937 = arith.cmpi sgt, %jit3A_927, %sign3A_936 : i32
          %sign3A_938 = arith.extui %sign3A_937 : i1 to i32
          %sign3A_939 = arith.constant 0 : i32
          %sign3A_940 = arith.cmpi slt, %jit3A_927, %sign3A_939 : i32
          %sign3A_941 = arith.extui %sign3A_940 : i1 to i32
          %sign3A_942 = arith.subi %sign3A_938, %sign3A_941 : i32
          %ne3A_943 = arith.cmpi ne, %sign3A_935, %sign3A_942 : i32
          %rem3A_944 = arith.remsi %scan3A_926, %jit3A_927 : i32
          %ne3A_945 = arith.constant 0 : i32
          %ne3A_946 = arith.cmpi ne, %rem3A_944, %ne3A_945 : i32
          %and3A_947 = arith.andi %ne3A_943, %ne3A_946 : i1
          %sub3A_948 = arith.constant 1 : i32
          %sub3A_949 = arith.subi %div3A_928, %sub3A_948 : i32
          %select_n3A_950 = arith.select %and3A_947, %sub3A_949, %div3A_928 : i32
          %jit3A_951 = arith.constant 32 : i32
          %eq3A_952 = arith.constant 0 : i32
          %eq3A_953 = arith.cmpi eq, %jit3A_951, %eq3A_952 : i32
          %jit3A_954 = arith.constant 1 : i32
          %select_n3A_955 = arith.select %eq3A_953, %jit3A_954, %jit3A_951 : i32
          %rem3A_956 = arith.remsi %scan3A_926, %select_n3A_955 : i32
          %ne3A_957 = arith.constant 0 : i32
          %ne3A_958 = arith.cmpi ne, %rem3A_956, %ne3A_957 : i32
          %lt3A_959 = arith.constant 0 : i32
          %lt3A_960 = arith.cmpi slt, %rem3A_956, %lt3A_959 : i32
          %lt3A_961 = arith.constant 0 : i32
          %lt3A_962 = arith.cmpi slt, %select_n3A_955, %lt3A_961 : i32
          %ne3A_963 = arith.xori %lt3A_960, %lt3A_962 : i1
          %and3A_964 = arith.andi %ne3A_963, %ne3A_958 : i1
          %add3A_965 = arith.addi %rem3A_956, %select_n3A_955 : i32
          %select_n3A_966 = arith.select %and3A_964, %add3A_965, %rem3A_956 : i32
          %mul3A_967 = arith.constant 16 : i32
          %mul3A_968 = arith.muli %select_n3A_966, %mul3A_967 : i32
          %get3A_969 = arith.index_cast %select_n3A_950 : i32 to index
          %get3A_970 = arith.index_cast %mul3A_968 : i32 to index
          %get3A_971 = tpu.vector_load %arg19[%get3A_969, %get3A_970] {strides = array<i32>} : memref<16x512xf32, #tpu.memory_space<vmem>>, vector<16xf32>,
          %mul3A_972 = arith.constant 16 : i32
          %mul3A_973 = arith.muli %select_n3A_966, %mul3A_972 : i32
          %swap3A_974 = arith.index_cast %select_n3A_950 : i32 to index
          %swap3A_975 = arith.index_cast %mul3A_973 : i32 to index
          %swap3A_976 = tpu.vector_load %arg18[%swap3A_974, %swap3A_975] {strides = array<i32>} : memref<16x512xf32, #tpu.memory_space<vmem>>, vector<16xf32>,
          tpu.vector_store %arg18[%swap3A_974, %swap3A_975], %get3A_971 {add = true, strides = array<i32>} : memref<16x512xf32, #tpu.memory_space<vmem>>, vector<16xf32>,
          %scan3A_977 = arith.constant 15 : i32
          %scan3A_978 = arith.addi %scan3A_198, %scan3A_977 : i32
          %jit3A_979 = arith.constant 32 : i32
          %div3A_980 = arith.divsi %scan3A_978, %jit3A_979 : i32
          %sign3A_981 = arith.constant 0 : i32
          %sign3A_982 = arith.cmpi sgt, %scan3A_978, %sign3A_981 : i32
          %sign3A_983 = arith.extui %sign3A_982 : i1 to i32
          %sign3A_984 = arith.constant 0 : i32
          %sign3A_985 = arith.cmpi slt, %scan3A_978, %sign3A_984 : i32
          %sign3A_986 = arith.extui %sign3A_985 : i1 to i32
          %sign3A_987 = arith.subi %sign3A_983, %sign3A_986 : i32
          %sign3A_988 = arith.constant 0 : i32
          %sign3A_989 = arith.cmpi sgt, %jit3A_979, %sign3A_988 : i32
          %sign3A_990 = arith.extui %sign3A_989 : i1 to i32
          %sign3A_991 = arith.constant 0 : i32
          %sign3A_992 = arith.cmpi slt, %jit3A_979, %sign3A_991 : i32
          %sign3A_993 = arith.extui %sign3A_992 : i1 to i32
          %sign3A_994 = arith.subi %sign3A_990, %sign3A_993 : i32
          %ne3A_995 = arith.cmpi ne, %sign3A_987, %sign3A_994 : i32
          %rem3A_996 = arith.remsi %scan3A_978, %jit3A_979 : i32
          %ne3A_997 = arith.constant 0 : i32
          %ne3A_998 = arith.cmpi ne, %rem3A_996, %ne3A_997 : i32
          %and3A_999 = arith.andi %ne3A_995, %ne3A_998 : i1
          %sub3A_1000 = arith.constant 1 : i32
          %sub3A_1001 = arith.subi %div3A_980, %sub3A_1000 : i32
          %select_n3A_1002 = arith.select %and3A_999, %sub3A_1001, %div3A_980 : i32
          %jit3A_1003 = arith.constant 32 : i32
          %eq3A_1004 = arith.constant 0 : i32
          %eq3A_1005 = arith.cmpi eq, %jit3A_1003, %eq3A_1004 : i32
          %jit3A_1006 = arith.constant 1 : i32
          %select_n3A_1007 = arith.select %eq3A_1005, %jit3A_1006, %jit3A_1003 : i32
          %rem3A_1008 = arith.remsi %scan3A_978, %select_n3A_1007 : i32
          %ne3A_1009 = arith.constant 0 : i32
          %ne3A_1010 = arith.cmpi ne, %rem3A_1008, %ne3A_1009 : i32
          %lt3A_1011 = arith.constant 0 : i32
          %lt3A_1012 = arith.cmpi slt, %rem3A_1008, %lt3A_1011 : i32
          %lt3A_1013 = arith.constant 0 : i32
          %lt3A_1014 = arith.cmpi slt, %select_n3A_1007, %lt3A_1013 : i32
          %ne3A_1015 = arith.xori %lt3A_1012, %lt3A_1014 : i1
          %and3A_1016 = arith.andi %ne3A_1015, %ne3A_1010 : i1
          %add3A_1017 = arith.addi %rem3A_1008, %select_n3A_1007 : i32
          %select_n3A_1018 = arith.select %and3A_1016, %add3A_1017, %rem3A_1008 : i32
          %mul3A_1019 = arith.constant 16 : i32
          %mul3A_1020 = arith.muli %select_n3A_1018, %mul3A_1019 : i32
          %get3A_1021 = arith.index_cast %select_n3A_1002 : i32 to index
          %get3A_1022 = arith.index_cast %mul3A_1020 : i32 to index
          %get3A_1023 = tpu.vector_load %arg19[%get3A_1021, %get3A_1022] {strides = array<i32>} : memref<16x512xf32, #tpu.memory_space<vmem>>, vector<16xf32>,
          %mul3A_1024 = arith.constant 16 : i32
          %mul3A_1025 = arith.muli %select_n3A_1018, %mul3A_1024 : i32
          %swap3A_1026 = arith.index_cast %select_n3A_1002 : i32 to index
          %swap3A_1027 = arith.index_cast %mul3A_1025 : i32 to index
          %swap3A_1028 = tpu.vector_load %arg18[%swap3A_1026, %swap3A_1027] {strides = array<i32>} : memref<16x512xf32, #tpu.memory_space<vmem>>, vector<16xf32>,
          tpu.vector_store %arg18[%swap3A_1026, %swap3A_1027], %get3A_1023 {add = true, strides = array<i32>} : memref<16x512xf32, #tpu.memory_space<vmem>>, vector<16xf32>,
        }
        %scan3A_191 = arith.constant 512 : i32
        %dma_start3A_192 = arith.constant 0 : i32
        %dma_start3A_193 = arith.constant 0 : i32
        %dma_start3A_194 = tpu.memref_slice %arg2[%dma_start3A_192, %dma_start3A_193] : memref<100000x512xf32, #tpu.memory_space<hbm>> -> memref<100000x512xf32, #tpu.memory_space<hbm>>
        tpu.enqueue_indirect_dma source(%arg18 : memref<16x512xf32, #tpu.memory_space<vmem>>) target(%dma_start3A_194 : memref<100000x512xf32, #tpu.memory_space<hbm>>) offsets(%arg20 : memref<16xi32, #tpu.memory_space<vmem>>) semaphore(%arg23 : memref<!tpu.dma_semaphore, #tpu.memory_space<semaphore_mem>>)
        %dma_wait3A_195 = arith.constant 0 : i32
        %dma_wait3A_196 = arith.constant 0 : i32
        %dma_wait3A_197 = tpu.memref_slice %arg2[%dma_wait3A_195, %dma_wait3A_196] : memref<100000x512xf32, #tpu.memory_space<hbm>> -> memref<100000x512xf32, #tpu.memory_space<hbm>>
        tpu.wait_indirect_dma semaphore(%arg23 : memref<!tpu.dma_semaphore, #tpu.memory_space<semaphore_mem>>) src(%arg18 : memref<16x512xf32, #tpu.memory_space<vmem>>) dst(%dma_wait3A_197 : memref<100000x512xf32, #tpu.memory_space<hbm>>)
      }
      %while3A_164 = arith.constant 1 : i32
      scf.for %while3A_165 = %while3A_162 to %while3A_158 step %while3A_164  : i32 {
        %eq3A = vector.broadcast %while3A_165 : i32 to vector<16xi32>
        %eq3A_166 = arith.cmpi eq, %sub3A_142, %eq3A : vector<16xi32>
        %and3A_167 = arith.andi %lt3A_129, %eq3A_166 : vector<16xi1>
        %all_reduce_ffs3A = tpu.all_reduce %and3A_167 {dim = 0 : i64, kind = #tpu.reduction_kind<find_first_set>} : vector<16xi1> -> vector<16xi32>
        %add3A_168 = vector.broadcast %mul3A_126 : i32 to vector<16xi32>
        %add3A_169 = arith.addi %add3A_168, %all_reduce_ffs3A : vector<16xi32>
        %gather3A = tpu.vector_load_idx %arg11[%add3A_169] : memref<16384xi32, #tpu.memory_space<vmem>>[vector<16xi32>], vector<16xi32>,
        %select_n3A_170 = arith.select %and3A_167, %get3A_130, %gather3A : vector<16xi1>, vector<16xi32>
        %swap3A = arith.constant 0 : index
        %swap3A_171 = tpu.vector_load %arg20[%swap3A] {strides = array<i32>} : memref<16xi32, #tpu.memory_space<vmem>>, vector<16xi32>,
        tpu.vector_store %arg20[%swap3A], %select_n3A_170 {strides = array<i32>} : memref<16xi32, #tpu.memory_space<vmem>>, vector<16xi32>,
        %gather3A_172 = tpu.vector_load_idx %arg12[%add3A_169] : memref<16384xi32, #tpu.memory_space<vmem>>[vector<16xi32>], vector<16xi32>,
        %select_n3A_173 = arith.select %and3A_167, %get3A_132, %gather3A_172 : vector<16xi1>, vector<16xi32>
        %swap3A_174 = arith.constant 0 : index
        %swap3A_175 = tpu.vector_load %arg21[%swap3A_174] {strides = array<i32>} : memref<16xi32, #tpu.memory_space<vmem>>, vector<16xi32>,
        tpu.vector_store %arg21[%swap3A_174], %select_n3A_173 {strides = array<i32>} : memref<16xi32, #tpu.memory_space<vmem>>, vector<16xi32>,
        %dma_start3A = arith.constant 0 : i32
        %dma_start3A_176 = arith.constant 0 : i32
        %dma_start3A_177 = tpu.memref_slice %arg2[%dma_start3A, %dma_start3A_176] : memref<100000x512xf32, #tpu.memory_space<hbm>> -> memref<100000x512xf32, #tpu.memory_space<hbm>>
        tpu.enqueue_indirect_dma source(%dma_start3A_177 : memref<100000x512xf32, #tpu.memory_space<hbm>>) target(%arg18 : memref<16x512xf32, #tpu.memory_space<vmem>>) offsets(%arg20 : memref<16xi32, #tpu.memory_space<vmem>>) semaphore(%arg22 : memref<!tpu.dma_semaphore, #tpu.memory_space<semaphore_mem>>)
        %dma_start3A_178 = arith.constant 0 : i32
        %dma_start3A_179 = arith.constant 0 : i32
        %dma_start3A_180 = tpu.memref_slice %arg5[%dma_start3A_178, %dma_start3A_179] : memref<16384x512xf32, #tpu.memory_space<hbm>> -> memref<16384x512xf32, #tpu.memory_space<hbm>>
        tpu.enqueue_indirect_dma source(%dma_start3A_180 : memref<16384x512xf32, #tpu.memory_space<hbm>>) target(%arg19 : memref<16x512xf32, #tpu.memory_space<vmem>>) offsets(%arg21 : memref<16xi32, #tpu.memory_space<vmem>>) semaphore(%arg22 : memref<!tpu.dma_semaphore, #tpu.memory_space<semaphore_mem>>)
        %dma_wait3A = arith.constant 0 : i32
        %dma_wait3A_181 = arith.constant 0 : i32
        %dma_wait3A_182 = tpu.memref_slice %arg5[%dma_wait3A, %dma_wait3A_181] : memref<16384x512xf32, #tpu.memory_space<hbm>> -> memref<16384x512xf32, #tpu.memory_space<hbm>>
        tpu.wait_indirect_dma semaphore(%arg22 : memref<!tpu.dma_semaphore, #tpu.memory_space<semaphore_mem>>) src(%dma_wait3A_182 : memref<16384x512xf32, #tpu.memory_space<hbm>>) dst(%arg19 : memref<16x512xf32, #tpu.memory_space<vmem>>)
        %dma_wait3A_183 = arith.constant 0 : i32
        %dma_wait3A_184 = arith.constant 0 : i32
        %dma_wait3A_185 = tpu.memref_slice %arg2[%dma_wait3A_183, %dma_wait3A_184] : memref<100000x512xf32, #tpu.memory_space<hbm>> -> memref<100000x512xf32, #tpu.memory_space<hbm>>
        tpu.wait_indirect_dma semaphore(%arg22 : memref<!tpu.dma_semaphore, #tpu.memory_space<semaphore_mem>>) src(%dma_wait3A_185 : memref<100000x512xf32, #tpu.memory_space<hbm>>) dst(%arg18 : memref<16x512xf32, #tpu.memory_space<vmem>>)
        %scan3A_186 = arith.constant 0 : i32
        %scan3A_187 = arith.constant 0 : i32
        %scan3A_188 = arith.constant 512 : i32
        %scan3A_189 = arith.addi %scan3A_187, %scan3A_188 : i32
        %scan3A_190 = arith.constant 16 : i32
        scf.for %scan3A_198 = %scan3A_187 to %scan3A_189 step %scan3A_190  : i32 {
          %jit3A_199 = arith.constant 32 : i32
          %div3A_200 = arith.divsi %scan3A_198, %jit3A_199 : i32
          %sign3A_201 = arith.constant 0 : i32
          %sign3A_202 = arith.cmpi sgt, %scan3A_198, %sign3A_201 : i32
          %sign3A_203 = arith.extui %sign3A_202 : i1 to i32
          %sign3A_204 = arith.constant 0 : i32
          %sign3A_205 = arith.cmpi slt, %scan3A_198, %sign3A_204 : i32
          %sign3A_206 = arith.extui %sign3A_205 : i1 to i32
          %sign3A_207 = arith.subi %sign3A_203, %sign3A_206 : i32
          %sign3A_208 = arith.constant 0 : i32
          %sign3A_209 = arith.cmpi sgt, %jit3A_199, %sign3A_208 : i32
          %sign3A_210 = arith.extui %sign3A_209 : i1 to i32
          %sign3A_211 = arith.constant 0 : i32
          %sign3A_212 = arith.cmpi slt, %jit3A_199, %sign3A_211 : i32
          %sign3A_213 = arith.extui %sign3A_212 : i1 to i32
          %sign3A_214 = arith.subi %sign3A_210, %sign3A_213 : i32
          %ne3A_215 = arith.cmpi ne, %sign3A_207, %sign3A_214 : i32
          %rem3A_216 = arith.remsi %scan3A_198, %jit3A_199 : i32
          %ne3A_217 = arith.constant 0 : i32
          %ne3A_218 = arith.cmpi ne, %rem3A_216, %ne3A_217 : i32
          %and3A_219 = arith.andi %ne3A_215, %ne3A_218 : i1
          %sub3A_220 = arith.constant 1 : i32
          %sub3A_221 = arith.subi %div3A_200, %sub3A_220 : i32
          %select_n3A_222 = arith.select %and3A_219, %sub3A_221, %div3A_200 : i32
          %jit3A_223 = arith.constant 32 : i32
          %eq3A_224 = arith.constant 0 : i32
          %eq3A_225 = arith.cmpi eq, %jit3A_223, %eq3A_224 : i32
          %jit3A_226 = arith.constant 1 : i32
          %select_n3A_227 = arith.select %eq3A_225, %jit3A_226, %jit3A_223 : i32
          %rem3A_228 = arith.remsi %scan3A_198, %select_n3A_227 : i32
          %ne3A_229 = arith.constant 0 : i32
          %ne3A_230 = arith.cmpi ne, %rem3A_228, %ne3A_229 : i32
          %lt3A_231 = arith.constant 0 : i32
          %lt3A_232 = arith.cmpi slt, %rem3A_228, %lt3A_231 : i32
          %lt3A_233 = arith.constant 0 : i32
          %lt3A_234 = arith.cmpi slt, %select_n3A_227, %lt3A_233 : i32
          %ne3A_235 = arith.xori %lt3A_232, %lt3A_234 : i1
          %and3A_236 = arith.andi %ne3A_235, %ne3A_230 : i1
          %add3A_237 = arith.addi %rem3A_228, %select_n3A_227 : i32
          %select_n3A_238 = arith.select %and3A_236, %add3A_237, %rem3A_228 : i32
          %mul3A_239 = arith.constant 16 : i32
          %mul3A_240 = arith.muli %select_n3A_238, %mul3A_239 : i32
          %get3A_241 = arith.index_cast %select_n3A_222 : i32 to index
          %get3A_242 = arith.index_cast %mul3A_240 : i32 to index
          %get3A_243 = tpu.vector_load %arg19[%get3A_241, %get3A_242] {strides = array<i32>} : memref<16x512xf32, #tpu.memory_space<vmem>>, vector<16xf32>,
          %mul3A_244 = arith.constant 16 : i32
          %mul3A_245 = arith.muli %select_n3A_238, %mul3A_244 : i32
          %swap3A_246 = arith.index_cast %select_n3A_222 : i32 to index
          %swap3A_247 = arith.index_cast %mul3A_245 : i32 to index
          %swap3A_248 = tpu.vector_load %arg18[%swap3A_246, %swap3A_247] {strides = array<i32>} : memref<16x512xf32, #tpu.memory_space<vmem>>, vector<16xf32>,
          tpu.vector_store %arg18[%swap3A_246, %swap3A_247], %get3A_243 {add = true, strides = array<i32>} : memref<16x512xf32, #tpu.memory_space<vmem>>, vector<16xf32>,
          %scan3A_249 = arith.constant 1 : i32
          %scan3A_250 = arith.addi %scan3A_198, %scan3A_249 : i32
          %jit3A_251 = arith.constant 32 : i32
          %div3A_252 = arith.divsi %scan3A_250, %jit3A_251 : i32
          %sign3A_253 = arith.constant 0 : i32
          %sign3A_254 = arith.cmpi sgt, %scan3A_250, %sign3A_253 : i32
          %sign3A_255 = arith.extui %sign3A_254 : i1 to i32
          %sign3A_256 = arith.constant 0 : i32
          %sign3A_257 = arith.cmpi slt, %scan3A_250, %sign3A_256 : i32
          %sign3A_258 = arith.extui %sign3A_257 : i1 to i32
          %sign3A_259 = arith.subi %sign3A_255, %sign3A_258 : i32
          %sign3A_260 = arith.constant 0 : i32
          %sign3A_261 = arith.cmpi sgt, %jit3A_251, %sign3A_260 : i32
          %sign3A_262 = arith.extui %sign3A_261 : i1 to i32
          %sign3A_263 = arith.constant 0 : i32
          %sign3A_264 = arith.cmpi slt, %jit3A_251, %sign3A_263 : i32
          %sign3A_265 = arith.extui %sign3A_264 : i1 to i32
          %sign3A_266 = arith.subi %sign3A_262, %sign3A_265 : i32
          %ne3A_267 = arith.cmpi ne, %sign3A_259, %sign3A_266 : i32
          %rem3A_268 = arith.remsi %scan3A_250, %jit3A_251 : i32
          %ne3A_269 = arith.constant 0 : i32
          %ne3A_270 = arith.cmpi ne, %rem3A_268, %ne3A_269 : i32
          %and3A_271 = arith.andi %ne3A_267, %ne3A_270 : i1
          %sub3A_272 = arith.constant 1 : i32
          %sub3A_273 = arith.subi %div3A_252, %sub3A_272 : i32
          %select_n3A_274 = arith.select %and3A_271, %sub3A_273, %div3A_252 : i32
          %jit3A_275 = arith.constant 32 : i32
          %eq3A_276 = arith.constant 0 : i32
          %eq3A_277 = arith.cmpi eq, %jit3A_275, %eq3A_276 : i32
          %jit3A_278 = arith.constant 1 : i32
          %select_n3A_279 = arith.select %eq3A_277, %jit3A_278, %jit3A_275 : i32
          %rem3A_280 = arith.remsi %scan3A_250, %select_n3A_279 : i32
          %ne3A_281 = arith.constant 0 : i32
          %ne3A_282 = arith.cmpi ne, %rem3A_280, %ne3A_281 : i32
          %lt3A_283 = arith.constant 0 : i32
          %lt3A_284 = arith.cmpi slt, %rem3A_280, %lt3A_283 : i32
          %lt3A_285 = arith.constant 0 : i32
          %lt3A_286 = arith.cmpi slt, %select_n3A_279, %lt3A_285 : i32
          %ne3A_287 = arith.xori %lt3A_284, %lt3A_286 : i1
          %and3A_288 = arith.andi %ne3A_287, %ne3A_282 : i1
          %add3A_289 = arith.addi %rem3A_280, %select_n3A_279 : i32
          %select_n3A_290 = arith.select %and3A_288, %add3A_289, %rem3A_280 : i32
          %mul3A_291 = arith.constant 16 : i32
          %mul3A_292 = arith.muli %select_n3A_290, %mul3A_291 : i32
          %get3A_293 = arith.index_cast %select_n3A_274 : i32 to index
          %get3A_294 = arith.index_cast %mul3A_292 : i32 to index
          %get3A_295 = tpu.vector_load %arg19[%get3A_293, %get3A_294] {strides = array<i32>} : memref<16x512xf32, #tpu.memory_space<vmem>>, vector<16xf32>,
          %mul3A_296 = arith.constant 16 : i32
          %mul3A_297 = arith.muli %select_n3A_290, %mul3A_296 : i32
          %swap3A_298 = arith.index_cast %select_n3A_274 : i32 to index
          %swap3A_299 = arith.index_cast %mul3A_297 : i32 to index
          %swap3A_300 = tpu.vector_load %arg18[%swap3A_298, %swap3A_299] {strides = array<i32>} : memref<16x512xf32, #tpu.memory_space<vmem>>, vector<16xf32>,
          tpu.vector_store %arg18[%swap3A_298, %swap3A_299], %get3A_295 {add = true, strides = array<i32>} : memref<16x512xf32, #tpu.memory_space<vmem>>, vector<16xf32>,
          %scan3A_301 = arith.constant 2 : i32
          %scan3A_302 = arith.addi %scan3A_198, %scan3A_301 : i32
          %jit3A_303 = arith.constant 32 : i32
          %div3A_304 = arith.divsi %scan3A_302, %jit3A_303 : i32
          %sign3A_305 = arith.constant 0 : i32
          %sign3A_306 = arith.cmpi sgt, %scan3A_302, %sign3A_305 : i32
          %sign3A_307 = arith.extui %sign3A_306 : i1 to i32
          %sign3A_308 = arith.constant 0 : i32
          %sign3A_309 = arith.cmpi slt, %scan3A_302, %sign3A_308 : i32
          %sign3A_310 = arith.extui %sign3A_309 : i1 to i32
          %sign3A_311 = arith.subi %sign3A_307, %sign3A_310 : i32
          %sign3A_312 = arith.constant 0 : i32
          %sign3A_313 = arith.cmpi sgt, %jit3A_303, %sign3A_312 : i32
          %sign3A_314 = arith.extui %sign3A_313 : i1 to i32
          %sign3A_315 = arith.constant 0 : i32
          %sign3A_316 = arith.cmpi slt, %jit3A_303, %sign3A_315 : i32
          %sign3A_317 = arith.extui %sign3A_316 : i1 to i32
          %sign3A_318 = arith.subi %sign3A_314, %sign3A_317 : i32
          %ne3A_319 = arith.cmpi ne, %sign3A_311, %sign3A_318 : i32
          %rem3A_320 = arith.remsi %scan3A_302, %jit3A_303 : i32
          %ne3A_321 = arith.constant 0 : i32
          %ne3A_322 = arith.cmpi ne, %rem3A_320, %ne3A_321 : i32
          %and3A_323 = arith.andi %ne3A_319, %ne3A_322 : i1
          %sub3A_324 = arith.constant 1 : i32
          %sub3A_325 = arith.subi %div3A_304, %sub3A_324 : i32
          %select_n3A_326 = arith.select %and3A_323, %sub3A_325, %div3A_304 : i32
          %jit3A_327 = arith.constant 32 : i32
          %eq3A_328 = arith.constant 0 : i32
          %eq3A_329 = arith.cmpi eq, %jit3A_327, %eq3A_328 : i32
          %jit3A_330 = arith.constant 1 : i32
          %select_n3A_331 = arith.select %eq3A_329, %jit3A_330, %jit3A_327 : i32
          %rem3A_332 = arith.remsi %scan3A_302, %select_n3A_331 : i32
          %ne3A_333 = arith.constant 0 : i32
          %ne3A_334 = arith.cmpi ne, %rem3A_332, %ne3A_333 : i32
          %lt3A_335 = arith.constant 0 : i32
          %lt3A_336 = arith.cmpi slt, %rem3A_332, %lt3A_335 : i32
          %lt3A_337 = arith.constant 0 : i32
          %lt3A_338 = arith.cmpi slt, %select_n3A_331, %lt3A_337 : i32
          %ne3A_339 = arith.xori %lt3A_336, %lt3A_338 : i1
          %and3A_340 = arith.andi %ne3A_339, %ne3A_334 : i1
          %add3A_341 = arith.addi %rem3A_332, %select_n3A_331 : i32
          %select_n3A_342 = arith.select %and3A_340, %add3A_341, %rem3A_332 : i32
          %mul3A_343 = arith.constant 16 : i32
          %mul3A_344 = arith.muli %select_n3A_342, %mul3A_343 : i32
          %get3A_345 = arith.index_cast %select_n3A_326 : i32 to index
          %get3A_346 = arith.index_cast %mul3A_344 : i32 to index
          %get3A_347 = tpu.vector_load %arg19[%get3A_345, %get3A_346] {strides = array<i32>} : memref<16x512xf32, #tpu.memory_space<vmem>>, vector<16xf32>,
          %mul3A_348 = arith.constant 16 : i32
          %mul3A_349 = arith.muli %select_n3A_342, %mul3A_348 : i32
          %swap3A_350 = arith.index_cast %select_n3A_326 : i32 to index
          %swap3A_351 = arith.index_cast %mul3A_349 : i32 to index
          %swap3A_352 = tpu.vector_load %arg18[%swap3A_350, %swap3A_351] {strides = array<i32>} : memref<16x512xf32, #tpu.memory_space<vmem>>, vector<16xf32>,
          tpu.vector_store %arg18[%swap3A_350, %swap3A_351], %get3A_347 {add = true, strides = array<i32>} : memref<16x512xf32, #tpu.memory_space<vmem>>, vector<16xf32>,
          %scan3A_353 = arith.constant 3 : i32
          %scan3A_354 = arith.addi %scan3A_198, %scan3A_353 : i32
          %jit3A_355 = arith.constant 32 : i32
          %div3A_356 = arith.divsi %scan3A_354, %jit3A_355 : i32
          %sign3A_357 = arith.constant 0 : i32
          %sign3A_358 = arith.cmpi sgt, %scan3A_354, %sign3A_357 : i32
          %sign3A_359 = arith.extui %sign3A_358 : i1 to i32
          %sign3A_360 = arith.constant 0 : i32
          %sign3A_361 = arith.cmpi slt, %scan3A_354, %sign3A_360 : i32
          %sign3A_362 = arith.extui %sign3A_361 : i1 to i32
          %sign3A_363 = arith.subi %sign3A_359, %sign3A_362 : i32
          %sign3A_364 = arith.constant 0 : i32
          %sign3A_365 = arith.cmpi sgt, %jit3A_355, %sign3A_364 : i32
          %sign3A_366 = arith.extui %sign3A_365 : i1 to i32
          %sign3A_367 = arith.constant 0 : i32
          %sign3A_368 = arith.cmpi slt, %jit3A_355, %sign3A_367 : i32
          %sign3A_369 = arith.extui %sign3A_368 : i1 to i32
          %sign3A_370 = arith.subi %sign3A_366, %sign3A_369 : i32
          %ne3A_371 = arith.cmpi ne, %sign3A_363, %sign3A_370 : i32
          %rem3A_372 = arith.remsi %scan3A_354, %jit3A_355 : i32
          %ne3A_373 = arith.constant 0 : i32
          %ne3A_374 = arith.cmpi ne, %rem3A_372, %ne3A_373 : i32
          %and3A_375 = arith.andi %ne3A_371, %ne3A_374 : i1
          %sub3A_376 = arith.constant 1 : i32
          %sub3A_377 = arith.subi %div3A_356, %sub3A_376 : i32
          %select_n3A_378 = arith.select %and3A_375, %sub3A_377, %div3A_356 : i32
          %jit3A_379 = arith.constant 32 : i32
          %eq3A_380 = arith.constant 0 : i32
          %eq3A_381 = arith.cmpi eq, %jit3A_379, %eq3A_380 : i32
          %jit3A_382 = arith.constant 1 : i32
          %select_n3A_383 = arith.select %eq3A_381, %jit3A_382, %jit3A_379 : i32
          %rem3A_384 = arith.remsi %scan3A_354, %select_n3A_383 : i32
          %ne3A_385 = arith.constant 0 : i32
          %ne3A_386 = arith.cmpi ne, %rem3A_384, %ne3A_385 : i32
          %lt3A_387 = arith.constant 0 : i32
          %lt3A_388 = arith.cmpi slt, %rem3A_384, %lt3A_387 : i32
          %lt3A_389 = arith.constant 0 : i32
          %lt3A_390 = arith.cmpi slt, %select_n3A_383, %lt3A_389 : i32
          %ne3A_391 = arith.xori %lt3A_388, %lt3A_390 : i1
          %and3A_392 = arith.andi %ne3A_391, %ne3A_386 : i1
          %add3A_393 = arith.addi %rem3A_384, %select_n3A_383 : i32
          %select_n3A_394 = arith.select %and3A_392, %add3A_393, %rem3A_384 : i32
          %mul3A_395 = arith.constant 16 : i32
          %mul3A_396 = arith.muli %select_n3A_394, %mul3A_395 : i32
          %get3A_397 = arith.index_cast %select_n3A_378 : i32 to index
          %get3A_398 = arith.index_cast %mul3A_396 : i32 to index
          %get3A_399 = tpu.vector_load %arg19[%get3A_397, %get3A_398] {strides = array<i32>} : memref<16x512xf32, #tpu.memory_space<vmem>>, vector<16xf32>,
          %mul3A_400 = arith.constant 16 : i32
          %mul3A_401 = arith.muli %select_n3A_394, %mul3A_400 : i32
          %swap3A_402 = arith.index_cast %select_n3A_378 : i32 to index
          %swap3A_403 = arith.index_cast %mul3A_401 : i32 to index
          %swap3A_404 = tpu.vector_load %arg18[%swap3A_402, %swap3A_403] {strides = array<i32>} : memref<16x512xf32, #tpu.memory_space<vmem>>, vector<16xf32>,
          tpu.vector_store %arg18[%swap3A_402, %swap3A_403], %get3A_399 {add = true, strides = array<i32>} : memref<16x512xf32, #tpu.memory_space<vmem>>, vector<16xf32>,
          %scan3A_405 = arith.constant 4 : i32
          %scan3A_406 = arith.addi %scan3A_198, %scan3A_405 : i32
          %jit3A_407 = arith.constant 32 : i32
          %div3A_408 = arith.divsi %scan3A_406, %jit3A_407 : i32
          %sign3A_409 = arith.constant 0 : i32
          %sign3A_410 = arith.cmpi sgt, %scan3A_406, %sign3A_409 : i32
          %sign3A_411 = arith.extui %sign3A_410 : i1 to i32
          %sign3A_412 = arith.constant 0 : i32
          %sign3A_413 = arith.cmpi slt, %scan3A_406, %sign3A_412 : i32
          %sign3A_414 = arith.extui %sign3A_413 : i1 to i32
          %sign3A_415 = arith.subi %sign3A_411, %sign3A_414 : i32
          %sign3A_416 = arith.constant 0 : i32
          %sign3A_417 = arith.cmpi sgt, %jit3A_407, %sign3A_416 : i32
          %sign3A_418 = arith.extui %sign3A_417 : i1 to i32
          %sign3A_419 = arith.constant 0 : i32
          %sign3A_420 = arith.cmpi slt, %jit3A_407, %sign3A_419 : i32
          %sign3A_421 = arith.extui %sign3A_420 : i1 to i32
          %sign3A_422 = arith.subi %sign3A_418, %sign3A_421 : i32
          %ne3A_423 = arith.cmpi ne, %sign3A_415, %sign3A_422 : i32
          %rem3A_424 = arith.remsi %scan3A_406, %jit3A_407 : i32
          %ne3A_425 = arith.constant 0 : i32
          %ne3A_426 = arith.cmpi ne, %rem3A_424, %ne3A_425 : i32
          %and3A_427 = arith.andi %ne3A_423, %ne3A_426 : i1
          %sub3A_428 = arith.constant 1 : i32
          %sub3A_429 = arith.subi %div3A_408, %sub3A_428 : i32
          %select_n3A_430 = arith.select %and3A_427, %sub3A_429, %div3A_408 : i32
          %jit3A_431 = arith.constant 32 : i32
          %eq3A_432 = arith.constant 0 : i32
          %eq3A_433 = arith.cmpi eq, %jit3A_431, %eq3A_432 : i32
          %jit3A_434 = arith.constant 1 : i32
          %select_n3A_435 = arith.select %eq3A_433, %jit3A_434, %jit3A_431 : i32
          %rem3A_436 = arith.remsi %scan3A_406, %select_n3A_435 : i32
          %ne3A_437 = arith.constant 0 : i32
          %ne3A_438 = arith.cmpi ne, %rem3A_436, %ne3A_437 : i32
          %lt3A_439 = arith.constant 0 : i32
          %lt3A_440 = arith.cmpi slt, %rem3A_436, %lt3A_439 : i32
          %lt3A_441 = arith.constant 0 : i32
          %lt3A_442 = arith.cmpi slt, %select_n3A_435, %lt3A_441 : i32
          %ne3A_443 = arith.xori %lt3A_440, %lt3A_442 : i1
          %and3A_444 = arith.andi %ne3A_443, %ne3A_438 : i1
          %add3A_445 = arith.addi %rem3A_436, %select_n3A_435 : i32
          %select_n3A_446 = arith.select %and3A_444, %add3A_445, %rem3A_436 : i32
          %mul3A_447 = arith.constant 16 : i32
          %mul3A_448 = arith.muli %select_n3A_446, %mul3A_447 : i32
          %get3A_449 = arith.index_cast %select_n3A_430 : i32 to index
          %get3A_450 = arith.index_cast %mul3A_448 : i32 to index
          %get3A_451 = tpu.vector_load %arg19[%get3A_449, %get3A_450] {strides = array<i32>} : memref<16x512xf32, #tpu.memory_space<vmem>>, vector<16xf32>,
          %mul3A_452 = arith.constant 16 : i32
          %mul3A_453 = arith.muli %select_n3A_446, %mul3A_452 : i32
          %swap3A_454 = arith.index_cast %select_n3A_430 : i32 to index
          %swap3A_455 = arith.index_cast %mul3A_453 : i32 to index
          %swap3A_456 = tpu.vector_load %arg18[%swap3A_454, %swap3A_455] {strides = array<i32>} : memref<16x512xf32, #tpu.memory_space<vmem>>, vector<16xf32>,
          tpu.vector_store %arg18[%swap3A_454, %swap3A_455], %get3A_451 {add = true, strides = array<i32>} : memref<16x512xf32, #tpu.memory_space<vmem>>, vector<16xf32>,
          %scan3A_457 = arith.constant 5 : i32
          %scan3A_458 = arith.addi %scan3A_198, %scan3A_457 : i32
          %jit3A_459 = arith.constant 32 : i32
          %div3A_460 = arith.divsi %scan3A_458, %jit3A_459 : i32
          %sign3A_461 = arith.constant 0 : i32
          %sign3A_462 = arith.cmpi sgt, %scan3A_458, %sign3A_461 : i32
          %sign3A_463 = arith.extui %sign3A_462 : i1 to i32
          %sign3A_464 = arith.constant 0 : i32
          %sign3A_465 = arith.cmpi slt, %scan3A_458, %sign3A_464 : i32
          %sign3A_466 = arith.extui %sign3A_465 : i1 to i32
          %sign3A_467 = arith.subi %sign3A_463, %sign3A_466 : i32
          %sign3A_468 = arith.constant 0 : i32
          %sign3A_469 = arith.cmpi sgt, %jit3A_459, %sign3A_468 : i32
          %sign3A_470 = arith.extui %sign3A_469 : i1 to i32
          %sign3A_471 = arith.constant 0 : i32
          %sign3A_472 = arith.cmpi slt, %jit3A_459, %sign3A_471 : i32
          %sign3A_473 = arith.extui %sign3A_472 : i1 to i32
          %sign3A_474 = arith.subi %sign3A_470, %sign3A_473 : i32
          %ne3A_475 = arith.cmpi ne, %sign3A_467, %sign3A_474 : i32
          %rem3A_476 = arith.remsi %scan3A_458, %jit3A_459 : i32
          %ne3A_477 = arith.constant 0 : i32
          %ne3A_478 = arith.cmpi ne, %rem3A_476, %ne3A_477 : i32
          %and3A_479 = arith.andi %ne3A_475, %ne3A_478 : i1
          %sub3A_480 = arith.constant 1 : i32
          %sub3A_481 = arith.subi %div3A_460, %sub3A_480 : i32
          %select_n3A_482 = arith.select %and3A_479, %sub3A_481, %div3A_460 : i32
          %jit3A_483 = arith.constant 32 : i32
          %eq3A_484 = arith.constant 0 : i32
          %eq3A_485 = arith.cmpi eq, %jit3A_483, %eq3A_484 : i32
          %jit3A_486 = arith.constant 1 : i32
          %select_n3A_487 = arith.select %eq3A_485, %jit3A_486, %jit3A_483 : i32
          %rem3A_488 = arith.remsi %scan3A_458, %select_n3A_487 : i32
          %ne3A_489 = arith.constant 0 : i32
          %ne3A_490 = arith.cmpi ne, %rem3A_488, %ne3A_489 : i32
          %lt3A_491 = arith.constant 0 : i32
          %lt3A_492 = arith.cmpi slt, %rem3A_488, %lt3A_491 : i32
          %lt3A_493 = arith.constant 0 : i32
          %lt3A_494 = arith.cmpi slt, %select_n3A_487, %lt3A_493 : i32
          %ne3A_495 = arith.xori %lt3A_492, %lt3A_494 : i1
          %and3A_496 = arith.andi %ne3A_495, %ne3A_490 : i1
          %add3A_497 = arith.addi %rem3A_488, %select_n3A_487 : i32
          %select_n3A_498 = arith.select %and3A_496, %add3A_497, %rem3A_488 : i32
          %mul3A_499 = arith.constant 16 : i32
          %mul3A_500 = arith.muli %select_n3A_498, %mul3A_499 : i32
          %get3A_501 = arith.index_cast %select_n3A_482 : i32 to index
          %get3A_502 = arith.index_cast %mul3A_500 : i32 to index
          %get3A_503 = tpu.vector_load %arg19[%get3A_501, %get3A_502] {strides = array<i32>} : memref<16x512xf32, #tpu.memory_space<vmem>>, vector<16xf32>,
          %mul3A_504 = arith.constant 16 : i32
          %mul3A_505 = arith.muli %select_n3A_498, %mul3A_504 : i32
          %swap3A_506 = arith.index_cast %select_n3A_482 : i32 to index
          %swap3A_507 = arith.index_cast %mul3A_505 : i32 to index
          %swap3A_508 = tpu.vector_load %arg18[%swap3A_506, %swap3A_507] {strides = array<i32>} : memref<16x512xf32, #tpu.memory_space<vmem>>, vector<16xf32>,
          tpu.vector_store %arg18[%swap3A_506, %swap3A_507], %get3A_503 {add = true, strides = array<i32>} : memref<16x512xf32, #tpu.memory_space<vmem>>, vector<16xf32>,
          %scan3A_509 = arith.constant 6 : i32
          %scan3A_510 = arith.addi %scan3A_198, %scan3A_509 : i32
          %jit3A_511 = arith.constant 32 : i32
          %div3A_512 = arith.divsi %scan3A_510, %jit3A_511 : i32
          %sign3A_513 = arith.constant 0 : i32
          %sign3A_514 = arith.cmpi sgt, %scan3A_510, %sign3A_513 : i32
          %sign3A_515 = arith.extui %sign3A_514 : i1 to i32
          %sign3A_516 = arith.constant 0 : i32
          %sign3A_517 = arith.cmpi slt, %scan3A_510, %sign3A_516 : i32
          %sign3A_518 = arith.extui %sign3A_517 : i1 to i32
          %sign3A_519 = arith.subi %sign3A_515, %sign3A_518 : i32
          %sign3A_520 = arith.constant 0 : i32
          %sign3A_521 = arith.cmpi sgt, %jit3A_511, %sign3A_520 : i32
          %sign3A_522 = arith.extui %sign3A_521 : i1 to i32
          %sign3A_523 = arith.constant 0 : i32
          %sign3A_524 = arith.cmpi slt, %jit3A_511, %sign3A_523 : i32
          %sign3A_525 = arith.extui %sign3A_524 : i1 to i32
          %sign3A_526 = arith.subi %sign3A_522, %sign3A_525 : i32
          %ne3A_527 = arith.cmpi ne, %sign3A_519, %sign3A_526 : i32
          %rem3A_528 = arith.remsi %scan3A_510, %jit3A_511 : i32
          %ne3A_529 = arith.constant 0 : i32
          %ne3A_530 = arith.cmpi ne, %rem3A_528, %ne3A_529 : i32
          %and3A_531 = arith.andi %ne3A_527, %ne3A_530 : i1
          %sub3A_532 = arith.constant 1 : i32
          %sub3A_533 = arith.subi %div3A_512, %sub3A_532 : i32
          %select_n3A_534 = arith.select %and3A_531, %sub3A_533, %div3A_512 : i32
          %jit3A_535 = arith.constant 32 : i32
          %eq3A_536 = arith.constant 0 : i32
          %eq3A_537 = arith.cmpi eq, %jit3A_535, %eq3A_536 : i32
          %jit3A_538 = arith.constant 1 : i32
          %select_n3A_539 = arith.select %eq3A_537, %jit3A_538, %jit3A_535 : i32
          %rem3A_540 = arith.remsi %scan3A_510, %select_n3A_539 : i32
          %ne3A_541 = arith.constant 0 : i32
          %ne3A_542 = arith.cmpi ne, %rem3A_540, %ne3A_541 : i32
          %lt3A_543 = arith.constant 0 : i32
          %lt3A_544 = arith.cmpi slt, %rem3A_540, %lt3A_543 : i32
          %lt3A_545 = arith.constant 0 : i32
          %lt3A_546 = arith.cmpi slt, %select_n3A_539, %lt3A_545 : i32
          %ne3A_547 = arith.xori %lt3A_544, %lt3A_546 : i1
          %and3A_548 = arith.andi %ne3A_547, %ne3A_542 : i1
          %add3A_549 = arith.addi %rem3A_540, %select_n3A_539 : i32
          %select_n3A_550 = arith.select %and3A_548, %add3A_549, %rem3A_540 : i32
          %mul3A_551 = arith.constant 16 : i32
          %mul3A_552 = arith.muli %select_n3A_550, %mul3A_551 : i32
          %get3A_553 = arith.index_cast %select_n3A_534 : i32 to index
          %get3A_554 = arith.index_cast %mul3A_552 : i32 to index
          %get3A_555 = tpu.vector_load %arg19[%get3A_553, %get3A_554] {strides = array<i32>} : memref<16x512xf32, #tpu.memory_space<vmem>>, vector<16xf32>,
          %mul3A_556 = arith.constant 16 : i32
          %mul3A_557 = arith.muli %select_n3A_550, %mul3A_556 : i32
          %swap3A_558 = arith.index_cast %select_n3A_534 : i32 to index
          %swap3A_559 = arith.index_cast %mul3A_557 : i32 to index
          %swap3A_560 = tpu.vector_load %arg18[%swap3A_558, %swap3A_559] {strides = array<i32>} : memref<16x512xf32, #tpu.memory_space<vmem>>, vector<16xf32>,
          tpu.vector_store %arg18[%swap3A_558, %swap3A_559], %get3A_555 {add = true, strides = array<i32>} : memref<16x512xf32, #tpu.memory_space<vmem>>, vector<16xf32>,
          %scan3A_561 = arith.constant 7 : i32
          %scan3A_562 = arith.addi %scan3A_198, %scan3A_561 : i32
          %jit3A_563 = arith.constant 32 : i32
          %div3A_564 = arith.divsi %scan3A_562, %jit3A_563 : i32
          %sign3A_565 = arith.constant 0 : i32
          %sign3A_566 = arith.cmpi sgt, %scan3A_562, %sign3A_565 : i32
          %sign3A_567 = arith.extui %sign3A_566 : i1 to i32
          %sign3A_568 = arith.constant 0 : i32
          %sign3A_569 = arith.cmpi slt, %scan3A_562, %sign3A_568 : i32
          %sign3A_570 = arith.extui %sign3A_569 : i1 to i32
          %sign3A_571 = arith.subi %sign3A_567, %sign3A_570 : i32
          %sign3A_572 = arith.constant 0 : i32
          %sign3A_573 = arith.cmpi sgt, %jit3A_563, %sign3A_572 : i32
          %sign3A_574 = arith.extui %sign3A_573 : i1 to i32
          %sign3A_575 = arith.constant 0 : i32
          %sign3A_576 = arith.cmpi slt, %jit3A_563, %sign3A_575 : i32
          %sign3A_577 = arith.extui %sign3A_576 : i1 to i32
          %sign3A_578 = arith.subi %sign3A_574, %sign3A_577 : i32
          %ne3A_579 = arith.cmpi ne, %sign3A_571, %sign3A_578 : i32
          %rem3A_580 = arith.remsi %scan3A_562, %jit3A_563 : i32
          %ne3A_581 = arith.constant 0 : i32
          %ne3A_582 = arith.cmpi ne, %rem3A_580, %ne3A_581 : i32
          %and3A_583 = arith.andi %ne3A_579, %ne3A_582 : i1
          %sub3A_584 = arith.constant 1 : i32
          %sub3A_585 = arith.subi %div3A_564, %sub3A_584 : i32
          %select_n3A_586 = arith.select %and3A_583, %sub3A_585, %div3A_564 : i32
          %jit3A_587 = arith.constant 32 : i32
          %eq3A_588 = arith.constant 0 : i32
          %eq3A_589 = arith.cmpi eq, %jit3A_587, %eq3A_588 : i32
          %jit3A_590 = arith.constant 1 : i32
          %select_n3A_591 = arith.select %eq3A_589, %jit3A_590, %jit3A_587 : i32
          %rem3A_592 = arith.remsi %scan3A_562, %select_n3A_591 : i32
          %ne3A_593 = arith.constant 0 : i32
          %ne3A_594 = arith.cmpi ne, %rem3A_592, %ne3A_593 : i32
          %lt3A_595 = arith.constant 0 : i32
          %lt3A_596 = arith.cmpi slt, %rem3A_592, %lt3A_595 : i32
          %lt3A_597 = arith.constant 0 : i32
          %lt3A_598 = arith.cmpi slt, %select_n3A_591, %lt3A_597 : i32
          %ne3A_599 = arith.xori %lt3A_596, %lt3A_598 : i1
          %and3A_600 = arith.andi %ne3A_599, %ne3A_594 : i1
          %add3A_601 = arith.addi %rem3A_592, %select_n3A_591 : i32
          %select_n3A_602 = arith.select %and3A_600, %add3A_601, %rem3A_592 : i32
          %mul3A_603 = arith.constant 16 : i32
          %mul3A_604 = arith.muli %select_n3A_602, %mul3A_603 : i32
          %get3A_605 = arith.index_cast %select_n3A_586 : i32 to index
          %get3A_606 = arith.index_cast %mul3A_604 : i32 to index
          %get3A_607 = tpu.vector_load %arg19[%get3A_605, %get3A_606] {strides = array<i32>} : memref<16x512xf32, #tpu.memory_space<vmem>>, vector<16xf32>,
          %mul3A_608 = arith.constant 16 : i32
          %mul3A_609 = arith.muli %select_n3A_602, %mul3A_608 : i32
          %swap3A_610 = arith.index_cast %select_n3A_586 : i32 to index
          %swap3A_611 = arith.index_cast %mul3A_609 : i32 to index
          %swap3A_612 = tpu.vector_load %arg18[%swap3A_610, %swap3A_611] {strides = array<i32>} : memref<16x512xf32, #tpu.memory_space<vmem>>, vector<16xf32>,
          tpu.vector_store %arg18[%swap3A_610, %swap3A_611], %get3A_607 {add = true, strides = array<i32>} : memref<16x512xf32, #tpu.memory_space<vmem>>, vector<16xf32>,
          %scan3A_613 = arith.constant 8 : i32
          %scan3A_614 = arith.addi %scan3A_198, %scan3A_613 : i32
          %jit3A_615 = arith.constant 32 : i32
          %div3A_616 = arith.divsi %scan3A_614, %jit3A_615 : i32
          %sign3A_617 = arith.constant 0 : i32
          %sign3A_618 = arith.cmpi sgt, %scan3A_614, %sign3A_617 : i32
          %sign3A_619 = arith.extui %sign3A_618 : i1 to i32
          %sign3A_620 = arith.constant 0 : i32
          %sign3A_621 = arith.cmpi slt, %scan3A_614, %sign3A_620 : i32
          %sign3A_622 = arith.extui %sign3A_621 : i1 to i32
          %sign3A_623 = arith.subi %sign3A_619, %sign3A_622 : i32
          %sign3A_624 = arith.constant 0 : i32
          %sign3A_625 = arith.cmpi sgt, %jit3A_615, %sign3A_624 : i32
          %sign3A_626 = arith.extui %sign3A_625 : i1 to i32
          %sign3A_627 = arith.constant 0 : i32
          %sign3A_628 = arith.cmpi slt, %jit3A_615, %sign3A_627 : i32
          %sign3A_629 = arith.extui %sign3A_628 : i1 to i32
          %sign3A_630 = arith.subi %sign3A_626, %sign3A_629 : i32
          %ne3A_631 = arith.cmpi ne, %sign3A_623, %sign3A_630 : i32
          %rem3A_632 = arith.remsi %scan3A_614, %jit3A_615 : i32
          %ne3A_633 = arith.constant 0 : i32
          %ne3A_634 = arith.cmpi ne, %rem3A_632, %ne3A_633 : i32
          %and3A_635 = arith.andi %ne3A_631, %ne3A_634 : i1
          %sub3A_636 = arith.constant 1 : i32
          %sub3A_637 = arith.subi %div3A_616, %sub3A_636 : i32
          %select_n3A_638 = arith.select %and3A_635, %sub3A_637, %div3A_616 : i32
          %jit3A_639 = arith.constant 32 : i32
          %eq3A_640 = arith.constant 0 : i32
          %eq3A_641 = arith.cmpi eq, %jit3A_639, %eq3A_640 : i32
          %jit3A_642 = arith.constant 1 : i32
          %select_n3A_643 = arith.select %eq3A_641, %jit3A_642, %jit3A_639 : i32
          %rem3A_644 = arith.remsi %scan3A_614, %select_n3A_643 : i32
          %ne3A_645 = arith.constant 0 : i32
          %ne3A_646 = arith.cmpi ne, %rem3A_644, %ne3A_645 : i32
          %lt3A_647 = arith.constant 0 : i32
          %lt3A_648 = arith.cmpi slt, %rem3A_644, %lt3A_647 : i32
          %lt3A_649 = arith.constant 0 : i32
          %lt3A_650 = arith.cmpi slt, %select_n3A_643, %lt3A_649 : i32
          %ne3A_651 = arith.xori %lt3A_648, %lt3A_650 : i1
          %and3A_652 = arith.andi %ne3A_651, %ne3A_646 : i1
          %add3A_653 = arith.addi %rem3A_644, %select_n3A_643 : i32
          %select_n3A_654 = arith.select %and3A_652, %add3A_653, %rem3A_644 : i32
          %mul3A_655 = arith.constant 16 : i32
          %mul3A_656 = arith.muli %select_n3A_654, %mul3A_655 : i32
          %get3A_657 = arith.index_cast %select_n3A_638 : i32 to index
          %get3A_658 = arith.index_cast %mul3A_656 : i32 to index
          %get3A_659 = tpu.vector_load %arg19[%get3A_657, %get3A_658] {strides = array<i32>} : memref<16x512xf32, #tpu.memory_space<vmem>>, vector<16xf32>,
          %mul3A_660 = arith.constant 16 : i32
          %mul3A_661 = arith.muli %select_n3A_654, %mul3A_660 : i32
          %swap3A_662 = arith.index_cast %select_n3A_638 : i32 to index
          %swap3A_663 = arith.index_cast %mul3A_661 : i32 to index
          %swap3A_664 = tpu.vector_load %arg18[%swap3A_662, %swap3A_663] {strides = array<i32>} : memref<16x512xf32, #tpu.memory_space<vmem>>, vector<16xf32>,
          tpu.vector_store %arg18[%swap3A_662, %swap3A_663], %get3A_659 {add = true, strides = array<i32>} : memref<16x512xf32, #tpu.memory_space<vmem>>, vector<16xf32>,
          %scan3A_665 = arith.constant 9 : i32
          %scan3A_666 = arith.addi %scan3A_198, %scan3A_665 : i32
          %jit3A_667 = arith.constant 32 : i32
          %div3A_668 = arith.divsi %scan3A_666, %jit3A_667 : i32
          %sign3A_669 = arith.constant 0 : i32
          %sign3A_670 = arith.cmpi sgt, %scan3A_666, %sign3A_669 : i32
          %sign3A_671 = arith.extui %sign3A_670 : i1 to i32
          %sign3A_672 = arith.constant 0 : i32
          %sign3A_673 = arith.cmpi slt, %scan3A_666, %sign3A_672 : i32
          %sign3A_674 = arith.extui %sign3A_673 : i1 to i32
          %sign3A_675 = arith.subi %sign3A_671, %sign3A_674 : i32
          %sign3A_676 = arith.constant 0 : i32
          %sign3A_677 = arith.cmpi sgt, %jit3A_667, %sign3A_676 : i32
          %sign3A_678 = arith.extui %sign3A_677 : i1 to i32
          %sign3A_679 = arith.constant 0 : i32
          %sign3A_680 = arith.cmpi slt, %jit3A_667, %sign3A_679 : i32
          %sign3A_681 = arith.extui %sign3A_680 : i1 to i32
          %sign3A_682 = arith.subi %sign3A_678, %sign3A_681 : i32
          %ne3A_683 = arith.cmpi ne, %sign3A_675, %sign3A_682 : i32
          %rem3A_684 = arith.remsi %scan3A_666, %jit3A_667 : i32
          %ne3A_685 = arith.constant 0 : i32
          %ne3A_686 = arith.cmpi ne, %rem3A_684, %ne3A_685 : i32
          %and3A_687 = arith.andi %ne3A_683, %ne3A_686 : i1
          %sub3A_688 = arith.constant 1 : i32
          %sub3A_689 = arith.subi %div3A_668, %sub3A_688 : i32
          %select_n3A_690 = arith.select %and3A_687, %sub3A_689, %div3A_668 : i32
          %jit3A_691 = arith.constant 32 : i32
          %eq3A_692 = arith.constant 0 : i32
          %eq3A_693 = arith.cmpi eq, %jit3A_691, %eq3A_692 : i32
          %jit3A_694 = arith.constant 1 : i32
          %select_n3A_695 = arith.select %eq3A_693, %jit3A_694, %jit3A_691 : i32
          %rem3A_696 = arith.remsi %scan3A_666, %select_n3A_695 : i32
          %ne3A_697 = arith.constant 0 : i32
          %ne3A_698 = arith.cmpi ne, %rem3A_696, %ne3A_697 : i32
          %lt3A_699 = arith.constant 0 : i32
          %lt3A_700 = arith.cmpi slt, %rem3A_696, %lt3A_699 : i32
          %lt3A_701 = arith.constant 0 : i32
          %lt3A_702 = arith.cmpi slt, %select_n3A_695, %lt3A_701 : i32
          %ne3A_703 = arith.xori %lt3A_700, %lt3A_702 : i1
          %and3A_704 = arith.andi %ne3A_703, %ne3A_698 : i1
          %add3A_705 = arith.addi %rem3A_696, %select_n3A_695 : i32
          %select_n3A_706 = arith.select %and3A_704, %add3A_705, %rem3A_696 : i32
          %mul3A_707 = arith.constant 16 : i32
          %mul3A_708 = arith.muli %select_n3A_706, %mul3A_707 : i32
          %get3A_709 = arith.index_cast %select_n3A_690 : i32 to index
          %get3A_710 = arith.index_cast %mul3A_708 : i32 to index
          %get3A_711 = tpu.vector_load %arg19[%get3A_709, %get3A_710] {strides = array<i32>} : memref<16x512xf32, #tpu.memory_space<vmem>>, vector<16xf32>,
          %mul3A_712 = arith.constant 16 : i32
          %mul3A_713 = arith.muli %select_n3A_706, %mul3A_712 : i32
          %swap3A_714 = arith.index_cast %select_n3A_690 : i32 to index
          %swap3A_715 = arith.index_cast %mul3A_713 : i32 to index
          %swap3A_716 = tpu.vector_load %arg18[%swap3A_714, %swap3A_715] {strides = array<i32>} : memref<16x512xf32, #tpu.memory_space<vmem>>, vector<16xf32>,
          tpu.vector_store %arg18[%swap3A_714, %swap3A_715], %get3A_711 {add = true, strides = array<i32>} : memref<16x512xf32, #tpu.memory_space<vmem>>, vector<16xf32>,
          %scan3A_717 = arith.constant 10 : i32
          %scan3A_718 = arith.addi %scan3A_198, %scan3A_717 : i32
          %jit3A_719 = arith.constant 32 : i32
          %div3A_720 = arith.divsi %scan3A_718, %jit3A_719 : i32
          %sign3A_721 = arith.constant 0 : i32
          %sign3A_722 = arith.cmpi sgt, %scan3A_718, %sign3A_721 : i32
          %sign3A_723 = arith.extui %sign3A_722 : i1 to i32
          %sign3A_724 = arith.constant 0 : i32
          %sign3A_725 = arith.cmpi slt, %scan3A_718, %sign3A_724 : i32
          %sign3A_726 = arith.extui %sign3A_725 : i1 to i32
          %sign3A_727 = arith.subi %sign3A_723, %sign3A_726 : i32
          %sign3A_728 = arith.constant 0 : i32
          %sign3A_729 = arith.cmpi sgt, %jit3A_719, %sign3A_728 : i32
          %sign3A_730 = arith.extui %sign3A_729 : i1 to i32
          %sign3A_731 = arith.constant 0 : i32
          %sign3A_732 = arith.cmpi slt, %jit3A_719, %sign3A_731 : i32
          %sign3A_733 = arith.extui %sign3A_732 : i1 to i32
          %sign3A_734 = arith.subi %sign3A_730, %sign3A_733 : i32
          %ne3A_735 = arith.cmpi ne, %sign3A_727, %sign3A_734 : i32
          %rem3A_736 = arith.remsi %scan3A_718, %jit3A_719 : i32
          %ne3A_737 = arith.constant 0 : i32
          %ne3A_738 = arith.cmpi ne, %rem3A_736, %ne3A_737 : i32
          %and3A_739 = arith.andi %ne3A_735, %ne3A_738 : i1
          %sub3A_740 = arith.constant 1 : i32
          %sub3A_741 = arith.subi %div3A_720, %sub3A_740 : i32
          %select_n3A_742 = arith.select %and3A_739, %sub3A_741, %div3A_720 : i32
          %jit3A_743 = arith.constant 32 : i32
          %eq3A_744 = arith.constant 0 : i32
          %eq3A_745 = arith.cmpi eq, %jit3A_743, %eq3A_744 : i32
          %jit3A_746 = arith.constant 1 : i32
          %select_n3A_747 = arith.select %eq3A_745, %jit3A_746, %jit3A_743 : i32
          %rem3A_748 = arith.remsi %scan3A_718, %select_n3A_747 : i32
          %ne3A_749 = arith.constant 0 : i32
          %ne3A_750 = arith.cmpi ne, %rem3A_748, %ne3A_749 : i32
          %lt3A_751 = arith.constant 0 : i32
          %lt3A_752 = arith.cmpi slt, %rem3A_748, %lt3A_751 : i32
          %lt3A_753 = arith.constant 0 : i32
          %lt3A_754 = arith.cmpi slt, %select_n3A_747, %lt3A_753 : i32
          %ne3A_755 = arith.xori %lt3A_752, %lt3A_754 : i1
          %and3A_756 = arith.andi %ne3A_755, %ne3A_750 : i1
          %add3A_757 = arith.addi %rem3A_748, %select_n3A_747 : i32
          %select_n3A_758 = arith.select %and3A_756, %add3A_757, %rem3A_748 : i32
          %mul3A_759 = arith.constant 16 : i32
          %mul3A_760 = arith.muli %select_n3A_758, %mul3A_759 : i32
          %get3A_761 = arith.index_cast %select_n3A_742 : i32 to index
          %get3A_762 = arith.index_cast %mul3A_760 : i32 to index
          %get3A_763 = tpu.vector_load %arg19[%get3A_761, %get3A_762] {strides = array<i32>} : memref<16x512xf32, #tpu.memory_space<vmem>>, vector<16xf32>,
          %mul3A_764 = arith.constant 16 : i32
          %mul3A_765 = arith.muli %select_n3A_758, %mul3A_764 : i32
          %swap3A_766 = arith.index_cast %select_n3A_742 : i32 to index
          %swap3A_767 = arith.index_cast %mul3A_765 : i32 to index
          %swap3A_768 = tpu.vector_load %arg18[%swap3A_766, %swap3A_767] {strides = array<i32>} : memref<16x512xf32, #tpu.memory_space<vmem>>, vector<16xf32>,
          tpu.vector_store %arg18[%swap3A_766, %swap3A_767], %get3A_763 {add = true, strides = array<i32>} : memref<16x512xf32, #tpu.memory_space<vmem>>, vector<16xf32>,
          %scan3A_769 = arith.constant 11 : i32
          %scan3A_770 = arith.addi %scan3A_198, %scan3A_769 : i32
          %jit3A_771 = arith.constant 32 : i32
          %div3A_772 = arith.divsi %scan3A_770, %jit3A_771 : i32
          %sign3A_773 = arith.constant 0 : i32
          %sign3A_774 = arith.cmpi sgt, %scan3A_770, %sign3A_773 : i32
          %sign3A_775 = arith.extui %sign3A_774 : i1 to i32
          %sign3A_776 = arith.constant 0 : i32
          %sign3A_777 = arith.cmpi slt, %scan3A_770, %sign3A_776 : i32
          %sign3A_778 = arith.extui %sign3A_777 : i1 to i32
          %sign3A_779 = arith.subi %sign3A_775, %sign3A_778 : i32
          %sign3A_780 = arith.constant 0 : i32
          %sign3A_781 = arith.cmpi sgt, %jit3A_771, %sign3A_780 : i32
          %sign3A_782 = arith.extui %sign3A_781 : i1 to i32
          %sign3A_783 = arith.constant 0 : i32
          %sign3A_784 = arith.cmpi slt, %jit3A_771, %sign3A_783 : i32
          %sign3A_785 = arith.extui %sign3A_784 : i1 to i32
          %sign3A_786 = arith.subi %sign3A_782, %sign3A_785 : i32
          %ne3A_787 = arith.cmpi ne, %sign3A_779, %sign3A_786 : i32
          %rem3A_788 = arith.remsi %scan3A_770, %jit3A_771 : i32
          %ne3A_789 = arith.constant 0 : i32
          %ne3A_790 = arith.cmpi ne, %rem3A_788, %ne3A_789 : i32
          %and3A_791 = arith.andi %ne3A_787, %ne3A_790 : i1
          %sub3A_792 = arith.constant 1 : i32
          %sub3A_793 = arith.subi %div3A_772, %sub3A_792 : i32
          %select_n3A_794 = arith.select %and3A_791, %sub3A_793, %div3A_772 : i32
          %jit3A_795 = arith.constant 32 : i32
          %eq3A_796 = arith.constant 0 : i32
          %eq3A_797 = arith.cmpi eq, %jit3A_795, %eq3A_796 : i32
          %jit3A_798 = arith.constant 1 : i32
          %select_n3A_799 = arith.select %eq3A_797, %jit3A_798, %jit3A_795 : i32
          %rem3A_800 = arith.remsi %scan3A_770, %select_n3A_799 : i32
          %ne3A_801 = arith.constant 0 : i32
          %ne3A_802 = arith.cmpi ne, %rem3A_800, %ne3A_801 : i32
          %lt3A_803 = arith.constant 0 : i32
          %lt3A_804 = arith.cmpi slt, %rem3A_800, %lt3A_803 : i32
          %lt3A_805 = arith.constant 0 : i32
          %lt3A_806 = arith.cmpi slt, %select_n3A_799, %lt3A_805 : i32
          %ne3A_807 = arith.xori %lt3A_804, %lt3A_806 : i1
          %and3A_808 = arith.andi %ne3A_807, %ne3A_802 : i1
          %add3A_809 = arith.addi %rem3A_800, %select_n3A_799 : i32
          %select_n3A_810 = arith.select %and3A_808, %add3A_809, %rem3A_800 : i32
          %mul3A_811 = arith.constant 16 : i32
          %mul3A_812 = arith.muli %select_n3A_810, %mul3A_811 : i32
          %get3A_813 = arith.index_cast %select_n3A_794 : i32 to index
          %get3A_814 = arith.index_cast %mul3A_812 : i32 to index
          %get3A_815 = tpu.vector_load %arg19[%get3A_813, %get3A_814] {strides = array<i32>} : memref<16x512xf32, #tpu.memory_space<vmem>>, vector<16xf32>,
          %mul3A_816 = arith.constant 16 : i32
          %mul3A_817 = arith.muli %select_n3A_810, %mul3A_816 : i32
          %swap3A_818 = arith.index_cast %select_n3A_794 : i32 to index
          %swap3A_819 = arith.index_cast %mul3A_817 : i32 to index
          %swap3A_820 = tpu.vector_load %arg18[%swap3A_818, %swap3A_819] {strides = array<i32>} : memref<16x512xf32, #tpu.memory_space<vmem>>, vector<16xf32>,
          tpu.vector_store %arg18[%swap3A_818, %swap3A_819], %get3A_815 {add = true, strides = array<i32>} : memref<16x512xf32, #tpu.memory_space<vmem>>, vector<16xf32>,
          %scan3A_821 = arith.constant 12 : i32
          %scan3A_822 = arith.addi %scan3A_198, %scan3A_821 : i32
          %jit3A_823 = arith.constant 32 : i32
          %div3A_824 = arith.divsi %scan3A_822, %jit3A_823 : i32
          %sign3A_825 = arith.constant 0 : i32
          %sign3A_826 = arith.cmpi sgt, %scan3A_822, %sign3A_825 : i32
          %sign3A_827 = arith.extui %sign3A_826 : i1 to i32
          %sign3A_828 = arith.constant 0 : i32
          %sign3A_829 = arith.cmpi slt, %scan3A_822, %sign3A_828 : i32
          %sign3A_830 = arith.extui %sign3A_829 : i1 to i32
          %sign3A_831 = arith.subi %sign3A_827, %sign3A_830 : i32
          %sign3A_832 = arith.constant 0 : i32
          %sign3A_833 = arith.cmpi sgt, %jit3A_823, %sign3A_832 : i32
          %sign3A_834 = arith.extui %sign3A_833 : i1 to i32
          %sign3A_835 = arith.constant 0 : i32
          %sign3A_836 = arith.cmpi slt, %jit3A_823, %sign3A_835 : i32
          %sign3A_837 = arith.extui %sign3A_836 : i1 to i32
          %sign3A_838 = arith.subi %sign3A_834, %sign3A_837 : i32
          %ne3A_839 = arith.cmpi ne, %sign3A_831, %sign3A_838 : i32
          %rem3A_840 = arith.remsi %scan3A_822, %jit3A_823 : i32
          %ne3A_841 = arith.constant 0 : i32
          %ne3A_842 = arith.cmpi ne, %rem3A_840, %ne3A_841 : i32
          %and3A_843 = arith.andi %ne3A_839, %ne3A_842 : i1
          %sub3A_844 = arith.constant 1 : i32
          %sub3A_845 = arith.subi %div3A_824, %sub3A_844 : i32
          %select_n3A_846 = arith.select %and3A_843, %sub3A_845, %div3A_824 : i32
          %jit3A_847 = arith.constant 32 : i32
          %eq3A_848 = arith.constant 0 : i32
          %eq3A_849 = arith.cmpi eq, %jit3A_847, %eq3A_848 : i32
          %jit3A_850 = arith.constant 1 : i32
          %select_n3A_851 = arith.select %eq3A_849, %jit3A_850, %jit3A_847 : i32
          %rem3A_852 = arith.remsi %scan3A_822, %select_n3A_851 : i32
          %ne3A_853 = arith.constant 0 : i32
          %ne3A_854 = arith.cmpi ne, %rem3A_852, %ne3A_853 : i32
          %lt3A_855 = arith.constant 0 : i32
          %lt3A_856 = arith.cmpi slt, %rem3A_852, %lt3A_855 : i32
          %lt3A_857 = arith.constant 0 : i32
          %lt3A_858 = arith.cmpi slt, %select_n3A_851, %lt3A_857 : i32
          %ne3A_859 = arith.xori %lt3A_856, %lt3A_858 : i1
          %and3A_860 = arith.andi %ne3A_859, %ne3A_854 : i1
          %add3A_861 = arith.addi %rem3A_852, %select_n3A_851 : i32
          %select_n3A_862 = arith.select %and3A_860, %add3A_861, %rem3A_852 : i32
          %mul3A_863 = arith.constant 16 : i32
          %mul3A_864 = arith.muli %select_n3A_862, %mul3A_863 : i32
          %get3A_865 = arith.index_cast %select_n3A_846 : i32 to index
          %get3A_866 = arith.index_cast %mul3A_864 : i32 to index
          %get3A_867 = tpu.vector_load %arg19[%get3A_865, %get3A_866] {strides = array<i32>} : memref<16x512xf32, #tpu.memory_space<vmem>>, vector<16xf32>,
          %mul3A_868 = arith.constant 16 : i32
          %mul3A_869 = arith.muli %select_n3A_862, %mul3A_868 : i32
          %swap3A_870 = arith.index_cast %select_n3A_846 : i32 to index
          %swap3A_871 = arith.index_cast %mul3A_869 : i32 to index
          %swap3A_872 = tpu.vector_load %arg18[%swap3A_870, %swap3A_871] {strides = array<i32>} : memref<16x512xf32, #tpu.memory_space<vmem>>, vector<16xf32>,
          tpu.vector_store %arg18[%swap3A_870, %swap3A_871], %get3A_867 {add = true, strides = array<i32>} : memref<16x512xf32, #tpu.memory_space<vmem>>, vector<16xf32>,
          %scan3A_873 = arith.constant 13 : i32
          %scan3A_874 = arith.addi %scan3A_198, %scan3A_873 : i32
          %jit3A_875 = arith.constant 32 : i32
          %div3A_876 = arith.divsi %scan3A_874, %jit3A_875 : i32
          %sign3A_877 = arith.constant 0 : i32
          %sign3A_878 = arith.cmpi sgt, %scan3A_874, %sign3A_877 : i32
          %sign3A_879 = arith.extui %sign3A_878 : i1 to i32
          %sign3A_880 = arith.constant 0 : i32
          %sign3A_881 = arith.cmpi slt, %scan3A_874, %sign3A_880 : i32
          %sign3A_882 = arith.extui %sign3A_881 : i1 to i32
          %sign3A_883 = arith.subi %sign3A_879, %sign3A_882 : i32
          %sign3A_884 = arith.constant 0 : i32
          %sign3A_885 = arith.cmpi sgt, %jit3A_875, %sign3A_884 : i32
          %sign3A_886 = arith.extui %sign3A_885 : i1 to i32
          %sign3A_887 = arith.constant 0 : i32
          %sign3A_888 = arith.cmpi slt, %jit3A_875, %sign3A_887 : i32
          %sign3A_889 = arith.extui %sign3A_888 : i1 to i32
          %sign3A_890 = arith.subi %sign3A_886, %sign3A_889 : i32
          %ne3A_891 = arith.cmpi ne, %sign3A_883, %sign3A_890 : i32
          %rem3A_892 = arith.remsi %scan3A_874, %jit3A_875 : i32
          %ne3A_893 = arith.constant 0 : i32
          %ne3A_894 = arith.cmpi ne, %rem3A_892, %ne3A_893 : i32
          %and3A_895 = arith.andi %ne3A_891, %ne3A_894 : i1
          %sub3A_896 = arith.constant 1 : i32
          %sub3A_897 = arith.subi %div3A_876, %sub3A_896 : i32
          %select_n3A_898 = arith.select %and3A_895, %sub3A_897, %div3A_876 : i32
          %jit3A_899 = arith.constant 32 : i32
          %eq3A_900 = arith.constant 0 : i32
          %eq3A_901 = arith.cmpi eq, %jit3A_899, %eq3A_900 : i32
          %jit3A_902 = arith.constant 1 : i32
          %select_n3A_903 = arith.select %eq3A_901, %jit3A_902, %jit3A_899 : i32
          %rem3A_904 = arith.remsi %scan3A_874, %select_n3A_903 : i32
          %ne3A_905 = arith.constant 0 : i32
          %ne3A_906 = arith.cmpi ne, %rem3A_904, %ne3A_905 : i32
          %lt3A_907 = arith.constant 0 : i32
          %lt3A_908 = arith.cmpi slt, %rem3A_904, %lt3A_907 : i32
          %lt3A_909 = arith.constant 0 : i32
          %lt3A_910 = arith.cmpi slt, %select_n3A_903, %lt3A_909 : i32
          %ne3A_911 = arith.xori %lt3A_908, %lt3A_910 : i1
          %and3A_912 = arith.andi %ne3A_911, %ne3A_906 : i1
          %add3A_913 = arith.addi %rem3A_904, %select_n3A_903 : i32
          %select_n3A_914 = arith.select %and3A_912, %add3A_913, %rem3A_904 : i32
          %mul3A_915 = arith.constant 16 : i32
          %mul3A_916 = arith.muli %select_n3A_914, %mul3A_915 : i32
          %get3A_917 = arith.index_cast %select_n3A_898 : i32 to index
          %get3A_918 = arith.index_cast %mul3A_916 : i32 to index
          %get3A_919 = tpu.vector_load %arg19[%get3A_917, %get3A_918] {strides = array<i32>} : memref<16x512xf32, #tpu.memory_space<vmem>>, vector<16xf32>,
          %mul3A_920 = arith.constant 16 : i32
          %mul3A_921 = arith.muli %select_n3A_914, %mul3A_920 : i32
          %swap3A_922 = arith.index_cast %select_n3A_898 : i32 to index
          %swap3A_923 = arith.index_cast %mul3A_921 : i32 to index
          %swap3A_924 = tpu.vector_load %arg18[%swap3A_922, %swap3A_923] {strides = array<i32>} : memref<16x512xf32, #tpu.memory_space<vmem>>, vector<16xf32>,
          tpu.vector_store %arg18[%swap3A_922, %swap3A_923], %get3A_919 {add = true, strides = array<i32>} : memref<16x512xf32, #tpu.memory_space<vmem>>, vector<16xf32>,
          %scan3A_925 = arith.constant 14 : i32
          %scan3A_926 = arith.addi %scan3A_198, %scan3A_925 : i32
          %jit3A_927 = arith.constant 32 : i32
          %div3A_928 = arith.divsi %scan3A_926, %jit3A_927 : i32
          %sign3A_929 = arith.constant 0 : i32
          %sign3A_930 = arith.cmpi sgt, %scan3A_926, %sign3A_929 : i32
          %sign3A_931 = arith.extui %sign3A_930 : i1 to i32
          %sign3A_932 = arith.constant 0 : i32
          %sign3A_933 = arith.cmpi slt, %scan3A_926, %sign3A_932 : i32
          %sign3A_934 = arith.extui %sign3A_933 : i1 to i32
          %sign3A_935 = arith.subi %sign3A_931, %sign3A_934 : i32
          %sign3A_936 = arith.constant 0 : i32
          %sign3A_937 = arith.cmpi sgt, %jit3A_927, %sign3A_936 : i32
          %sign3A_938 = arith.extui %sign3A_937 : i1 to i32
          %sign3A_939 = arith.constant 0 : i32
          %sign3A_940 = arith.cmpi slt, %jit3A_927, %sign3A_939 : i32
          %sign3A_941 = arith.extui %sign3A_940 : i1 to i32
          %sign3A_942 = arith.subi %sign3A_938, %sign3A_941 : i32
          %ne3A_943 = arith.cmpi ne, %sign3A_935, %sign3A_942 : i32
          %rem3A_944 = arith.remsi %scan3A_926, %jit3A_927 : i32
          %ne3A_945 = arith.constant 0 : i32
          %ne3A_946 = arith.cmpi ne, %rem3A_944, %ne3A_945 : i32
          %and3A_947 = arith.andi %ne3A_943, %ne3A_946 : i1
          %sub3A_948 = arith.constant 1 : i32
          %sub3A_949 = arith.subi %div3A_928, %sub3A_948 : i32
          %select_n3A_950 = arith.select %and3A_947, %sub3A_949, %div3A_928 : i32
          %jit3A_951 = arith.constant 32 : i32
          %eq3A_952 = arith.constant 0 : i32
          %eq3A_953 = arith.cmpi eq, %jit3A_951, %eq3A_952 : i32
          %jit3A_954 = arith.constant 1 : i32
          %select_n3A_955 = arith.select %eq3A_953, %jit3A_954, %jit3A_951 : i32
          %rem3A_956 = arith.remsi %scan3A_926, %select_n3A_955 : i32
          %ne3A_957 = arith.constant 0 : i32
          %ne3A_958 = arith.cmpi ne, %rem3A_956, %ne3A_957 : i32
          %lt3A_959 = arith.constant 0 : i32
          %lt3A_960 = arith.cmpi slt, %rem3A_956, %lt3A_959 : i32
          %lt3A_961 = arith.constant 0 : i32
          %lt3A_962 = arith.cmpi slt, %select_n3A_955, %lt3A_961 : i32
          %ne3A_963 = arith.xori %lt3A_960, %lt3A_962 : i1
          %and3A_964 = arith.andi %ne3A_963, %ne3A_958 : i1
          %add3A_965 = arith.addi %rem3A_956, %select_n3A_955 : i32
          %select_n3A_966 = arith.select %and3A_964, %add3A_965, %rem3A_956 : i32
          %mul3A_967 = arith.constant 16 : i32
          %mul3A_968 = arith.muli %select_n3A_966, %mul3A_967 : i32
          %get3A_969 = arith.index_cast %select_n3A_950 : i32 to index
          %get3A_970 = arith.index_cast %mul3A_968 : i32 to index
          %get3A_971 = tpu.vector_load %arg19[%get3A_969, %get3A_970] {strides = array<i32>} : memref<16x512xf32, #tpu.memory_space<vmem>>, vector<16xf32>,
          %mul3A_972 = arith.constant 16 : i32
          %mul3A_973 = arith.muli %select_n3A_966, %mul3A_972 : i32
          %swap3A_974 = arith.index_cast %select_n3A_950 : i32 to index
          %swap3A_975 = arith.index_cast %mul3A_973 : i32 to index
          %swap3A_976 = tpu.vector_load %arg18[%swap3A_974, %swap3A_975] {strides = array<i32>} : memref<16x512xf32, #tpu.memory_space<vmem>>, vector<16xf32>,
          tpu.vector_store %arg18[%swap3A_974, %swap3A_975], %get3A_971 {add = true, strides = array<i32>} : memref<16x512xf32, #tpu.memory_space<vmem>>, vector<16xf32>,
          %scan3A_977 = arith.constant 15 : i32
          %scan3A_978 = arith.addi %scan3A_198, %scan3A_977 : i32
          %jit3A_979 = arith.constant 32 : i32
          %div3A_980 = arith.divsi %scan3A_978, %jit3A_979 : i32
          %sign3A_981 = arith.constant 0 : i32
          %sign3A_982 = arith.cmpi sgt, %scan3A_978, %sign3A_981 : i32
          %sign3A_983 = arith.extui %sign3A_982 : i1 to i32
          %sign3A_984 = arith.constant 0 : i32
          %sign3A_985 = arith.cmpi slt, %scan3A_978, %sign3A_984 : i32
          %sign3A_986 = arith.extui %sign3A_985 : i1 to i32
          %sign3A_987 = arith.subi %sign3A_983, %sign3A_986 : i32
          %sign3A_988 = arith.constant 0 : i32
          %sign3A_989 = arith.cmpi sgt, %jit3A_979, %sign3A_988 : i32
          %sign3A_990 = arith.extui %sign3A_989 : i1 to i32
          %sign3A_991 = arith.constant 0 : i32
          %sign3A_992 = arith.cmpi slt, %jit3A_979, %sign3A_991 : i32
          %sign3A_993 = arith.extui %sign3A_992 : i1 to i32
          %sign3A_994 = arith.subi %sign3A_990, %sign3A_993 : i32
          %ne3A_995 = arith.cmpi ne, %sign3A_987, %sign3A_994 : i32
          %rem3A_996 = arith.remsi %scan3A_978, %jit3A_979 : i32
          %ne3A_997 = arith.constant 0 : i32
          %ne3A_998 = arith.cmpi ne, %rem3A_996, %ne3A_997 : i32
          %and3A_999 = arith.andi %ne3A_995, %ne3A_998 : i1
          %sub3A_1000 = arith.constant 1 : i32
          %sub3A_1001 = arith.subi %div3A_980, %sub3A_1000 : i32
          %select_n3A_1002 = arith.select %and3A_999, %sub3A_1001, %div3A_980 : i32
          %jit3A_1003 = arith.constant 32 : i32
          %eq3A_1004 = arith.constant 0 : i32
          %eq3A_1005 = arith.cmpi eq, %jit3A_1003, %eq3A_1004 : i32
          %jit3A_1006 = arith.constant 1 : i32
          %select_n3A_1007 = arith.select %eq3A_1005, %jit3A_1006, %jit3A_1003 : i32
          %rem3A_1008 = arith.remsi %scan3A_978, %select_n3A_1007 : i32
          %ne3A_1009 = arith.constant 0 : i32
          %ne3A_1010 = arith.cmpi ne, %rem3A_1008, %ne3A_1009 : i32
          %lt3A_1011 = arith.constant 0 : i32
          %lt3A_1012 = arith.cmpi slt, %rem3A_1008, %lt3A_1011 : i32
          %lt3A_1013 = arith.constant 0 : i32
          %lt3A_1014 = arith.cmpi slt, %select_n3A_1007, %lt3A_1013 : i32
          %ne3A_1015 = arith.xori %lt3A_1012, %lt3A_1014 : i1
          %and3A_1016 = arith.andi %ne3A_1015, %ne3A_1010 : i1
          %add3A_1017 = arith.addi %rem3A_1008, %select_n3A_1007 : i32
          %select_n3A_1018 = arith.select %and3A_1016, %add3A_1017, %rem3A_1008 : i32
          %mul3A_1019 = arith.constant 16 : i32
          %mul3A_1020 = arith.muli %select_n3A_1018, %mul3A_1019 : i32
          %get3A_1021 = arith.index_cast %select_n3A_1002 : i32 to index
          %get3A_1022 = arith.index_cast %mul3A_1020 : i32 to index
          %get3A_1023 = tpu.vector_load %arg19[%get3A_1021, %get3A_1022] {strides = array<i32>} : memref<16x512xf32, #tpu.memory_space<vmem>>, vector<16xf32>,
          %mul3A_1024 = arith.constant 16 : i32
          %mul3A_1025 = arith.muli %select_n3A_1018, %mul3A_1024 : i32
          %swap3A_1026 = arith.index_cast %select_n3A_1002 : i32 to index
          %swap3A_1027 = arith.index_cast %mul3A_1025 : i32 to index
          %swap3A_1028 = tpu.vector_load %arg18[%swap3A_1026, %swap3A_1027] {strides = array<i32>} : memref<16x512xf32, #tpu.memory_space<vmem>>, vector<16xf32>,
          tpu.vector_store %arg18[%swap3A_1026, %swap3A_1027], %get3A_1023 {add = true, strides = array<i32>} : memref<16x512xf32, #tpu.memory_space<vmem>>, vector<16xf32>,
        }
        %scan3A_191 = arith.constant 512 : i32
        %dma_start3A_192 = arith.constant 0 : i32
        %dma_start3A_193 = arith.constant 0 : i32
        %dma_start3A_194 = tpu.memref_slice %arg2[%dma_start3A_192, %dma_start3A_193] : memref<100000x512xf32, #tpu.memory_space<hbm>> -> memref<100000x512xf32, #tpu.memory_space<hbm>>
        tpu.enqueue_indirect_dma source(%arg18 : memref<16x512xf32, #tpu.memory_space<vmem>>) target(%dma_start3A_194 : memref<100000x512xf32, #tpu.memory_space<hbm>>) offsets(%arg20 : memref<16xi32, #tpu.memory_space<vmem>>) semaphore(%arg23 : memref<!tpu.dma_semaphore, #tpu.memory_space<semaphore_mem>>)
        %dma_wait3A_195 = arith.constant 0 : i32
        %dma_wait3A_196 = arith.constant 0 : i32
        %dma_wait3A_197 = tpu.memref_slice %arg2[%dma_wait3A_195, %dma_wait3A_196] : memref<100000x512xf32, #tpu.memory_space<hbm>> -> memref<100000x512xf32, #tpu.memory_space<hbm>>
        tpu.wait_indirect_dma semaphore(%arg23 : memref<!tpu.dma_semaphore, #tpu.memory_space<semaphore_mem>>) src(%arg18 : memref<16x512xf32, #tpu.memory_space<vmem>>) dst(%dma_wait3A_197 : memref<100000x512xf32, #tpu.memory_space<hbm>>)
      }
    }
    %while3A_123 = arith.constant 1 : i32
    scf.for %while3A_124 = %while3A_121 to %while3A_117 step %while3A_123  : i32 {
      %mul3A_125 = arith.constant 16 : i32
      %mul3A_126 = arith.muli %while3A_124, %mul3A_125 : i32
      %add3A_127 = vector.broadcast %mul3A_126 : i32 to vector<16xi32>
      %add3A_128 = arith.addi %add3A_127, %iota3A : vector<16xi32>
      %lt3A = vector.broadcast %while3A_51#1 : i32 to vector<16xi32>
      %lt3A_129 = arith.cmpi slt, %add3A_128, %lt3A : vector<16xi32>
      %get3A = arith.index_cast %mul3A_126 : i32 to index
      %get3A_130 = tpu.vector_load %arg11[%get3A] {strides = array<i32>} : memref<16384xi32, #tpu.memory_space<vmem>>, vector<16xi32>,
      %get3A_131 = arith.index_cast %mul3A_126 : i32 to index
      %get3A_132 = tpu.vector_load %arg12[%get3A_131] {strides = array<i32>} : memref<16384xi32, #tpu.memory_space<vmem>>, vector<16xi32>,
      %add3A_133 = arith.constant 100000 : i32
      %add3A_134 = vector.broadcast %add3A_133 : i32 to vector<16xi32>
      %add3A_135 = arith.addi %add3A_134, %iota3A : vector<16xi32>
      %select_n3A_136 = arith.select %lt3A_129, %get3A_130, %add3A_135 : vector<16xi1>, vector<16xi32>
      %broadcast_in_dim3A_137 = arith.constant true
      %broadcast_in_dim3A_138 = vector.broadcast %broadcast_in_dim3A_137 : i1 to vector<16xi1>
      %unique3A, %unique3A_139 = tpu.scan_count mask(%broadcast_in_dim3A_138 : vector<16xi1>) value(%select_n3A_136 : vector<16xi32>) : vector<16xi1>, vector<16xi32>
      %sub3A_140 = arith.constant 1 : i32
      %sub3A_141 = vector.broadcast %sub3A_140 : i32 to vector<16xi32>
      %sub3A_142 = arith.subi %unique3A_139, %sub3A_141 : vector<16xi32>
      %jit3A_143 = arith.constant 0 : i32
      %broadcast_in_dim3A_144 = vector.broadcast %jit3A_143 : i32 to vector<16xi32>
      %select_n3A_145 = arith.select %lt3A_129, %sub3A_142, %broadcast_in_dim3A_144 : vector<16xi1>, vector<16xi32>
      %reduce_max3A = arith.constant true
      %reduce_max3A_146 = vector.broadcast %reduce_max3A : i1 to vector<16xi1>
      %reduce_max3A_147 = arith.constant -2147483648 : i32
      %reduce_max3A_148 = vector.broadcast %reduce_max3A_147 : i32 to vector<16xi32>
      %reduce_max3A_149 = arith.xori %select_n3A_145, %reduce_max3A_148 : vector<16xi32>
      %reduce_max3A_150 = tpu.scan <max>, %reduce_max3A_149 masked %reduce_max3A_146 : vector<16xi32>, vector<16xi1> -> vector<16xi32>
      %reduce_max3A_151 = arith.xori %reduce_max3A_150, %reduce_max3A_148 : vector<16xi32>
      %reduce_max3A_152 = vector.extract %reduce_max3A_151[15] : i32 from vector<16xi32>
      %add3A_153 = arith.constant 1 : i32
      %add3A_154 = arith.addi %reduce_max3A_152, %add3A_153 : i32
      %while3A_155 = arith.constant 0 : i32
      %while3A_156 = arith.constant 0 : i32
      %while3A_157 = arith.subi %add3A_154, %while3A_156 : i32
      %while3A_158 = arith.addi %while3A_156, %while3A_157 : i32
      %while3A_159 = arith.constant 1 : i32
      %while3A_160 = arith.divsi %while3A_157, %while3A_159 : i32
      %while3A_161 = arith.muli %while3A_160, %while3A_159 : i32
      %while3A_162 = arith.addi %while3A_156, %while3A_161 : i32
      %while3A_163 = arith.constant 1 : i32
      scf.for %while3A_165 = %while3A_156 to %while3A_162 step %while3A_163  : i32 {
        %eq3A = vector.broadcast %while3A_165 : i32 to vector<16xi32>
        %eq3A_166 = arith.cmpi eq, %sub3A_142, %eq3A : vector<16xi32>
        %and3A_167 = arith.andi %lt3A_129, %eq3A_166 : vector<16xi1>
        %all_reduce_ffs3A = tpu.all_reduce %and3A_167 {dim = 0 : i64, kind = #tpu.reduction_kind<find_first_set>} : vector<16xi1> -> vector<16xi32>
        %add3A_168 = vector.broadcast %mul3A_126 : i32 to vector<16xi32>
        %add3A_169 = arith.addi %add3A_168, %all_reduce_ffs3A : vector<16xi32>
        %gather3A = tpu.vector_load_idx %arg11[%add3A_169] : memref<16384xi32, #tpu.memory_space<vmem>>[vector<16xi32>], vector<16xi32>,
        %select_n3A_170 = arith.select %and3A_167, %get3A_130, %gather3A : vector<16xi1>, vector<16xi32>
        %swap3A = arith.constant 0 : index
        %swap3A_171 = tpu.vector_load %arg20[%swap3A] {strides = array<i32>} : memref<16xi32, #tpu.memory_space<vmem>>, vector<16xi32>,
        tpu.vector_store %arg20[%swap3A], %select_n3A_170 {strides = array<i32>} : memref<16xi32, #tpu.memory_space<vmem>>, vector<16xi32>,
        %gather3A_172 = tpu.vector_load_idx %arg12[%add3A_169] : memref<16384xi32, #tpu.memory_space<vmem>>[vector<16xi32>], vector<16xi32>,
        %select_n3A_173 = arith.select %and3A_167, %get3A_132, %gather3A_172 : vector<16xi1>, vector<16xi32>
        %swap3A_174 = arith.constant 0 : index
        %swap3A_175 = tpu.vector_load %arg21[%swap3A_174] {strides = array<i32>} : memref<16xi32, #tpu.memory_space<vmem>>, vector<16xi32>,
        tpu.vector_store %arg21[%swap3A_174], %select_n3A_173 {strides = array<i32>} : memref<16xi32, #tpu.memory_space<vmem>>, vector<16xi32>,
        %dma_start3A = arith.constant 0 : i32
        %dma_start3A_176 = arith.constant 0 : i32
        %dma_start3A_177 = tpu.memref_slice %arg2[%dma_start3A, %dma_start3A_176] : memref<100000x512xf32, #tpu.memory_space<hbm>> -> memref<100000x512xf32, #tpu.memory_space<hbm>>
        tpu.enqueue_indirect_dma source(%dma_start3A_177 : memref<100000x512xf32, #tpu.memory_space<hbm>>) target(%arg18 : memref<16x512xf32, #tpu.memory_space<vmem>>) offsets(%arg20 : memref<16xi32, #tpu.memory_space<vmem>>) semaphore(%arg22 : memref<!tpu.dma_semaphore, #tpu.memory_space<semaphore_mem>>)
        %dma_start3A_178 = arith.constant 0 : i32
        %dma_start3A_179 = arith.constant 0 : i32
        %dma_start3A_180 = tpu.memref_slice %arg5[%dma_start3A_178, %dma_start3A_179] : memref<16384x512xf32, #tpu.memory_space<hbm>> -> memref<16384x512xf32, #tpu.memory_space<hbm>>
        tpu.enqueue_indirect_dma source(%dma_start3A_180 : memref<16384x512xf32, #tpu.memory_space<hbm>>) target(%arg19 : memref<16x512xf32, #tpu.memory_space<vmem>>) offsets(%arg21 : memref<16xi32, #tpu.memory_space<vmem>>) semaphore(%arg22 : memref<!tpu.dma_semaphore, #tpu.memory_space<semaphore_mem>>)
        %dma_wait3A = arith.constant 0 : i32
        %dma_wait3A_181 = arith.constant 0 : i32
        %dma_wait3A_182 = tpu.memref_slice %arg5[%dma_wait3A, %dma_wait3A_181] : memref<16384x512xf32, #tpu.memory_space<hbm>> -> memref<16384x512xf32, #tpu.memory_space<hbm>>
        tpu.wait_indirect_dma semaphore(%arg22 : memref<!tpu.dma_semaphore, #tpu.memory_space<semaphore_mem>>) src(%dma_wait3A_182 : memref<16384x512xf32, #tpu.memory_space<hbm>>) dst(%arg19 : memref<16x512xf32, #tpu.memory_space<vmem>>)
        %dma_wait3A_183 = arith.constant 0 : i32
        %dma_wait3A_184 = arith.constant 0 : i32
        %dma_wait3A_185 = tpu.memref_slice %arg2[%dma_wait3A_183, %dma_wait3A_184] : memref<100000x512xf32, #tpu.memory_space<hbm>> -> memref<100000x512xf32, #tpu.memory_space<hbm>>
        tpu.wait_indirect_dma semaphore(%arg22 : memref<!tpu.dma_semaphore, #tpu.memory_space<semaphore_mem>>) src(%dma_wait3A_185 : memref<100000x512xf32, #tpu.memory_space<hbm>>) dst(%arg18 : memref<16x512xf32, #tpu.memory_space<vmem>>)
        %scan3A_186 = arith.constant 0 : i32
        %scan3A_187 = arith.constant 0 : i32
        %scan3A_188 = arith.constant 512 : i32
        %scan3A_189 = arith.addi %scan3A_187, %scan3A_188 : i32
        %scan3A_190 = arith.constant 16 : i32
        scf.for %scan3A_198 = %scan3A_187 to %scan3A_189 step %scan3A_190  : i32 {
          %jit3A_199 = arith.constant 32 : i32
          %div3A_200 = arith.divsi %scan3A_198, %jit3A_199 : i32
          %sign3A_201 = arith.constant 0 : i32
          %sign3A_202 = arith.cmpi sgt, %scan3A_198, %sign3A_201 : i32
          %sign3A_203 = arith.extui %sign3A_202 : i1 to i32
          %sign3A_204 = arith.constant 0 : i32
          %sign3A_205 = arith.cmpi slt, %scan3A_198, %sign3A_204 : i32
          %sign3A_206 = arith.extui %sign3A_205 : i1 to i32
          %sign3A_207 = arith.subi %sign3A_203, %sign3A_206 : i32
          %sign3A_208 = arith.constant 0 : i32
          %sign3A_209 = arith.cmpi sgt, %jit3A_199, %sign3A_208 : i32
          %sign3A_210 = arith.extui %sign3A_209 : i1 to i32
          %sign3A_211 = arith.constant 0 : i32
          %sign3A_212 = arith.cmpi slt, %jit3A_199, %sign3A_211 : i32
          %sign3A_213 = arith.extui %sign3A_212 : i1 to i32
          %sign3A_214 = arith.subi %sign3A_210, %sign3A_213 : i32
          %ne3A_215 = arith.cmpi ne, %sign3A_207, %sign3A_214 : i32
          %rem3A_216 = arith.remsi %scan3A_198, %jit3A_199 : i32
          %ne3A_217 = arith.constant 0 : i32
          %ne3A_218 = arith.cmpi ne, %rem3A_216, %ne3A_217 : i32
          %and3A_219 = arith.andi %ne3A_215, %ne3A_218 : i1
          %sub3A_220 = arith.constant 1 : i32
          %sub3A_221 = arith.subi %div3A_200, %sub3A_220 : i32
          %select_n3A_222 = arith.select %and3A_219, %sub3A_221, %div3A_200 : i32
          %jit3A_223 = arith.constant 32 : i32
          %eq3A_224 = arith.constant 0 : i32
          %eq3A_225 = arith.cmpi eq, %jit3A_223, %eq3A_224 : i32
          %jit3A_226 = arith.constant 1 : i32
          %select_n3A_227 = arith.select %eq3A_225, %jit3A_226, %jit3A_223 : i32
          %rem3A_228 = arith.remsi %scan3A_198, %select_n3A_227 : i32
          %ne3A_229 = arith.constant 0 : i32
          %ne3A_230 = arith.cmpi ne, %rem3A_228, %ne3A_229 : i32
          %lt3A_231 = arith.constant 0 : i32
          %lt3A_232 = arith.cmpi slt, %rem3A_228, %lt3A_231 : i32
          %lt3A_233 = arith.constant 0 : i32
          %lt3A_234 = arith.cmpi slt, %select_n3A_227, %lt3A_233 : i32
          %ne3A_235 = arith.xori %lt3A_232, %lt3A_234 : i1
          %and3A_236 = arith.andi %ne3A_235, %ne3A_230 : i1
          %add3A_237 = arith.addi %rem3A_228, %select_n3A_227 : i32
          %select_n3A_238 = arith.select %and3A_236, %add3A_237, %rem3A_228 : i32
          %mul3A_239 = arith.constant 16 : i32
          %mul3A_240 = arith.muli %select_n3A_238, %mul3A_239 : i32
          %get3A_241 = arith.index_cast %select_n3A_222 : i32 to index
          %get3A_242 = arith.index_cast %mul3A_240 : i32 to index
          %get3A_243 = tpu.vector_load %arg19[%get3A_241, %get3A_242] {strides = array<i32>} : memref<16x512xf32, #tpu.memory_space<vmem>>, vector<16xf32>,
          %mul3A_244 = arith.constant 16 : i32
          %mul3A_245 = arith.muli %select_n3A_238, %mul3A_244 : i32
          %swap3A_246 = arith.index_cast %select_n3A_222 : i32 to index
          %swap3A_247 = arith.index_cast %mul3A_245 : i32 to index
          %swap3A_248 = tpu.vector_load %arg18[%swap3A_246, %swap3A_247] {strides = array<i32>} : memref<16x512xf32, #tpu.memory_space<vmem>>, vector<16xf32>,
          tpu.vector_store %arg18[%swap3A_246, %swap3A_247], %get3A_243 {add = true, strides = array<i32>} : memref<16x512xf32, #tpu.memory_space<vmem>>, vector<16xf32>,
          %scan3A_249 = arith.constant 1 : i32
          %scan3A_250 = arith.addi %scan3A_198, %scan3A_249 : i32
          %jit3A_251 = arith.constant 32 : i32
          %div3A_252 = arith.divsi %scan3A_250, %jit3A_251 : i32
          %sign3A_253 = arith.constant 0 : i32
          %sign3A_254 = arith.cmpi sgt, %scan3A_250, %sign3A_253 : i32
          %sign3A_255 = arith.extui %sign3A_254 : i1 to i32
          %sign3A_256 = arith.constant 0 : i32
          %sign3A_257 = arith.cmpi slt, %scan3A_250, %sign3A_256 : i32
          %sign3A_258 = arith.extui %sign3A_257 : i1 to i32
          %sign3A_259 = arith.subi %sign3A_255, %sign3A_258 : i32
          %sign3A_260 = arith.constant 0 : i32
          %sign3A_261 = arith.cmpi sgt, %jit3A_251, %sign3A_260 : i32
          %sign3A_262 = arith.extui %sign3A_261 : i1 to i32
          %sign3A_263 = arith.constant 0 : i32
          %sign3A_264 = arith.cmpi slt, %jit3A_251, %sign3A_263 : i32
          %sign3A_265 = arith.extui %sign3A_264 : i1 to i32
          %sign3A_266 = arith.subi %sign3A_262, %sign3A_265 : i32
          %ne3A_267 = arith.cmpi ne, %sign3A_259, %sign3A_266 : i32
          %rem3A_268 = arith.remsi %scan3A_250, %jit3A_251 : i32
          %ne3A_269 = arith.constant 0 : i32
          %ne3A_270 = arith.cmpi ne, %rem3A_268, %ne3A_269 : i32
          %and3A_271 = arith.andi %ne3A_267, %ne3A_270 : i1
          %sub3A_272 = arith.constant 1 : i32
          %sub3A_273 = arith.subi %div3A_252, %sub3A_272 : i32
          %select_n3A_274 = arith.select %and3A_271, %sub3A_273, %div3A_252 : i32
          %jit3A_275 = arith.constant 32 : i32
          %eq3A_276 = arith.constant 0 : i32
          %eq3A_277 = arith.cmpi eq, %jit3A_275, %eq3A_276 : i32
          %jit3A_278 = arith.constant 1 : i32
          %select_n3A_279 = arith.select %eq3A_277, %jit3A_278, %jit3A_275 : i32
          %rem3A_280 = arith.remsi %scan3A_250, %select_n3A_279 : i32
          %ne3A_281 = arith.constant 0 : i32
          %ne3A_282 = arith.cmpi ne, %rem3A_280, %ne3A_281 : i32
          %lt3A_283 = arith.constant 0 : i32
          %lt3A_284 = arith.cmpi slt, %rem3A_280, %lt3A_283 : i32
          %lt3A_285 = arith.constant 0 : i32
          %lt3A_286 = arith.cmpi slt, %select_n3A_279, %lt3A_285 : i32
          %ne3A_287 = arith.xori %lt3A_284, %lt3A_286 : i1
          %and3A_288 = arith.andi %ne3A_287, %ne3A_282 : i1
          %add3A_289 = arith.addi %rem3A_280, %select_n3A_279 : i32
          %select_n3A_290 = arith.select %and3A_288, %add3A_289, %rem3A_280 : i32
          %mul3A_291 = arith.constant 16 : i32
          %mul3A_292 = arith.muli %select_n3A_290, %mul3A_291 : i32
          %get3A_293 = arith.index_cast %select_n3A_274 : i32 to index
          %get3A_294 = arith.index_cast %mul3A_292 : i32 to index
          %get3A_295 = tpu.vector_load %arg19[%get3A_293, %get3A_294] {strides = array<i32>} : memref<16x512xf32, #tpu.memory_space<vmem>>, vector<16xf32>,
          %mul3A_296 = arith.constant 16 : i32
          %mul3A_297 = arith.muli %select_n3A_290, %mul3A_296 : i32
          %swap3A_298 = arith.index_cast %select_n3A_274 : i32 to index
          %swap3A_299 = arith.index_cast %mul3A_297 : i32 to index
          %swap3A_300 = tpu.vector_load %arg18[%swap3A_298, %swap3A_299] {strides = array<i32>} : memref<16x512xf32, #tpu.memory_space<vmem>>, vector<16xf32>,
          tpu.vector_store %arg18[%swap3A_298, %swap3A_299], %get3A_295 {add = true, strides = array<i32>} : memref<16x512xf32, #tpu.memory_space<vmem>>, vector<16xf32>,
          %scan3A_301 = arith.constant 2 : i32
          %scan3A_302 = arith.addi %scan3A_198, %scan3A_301 : i32
          %jit3A_303 = arith.constant 32 : i32
          %div3A_304 = arith.divsi %scan3A_302, %jit3A_303 : i32
          %sign3A_305 = arith.constant 0 : i32
          %sign3A_306 = arith.cmpi sgt, %scan3A_302, %sign3A_305 : i32
          %sign3A_307 = arith.extui %sign3A_306 : i1 to i32
          %sign3A_308 = arith.constant 0 : i32
          %sign3A_309 = arith.cmpi slt, %scan3A_302, %sign3A_308 : i32
          %sign3A_310 = arith.extui %sign3A_309 : i1 to i32
          %sign3A_311 = arith.subi %sign3A_307, %sign3A_310 : i32
          %sign3A_312 = arith.constant 0 : i32
          %sign3A_313 = arith.cmpi sgt, %jit3A_303, %sign3A_312 : i32
          %sign3A_314 = arith.extui %sign3A_313 : i1 to i32
          %sign3A_315 = arith.constant 0 : i32
          %sign3A_316 = arith.cmpi slt, %jit3A_303, %sign3A_315 : i32
          %sign3A_317 = arith.extui %sign3A_316 : i1 to i32
          %sign3A_318 = arith.subi %sign3A_314, %sign3A_317 : i32
          %ne3A_319 = arith.cmpi ne, %sign3A_311, %sign3A_318 : i32
          %rem3A_320 = arith.remsi %scan3A_302, %jit3A_303 : i32
          %ne3A_321 = arith.constant 0 : i32
          %ne3A_322 = arith.cmpi ne, %rem3A_320, %ne3A_321 : i32
          %and3A_323 = arith.andi %ne3A_319, %ne3A_322 : i1
          %sub3A_324 = arith.constant 1 : i32
          %sub3A_325 = arith.subi %div3A_304, %sub3A_324 : i32
          %select_n3A_326 = arith.select %and3A_323, %sub3A_325, %div3A_304 : i32
          %jit3A_327 = arith.constant 32 : i32
          %eq3A_328 = arith.constant 0 : i32
          %eq3A_329 = arith.cmpi eq, %jit3A_327, %eq3A_328 : i32
          %jit3A_330 = arith.constant 1 : i32
          %select_n3A_331 = arith.select %eq3A_329, %jit3A_330, %jit3A_327 : i32
          %rem3A_332 = arith.remsi %scan3A_302, %select_n3A_331 : i32
          %ne3A_333 = arith.constant 0 : i32
          %ne3A_334 = arith.cmpi ne, %rem3A_332, %ne3A_333 : i32
          %lt3A_335 = arith.constant 0 : i32
          %lt3A_336 = arith.cmpi slt, %rem3A_332, %lt3A_335 : i32
          %lt3A_337 = arith.constant 0 : i32
          %lt3A_338 = arith.cmpi slt, %select_n3A_331, %lt3A_337 : i32
          %ne3A_339 = arith.xori %lt3A_336, %lt3A_338 : i1
          %and3A_340 = arith.andi %ne3A_339, %ne3A_334 : i1
          %add3A_341 = arith.addi %rem3A_332, %select_n3A_331 : i32
          %select_n3A_342 = arith.select %and3A_340, %add3A_341, %rem3A_332 : i32
          %mul3A_343 = arith.constant 16 : i32
          %mul3A_344 = arith.muli %select_n3A_342, %mul3A_343 : i32
          %get3A_345 = arith.index_cast %select_n3A_326 : i32 to index
          %get3A_346 = arith.index_cast %mul3A_344 : i32 to index
          %get3A_347 = tpu.vector_load %arg19[%get3A_345, %get3A_346] {strides = array<i32>} : memref<16x512xf32, #tpu.memory_space<vmem>>, vector<16xf32>,
          %mul3A_348 = arith.constant 16 : i32
          %mul3A_349 = arith.muli %select_n3A_342, %mul3A_348 : i32
          %swap3A_350 = arith.index_cast %select_n3A_326 : i32 to index
          %swap3A_351 = arith.index_cast %mul3A_349 : i32 to index
          %swap3A_352 = tpu.vector_load %arg18[%swap3A_350, %swap3A_351] {strides = array<i32>} : memref<16x512xf32, #tpu.memory_space<vmem>>, vector<16xf32>,
          tpu.vector_store %arg18[%swap3A_350, %swap3A_351], %get3A_347 {add = true, strides = array<i32>} : memref<16x512xf32, #tpu.memory_space<vmem>>, vector<16xf32>,
          %scan3A_353 = arith.constant 3 : i32
          %scan3A_354 = arith.addi %scan3A_198, %scan3A_353 : i32
          %jit3A_355 = arith.constant 32 : i32
          %div3A_356 = arith.divsi %scan3A_354, %jit3A_355 : i32
          %sign3A_357 = arith.constant 0 : i32
          %sign3A_358 = arith.cmpi sgt, %scan3A_354, %sign3A_357 : i32
          %sign3A_359 = arith.extui %sign3A_358 : i1 to i32
          %sign3A_360 = arith.constant 0 : i32
          %sign3A_361 = arith.cmpi slt, %scan3A_354, %sign3A_360 : i32
          %sign3A_362 = arith.extui %sign3A_361 : i1 to i32
          %sign3A_363 = arith.subi %sign3A_359, %sign3A_362 : i32
          %sign3A_364 = arith.constant 0 : i32
          %sign3A_365 = arith.cmpi sgt, %jit3A_355, %sign3A_364 : i32
          %sign3A_366 = arith.extui %sign3A_365 : i1 to i32
          %sign3A_367 = arith.constant 0 : i32
          %sign3A_368 = arith.cmpi slt, %jit3A_355, %sign3A_367 : i32
          %sign3A_369 = arith.extui %sign3A_368 : i1 to i32
          %sign3A_370 = arith.subi %sign3A_366, %sign3A_369 : i32
          %ne3A_371 = arith.cmpi ne, %sign3A_363, %sign3A_370 : i32
          %rem3A_372 = arith.remsi %scan3A_354, %jit3A_355 : i32
          %ne3A_373 = arith.constant 0 : i32
          %ne3A_374 = arith.cmpi ne, %rem3A_372, %ne3A_373 : i32
          %and3A_375 = arith.andi %ne3A_371, %ne3A_374 : i1
          %sub3A_376 = arith.constant 1 : i32
          %sub3A_377 = arith.subi %div3A_356, %sub3A_376 : i32
          %select_n3A_378 = arith.select %and3A_375, %sub3A_377, %div3A_356 : i32
          %jit3A_379 = arith.constant 32 : i32
          %eq3A_380 = arith.constant 0 : i32
          %eq3A_381 = arith.cmpi eq, %jit3A_379, %eq3A_380 : i32
          %jit3A_382 = arith.constant 1 : i32
          %select_n3A_383 = arith.select %eq3A_381, %jit3A_382, %jit3A_379 : i32
          %rem3A_384 = arith.remsi %scan3A_354, %select_n3A_383 : i32
          %ne3A_385 = arith.constant 0 : i32
          %ne3A_386 = arith.cmpi ne, %rem3A_384, %ne3A_385 : i32
          %lt3A_387 = arith.constant 0 : i32
          %lt3A_388 = arith.cmpi slt, %rem3A_384, %lt3A_387 : i32
          %lt3A_389 = arith.constant 0 : i32
          %lt3A_390 = arith.cmpi slt, %select_n3A_383, %lt3A_389 : i32
          %ne3A_391 = arith.xori %lt3A_388, %lt3A_390 : i1
          %and3A_392 = arith.andi %ne3A_391, %ne3A_386 : i1
          %add3A_393 = arith.addi %rem3A_384, %select_n3A_383 : i32
          %select_n3A_394 = arith.select %and3A_392, %add3A_393, %rem3A_384 : i32
          %mul3A_395 = arith.constant 16 : i32
          %mul3A_396 = arith.muli %select_n3A_394, %mul3A_395 : i32
          %get3A_397 = arith.index_cast %select_n3A_378 : i32 to index
          %get3A_398 = arith.index_cast %mul3A_396 : i32 to index
          %get3A_399 = tpu.vector_load %arg19[%get3A_397, %get3A_398] {strides = array<i32>} : memref<16x512xf32, #tpu.memory_space<vmem>>, vector<16xf32>,
          %mul3A_400 = arith.constant 16 : i32
          %mul3A_401 = arith.muli %select_n3A_394, %mul3A_400 : i32
          %swap3A_402 = arith.index_cast %select_n3A_378 : i32 to index
          %swap3A_403 = arith.index_cast %mul3A_401 : i32 to index
          %swap3A_404 = tpu.vector_load %arg18[%swap3A_402, %swap3A_403] {strides = array<i32>} : memref<16x512xf32, #tpu.memory_space<vmem>>, vector<16xf32>,
          tpu.vector_store %arg18[%swap3A_402, %swap3A_403], %get3A_399 {add = true, strides = array<i32>} : memref<16x512xf32, #tpu.memory_space<vmem>>, vector<16xf32>,
          %scan3A_405 = arith.constant 4 : i32
          %scan3A_406 = arith.addi %scan3A_198, %scan3A_405 : i32
          %jit3A_407 = arith.constant 32 : i32
          %div3A_408 = arith.divsi %scan3A_406, %jit3A_407 : i32
          %sign3A_409 = arith.constant 0 : i32
          %sign3A_410 = arith.cmpi sgt, %scan3A_406, %sign3A_409 : i32
          %sign3A_411 = arith.extui %sign3A_410 : i1 to i32
          %sign3A_412 = arith.constant 0 : i32
          %sign3A_413 = arith.cmpi slt, %scan3A_406, %sign3A_412 : i32
          %sign3A_414 = arith.extui %sign3A_413 : i1 to i32
          %sign3A_415 = arith.subi %sign3A_411, %sign3A_414 : i32
          %sign3A_416 = arith.constant 0 : i32
          %sign3A_417 = arith.cmpi sgt, %jit3A_407, %sign3A_416 : i32
          %sign3A_418 = arith.extui %sign3A_417 : i1 to i32
          %sign3A_419 = arith.constant 0 : i32
          %sign3A_420 = arith.cmpi slt, %jit3A_407, %sign3A_419 : i32
          %sign3A_421 = arith.extui %sign3A_420 : i1 to i32
          %sign3A_422 = arith.subi %sign3A_418, %sign3A_421 : i32
          %ne3A_423 = arith.cmpi ne, %sign3A_415, %sign3A_422 : i32
          %rem3A_424 = arith.remsi %scan3A_406, %jit3A_407 : i32
          %ne3A_425 = arith.constant 0 : i32
          %ne3A_426 = arith.cmpi ne, %rem3A_424, %ne3A_425 : i32
          %and3A_427 = arith.andi %ne3A_423, %ne3A_426 : i1
          %sub3A_428 = arith.constant 1 : i32
          %sub3A_429 = arith.subi %div3A_408, %sub3A_428 : i32
          %select_n3A_430 = arith.select %and3A_427, %sub3A_429, %div3A_408 : i32
          %jit3A_431 = arith.constant 32 : i32
          %eq3A_432 = arith.constant 0 : i32
          %eq3A_433 = arith.cmpi eq, %jit3A_431, %eq3A_432 : i32
          %jit3A_434 = arith.constant 1 : i32
          %select_n3A_435 = arith.select %eq3A_433, %jit3A_434, %jit3A_431 : i32
          %rem3A_436 = arith.remsi %scan3A_406, %select_n3A_435 : i32
          %ne3A_437 = arith.constant 0 : i32
          %ne3A_438 = arith.cmpi ne, %rem3A_436, %ne3A_437 : i32
          %lt3A_439 = arith.constant 0 : i32
          %lt3A_440 = arith.cmpi slt, %rem3A_436, %lt3A_439 : i32
          %lt3A_441 = arith.constant 0 : i32
          %lt3A_442 = arith.cmpi slt, %select_n3A_435, %lt3A_441 : i32
          %ne3A_443 = arith.xori %lt3A_440, %lt3A_442 : i1
          %and3A_444 = arith.andi %ne3A_443, %ne3A_438 : i1
          %add3A_445 = arith.addi %rem3A_436, %select_n3A_435 : i32
          %select_n3A_446 = arith.select %and3A_444, %add3A_445, %rem3A_436 : i32
          %mul3A_447 = arith.constant 16 : i32
          %mul3A_448 = arith.muli %select_n3A_446, %mul3A_447 : i32
          %get3A_449 = arith.index_cast %select_n3A_430 : i32 to index
          %get3A_450 = arith.index_cast %mul3A_448 : i32 to index
          %get3A_451 = tpu.vector_load %arg19[%get3A_449, %get3A_450] {strides = array<i32>} : memref<16x512xf32, #tpu.memory_space<vmem>>, vector<16xf32>,
          %mul3A_452 = arith.constant 16 : i32
          %mul3A_453 = arith.muli %select_n3A_446, %mul3A_452 : i32
          %swap3A_454 = arith.index_cast %select_n3A_430 : i32 to index
          %swap3A_455 = arith.index_cast %mul3A_453 : i32 to index
          %swap3A_456 = tpu.vector_load %arg18[%swap3A_454, %swap3A_455] {strides = array<i32>} : memref<16x512xf32, #tpu.memory_space<vmem>>, vector<16xf32>,
          tpu.vector_store %arg18[%swap3A_454, %swap3A_455], %get3A_451 {add = true, strides = array<i32>} : memref<16x512xf32, #tpu.memory_space<vmem>>, vector<16xf32>,
          %scan3A_457 = arith.constant 5 : i32
          %scan3A_458 = arith.addi %scan3A_198, %scan3A_457 : i32
          %jit3A_459 = arith.constant 32 : i32
          %div3A_460 = arith.divsi %scan3A_458, %jit3A_459 : i32
          %sign3A_461 = arith.constant 0 : i32
          %sign3A_462 = arith.cmpi sgt, %scan3A_458, %sign3A_461 : i32
          %sign3A_463 = arith.extui %sign3A_462 : i1 to i32
          %sign3A_464 = arith.constant 0 : i32
          %sign3A_465 = arith.cmpi slt, %scan3A_458, %sign3A_464 : i32
          %sign3A_466 = arith.extui %sign3A_465 : i1 to i32
          %sign3A_467 = arith.subi %sign3A_463, %sign3A_466 : i32
          %sign3A_468 = arith.constant 0 : i32
          %sign3A_469 = arith.cmpi sgt, %jit3A_459, %sign3A_468 : i32
          %sign3A_470 = arith.extui %sign3A_469 : i1 to i32
          %sign3A_471 = arith.constant 0 : i32
          %sign3A_472 = arith.cmpi slt, %jit3A_459, %sign3A_471 : i32
          %sign3A_473 = arith.extui %sign3A_472 : i1 to i32
          %sign3A_474 = arith.subi %sign3A_470, %sign3A_473 : i32
          %ne3A_475 = arith.cmpi ne, %sign3A_467, %sign3A_474 : i32
          %rem3A_476 = arith.remsi %scan3A_458, %jit3A_459 : i32
          %ne3A_477 = arith.constant 0 : i32
          %ne3A_478 = arith.cmpi ne, %rem3A_476, %ne3A_477 : i32
          %and3A_479 = arith.andi %ne3A_475, %ne3A_478 : i1
          %sub3A_480 = arith.constant 1 : i32
          %sub3A_481 = arith.subi %div3A_460, %sub3A_480 : i32
          %select_n3A_482 = arith.select %and3A_479, %sub3A_481, %div3A_460 : i32
          %jit3A_483 = arith.constant 32 : i32
          %eq3A_484 = arith.constant 0 : i32
          %eq3A_485 = arith.cmpi eq, %jit3A_483, %eq3A_484 : i32
          %jit3A_486 = arith.constant 1 : i32
          %select_n3A_487 = arith.select %eq3A_485, %jit3A_486, %jit3A_483 : i32
          %rem3A_488 = arith.remsi %scan3A_458, %select_n3A_487 : i32
          %ne3A_489 = arith.constant 0 : i32
          %ne3A_490 = arith.cmpi ne, %rem3A_488, %ne3A_489 : i32
          %lt3A_491 = arith.constant 0 : i32
          %lt3A_492 = arith.cmpi slt, %rem3A_488, %lt3A_491 : i32
          %lt3A_493 = arith.constant 0 : i32
          %lt3A_494 = arith.cmpi slt, %select_n3A_487, %lt3A_493 : i32
          %ne3A_495 = arith.xori %lt3A_492, %lt3A_494 : i1
          %and3A_496 = arith.andi %ne3A_495, %ne3A_490 : i1
          %add3A_497 = arith.addi %rem3A_488, %select_n3A_487 : i32
          %select_n3A_498 = arith.select %and3A_496, %add3A_497, %rem3A_488 : i32
          %mul3A_499 = arith.constant 16 : i32
          %mul3A_500 = arith.muli %select_n3A_498, %mul3A_499 : i32
          %get3A_501 = arith.index_cast %select_n3A_482 : i32 to index
          %get3A_502 = arith.index_cast %mul3A_500 : i32 to index
          %get3A_503 = tpu.vector_load %arg19[%get3A_501, %get3A_502] {strides = array<i32>} : memref<16x512xf32, #tpu.memory_space<vmem>>, vector<16xf32>,
          %mul3A_504 = arith.constant 16 : i32
          %mul3A_505 = arith.muli %select_n3A_498, %mul3A_504 : i32
          %swap3A_506 = arith.index_cast %select_n3A_482 : i32 to index
          %swap3A_507 = arith.index_cast %mul3A_505 : i32 to index
          %swap3A_508 = tpu.vector_load %arg18[%swap3A_506, %swap3A_507] {strides = array<i32>} : memref<16x512xf32, #tpu.memory_space<vmem>>, vector<16xf32>,
          tpu.vector_store %arg18[%swap3A_506, %swap3A_507], %get3A_503 {add = true, strides = array<i32>} : memref<16x512xf32, #tpu.memory_space<vmem>>, vector<16xf32>,
          %scan3A_509 = arith.constant 6 : i32
          %scan3A_510 = arith.addi %scan3A_198, %scan3A_509 : i32
          %jit3A_511 = arith.constant 32 : i32
          %div3A_512 = arith.divsi %scan3A_510, %jit3A_511 : i32
          %sign3A_513 = arith.constant 0 : i32
          %sign3A_514 = arith.cmpi sgt, %scan3A_510, %sign3A_513 : i32
          %sign3A_515 = arith.extui %sign3A_514 : i1 to i32
          %sign3A_516 = arith.constant 0 : i32
          %sign3A_517 = arith.cmpi slt, %scan3A_510, %sign3A_516 : i32
          %sign3A_518 = arith.extui %sign3A_517 : i1 to i32
          %sign3A_519 = arith.subi %sign3A_515, %sign3A_518 : i32
          %sign3A_520 = arith.constant 0 : i32
          %sign3A_521 = arith.cmpi sgt, %jit3A_511, %sign3A_520 : i32
          %sign3A_522 = arith.extui %sign3A_521 : i1 to i32
          %sign3A_523 = arith.constant 0 : i32
          %sign3A_524 = arith.cmpi slt, %jit3A_511, %sign3A_523 : i32
          %sign3A_525 = arith.extui %sign3A_524 : i1 to i32
          %sign3A_526 = arith.subi %sign3A_522, %sign3A_525 : i32
          %ne3A_527 = arith.cmpi ne, %sign3A_519, %sign3A_526 : i32
          %rem3A_528 = arith.remsi %scan3A_510, %jit3A_511 : i32
          %ne3A_529 = arith.constant 0 : i32
          %ne3A_530 = arith.cmpi ne, %rem3A_528, %ne3A_529 : i32
          %and3A_531 = arith.andi %ne3A_527, %ne3A_530 : i1
          %sub3A_532 = arith.constant 1 : i32
          %sub3A_533 = arith.subi %div3A_512, %sub3A_532 : i32
          %select_n3A_534 = arith.select %and3A_531, %sub3A_533, %div3A_512 : i32
          %jit3A_535 = arith.constant 32 : i32
          %eq3A_536 = arith.constant 0 : i32
          %eq3A_537 = arith.cmpi eq, %jit3A_535, %eq3A_536 : i32
          %jit3A_538 = arith.constant 1 : i32
          %select_n3A_539 = arith.select %eq3A_537, %jit3A_538, %jit3A_535 : i32
          %rem3A_540 = arith.remsi %scan3A_510, %select_n3A_539 : i32
          %ne3A_541 = arith.constant 0 : i32
          %ne3A_542 = arith.cmpi ne, %rem3A_540, %ne3A_541 : i32
          %lt3A_543 = arith.constant 0 : i32
          %lt3A_544 = arith.cmpi slt, %rem3A_540, %lt3A_543 : i32
          %lt3A_545 = arith.constant 0 : i32
          %lt3A_546 = arith.cmpi slt, %select_n3A_539, %lt3A_545 : i32
          %ne3A_547 = arith.xori %lt3A_544, %lt3A_546 : i1
          %and3A_548 = arith.andi %ne3A_547, %ne3A_542 : i1
          %add3A_549 = arith.addi %rem3A_540, %select_n3A_539 : i32
          %select_n3A_550 = arith.select %and3A_548, %add3A_549, %rem3A_540 : i32
          %mul3A_551 = arith.constant 16 : i32
          %mul3A_552 = arith.muli %select_n3A_550, %mul3A_551 : i32
          %get3A_553 = arith.index_cast %select_n3A_534 : i32 to index
          %get3A_554 = arith.index_cast %mul3A_552 : i32 to index
          %get3A_555 = tpu.vector_load %arg19[%get3A_553, %get3A_554] {strides = array<i32>} : memref<16x512xf32, #tpu.memory_space<vmem>>, vector<16xf32>,
          %mul3A_556 = arith.constant 16 : i32
          %mul3A_557 = arith.muli %select_n3A_550, %mul3A_556 : i32
          %swap3A_558 = arith.index_cast %select_n3A_534 : i32 to index
          %swap3A_559 = arith.index_cast %mul3A_557 : i32 to index
          %swap3A_560 = tpu.vector_load %arg18[%swap3A_558, %swap3A_559] {strides = array<i32>} : memref<16x512xf32, #tpu.memory_space<vmem>>, vector<16xf32>,
          tpu.vector_store %arg18[%swap3A_558, %swap3A_559], %get3A_555 {add = true, strides = array<i32>} : memref<16x512xf32, #tpu.memory_space<vmem>>, vector<16xf32>,
          %scan3A_561 = arith.constant 7 : i32
          %scan3A_562 = arith.addi %scan3A_198, %scan3A_561 : i32
          %jit3A_563 = arith.constant 32 : i32
          %div3A_564 = arith.divsi %scan3A_562, %jit3A_563 : i32
          %sign3A_565 = arith.constant 0 : i32
          %sign3A_566 = arith.cmpi sgt, %scan3A_562, %sign3A_565 : i32
          %sign3A_567 = arith.extui %sign3A_566 : i1 to i32
          %sign3A_568 = arith.constant 0 : i32
          %sign3A_569 = arith.cmpi slt, %scan3A_562, %sign3A_568 : i32
          %sign3A_570 = arith.extui %sign3A_569 : i1 to i32
          %sign3A_571 = arith.subi %sign3A_567, %sign3A_570 : i32
          %sign3A_572 = arith.constant 0 : i32
          %sign3A_573 = arith.cmpi sgt, %jit3A_563, %sign3A_572 : i32
          %sign3A_574 = arith.extui %sign3A_573 : i1 to i32
          %sign3A_575 = arith.constant 0 : i32
          %sign3A_576 = arith.cmpi slt, %jit3A_563, %sign3A_575 : i32
          %sign3A_577 = arith.extui %sign3A_576 : i1 to i32
          %sign3A_578 = arith.subi %sign3A_574, %sign3A_577 : i32
          %ne3A_579 = arith.cmpi ne, %sign3A_571, %sign3A_578 : i32
          %rem3A_580 = arith.remsi %scan3A_562, %jit3A_563 : i32
          %ne3A_581 = arith.constant 0 : i32
          %ne3A_582 = arith.cmpi ne, %rem3A_580, %ne3A_581 : i32
          %and3A_583 = arith.andi %ne3A_579, %ne3A_582 : i1
          %sub3A_584 = arith.constant 1 : i32
          %sub3A_585 = arith.subi %div3A_564, %sub3A_584 : i32
          %select_n3A_586 = arith.select %and3A_583, %sub3A_585, %div3A_564 : i32
          %jit3A_587 = arith.constant 32 : i32
          %eq3A_588 = arith.constant 0 : i32
          %eq3A_589 = arith.cmpi eq, %jit3A_587, %eq3A_588 : i32
          %jit3A_590 = arith.constant 1 : i32
          %select_n3A_591 = arith.select %eq3A_589, %jit3A_590, %jit3A_587 : i32
          %rem3A_592 = arith.remsi %scan3A_562, %select_n3A_591 : i32
          %ne3A_593 = arith.constant 0 : i32
          %ne3A_594 = arith.cmpi ne, %rem3A_592, %ne3A_593 : i32
          %lt3A_595 = arith.constant 0 : i32
          %lt3A_596 = arith.cmpi slt, %rem3A_592, %lt3A_595 : i32
          %lt3A_597 = arith.constant 0 : i32
          %lt3A_598 = arith.cmpi slt, %select_n3A_591, %lt3A_597 : i32
          %ne3A_599 = arith.xori %lt3A_596, %lt3A_598 : i1
          %and3A_600 = arith.andi %ne3A_599, %ne3A_594 : i1
          %add3A_601 = arith.addi %rem3A_592, %select_n3A_591 : i32
          %select_n3A_602 = arith.select %and3A_600, %add3A_601, %rem3A_592 : i32
          %mul3A_603 = arith.constant 16 : i32
          %mul3A_604 = arith.muli %select_n3A_602, %mul3A_603 : i32
          %get3A_605 = arith.index_cast %select_n3A_586 : i32 to index
          %get3A_606 = arith.index_cast %mul3A_604 : i32 to index
          %get3A_607 = tpu.vector_load %arg19[%get3A_605, %get3A_606] {strides = array<i32>} : memref<16x512xf32, #tpu.memory_space<vmem>>, vector<16xf32>,
          %mul3A_608 = arith.constant 16 : i32
          %mul3A_609 = arith.muli %select_n3A_602, %mul3A_608 : i32
          %swap3A_610 = arith.index_cast %select_n3A_586 : i32 to index
          %swap3A_611 = arith.index_cast %mul3A_609 : i32 to index
          %swap3A_612 = tpu.vector_load %arg18[%swap3A_610, %swap3A_611] {strides = array<i32>} : memref<16x512xf32, #tpu.memory_space<vmem>>, vector<16xf32>,
          tpu.vector_store %arg18[%swap3A_610, %swap3A_611], %get3A_607 {add = true, strides = array<i32>} : memref<16x512xf32, #tpu.memory_space<vmem>>, vector<16xf32>,
          %scan3A_613 = arith.constant 8 : i32
          %scan3A_614 = arith.addi %scan3A_198, %scan3A_613 : i32
          %jit3A_615 = arith.constant 32 : i32
          %div3A_616 = arith.divsi %scan3A_614, %jit3A_615 : i32
          %sign3A_617 = arith.constant 0 : i32
          %sign3A_618 = arith.cmpi sgt, %scan3A_614, %sign3A_617 : i32
          %sign3A_619 = arith.extui %sign3A_618 : i1 to i32
          %sign3A_620 = arith.constant 0 : i32
          %sign3A_621 = arith.cmpi slt, %scan3A_614, %sign3A_620 : i32
          %sign3A_622 = arith.extui %sign3A_621 : i1 to i32
          %sign3A_623 = arith.subi %sign3A_619, %sign3A_622 : i32
          %sign3A_624 = arith.constant 0 : i32
          %sign3A_625 = arith.cmpi sgt, %jit3A_615, %sign3A_624 : i32
          %sign3A_626 = arith.extui %sign3A_625 : i1 to i32
          %sign3A_627 = arith.constant 0 : i32
          %sign3A_628 = arith.cmpi slt, %jit3A_615, %sign3A_627 : i32
          %sign3A_629 = arith.extui %sign3A_628 : i1 to i32
          %sign3A_630 = arith.subi %sign3A_626, %sign3A_629 : i32
          %ne3A_631 = arith.cmpi ne, %sign3A_623, %sign3A_630 : i32
          %rem3A_632 = arith.remsi %scan3A_614, %jit3A_615 : i32
          %ne3A_633 = arith.constant 0 : i32
          %ne3A_634 = arith.cmpi ne, %rem3A_632, %ne3A_633 : i32
          %and3A_635 = arith.andi %ne3A_631, %ne3A_634 : i1
          %sub3A_636 = arith.constant 1 : i32
          %sub3A_637 = arith.subi %div3A_616, %sub3A_636 : i32
          %select_n3A_638 = arith.select %and3A_635, %sub3A_637, %div3A_616 : i32
          %jit3A_639 = arith.constant 32 : i32
          %eq3A_640 = arith.constant 0 : i32
          %eq3A_641 = arith.cmpi eq, %jit3A_639, %eq3A_640 : i32
          %jit3A_642 = arith.constant 1 : i32
          %select_n3A_643 = arith.select %eq3A_641, %jit3A_642, %jit3A_639 : i32
          %rem3A_644 = arith.remsi %scan3A_614, %select_n3A_643 : i32
          %ne3A_645 = arith.constant 0 : i32
          %ne3A_646 = arith.cmpi ne, %rem3A_644, %ne3A_645 : i32
          %lt3A_647 = arith.constant 0 : i32
          %lt3A_648 = arith.cmpi slt, %rem3A_644, %lt3A_647 : i32
          %lt3A_649 = arith.constant 0 : i32
          %lt3A_650 = arith.cmpi slt, %select_n3A_643, %lt3A_649 : i32
          %ne3A_651 = arith.xori %lt3A_648, %lt3A_650 : i1
          %and3A_652 = arith.andi %ne3A_651, %ne3A_646 : i1
          %add3A_653 = arith.addi %rem3A_644, %select_n3A_643 : i32
          %select_n3A_654 = arith.select %and3A_652, %add3A_653, %rem3A_644 : i32
          %mul3A_655 = arith.constant 16 : i32
          %mul3A_656 = arith.muli %select_n3A_654, %mul3A_655 : i32
          %get3A_657 = arith.index_cast %select_n3A_638 : i32 to index
          %get3A_658 = arith.index_cast %mul3A_656 : i32 to index
          %get3A_659 = tpu.vector_load %arg19[%get3A_657, %get3A_658] {strides = array<i32>} : memref<16x512xf32, #tpu.memory_space<vmem>>, vector<16xf32>,
          %mul3A_660 = arith.constant 16 : i32
          %mul3A_661 = arith.muli %select_n3A_654, %mul3A_660 : i32
          %swap3A_662 = arith.index_cast %select_n3A_638 : i32 to index
          %swap3A_663 = arith.index_cast %mul3A_661 : i32 to index
          %swap3A_664 = tpu.vector_load %arg18[%swap3A_662, %swap3A_663] {strides = array<i32>} : memref<16x512xf32, #tpu.memory_space<vmem>>, vector<16xf32>,
          tpu.vector_store %arg18[%swap3A_662, %swap3A_663], %get3A_659 {add = true, strides = array<i32>} : memref<16x512xf32, #tpu.memory_space<vmem>>, vector<16xf32>,
          %scan3A_665 = arith.constant 9 : i32
          %scan3A_666 = arith.addi %scan3A_198, %scan3A_665 : i32
          %jit3A_667 = arith.constant 32 : i32
          %div3A_668 = arith.divsi %scan3A_666, %jit3A_667 : i32
          %sign3A_669 = arith.constant 0 : i32
          %sign3A_670 = arith.cmpi sgt, %scan3A_666, %sign3A_669 : i32
          %sign3A_671 = arith.extui %sign3A_670 : i1 to i32
          %sign3A_672 = arith.constant 0 : i32
          %sign3A_673 = arith.cmpi slt, %scan3A_666, %sign3A_672 : i32
          %sign3A_674 = arith.extui %sign3A_673 : i1 to i32
          %sign3A_675 = arith.subi %sign3A_671, %sign3A_674 : i32
          %sign3A_676 = arith.constant 0 : i32
          %sign3A_677 = arith.cmpi sgt, %jit3A_667, %sign3A_676 : i32
          %sign3A_678 = arith.extui %sign3A_677 : i1 to i32
          %sign3A_679 = arith.constant 0 : i32
          %sign3A_680 = arith.cmpi slt, %jit3A_667, %sign3A_679 : i32
          %sign3A_681 = arith.extui %sign3A_680 : i1 to i32
          %sign3A_682 = arith.subi %sign3A_678, %sign3A_681 : i32
          %ne3A_683 = arith.cmpi ne, %sign3A_675, %sign3A_682 : i32
          %rem3A_684 = arith.remsi %scan3A_666, %jit3A_667 : i32
          %ne3A_685 = arith.constant 0 : i32
          %ne3A_686 = arith.cmpi ne, %rem3A_684, %ne3A_685 : i32
          %and3A_687 = arith.andi %ne3A_683, %ne3A_686 : i1
          %sub3A_688 = arith.constant 1 : i32
          %sub3A_689 = arith.subi %div3A_668, %sub3A_688 : i32
          %select_n3A_690 = arith.select %and3A_687, %sub3A_689, %div3A_668 : i32
          %jit3A_691 = arith.constant 32 : i32
          %eq3A_692 = arith.constant 0 : i32
          %eq3A_693 = arith.cmpi eq, %jit3A_691, %eq3A_692 : i32
          %jit3A_694 = arith.constant 1 : i32
          %select_n3A_695 = arith.select %eq3A_693, %jit3A_694, %jit3A_691 : i32
          %rem3A_696 = arith.remsi %scan3A_666, %select_n3A_695 : i32
          %ne3A_697 = arith.constant 0 : i32
          %ne3A_698 = arith.cmpi ne, %rem3A_696, %ne3A_697 : i32
          %lt3A_699 = arith.constant 0 : i32
          %lt3A_700 = arith.cmpi slt, %rem3A_696, %lt3A_699 : i32
          %lt3A_701 = arith.constant 0 : i32
          %lt3A_702 = arith.cmpi slt, %select_n3A_695, %lt3A_701 : i32
          %ne3A_703 = arith.xori %lt3A_700, %lt3A_702 : i1
          %and3A_704 = arith.andi %ne3A_703, %ne3A_698 : i1
          %add3A_705 = arith.addi %rem3A_696, %select_n3A_695 : i32
          %select_n3A_706 = arith.select %and3A_704, %add3A_705, %rem3A_696 : i32
          %mul3A_707 = arith.constant 16 : i32
          %mul3A_708 = arith.muli %select_n3A_706, %mul3A_707 : i32
          %get3A_709 = arith.index_cast %select_n3A_690 : i32 to index
          %get3A_710 = arith.index_cast %mul3A_708 : i32 to index
          %get3A_711 = tpu.vector_load %arg19[%get3A_709, %get3A_710] {strides = array<i32>} : memref<16x512xf32, #tpu.memory_space<vmem>>, vector<16xf32>,
          %mul3A_712 = arith.constant 16 : i32
          %mul3A_713 = arith.muli %select_n3A_706, %mul3A_712 : i32
          %swap3A_714 = arith.index_cast %select_n3A_690 : i32 to index
          %swap3A_715 = arith.index_cast %mul3A_713 : i32 to index
          %swap3A_716 = tpu.vector_load %arg18[%swap3A_714, %swap3A_715] {strides = array<i32>} : memref<16x512xf32, #tpu.memory_space<vmem>>, vector<16xf32>,
          tpu.vector_store %arg18[%swap3A_714, %swap3A_715], %get3A_711 {add = true, strides = array<i32>} : memref<16x512xf32, #tpu.memory_space<vmem>>, vector<16xf32>,
          %scan3A_717 = arith.constant 10 : i32
          %scan3A_718 = arith.addi %scan3A_198, %scan3A_717 : i32
          %jit3A_719 = arith.constant 32 : i32
          %div3A_720 = arith.divsi %scan3A_718, %jit3A_719 : i32
          %sign3A_721 = arith.constant 0 : i32
          %sign3A_722 = arith.cmpi sgt, %scan3A_718, %sign3A_721 : i32
          %sign3A_723 = arith.extui %sign3A_722 : i1 to i32
          %sign3A_724 = arith.constant 0 : i32
          %sign3A_725 = arith.cmpi slt, %scan3A_718, %sign3A_724 : i32
          %sign3A_726 = arith.extui %sign3A_725 : i1 to i32
          %sign3A_727 = arith.subi %sign3A_723, %sign3A_726 : i32
          %sign3A_728 = arith.constant 0 : i32
          %sign3A_729 = arith.cmpi sgt, %jit3A_719, %sign3A_728 : i32
          %sign3A_730 = arith.extui %sign3A_729 : i1 to i32
          %sign3A_731 = arith.constant 0 : i32
          %sign3A_732 = arith.cmpi slt, %jit3A_719, %sign3A_731 : i32
          %sign3A_733 = arith.extui %sign3A_732 : i1 to i32
          %sign3A_734 = arith.subi %sign3A_730, %sign3A_733 : i32
          %ne3A_735 = arith.cmpi ne, %sign3A_727, %sign3A_734 : i32
          %rem3A_736 = arith.remsi %scan3A_718, %jit3A_719 : i32
          %ne3A_737 = arith.constant 0 : i32
          %ne3A_738 = arith.cmpi ne, %rem3A_736, %ne3A_737 : i32
          %and3A_739 = arith.andi %ne3A_735, %ne3A_738 : i1
          %sub3A_740 = arith.constant 1 : i32
          %sub3A_741 = arith.subi %div3A_720, %sub3A_740 : i32
          %select_n3A_742 = arith.select %and3A_739, %sub3A_741, %div3A_720 : i32
          %jit3A_743 = arith.constant 32 : i32
          %eq3A_744 = arith.constant 0 : i32
          %eq3A_745 = arith.cmpi eq, %jit3A_743, %eq3A_744 : i32
          %jit3A_746 = arith.constant 1 : i32
          %select_n3A_747 = arith.select %eq3A_745, %jit3A_746, %jit3A_743 : i32
          %rem3A_748 = arith.remsi %scan3A_718, %select_n3A_747 : i32
          %ne3A_749 = arith.constant 0 : i32
          %ne3A_750 = arith.cmpi ne, %rem3A_748, %ne3A_749 : i32
          %lt3A_751 = arith.constant 0 : i32
          %lt3A_752 = arith.cmpi slt, %rem3A_748, %lt3A_751 : i32
          %lt3A_753 = arith.constant 0 : i32
          %lt3A_754 = arith.cmpi slt, %select_n3A_747, %lt3A_753 : i32
          %ne3A_755 = arith.xori %lt3A_752, %lt3A_754 : i1
          %and3A_756 = arith.andi %ne3A_755, %ne3A_750 : i1
          %add3A_757 = arith.addi %rem3A_748, %select_n3A_747 : i32
          %select_n3A_758 = arith.select %and3A_756, %add3A_757, %rem3A_748 : i32
          %mul3A_759 = arith.constant 16 : i32
          %mul3A_760 = arith.muli %select_n3A_758, %mul3A_759 : i32
          %get3A_761 = arith.index_cast %select_n3A_742 : i32 to index
          %get3A_762 = arith.index_cast %mul3A_760 : i32 to index
          %get3A_763 = tpu.vector_load %arg19[%get3A_761, %get3A_762] {strides = array<i32>} : memref<16x512xf32, #tpu.memory_space<vmem>>, vector<16xf32>,
          %mul3A_764 = arith.constant 16 : i32
          %mul3A_765 = arith.muli %select_n3A_758, %mul3A_764 : i32
          %swap3A_766 = arith.index_cast %select_n3A_742 : i32 to index
          %swap3A_767 = arith.index_cast %mul3A_765 : i32 to index
          %swap3A_768 = tpu.vector_load %arg18[%swap3A_766, %swap3A_767] {strides = array<i32>} : memref<16x512xf32, #tpu.memory_space<vmem>>, vector<16xf32>,
          tpu.vector_store %arg18[%swap3A_766, %swap3A_767], %get3A_763 {add = true, strides = array<i32>} : memref<16x512xf32, #tpu.memory_space<vmem>>, vector<16xf32>,
          %scan3A_769 = arith.constant 11 : i32
          %scan3A_770 = arith.addi %scan3A_198, %scan3A_769 : i32
          %jit3A_771 = arith.constant 32 : i32
          %div3A_772 = arith.divsi %scan3A_770, %jit3A_771 : i32
          %sign3A_773 = arith.constant 0 : i32
          %sign3A_774 = arith.cmpi sgt, %scan3A_770, %sign3A_773 : i32
          %sign3A_775 = arith.extui %sign3A_774 : i1 to i32
          %sign3A_776 = arith.constant 0 : i32
          %sign3A_777 = arith.cmpi slt, %scan3A_770, %sign3A_776 : i32
          %sign3A_778 = arith.extui %sign3A_777 : i1 to i32
          %sign3A_779 = arith.subi %sign3A_775, %sign3A_778 : i32
          %sign3A_780 = arith.constant 0 : i32
          %sign3A_781 = arith.cmpi sgt, %jit3A_771, %sign3A_780 : i32
          %sign3A_782 = arith.extui %sign3A_781 : i1 to i32
          %sign3A_783 = arith.constant 0 : i32
          %sign3A_784 = arith.cmpi slt, %jit3A_771, %sign3A_783 : i32
          %sign3A_785 = arith.extui %sign3A_784 : i1 to i32
          %sign3A_786 = arith.subi %sign3A_782, %sign3A_785 : i32
          %ne3A_787 = arith.cmpi ne, %sign3A_779, %sign3A_786 : i32
          %rem3A_788 = arith.remsi %scan3A_770, %jit3A_771 : i32
          %ne3A_789 = arith.constant 0 : i32
          %ne3A_790 = arith.cmpi ne, %rem3A_788, %ne3A_789 : i32
          %and3A_791 = arith.andi %ne3A_787, %ne3A_790 : i1
          %sub3A_792 = arith.constant 1 : i32
          %sub3A_793 = arith.subi %div3A_772, %sub3A_792 : i32
          %select_n3A_794 = arith.select %and3A_791, %sub3A_793, %div3A_772 : i32
          %jit3A_795 = arith.constant 32 : i32
          %eq3A_796 = arith.constant 0 : i32
          %eq3A_797 = arith.cmpi eq, %jit3A_795, %eq3A_796 : i32
          %jit3A_798 = arith.constant 1 : i32
          %select_n3A_799 = arith.select %eq3A_797, %jit3A_798, %jit3A_795 : i32
          %rem3A_800 = arith.remsi %scan3A_770, %select_n3A_799 : i32
          %ne3A_801 = arith.constant 0 : i32
          %ne3A_802 = arith.cmpi ne, %rem3A_800, %ne3A_801 : i32
          %lt3A_803 = arith.constant 0 : i32
          %lt3A_804 = arith.cmpi slt, %rem3A_800, %lt3A_803 : i32
          %lt3A_805 = arith.constant 0 : i32
          %lt3A_806 = arith.cmpi slt, %select_n3A_799, %lt3A_805 : i32
          %ne3A_807 = arith.xori %lt3A_804, %lt3A_806 : i1
          %and3A_808 = arith.andi %ne3A_807, %ne3A_802 : i1
          %add3A_809 = arith.addi %rem3A_800, %select_n3A_799 : i32
          %select_n3A_810 = arith.select %and3A_808, %add3A_809, %rem3A_800 : i32
          %mul3A_811 = arith.constant 16 : i32
          %mul3A_812 = arith.muli %select_n3A_810, %mul3A_811 : i32
          %get3A_813 = arith.index_cast %select_n3A_794 : i32 to index
          %get3A_814 = arith.index_cast %mul3A_812 : i32 to index
          %get3A_815 = tpu.vector_load %arg19[%get3A_813, %get3A_814] {strides = array<i32>} : memref<16x512xf32, #tpu.memory_space<vmem>>, vector<16xf32>,
          %mul3A_816 = arith.constant 16 : i32
          %mul3A_817 = arith.muli %select_n3A_810, %mul3A_816 : i32
          %swap3A_818 = arith.index_cast %select_n3A_794 : i32 to index
          %swap3A_819 = arith.index_cast %mul3A_817 : i32 to index
          %swap3A_820 = tpu.vector_load %arg18[%swap3A_818, %swap3A_819] {strides = array<i32>} : memref<16x512xf32, #tpu.memory_space<vmem>>, vector<16xf32>,
          tpu.vector_store %arg18[%swap3A_818, %swap3A_819], %get3A_815 {add = true, strides = array<i32>} : memref<16x512xf32, #tpu.memory_space<vmem>>, vector<16xf32>,
          %scan3A_821 = arith.constant 12 : i32
          %scan3A_822 = arith.addi %scan3A_198, %scan3A_821 : i32
          %jit3A_823 = arith.constant 32 : i32
          %div3A_824 = arith.divsi %scan3A_822, %jit3A_823 : i32
          %sign3A_825 = arith.constant 0 : i32
          %sign3A_826 = arith.cmpi sgt, %scan3A_822, %sign3A_825 : i32
          %sign3A_827 = arith.extui %sign3A_826 : i1 to i32
          %sign3A_828 = arith.constant 0 : i32
          %sign3A_829 = arith.cmpi slt, %scan3A_822, %sign3A_828 : i32
          %sign3A_830 = arith.extui %sign3A_829 : i1 to i32
          %sign3A_831 = arith.subi %sign3A_827, %sign3A_830 : i32
          %sign3A_832 = arith.constant 0 : i32
          %sign3A_833 = arith.cmpi sgt, %jit3A_823, %sign3A_832 : i32
          %sign3A_834 = arith.extui %sign3A_833 : i1 to i32
          %sign3A_835 = arith.constant 0 : i32
          %sign3A_836 = arith.cmpi slt, %jit3A_823, %sign3A_835 : i32
          %sign3A_837 = arith.extui %sign3A_836 : i1 to i32
          %sign3A_838 = arith.subi %sign3A_834, %sign3A_837 : i32
          %ne3A_839 = arith.cmpi ne, %sign3A_831, %sign3A_838 : i32
          %rem3A_840 = arith.remsi %scan3A_822, %jit3A_823 : i32
          %ne3A_841 = arith.constant 0 : i32
          %ne3A_842 = arith.cmpi ne, %rem3A_840, %ne3A_841 : i32
          %and3A_843 = arith.andi %ne3A_839, %ne3A_842 : i1
          %sub3A_844 = arith.constant 1 : i32
          %sub3A_845 = arith.subi %div3A_824, %sub3A_844 : i32
          %select_n3A_846 = arith.select %and3A_843, %sub3A_845, %div3A_824 : i32
          %jit3A_847 = arith.constant 32 : i32
          %eq3A_848 = arith.constant 0 : i32
          %eq3A_849 = arith.cmpi eq, %jit3A_847, %eq3A_848 : i32
          %jit3A_850 = arith.constant 1 : i32
          %select_n3A_851 = arith.select %eq3A_849, %jit3A_850, %jit3A_847 : i32
          %rem3A_852 = arith.remsi %scan3A_822, %select_n3A_851 : i32
          %ne3A_853 = arith.constant 0 : i32
          %ne3A_854 = arith.cmpi ne, %rem3A_852, %ne3A_853 : i32
          %lt3A_855 = arith.constant 0 : i32
          %lt3A_856 = arith.cmpi slt, %rem3A_852, %lt3A_855 : i32
          %lt3A_857 = arith.constant 0 : i32
          %lt3A_858 = arith.cmpi slt, %select_n3A_851, %lt3A_857 : i32
          %ne3A_859 = arith.xori %lt3A_856, %lt3A_858 : i1
          %and3A_860 = arith.andi %ne3A_859, %ne3A_854 : i1
          %add3A_861 = arith.addi %rem3A_852, %select_n3A_851 : i32
          %select_n3A_862 = arith.select %and3A_860, %add3A_861, %rem3A_852 : i32
          %mul3A_863 = arith.constant 16 : i32
          %mul3A_864 = arith.muli %select_n3A_862, %mul3A_863 : i32
          %get3A_865 = arith.index_cast %select_n3A_846 : i32 to index
          %get3A_866 = arith.index_cast %mul3A_864 : i32 to index
          %get3A_867 = tpu.vector_load %arg19[%get3A_865, %get3A_866] {strides = array<i32>} : memref<16x512xf32, #tpu.memory_space<vmem>>, vector<16xf32>,
          %mul3A_868 = arith.constant 16 : i32
          %mul3A_869 = arith.muli %select_n3A_862, %mul3A_868 : i32
          %swap3A_870 = arith.index_cast %select_n3A_846 : i32 to index
          %swap3A_871 = arith.index_cast %mul3A_869 : i32 to index
          %swap3A_872 = tpu.vector_load %arg18[%swap3A_870, %swap3A_871] {strides = array<i32>} : memref<16x512xf32, #tpu.memory_space<vmem>>, vector<16xf32>,
          tpu.vector_store %arg18[%swap3A_870, %swap3A_871], %get3A_867 {add = true, strides = array<i32>} : memref<16x512xf32, #tpu.memory_space<vmem>>, vector<16xf32>,
          %scan3A_873 = arith.constant 13 : i32
          %scan3A_874 = arith.addi %scan3A_198, %scan3A_873 : i32
          %jit3A_875 = arith.constant 32 : i32
          %div3A_876 = arith.divsi %scan3A_874, %jit3A_875 : i32
          %sign3A_877 = arith.constant 0 : i32
          %sign3A_878 = arith.cmpi sgt, %scan3A_874, %sign3A_877 : i32
          %sign3A_879 = arith.extui %sign3A_878 : i1 to i32
          %sign3A_880 = arith.constant 0 : i32
          %sign3A_881 = arith.cmpi slt, %scan3A_874, %sign3A_880 : i32
          %sign3A_882 = arith.extui %sign3A_881 : i1 to i32
          %sign3A_883 = arith.subi %sign3A_879, %sign3A_882 : i32
          %sign3A_884 = arith.constant 0 : i32
          %sign3A_885 = arith.cmpi sgt, %jit3A_875, %sign3A_884 : i32
          %sign3A_886 = arith.extui %sign3A_885 : i1 to i32
          %sign3A_887 = arith.constant 0 : i32
          %sign3A_888 = arith.cmpi slt, %jit3A_875, %sign3A_887 : i32
          %sign3A_889 = arith.extui %sign3A_888 : i1 to i32
          %sign3A_890 = arith.subi %sign3A_886, %sign3A_889 : i32
          %ne3A_891 = arith.cmpi ne, %sign3A_883, %sign3A_890 : i32
          %rem3A_892 = arith.remsi %scan3A_874, %jit3A_875 : i32
          %ne3A_893 = arith.constant 0 : i32
          %ne3A_894 = arith.cmpi ne, %rem3A_892, %ne3A_893 : i32
          %and3A_895 = arith.andi %ne3A_891, %ne3A_894 : i1
          %sub3A_896 = arith.constant 1 : i32
          %sub3A_897 = arith.subi %div3A_876, %sub3A_896 : i32
          %select_n3A_898 = arith.select %and3A_895, %sub3A_897, %div3A_876 : i32
          %jit3A_899 = arith.constant 32 : i32
          %eq3A_900 = arith.constant 0 : i32
          %eq3A_901 = arith.cmpi eq, %jit3A_899, %eq3A_900 : i32
          %jit3A_902 = arith.constant 1 : i32
          %select_n3A_903 = arith.select %eq3A_901, %jit3A_902, %jit3A_899 : i32
          %rem3A_904 = arith.remsi %scan3A_874, %select_n3A_903 : i32
          %ne3A_905 = arith.constant 0 : i32
          %ne3A_906 = arith.cmpi ne, %rem3A_904, %ne3A_905 : i32
          %lt3A_907 = arith.constant 0 : i32
          %lt3A_908 = arith.cmpi slt, %rem3A_904, %lt3A_907 : i32
          %lt3A_909 = arith.constant 0 : i32
          %lt3A_910 = arith.cmpi slt, %select_n3A_903, %lt3A_909 : i32
          %ne3A_911 = arith.xori %lt3A_908, %lt3A_910 : i1
          %and3A_912 = arith.andi %ne3A_911, %ne3A_906 : i1
          %add3A_913 = arith.addi %rem3A_904, %select_n3A_903 : i32
          %select_n3A_914 = arith.select %and3A_912, %add3A_913, %rem3A_904 : i32
          %mul3A_915 = arith.constant 16 : i32
          %mul3A_916 = arith.muli %select_n3A_914, %mul3A_915 : i32
          %get3A_917 = arith.index_cast %select_n3A_898 : i32 to index
          %get3A_918 = arith.index_cast %mul3A_916 : i32 to index
          %get3A_919 = tpu.vector_load %arg19[%get3A_917, %get3A_918] {strides = array<i32>} : memref<16x512xf32, #tpu.memory_space<vmem>>, vector<16xf32>,
          %mul3A_920 = arith.constant 16 : i32
          %mul3A_921 = arith.muli %select_n3A_914, %mul3A_920 : i32
          %swap3A_922 = arith.index_cast %select_n3A_898 : i32 to index
          %swap3A_923 = arith.index_cast %mul3A_921 : i32 to index
          %swap3A_924 = tpu.vector_load %arg18[%swap3A_922, %swap3A_923] {strides = array<i32>} : memref<16x512xf32, #tpu.memory_space<vmem>>, vector<16xf32>,
          tpu.vector_store %arg18[%swap3A_922, %swap3A_923], %get3A_919 {add = true, strides = array<i32>} : memref<16x512xf32, #tpu.memory_space<vmem>>, vector<16xf32>,
          %scan3A_925 = arith.constant 14 : i32
          %scan3A_926 = arith.addi %scan3A_198, %scan3A_925 : i32
          %jit3A_927 = arith.constant 32 : i32
          %div3A_928 = arith.divsi %scan3A_926, %jit3A_927 : i32
          %sign3A_929 = arith.constant 0 : i32
          %sign3A_930 = arith.cmpi sgt, %scan3A_926, %sign3A_929 : i32
          %sign3A_931 = arith.extui %sign3A_930 : i1 to i32
          %sign3A_932 = arith.constant 0 : i32
          %sign3A_933 = arith.cmpi slt, %scan3A_926, %sign3A_932 : i32
          %sign3A_934 = arith.extui %sign3A_933 : i1 to i32
          %sign3A_935 = arith.subi %sign3A_931, %sign3A_934 : i32
          %sign3A_936 = arith.constant 0 : i32
          %sign3A_937 = arith.cmpi sgt, %jit3A_927, %sign3A_936 : i32
          %sign3A_938 = arith.extui %sign3A_937 : i1 to i32
          %sign3A_939 = arith.constant 0 : i32
          %sign3A_940 = arith.cmpi slt, %jit3A_927, %sign3A_939 : i32
          %sign3A_941 = arith.extui %sign3A_940 : i1 to i32
          %sign3A_942 = arith.subi %sign3A_938, %sign3A_941 : i32
          %ne3A_943 = arith.cmpi ne, %sign3A_935, %sign3A_942 : i32
          %rem3A_944 = arith.remsi %scan3A_926, %jit3A_927 : i32
          %ne3A_945 = arith.constant 0 : i32
          %ne3A_946 = arith.cmpi ne, %rem3A_944, %ne3A_945 : i32
          %and3A_947 = arith.andi %ne3A_943, %ne3A_946 : i1
          %sub3A_948 = arith.constant 1 : i32
          %sub3A_949 = arith.subi %div3A_928, %sub3A_948 : i32
          %select_n3A_950 = arith.select %and3A_947, %sub3A_949, %div3A_928 : i32
          %jit3A_951 = arith.constant 32 : i32
          %eq3A_952 = arith.constant 0 : i32
          %eq3A_953 = arith.cmpi eq, %jit3A_951, %eq3A_952 : i32
          %jit3A_954 = arith.constant 1 : i32
          %select_n3A_955 = arith.select %eq3A_953, %jit3A_954, %jit3A_951 : i32
          %rem3A_956 = arith.remsi %scan3A_926, %select_n3A_955 : i32
          %ne3A_957 = arith.constant 0 : i32
          %ne3A_958 = arith.cmpi ne, %rem3A_956, %ne3A_957 : i32
          %lt3A_959 = arith.constant 0 : i32
          %lt3A_960 = arith.cmpi slt, %rem3A_956, %lt3A_959 : i32
          %lt3A_961 = arith.constant 0 : i32
          %lt3A_962 = arith.cmpi slt, %select_n3A_955, %lt3A_961 : i32
          %ne3A_963 = arith.xori %lt3A_960, %lt3A_962 : i1
          %and3A_964 = arith.andi %ne3A_963, %ne3A_958 : i1
          %add3A_965 = arith.addi %rem3A_956, %select_n3A_955 : i32
          %select_n3A_966 = arith.select %and3A_964, %add3A_965, %rem3A_956 : i32
          %mul3A_967 = arith.constant 16 : i32
          %mul3A_968 = arith.muli %select_n3A_966, %mul3A_967 : i32
          %get3A_969 = arith.index_cast %select_n3A_950 : i32 to index
          %get3A_970 = arith.index_cast %mul3A_968 : i32 to index
          %get3A_971 = tpu.vector_load %arg19[%get3A_969, %get3A_970] {strides = array<i32>} : memref<16x512xf32, #tpu.memory_space<vmem>>, vector<16xf32>,
          %mul3A_972 = arith.constant 16 : i32
          %mul3A_973 = arith.muli %select_n3A_966, %mul3A_972 : i32
          %swap3A_974 = arith.index_cast %select_n3A_950 : i32 to index
          %swap3A_975 = arith.index_cast %mul3A_973 : i32 to index
          %swap3A_976 = tpu.vector_load %arg18[%swap3A_974, %swap3A_975] {strides = array<i32>} : memref<16x512xf32, #tpu.memory_space<vmem>>, vector<16xf32>,
          tpu.vector_store %arg18[%swap3A_974, %swap3A_975], %get3A_971 {add = true, strides = array<i32>} : memref<16x512xf32, #tpu.memory_space<vmem>>, vector<16xf32>,
          %scan3A_977 = arith.constant 15 : i32
          %scan3A_978 = arith.addi %scan3A_198, %scan3A_977 : i32
          %jit3A_979 = arith.constant 32 : i32
          %div3A_980 = arith.divsi %scan3A_978, %jit3A_979 : i32
          %sign3A_981 = arith.constant 0 : i32
          %sign3A_982 = arith.cmpi sgt, %scan3A_978, %sign3A_981 : i32
          %sign3A_983 = arith.extui %sign3A_982 : i1 to i32
          %sign3A_984 = arith.constant 0 : i32
          %sign3A_985 = arith.cmpi slt, %scan3A_978, %sign3A_984 : i32
          %sign3A_986 = arith.extui %sign3A_985 : i1 to i32
          %sign3A_987 = arith.subi %sign3A_983, %sign3A_986 : i32
          %sign3A_988 = arith.constant 0 : i32
          %sign3A_989 = arith.cmpi sgt, %jit3A_979, %sign3A_988 : i32
          %sign3A_990 = arith.extui %sign3A_989 : i1 to i32
          %sign3A_991 = arith.constant 0 : i32
          %sign3A_992 = arith.cmpi slt, %jit3A_979, %sign3A_991 : i32
          %sign3A_993 = arith.extui %sign3A_992 : i1 to i32
          %sign3A_994 = arith.subi %sign3A_990, %sign3A_993 : i32
          %ne3A_995 = arith.cmpi ne, %sign3A_987, %sign3A_994 : i32
          %rem3A_996 = arith.remsi %scan3A_978, %jit3A_979 : i32
          %ne3A_997 = arith.constant 0 : i32
          %ne3A_998 = arith.cmpi ne, %rem3A_996, %ne3A_997 : i32
          %and3A_999 = arith.andi %ne3A_995, %ne3A_998 : i1
          %sub3A_1000 = arith.constant 1 : i32
          %sub3A_1001 = arith.subi %div3A_980, %sub3A_1000 : i32
          %select_n3A_1002 = arith.select %and3A_999, %sub3A_1001, %div3A_980 : i32
          %jit3A_1003 = arith.constant 32 : i32
          %eq3A_1004 = arith.constant 0 : i32
          %eq3A_1005 = arith.cmpi eq, %jit3A_1003, %eq3A_1004 : i32
          %jit3A_1006 = arith.constant 1 : i32
          %select_n3A_1007 = arith.select %eq3A_1005, %jit3A_1006, %jit3A_1003 : i32
          %rem3A_1008 = arith.remsi %scan3A_978, %select_n3A_1007 : i32
          %ne3A_1009 = arith.constant 0 : i32
          %ne3A_1010 = arith.cmpi ne, %rem3A_1008, %ne3A_1009 : i32
          %lt3A_1011 = arith.constant 0 : i32
          %lt3A_1012 = arith.cmpi slt, %rem3A_1008, %lt3A_1011 : i32
          %lt3A_1013 = arith.constant 0 : i32
          %lt3A_1014 = arith.cmpi slt, %select_n3A_1007, %lt3A_1013 : i32
          %ne3A_1015 = arith.xori %lt3A_1012, %lt3A_1014 : i1
          %and3A_1016 = arith.andi %ne3A_1015, %ne3A_1010 : i1
          %add3A_1017 = arith.addi %rem3A_1008, %select_n3A_1007 : i32
          %select_n3A_1018 = arith.select %and3A_1016, %add3A_1017, %rem3A_1008 : i32
          %mul3A_1019 = arith.constant 16 : i32
          %mul3A_1020 = arith.muli %select_n3A_1018, %mul3A_1019 : i32
          %get3A_1021 = arith.index_cast %select_n3A_1002 : i32 to index
          %get3A_1022 = arith.index_cast %mul3A_1020 : i32 to index
          %get3A_1023 = tpu.vector_load %arg19[%get3A_1021, %get3A_1022] {strides = array<i32>} : memref<16x512xf32, #tpu.memory_space<vmem>>, vector<16xf32>,
          %mul3A_1024 = arith.constant 16 : i32
          %mul3A_1025 = arith.muli %select_n3A_1018, %mul3A_1024 : i32
          %swap3A_1026 = arith.index_cast %select_n3A_1002 : i32 to index
          %swap3A_1027 = arith.index_cast %mul3A_1025 : i32 to index
          %swap3A_1028 = tpu.vector_load %arg18[%swap3A_1026, %swap3A_1027] {strides = array<i32>} : memref<16x512xf32, #tpu.memory_space<vmem>>, vector<16xf32>,
          tpu.vector_store %arg18[%swap3A_1026, %swap3A_1027], %get3A_1023 {add = true, strides = array<i32>} : memref<16x512xf32, #tpu.memory_space<vmem>>, vector<16xf32>,
        }
        %scan3A_191 = arith.constant 512 : i32
        %dma_start3A_192 = arith.constant 0 : i32
        %dma_start3A_193 = arith.constant 0 : i32
        %dma_start3A_194 = tpu.memref_slice %arg2[%dma_start3A_192, %dma_start3A_193] : memref<100000x512xf32, #tpu.memory_space<hbm>> -> memref<100000x512xf32, #tpu.memory_space<hbm>>
        tpu.enqueue_indirect_dma source(%arg18 : memref<16x512xf32, #tpu.memory_space<vmem>>) target(%dma_start3A_194 : memref<100000x512xf32, #tpu.memory_space<hbm>>) offsets(%arg20 : memref<16xi32, #tpu.memory_space<vmem>>) semaphore(%arg23 : memref<!tpu.dma_semaphore, #tpu.memory_space<semaphore_mem>>)
        %dma_wait3A_195 = arith.constant 0 : i32
        %dma_wait3A_196 = arith.constant 0 : i32
        %dma_wait3A_197 = tpu.memref_slice %arg2[%dma_wait3A_195, %dma_wait3A_196] : memref<100000x512xf32, #tpu.memory_space<hbm>> -> memref<100000x512xf32, #tpu.memory_space<hbm>>
        tpu.wait_indirect_dma semaphore(%arg23 : memref<!tpu.dma_semaphore, #tpu.memory_space<semaphore_mem>>) src(%arg18 : memref<16x512xf32, #tpu.memory_space<vmem>>) dst(%dma_wait3A_197 : memref<100000x512xf32, #tpu.memory_space<hbm>>)
      }
      %while3A_164 = arith.constant 1 : i32
      scf.for %while3A_165 = %while3A_162 to %while3A_158 step %while3A_164  : i32 {
        %eq3A = vector.broadcast %while3A_165 : i32 to vector<16xi32>
        %eq3A_166 = arith.cmpi eq, %sub3A_142, %eq3A : vector<16xi32>
        %and3A_167 = arith.andi %lt3A_129, %eq3A_166 : vector<16xi1>
        %all_reduce_ffs3A = tpu.all_reduce %and3A_167 {dim = 0 : i64, kind = #tpu.reduction_kind<find_first_set>} : vector<16xi1> -> vector<16xi32>
        %add3A_168 = vector.broadcast %mul3A_126 : i32 to vector<16xi32>
        %add3A_169 = arith.addi %add3A_168, %all_reduce_ffs3A : vector<16xi32>
        %gather3A = tpu.vector_load_idx %arg11[%add3A_169] : memref<16384xi32, #tpu.memory_space<vmem>>[vector<16xi32>], vector<16xi32>,
        %select_n3A_170 = arith.select %and3A_167, %get3A_130, %gather3A : vector<16xi1>, vector<16xi32>
        %swap3A = arith.constant 0 : index
        %swap3A_171 = tpu.vector_load %arg20[%swap3A] {strides = array<i32>} : memref<16xi32, #tpu.memory_space<vmem>>, vector<16xi32>,
        tpu.vector_store %arg20[%swap3A], %select_n3A_170 {strides = array<i32>} : memref<16xi32, #tpu.memory_space<vmem>>, vector<16xi32>,
        %gather3A_172 = tpu.vector_load_idx %arg12[%add3A_169] : memref<16384xi32, #tpu.memory_space<vmem>>[vector<16xi32>], vector<16xi32>,
        %select_n3A_173 = arith.select %and3A_167, %get3A_132, %gather3A_172 : vector<16xi1>, vector<16xi32>
        %swap3A_174 = arith.constant 0 : index
        %swap3A_175 = tpu.vector_load %arg21[%swap3A_174] {strides = array<i32>} : memref<16xi32, #tpu.memory_space<vmem>>, vector<16xi32>,
        tpu.vector_store %arg21[%swap3A_174], %select_n3A_173 {strides = array<i32>} : memref<16xi32, #tpu.memory_space<vmem>>, vector<16xi32>,
        %dma_start3A = arith.constant 0 : i32
        %dma_start3A_176 = arith.constant 0 : i32
        %dma_start3A_177 = tpu.memref_slice %arg2[%dma_start3A, %dma_start3A_176] : memref<100000x512xf32, #tpu.memory_space<hbm>> -> memref<100000x512xf32, #tpu.memory_space<hbm>>
        tpu.enqueue_indirect_dma source(%dma_start3A_177 : memref<100000x512xf32, #tpu.memory_space<hbm>>) target(%arg18 : memref<16x512xf32, #tpu.memory_space<vmem>>) offsets(%arg20 : memref<16xi32, #tpu.memory_space<vmem>>) semaphore(%arg22 : memref<!tpu.dma_semaphore, #tpu.memory_space<semaphore_mem>>)
        %dma_start3A_178 = arith.constant 0 : i32
        %dma_start3A_179 = arith.constant 0 : i32
        %dma_start3A_180 = tpu.memref_slice %arg5[%dma_start3A_178, %dma_start3A_179] : memref<16384x512xf32, #tpu.memory_space<hbm>> -> memref<16384x512xf32, #tpu.memory_space<hbm>>
        tpu.enqueue_indirect_dma source(%dma_start3A_180 : memref<16384x512xf32, #tpu.memory_space<hbm>>) target(%arg19 : memref<16x512xf32, #tpu.memory_space<vmem>>) offsets(%arg21 : memref<16xi32, #tpu.memory_space<vmem>>) semaphore(%arg22 : memref<!tpu.dma_semaphore, #tpu.memory_space<semaphore_mem>>)
        %dma_wait3A = arith.constant 0 : i32
        %dma_wait3A_181 = arith.constant 0 : i32
        %dma_wait3A_182 = tpu.memref_slice %arg5[%dma_wait3A, %dma_wait3A_181] : memref<16384x512xf32, #tpu.memory_space<hbm>> -> memref<16384x512xf32, #tpu.memory_space<hbm>>
        tpu.wait_indirect_dma semaphore(%arg22 : memref<!tpu.dma_semaphore, #tpu.memory_space<semaphore_mem>>) src(%dma_wait3A_182 : memref<16384x512xf32, #tpu.memory_space<hbm>>) dst(%arg19 : memref<16x512xf32, #tpu.memory_space<vmem>>)
        %dma_wait3A_183 = arith.constant 0 : i32
        %dma_wait3A_184 = arith.constant 0 : i32
        %dma_wait3A_185 = tpu.memref_slice %arg2[%dma_wait3A_183, %dma_wait3A_184] : memref<100000x512xf32, #tpu.memory_space<hbm>> -> memref<100000x512xf32, #tpu.memory_space<hbm>>
        tpu.wait_indirect_dma semaphore(%arg22 : memref<!tpu.dma_semaphore, #tpu.memory_space<semaphore_mem>>) src(%dma_wait3A_185 : memref<100000x512xf32, #tpu.memory_space<hbm>>) dst(%arg18 : memref<16x512xf32, #tpu.memory_space<vmem>>)
        %scan3A_186 = arith.constant 0 : i32
        %scan3A_187 = arith.constant 0 : i32
        %scan3A_188 = arith.constant 512 : i32
        %scan3A_189 = arith.addi %scan3A_187, %scan3A_188 : i32
        %scan3A_190 = arith.constant 16 : i32
        scf.for %scan3A_198 = %scan3A_187 to %scan3A_189 step %scan3A_190  : i32 {
          %jit3A_199 = arith.constant 32 : i32
          %div3A_200 = arith.divsi %scan3A_198, %jit3A_199 : i32
          %sign3A_201 = arith.constant 0 : i32
          %sign3A_202 = arith.cmpi sgt, %scan3A_198, %sign3A_201 : i32
          %sign3A_203 = arith.extui %sign3A_202 : i1 to i32
          %sign3A_204 = arith.constant 0 : i32
          %sign3A_205 = arith.cmpi slt, %scan3A_198, %sign3A_204 : i32
          %sign3A_206 = arith.extui %sign3A_205 : i1 to i32
          %sign3A_207 = arith.subi %sign3A_203, %sign3A_206 : i32
          %sign3A_208 = arith.constant 0 : i32
          %sign3A_209 = arith.cmpi sgt, %jit3A_199, %sign3A_208 : i32
          %sign3A_210 = arith.extui %sign3A_209 : i1 to i32
          %sign3A_211 = arith.constant 0 : i32
          %sign3A_212 = arith.cmpi slt, %jit3A_199, %sign3A_211 : i32
          %sign3A_213 = arith.extui %sign3A_212 : i1 to i32
          %sign3A_214 = arith.subi %sign3A_210, %sign3A_213 : i32
          %ne3A_215 = arith.cmpi ne, %sign3A_207, %sign3A_214 : i32
          %rem3A_216 = arith.remsi %scan3A_198, %jit3A_199 : i32
          %ne3A_217 = arith.constant 0 : i32
          %ne3A_218 = arith.cmpi ne, %rem3A_216, %ne3A_217 : i32
          %and3A_219 = arith.andi %ne3A_215, %ne3A_218 : i1
          %sub3A_220 = arith.constant 1 : i32
          %sub3A_221 = arith.subi %div3A_200, %sub3A_220 : i32
          %select_n3A_222 = arith.select %and3A_219, %sub3A_221, %div3A_200 : i32
          %jit3A_223 = arith.constant 32 : i32
          %eq3A_224 = arith.constant 0 : i32
          %eq3A_225 = arith.cmpi eq, %jit3A_223, %eq3A_224 : i32
          %jit3A_226 = arith.constant 1 : i32
          %select_n3A_227 = arith.select %eq3A_225, %jit3A_226, %jit3A_223 : i32
          %rem3A_228 = arith.remsi %scan3A_198, %select_n3A_227 : i32
          %ne3A_229 = arith.constant 0 : i32
          %ne3A_230 = arith.cmpi ne, %rem3A_228, %ne3A_229 : i32
          %lt3A_231 = arith.constant 0 : i32
          %lt3A_232 = arith.cmpi slt, %rem3A_228, %lt3A_231 : i32
          %lt3A_233 = arith.constant 0 : i32
          %lt3A_234 = arith.cmpi slt, %select_n3A_227, %lt3A_233 : i32
          %ne3A_235 = arith.xori %lt3A_232, %lt3A_234 : i1
          %and3A_236 = arith.andi %ne3A_235, %ne3A_230 : i1
          %add3A_237 = arith.addi %rem3A_228, %select_n3A_227 : i32
          %select_n3A_238 = arith.select %and3A_236, %add3A_237, %rem3A_228 : i32
          %mul3A_239 = arith.constant 16 : i32
          %mul3A_240 = arith.muli %select_n3A_238, %mul3A_239 : i32
          %get3A_241 = arith.index_cast %select_n3A_222 : i32 to index
          %get3A_242 = arith.index_cast %mul3A_240 : i32 to index
          %get3A_243 = tpu.vector_load %arg19[%get3A_241, %get3A_242] {strides = array<i32>} : memref<16x512xf32, #tpu.memory_space<vmem>>, vector<16xf32>,
          %mul3A_244 = arith.constant 16 : i32
          %mul3A_245 = arith.muli %select_n3A_238, %mul3A_244 : i32
          %swap3A_246 = arith.index_cast %select_n3A_222 : i32 to index
          %swap3A_247 = arith.index_cast %mul3A_245 : i32 to index
          %swap3A_248 = tpu.vector_load %arg18[%swap3A_246, %swap3A_247] {strides = array<i32>} : memref<16x512xf32, #tpu.memory_space<vmem>>, vector<16xf32>,
          tpu.vector_store %arg18[%swap3A_246, %swap3A_247], %get3A_243 {add = true, strides = array<i32>} : memref<16x512xf32, #tpu.memory_space<vmem>>, vector<16xf32>,
          %scan3A_249 = arith.constant 1 : i32
          %scan3A_250 = arith.addi %scan3A_198, %scan3A_249 : i32
          %jit3A_251 = arith.constant 32 : i32
          %div3A_252 = arith.divsi %scan3A_250, %jit3A_251 : i32
          %sign3A_253 = arith.constant 0 : i32
          %sign3A_254 = arith.cmpi sgt, %scan3A_250, %sign3A_253 : i32
          %sign3A_255 = arith.extui %sign3A_254 : i1 to i32
          %sign3A_256 = arith.constant 0 : i32
          %sign3A_257 = arith.cmpi slt, %scan3A_250, %sign3A_256 : i32
          %sign3A_258 = arith.extui %sign3A_257 : i1 to i32
          %sign3A_259 = arith.subi %sign3A_255, %sign3A_258 : i32
          %sign3A_260 = arith.constant 0 : i32
          %sign3A_261 = arith.cmpi sgt, %jit3A_251, %sign3A_260 : i32
          %sign3A_262 = arith.extui %sign3A_261 : i1 to i32
          %sign3A_263 = arith.constant 0 : i32
          %sign3A_264 = arith.cmpi slt, %jit3A_251, %sign3A_263 : i32
          %sign3A_265 = arith.extui %sign3A_264 : i1 to i32
          %sign3A_266 = arith.subi %sign3A_262, %sign3A_265 : i32
          %ne3A_267 = arith.cmpi ne, %sign3A_259, %sign3A_266 : i32
          %rem3A_268 = arith.remsi %scan3A_250, %jit3A_251 : i32
          %ne3A_269 = arith.constant 0 : i32
          %ne3A_270 = arith.cmpi ne, %rem3A_268, %ne3A_269 : i32
          %and3A_271 = arith.andi %ne3A_267, %ne3A_270 : i1
          %sub3A_272 = arith.constant 1 : i32
          %sub3A_273 = arith.subi %div3A_252, %sub3A_272 : i32
          %select_n3A_274 = arith.select %and3A_271, %sub3A_273, %div3A_252 : i32
          %jit3A_275 = arith.constant 32 : i32
          %eq3A_276 = arith.constant 0 : i32
          %eq3A_277 = arith.cmpi eq, %jit3A_275, %eq3A_276 : i32
          %jit3A_278 = arith.constant 1 : i32
          %select_n3A_279 = arith.select %eq3A_277, %jit3A_278, %jit3A_275 : i32
          %rem3A_280 = arith.remsi %scan3A_250, %select_n3A_279 : i32
          %ne3A_281 = arith.constant 0 : i32
          %ne3A_282 = arith.cmpi ne, %rem3A_280, %ne3A_281 : i32
          %lt3A_283 = arith.constant 0 : i32
          %lt3A_284 = arith.cmpi slt, %rem3A_280, %lt3A_283 : i32
          %lt3A_285 = arith.constant 0 : i32
          %lt3A_286 = arith.cmpi slt, %select_n3A_279, %lt3A_285 : i32
          %ne3A_287 = arith.xori %lt3A_284, %lt3A_286 : i1
          %and3A_288 = arith.andi %ne3A_287, %ne3A_282 : i1
          %add3A_289 = arith.addi %rem3A_280, %select_n3A_279 : i32
          %select_n3A_290 = arith.select %and3A_288, %add3A_289, %rem3A_280 : i32
          %mul3A_291 = arith.constant 16 : i32
          %mul3A_292 = arith.muli %select_n3A_290, %mul3A_291 : i32
          %get3A_293 = arith.index_cast %select_n3A_274 : i32 to index
          %get3A_294 = arith.index_cast %mul3A_292 : i32 to index
          %get3A_295 = tpu.vector_load %arg19[%get3A_293, %get3A_294] {strides = array<i32>} : memref<16x512xf32, #tpu.memory_space<vmem>>, vector<16xf32>,
          %mul3A_296 = arith.constant 16 : i32
          %mul3A_297 = arith.muli %select_n3A_290, %mul3A_296 : i32
          %swap3A_298 = arith.index_cast %select_n3A_274 : i32 to index
          %swap3A_299 = arith.index_cast %mul3A_297 : i32 to index
          %swap3A_300 = tpu.vector_load %arg18[%swap3A_298, %swap3A_299] {strides = array<i32>} : memref<16x512xf32, #tpu.memory_space<vmem>>, vector<16xf32>,
          tpu.vector_store %arg18[%swap3A_298, %swap3A_299], %get3A_295 {add = true, strides = array<i32>} : memref<16x512xf32, #tpu.memory_space<vmem>>, vector<16xf32>,
          %scan3A_301 = arith.constant 2 : i32
          %scan3A_302 = arith.addi %scan3A_198, %scan3A_301 : i32
          %jit3A_303 = arith.constant 32 : i32
          %div3A_304 = arith.divsi %scan3A_302, %jit3A_303 : i32
          %sign3A_305 = arith.constant 0 : i32
          %sign3A_306 = arith.cmpi sgt, %scan3A_302, %sign3A_305 : i32
          %sign3A_307 = arith.extui %sign3A_306 : i1 to i32
          %sign3A_308 = arith.constant 0 : i32
          %sign3A_309 = arith.cmpi slt, %scan3A_302, %sign3A_308 : i32
          %sign3A_310 = arith.extui %sign3A_309 : i1 to i32
          %sign3A_311 = arith.subi %sign3A_307, %sign3A_310 : i32
          %sign3A_312 = arith.constant 0 : i32
          %sign3A_313 = arith.cmpi sgt, %jit3A_303, %sign3A_312 : i32
          %sign3A_314 = arith.extui %sign3A_313 : i1 to i32
          %sign3A_315 = arith.constant 0 : i32
          %sign3A_316 = arith.cmpi slt, %jit3A_303, %sign3A_315 : i32
          %sign3A_317 = arith.extui %sign3A_316 : i1 to i32
          %sign3A_318 = arith.subi %sign3A_314, %sign3A_317 : i32
          %ne3A_319 = arith.cmpi ne, %sign3A_311, %sign3A_318 : i32
          %rem3A_320 = arith.remsi %scan3A_302, %jit3A_303 : i32
          %ne3A_321 = arith.constant 0 : i32
          %ne3A_322 = arith.cmpi ne, %rem3A_320, %ne3A_321 : i32
          %and3A_323 = arith.andi %ne3A_319, %ne3A_322 : i1
          %sub3A_324 = arith.constant 1 : i32
          %sub3A_325 = arith.subi %div3A_304, %sub3A_324 : i32
          %select_n3A_326 = arith.select %and3A_323, %sub3A_325, %div3A_304 : i32
          %jit3A_327 = arith.constant 32 : i32
          %eq3A_328 = arith.constant 0 : i32
          %eq3A_329 = arith.cmpi eq, %jit3A_327, %eq3A_328 : i32
          %jit3A_330 = arith.constant 1 : i32
          %select_n3A_331 = arith.select %eq3A_329, %jit3A_330, %jit3A_327 : i32
          %rem3A_332 = arith.remsi %scan3A_302, %select_n3A_331 : i32
          %ne3A_333 = arith.constant 0 : i32
          %ne3A_334 = arith.cmpi ne, %rem3A_332, %ne3A_333 : i32
          %lt3A_335 = arith.constant 0 : i32
          %lt3A_336 = arith.cmpi slt, %rem3A_332, %lt3A_335 : i32
          %lt3A_337 = arith.constant 0 : i32
          %lt3A_338 = arith.cmpi slt, %select_n3A_331, %lt3A_337 : i32
          %ne3A_339 = arith.xori %lt3A_336, %lt3A_338 : i1
          %and3A_340 = arith.andi %ne3A_339, %ne3A_334 : i1
          %add3A_341 = arith.addi %rem3A_332, %select_n3A_331 : i32
          %select_n3A_342 = arith.select %and3A_340, %add3A_341, %rem3A_332 : i32
          %mul3A_343 = arith.constant 16 : i32
          %mul3A_344 = arith.muli %select_n3A_342, %mul3A_343 : i32
          %get3A_345 = arith.index_cast %select_n3A_326 : i32 to index
          %get3A_346 = arith.index_cast %mul3A_344 : i32 to index
          %get3A_347 = tpu.vector_load %arg19[%get3A_345, %get3A_346] {strides = array<i32>} : memref<16x512xf32, #tpu.memory_space<vmem>>, vector<16xf32>,
          %mul3A_348 = arith.constant 16 : i32
          %mul3A_349 = arith.muli %select_n3A_342, %mul3A_348 : i32
          %swap3A_350 = arith.index_cast %select_n3A_326 : i32 to index
          %swap3A_351 = arith.index_cast %mul3A_349 : i32 to index
          %swap3A_352 = tpu.vector_load %arg18[%swap3A_350, %swap3A_351] {strides = array<i32>} : memref<16x512xf32, #tpu.memory_space<vmem>>, vector<16xf32>,
          tpu.vector_store %arg18[%swap3A_350, %swap3A_351], %get3A_347 {add = true, strides = array<i32>} : memref<16x512xf32, #tpu.memory_space<vmem>>, vector<16xf32>,
          %scan3A_353 = arith.constant 3 : i32
          %scan3A_354 = arith.addi %scan3A_198, %scan3A_353 : i32
          %jit3A_355 = arith.constant 32 : i32
          %div3A_356 = arith.divsi %scan3A_354, %jit3A_355 : i32
          %sign3A_357 = arith.constant 0 : i32
          %sign3A_358 = arith.cmpi sgt, %scan3A_354, %sign3A_357 : i32
          %sign3A_359 = arith.extui %sign3A_358 : i1 to i32
          %sign3A_360 = arith.constant 0 : i32
          %sign3A_361 = arith.cmpi slt, %scan3A_354, %sign3A_360 : i32
          %sign3A_362 = arith.extui %sign3A_361 : i1 to i32
          %sign3A_363 = arith.subi %sign3A_359, %sign3A_362 : i32
          %sign3A_364 = arith.constant 0 : i32
          %sign3A_365 = arith.cmpi sgt, %jit3A_355, %sign3A_364 : i32
          %sign3A_366 = arith.extui %sign3A_365 : i1 to i32
          %sign3A_367 = arith.constant 0 : i32
          %sign3A_368 = arith.cmpi slt, %jit3A_355, %sign3A_367 : i32
          %sign3A_369 = arith.extui %sign3A_368 : i1 to i32
          %sign3A_370 = arith.subi %sign3A_366, %sign3A_369 : i32
          %ne3A_371 = arith.cmpi ne, %sign3A_363, %sign3A_370 : i32
          %rem3A_372 = arith.remsi %scan3A_354, %jit3A_355 : i32
          %ne3A_373 = arith.constant 0 : i32
          %ne3A_374 = arith.cmpi ne, %rem3A_372, %ne3A_373 : i32
          %and3A_375 = arith.andi %ne3A_371, %ne3A_374 : i1
          %sub3A_376 = arith.constant 1 : i32
          %sub3A_377 = arith.subi %div3A_356, %sub3A_376 : i32
          %select_n3A_378 = arith.select %and3A_375, %sub3A_377, %div3A_356 : i32
          %jit3A_379 = arith.constant 32 : i32
          %eq3A_380 = arith.constant 0 : i32
          %eq3A_381 = arith.cmpi eq, %jit3A_379, %eq3A_380 : i32
          %jit3A_382 = arith.constant 1 : i32
          %select_n3A_383 = arith.select %eq3A_381, %jit3A_382, %jit3A_379 : i32
          %rem3A_384 = arith.remsi %scan3A_354, %select_n3A_383 : i32
          %ne3A_385 = arith.constant 0 : i32
          %ne3A_386 = arith.cmpi ne, %rem3A_384, %ne3A_385 : i32
          %lt3A_387 = arith.constant 0 : i32
          %lt3A_388 = arith.cmpi slt, %rem3A_384, %lt3A_387 : i32
          %lt3A_389 = arith.constant 0 : i32
          %lt3A_390 = arith.cmpi slt, %select_n3A_383, %lt3A_389 : i32
          %ne3A_391 = arith.xori %lt3A_388, %lt3A_390 : i1
          %and3A_392 = arith.andi %ne3A_391, %ne3A_386 : i1
          %add3A_393 = arith.addi %rem3A_384, %select_n3A_383 : i32
          %select_n3A_394 = arith.select %and3A_392, %add3A_393, %rem3A_384 : i32
          %mul3A_395 = arith.constant 16 : i32
          %mul3A_396 = arith.muli %select_n3A_394, %mul3A_395 : i32
          %get3A_397 = arith.index_cast %select_n3A_378 : i32 to index
          %get3A_398 = arith.index_cast %mul3A_396 : i32 to index
          %get3A_399 = tpu.vector_load %arg19[%get3A_397, %get3A_398] {strides = array<i32>} : memref<16x512xf32, #tpu.memory_space<vmem>>, vector<16xf32>,
          %mul3A_400 = arith.constant 16 : i32
          %mul3A_401 = arith.muli %select_n3A_394, %mul3A_400 : i32
          %swap3A_402 = arith.index_cast %select_n3A_378 : i32 to index
          %swap3A_403 = arith.index_cast %mul3A_401 : i32 to index
          %swap3A_404 = tpu.vector_load %arg18[%swap3A_402, %swap3A_403] {strides = array<i32>} : memref<16x512xf32, #tpu.memory_space<vmem>>, vector<16xf32>,
          tpu.vector_store %arg18[%swap3A_402, %swap3A_403], %get3A_399 {add = true, strides = array<i32>} : memref<16x512xf32, #tpu.memory_space<vmem>>, vector<16xf32>,
          %scan3A_405 = arith.constant 4 : i32
          %scan3A_406 = arith.addi %scan3A_198, %scan3A_405 : i32
          %jit3A_407 = arith.constant 32 : i32
          %div3A_408 = arith.divsi %scan3A_406, %jit3A_407 : i32
          %sign3A_409 = arith.constant 0 : i32
          %sign3A_410 = arith.cmpi sgt, %scan3A_406, %sign3A_409 : i32
          %sign3A_411 = arith.extui %sign3A_410 : i1 to i32
          %sign3A_412 = arith.constant 0 : i32
          %sign3A_413 = arith.cmpi slt, %scan3A_406, %sign3A_412 : i32
          %sign3A_414 = arith.extui %sign3A_413 : i1 to i32
          %sign3A_415 = arith.subi %sign3A_411, %sign3A_414 : i32
          %sign3A_416 = arith.constant 0 : i32
          %sign3A_417 = arith.cmpi sgt, %jit3A_407, %sign3A_416 : i32
          %sign3A_418 = arith.extui %sign3A_417 : i1 to i32
          %sign3A_419 = arith.constant 0 : i32
          %sign3A_420 = arith.cmpi slt, %jit3A_407, %sign3A_419 : i32
          %sign3A_421 = arith.extui %sign3A_420 : i1 to i32
          %sign3A_422 = arith.subi %sign3A_418, %sign3A_421 : i32
          %ne3A_423 = arith.cmpi ne, %sign3A_415, %sign3A_422 : i32
          %rem3A_424 = arith.remsi %scan3A_406, %jit3A_407 : i32
          %ne3A_425 = arith.constant 0 : i32
          %ne3A_426 = arith.cmpi ne, %rem3A_424, %ne3A_425 : i32
          %and3A_427 = arith.andi %ne3A_423, %ne3A_426 : i1
          %sub3A_428 = arith.constant 1 : i32
          %sub3A_429 = arith.subi %div3A_408, %sub3A_428 : i32
          %select_n3A_430 = arith.select %and3A_427, %sub3A_429, %div3A_408 : i32
          %jit3A_431 = arith.constant 32 : i32
          %eq3A_432 = arith.constant 0 : i32
          %eq3A_433 = arith.cmpi eq, %jit3A_431, %eq3A_432 : i32
          %jit3A_434 = arith.constant 1 : i32
          %select_n3A_435 = arith.select %eq3A_433, %jit3A_434, %jit3A_431 : i32
          %rem3A_436 = arith.remsi %scan3A_406, %select_n3A_435 : i32
          %ne3A_437 = arith.constant 0 : i32
          %ne3A_438 = arith.cmpi ne, %rem3A_436, %ne3A_437 : i32
          %lt3A_439 = arith.constant 0 : i32
          %lt3A_440 = arith.cmpi slt, %rem3A_436, %lt3A_439 : i32
          %lt3A_441 = arith.constant 0 : i32
          %lt3A_442 = arith.cmpi slt, %select_n3A_435, %lt3A_441 : i32
          %ne3A_443 = arith.xori %lt3A_440, %lt3A_442 : i1
          %and3A_444 = arith.andi %ne3A_443, %ne3A_438 : i1
          %add3A_445 = arith.addi %rem3A_436, %select_n3A_435 : i32
          %select_n3A_446 = arith.select %and3A_444, %add3A_445, %rem3A_436 : i32
          %mul3A_447 = arith.constant 16 : i32
          %mul3A_448 = arith.muli %select_n3A_446, %mul3A_447 : i32
          %get3A_449 = arith.index_cast %select_n3A_430 : i32 to index
          %get3A_450 = arith.index_cast %mul3A_448 : i32 to index
          %get3A_451 = tpu.vector_load %arg19[%get3A_449, %get3A_450] {strides = array<i32>} : memref<16x512xf32, #tpu.memory_space<vmem>>, vector<16xf32>,
          %mul3A_452 = arith.constant 16 : i32
          %mul3A_453 = arith.muli %select_n3A_446, %mul3A_452 : i32
          %swap3A_454 = arith.index_cast %select_n3A_430 : i32 to index
          %swap3A_455 = arith.index_cast %mul3A_453 : i32 to index
          %swap3A_456 = tpu.vector_load %arg18[%swap3A_454, %swap3A_455] {strides = array<i32>} : memref<16x512xf32, #tpu.memory_space<vmem>>, vector<16xf32>,
          tpu.vector_store %arg18[%swap3A_454, %swap3A_455], %get3A_451 {add = true, strides = array<i32>} : memref<16x512xf32, #tpu.memory_space<vmem>>, vector<16xf32>,
          %scan3A_457 = arith.constant 5 : i32
          %scan3A_458 = arith.addi %scan3A_198, %scan3A_457 : i32
          %jit3A_459 = arith.constant 32 : i32
          %div3A_460 = arith.divsi %scan3A_458, %jit3A_459 : i32
          %sign3A_461 = arith.constant 0 : i32
          %sign3A_462 = arith.cmpi sgt, %scan3A_458, %sign3A_461 : i32
          %sign3A_463 = arith.extui %sign3A_462 : i1 to i32
          %sign3A_464 = arith.constant 0 : i32
          %sign3A_465 = arith.cmpi slt, %scan3A_458, %sign3A_464 : i32
          %sign3A_466 = arith.extui %sign3A_465 : i1 to i32
          %sign3A_467 = arith.subi %sign3A_463, %sign3A_466 : i32
          %sign3A_468 = arith.constant 0 : i32
          %sign3A_469 = arith.cmpi sgt, %jit3A_459, %sign3A_468 : i32
          %sign3A_470 = arith.extui %sign3A_469 : i1 to i32
          %sign3A_471 = arith.constant 0 : i32
          %sign3A_472 = arith.cmpi slt, %jit3A_459, %sign3A_471 : i32
          %sign3A_473 = arith.extui %sign3A_472 : i1 to i32
          %sign3A_474 = arith.subi %sign3A_470, %sign3A_473 : i32
          %ne3A_475 = arith.cmpi ne, %sign3A_467, %sign3A_474 : i32
          %rem3A_476 = arith.remsi %scan3A_458, %jit3A_459 : i32
          %ne3A_477 = arith.constant 0 : i32
          %ne3A_478 = arith.cmpi ne, %rem3A_476, %ne3A_477 : i32
          %and3A_479 = arith.andi %ne3A_475, %ne3A_478 : i1
          %sub3A_480 = arith.constant 1 : i32
          %sub3A_481 = arith.subi %div3A_460, %sub3A_480 : i32
          %select_n3A_482 = arith.select %and3A_479, %sub3A_481, %div3A_460 : i32
          %jit3A_483 = arith.constant 32 : i32
          %eq3A_484 = arith.constant 0 : i32
          %eq3A_485 = arith.cmpi eq, %jit3A_483, %eq3A_484 : i32
          %jit3A_486 = arith.constant 1 : i32
          %select_n3A_487 = arith.select %eq3A_485, %jit3A_486, %jit3A_483 : i32
          %rem3A_488 = arith.remsi %scan3A_458, %select_n3A_487 : i32
          %ne3A_489 = arith.constant 0 : i32
          %ne3A_490 = arith.cmpi ne, %rem3A_488, %ne3A_489 : i32
          %lt3A_491 = arith.constant 0 : i32
          %lt3A_492 = arith.cmpi slt, %rem3A_488, %lt3A_491 : i32
          %lt3A_493 = arith.constant 0 : i32
          %lt3A_494 = arith.cmpi slt, %select_n3A_487, %lt3A_493 : i32
          %ne3A_495 = arith.xori %lt3A_492, %lt3A_494 : i1
          %and3A_496 = arith.andi %ne3A_495, %ne3A_490 : i1
          %add3A_497 = arith.addi %rem3A_488, %select_n3A_487 : i32
          %select_n3A_498 = arith.select %and3A_496, %add3A_497, %rem3A_488 : i32
          %mul3A_499 = arith.constant 16 : i32
          %mul3A_500 = arith.muli %select_n3A_498, %mul3A_499 : i32
          %get3A_501 = arith.index_cast %select_n3A_482 : i32 to index
          %get3A_502 = arith.index_cast %mul3A_500 : i32 to index
          %get3A_503 = tpu.vector_load %arg19[%get3A_501, %get3A_502] {strides = array<i32>} : memref<16x512xf32, #tpu.memory_space<vmem>>, vector<16xf32>,
          %mul3A_504 = arith.constant 16 : i32
          %mul3A_505 = arith.muli %select_n3A_498, %mul3A_504 : i32
          %swap3A_506 = arith.index_cast %select_n3A_482 : i32 to index
          %swap3A_507 = arith.index_cast %mul3A_505 : i32 to index
          %swap3A_508 = tpu.vector_load %arg18[%swap3A_506, %swap3A_507] {strides = array<i32>} : memref<16x512xf32, #tpu.memory_space<vmem>>, vector<16xf32>,
          tpu.vector_store %arg18[%swap3A_506, %swap3A_507], %get3A_503 {add = true, strides = array<i32>} : memref<16x512xf32, #tpu.memory_space<vmem>>, vector<16xf32>,
          %scan3A_509 = arith.constant 6 : i32
          %scan3A_510 = arith.addi %scan3A_198, %scan3A_509 : i32
          %jit3A_511 = arith.constant 32 : i32
          %div3A_512 = arith.divsi %scan3A_510, %jit3A_511 : i32
          %sign3A_513 = arith.constant 0 : i32
          %sign3A_514 = arith.cmpi sgt, %scan3A_510, %sign3A_513 : i32
          %sign3A_515 = arith.extui %sign3A_514 : i1 to i32
          %sign3A_516 = arith.constant 0 : i32
          %sign3A_517 = arith.cmpi slt, %scan3A_510, %sign3A_516 : i32
          %sign3A_518 = arith.extui %sign3A_517 : i1 to i32
          %sign3A_519 = arith.subi %sign3A_515, %sign3A_518 : i32
          %sign3A_520 = arith.constant 0 : i32
          %sign3A_521 = arith.cmpi sgt, %jit3A_511, %sign3A_520 : i32
          %sign3A_522 = arith.extui %sign3A_521 : i1 to i32
          %sign3A_523 = arith.constant 0 : i32
          %sign3A_524 = arith.cmpi slt, %jit3A_511, %sign3A_523 : i32
          %sign3A_525 = arith.extui %sign3A_524 : i1 to i32
          %sign3A_526 = arith.subi %sign3A_522, %sign3A_525 : i32
          %ne3A_527 = arith.cmpi ne, %sign3A_519, %sign3A_526 : i32
          %rem3A_528 = arith.remsi %scan3A_510, %jit3A_511 : i32
          %ne3A_529 = arith.constant 0 : i32
          %ne3A_530 = arith.cmpi ne, %rem3A_528, %ne3A_529 : i32
          %and3A_531 = arith.andi %ne3A_527, %ne3A_530 : i1
          %sub3A_532 = arith.constant 1 : i32
          %sub3A_533 = arith.subi %div3A_512, %sub3A_532 : i32
          %select_n3A_534 = arith.select %and3A_531, %sub3A_533, %div3A_512 : i32
          %jit3A_535 = arith.constant 32 : i32
          %eq3A_536 = arith.constant 0 : i32
          %eq3A_537 = arith.cmpi eq, %jit3A_535, %eq3A_536 : i32
          %jit3A_538 = arith.constant 1 : i32
          %select_n3A_539 = arith.select %eq3A_537, %jit3A_538, %jit3A_535 : i32
          %rem3A_540 = arith.remsi %scan3A_510, %select_n3A_539 : i32
          %ne3A_541 = arith.constant 0 : i32
          %ne3A_542 = arith.cmpi ne, %rem3A_540, %ne3A_541 : i32
          %lt3A_543 = arith.constant 0 : i32
          %lt3A_544 = arith.cmpi slt, %rem3A_540, %lt3A_543 : i32
          %lt3A_545 = arith.constant 0 : i32
          %lt3A_546 = arith.cmpi slt, %select_n3A_539, %lt3A_545 : i32
          %ne3A_547 = arith.xori %lt3A_544, %lt3A_546 : i1
          %and3A_548 = arith.andi %ne3A_547, %ne3A_542 : i1
          %add3A_549 = arith.addi %rem3A_540, %select_n3A_539 : i32
          %select_n3A_550 = arith.select %and3A_548, %add3A_549, %rem3A_540 : i32
          %mul3A_551 = arith.constant 16 : i32
          %mul3A_552 = arith.muli %select_n3A_550, %mul3A_551 : i32
          %get3A_553 = arith.index_cast %select_n3A_534 : i32 to index
          %get3A_554 = arith.index_cast %mul3A_552 : i32 to index
          %get3A_555 = tpu.vector_load %arg19[%get3A_553, %get3A_554] {strides = array<i32>} : memref<16x512xf32, #tpu.memory_space<vmem>>, vector<16xf32>,
          %mul3A_556 = arith.constant 16 : i32
          %mul3A_557 = arith.muli %select_n3A_550, %mul3A_556 : i32
          %swap3A_558 = arith.index_cast %select_n3A_534 : i32 to index
          %swap3A_559 = arith.index_cast %mul3A_557 : i32 to index
          %swap3A_560 = tpu.vector_load %arg18[%swap3A_558, %swap3A_559] {strides = array<i32>} : memref<16x512xf32, #tpu.memory_space<vmem>>, vector<16xf32>,
          tpu.vector_store %arg18[%swap3A_558, %swap3A_559], %get3A_555 {add = true, strides = array<i32>} : memref<16x512xf32, #tpu.memory_space<vmem>>, vector<16xf32>,
          %scan3A_561 = arith.constant 7 : i32
          %scan3A_562 = arith.addi %scan3A_198, %scan3A_561 : i32
          %jit3A_563 = arith.constant 32 : i32
          %div3A_564 = arith.divsi %scan3A_562, %jit3A_563 : i32
          %sign3A_565 = arith.constant 0 : i32
          %sign3A_566 = arith.cmpi sgt, %scan3A_562, %sign3A_565 : i32
          %sign3A_567 = arith.extui %sign3A_566 : i1 to i32
          %sign3A_568 = arith.constant 0 : i32
          %sign3A_569 = arith.cmpi slt, %scan3A_562, %sign3A_568 : i32
          %sign3A_570 = arith.extui %sign3A_569 : i1 to i32
          %sign3A_571 = arith.subi %sign3A_567, %sign3A_570 : i32
          %sign3A_572 = arith.constant 0 : i32
          %sign3A_573 = arith.cmpi sgt, %jit3A_563, %sign3A_572 : i32
          %sign3A_574 = arith.extui %sign3A_573 : i1 to i32
          %sign3A_575 = arith.constant 0 : i32
          %sign3A_576 = arith.cmpi slt, %jit3A_563, %sign3A_575 : i32
          %sign3A_577 = arith.extui %sign3A_576 : i1 to i32
          %sign3A_578 = arith.subi %sign3A_574, %sign3A_577 : i32
          %ne3A_579 = arith.cmpi ne, %sign3A_571, %sign3A_578 : i32
          %rem3A_580 = arith.remsi %scan3A_562, %jit3A_563 : i32
          %ne3A_581 = arith.constant 0 : i32
          %ne3A_582 = arith.cmpi ne, %rem3A_580, %ne3A_581 : i32
          %and3A_583 = arith.andi %ne3A_579, %ne3A_582 : i1
          %sub3A_584 = arith.constant 1 : i32
          %sub3A_585 = arith.subi %div3A_564, %sub3A_584 : i32
          %select_n3A_586 = arith.select %and3A_583, %sub3A_585, %div3A_564 : i32
          %jit3A_587 = arith.constant 32 : i32
          %eq3A_588 = arith.constant 0 : i32
          %eq3A_589 = arith.cmpi eq, %jit3A_587, %eq3A_588 : i32
          %jit3A_590 = arith.constant 1 : i32
          %select_n3A_591 = arith.select %eq3A_589, %jit3A_590, %jit3A_587 : i32
          %rem3A_592 = arith.remsi %scan3A_562, %select_n3A_591 : i32
          %ne3A_593 = arith.constant 0 : i32
          %ne3A_594 = arith.cmpi ne, %rem3A_592, %ne3A_593 : i32
          %lt3A_595 = arith.constant 0 : i32
          %lt3A_596 = arith.cmpi slt, %rem3A_592, %lt3A_595 : i32
          %lt3A_597 = arith.constant 0 : i32
          %lt3A_598 = arith.cmpi slt, %select_n3A_591, %lt3A_597 : i32
          %ne3A_599 = arith.xori %lt3A_596, %lt3A_598 : i1
          %and3A_600 = arith.andi %ne3A_599, %ne3A_594 : i1
          %add3A_601 = arith.addi %rem3A_592, %select_n3A_591 : i32
          %select_n3A_602 = arith.select %and3A_600, %add3A_601, %rem3A_592 : i32
          %mul3A_603 = arith.constant 16 : i32
          %mul3A_604 = arith.muli %select_n3A_602, %mul3A_603 : i32
          %get3A_605 = arith.index_cast %select_n3A_586 : i32 to index
          %get3A_606 = arith.index_cast %mul3A_604 : i32 to index
          %get3A_607 = tpu.vector_load %arg19[%get3A_605, %get3A_606] {strides = array<i32>} : memref<16x512xf32, #tpu.memory_space<vmem>>, vector<16xf32>,
          %mul3A_608 = arith.constant 16 : i32
          %mul3A_609 = arith.muli %select_n3A_602, %mul3A_608 : i32
          %swap3A_610 = arith.index_cast %select_n3A_586 : i32 to index
          %swap3A_611 = arith.index_cast %mul3A_609 : i32 to index
          %swap3A_612 = tpu.vector_load %arg18[%swap3A_610, %swap3A_611] {strides = array<i32>} : memref<16x512xf32, #tpu.memory_space<vmem>>, vector<16xf32>,
          tpu.vector_store %arg18[%swap3A_610, %swap3A_611], %get3A_607 {add = true, strides = array<i32>} : memref<16x512xf32, #tpu.memory_space<vmem>>, vector<16xf32>,
          %scan3A_613 = arith.constant 8 : i32
          %scan3A_614 = arith.addi %scan3A_198, %scan3A_613 : i32
          %jit3A_615 = arith.constant 32 : i32
          %div3A_616 = arith.divsi %scan3A_614, %jit3A_615 : i32
          %sign3A_617 = arith.constant 0 : i32
          %sign3A_618 = arith.cmpi sgt, %scan3A_614, %sign3A_617 : i32
          %sign3A_619 = arith.extui %sign3A_618 : i1 to i32
          %sign3A_620 = arith.constant 0 : i32
          %sign3A_621 = arith.cmpi slt, %scan3A_614, %sign3A_620 : i32
          %sign3A_622 = arith.extui %sign3A_621 : i1 to i32
          %sign3A_623 = arith.subi %sign3A_619, %sign3A_622 : i32
          %sign3A_624 = arith.constant 0 : i32
          %sign3A_625 = arith.cmpi sgt, %jit3A_615, %sign3A_624 : i32
          %sign3A_626 = arith.extui %sign3A_625 : i1 to i32
          %sign3A_627 = arith.constant 0 : i32
          %sign3A_628 = arith.cmpi slt, %jit3A_615, %sign3A_627 : i32
          %sign3A_629 = arith.extui %sign3A_628 : i1 to i32
          %sign3A_630 = arith.subi %sign3A_626, %sign3A_629 : i32
          %ne3A_631 = arith.cmpi ne, %sign3A_623, %sign3A_630 : i32
          %rem3A_632 = arith.remsi %scan3A_614, %jit3A_615 : i32
          %ne3A_633 = arith.constant 0 : i32
          %ne3A_634 = arith.cmpi ne, %rem3A_632, %ne3A_633 : i32
          %and3A_635 = arith.andi %ne3A_631, %ne3A_634 : i1
          %sub3A_636 = arith.constant 1 : i32
          %sub3A_637 = arith.subi %div3A_616, %sub3A_636 : i32
          %select_n3A_638 = arith.select %and3A_635, %sub3A_637, %div3A_616 : i32
          %jit3A_639 = arith.constant 32 : i32
          %eq3A_640 = arith.constant 0 : i32
          %eq3A_641 = arith.cmpi eq, %jit3A_639, %eq3A_640 : i32
          %jit3A_642 = arith.constant 1 : i32
          %select_n3A_643 = arith.select %eq3A_641, %jit3A_642, %jit3A_639 : i32
          %rem3A_644 = arith.remsi %scan3A_614, %select_n3A_643 : i32
          %ne3A_645 = arith.constant 0 : i32
          %ne3A_646 = arith.cmpi ne, %rem3A_644, %ne3A_645 : i32
          %lt3A_647 = arith.constant 0 : i32
          %lt3A_648 = arith.cmpi slt, %rem3A_644, %lt3A_647 : i32
          %lt3A_649 = arith.constant 0 : i32
          %lt3A_650 = arith.cmpi slt, %select_n3A_643, %lt3A_649 : i32
          %ne3A_651 = arith.xori %lt3A_648, %lt3A_650 : i1
          %and3A_652 = arith.andi %ne3A_651, %ne3A_646 : i1
          %add3A_653 = arith.addi %rem3A_644, %select_n3A_643 : i32
          %select_n3A_654 = arith.select %and3A_652, %add3A_653, %rem3A_644 : i32
          %mul3A_655 = arith.constant 16 : i32
          %mul3A_656 = arith.muli %select_n3A_654, %mul3A_655 : i32
          %get3A_657 = arith.index_cast %select_n3A_638 : i32 to index
          %get3A_658 = arith.index_cast %mul3A_656 : i32 to index
          %get3A_659 = tpu.vector_load %arg19[%get3A_657, %get3A_658] {strides = array<i32>} : memref<16x512xf32, #tpu.memory_space<vmem>>, vector<16xf32>,
          %mul3A_660 = arith.constant 16 : i32
          %mul3A_661 = arith.muli %select_n3A_654, %mul3A_660 : i32
          %swap3A_662 = arith.index_cast %select_n3A_638 : i32 to index
          %swap3A_663 = arith.index_cast %mul3A_661 : i32 to index
          %swap3A_664 = tpu.vector_load %arg18[%swap3A_662, %swap3A_663] {strides = array<i32>} : memref<16x512xf32, #tpu.memory_space<vmem>>, vector<16xf32>,
          tpu.vector_store %arg18[%swap3A_662, %swap3A_663], %get3A_659 {add = true, strides = array<i32>} : memref<16x512xf32, #tpu.memory_space<vmem>>, vector<16xf32>,
          %scan3A_665 = arith.constant 9 : i32
          %scan3A_666 = arith.addi %scan3A_198, %scan3A_665 : i32
          %jit3A_667 = arith.constant 32 : i32
          %div3A_668 = arith.divsi %scan3A_666, %jit3A_667 : i32
          %sign3A_669 = arith.constant 0 : i32
          %sign3A_670 = arith.cmpi sgt, %scan3A_666, %sign3A_669 : i32
          %sign3A_671 = arith.extui %sign3A_670 : i1 to i32
          %sign3A_672 = arith.constant 0 : i32
          %sign3A_673 = arith.cmpi slt, %scan3A_666, %sign3A_672 : i32
          %sign3A_674 = arith.extui %sign3A_673 : i1 to i32
          %sign3A_675 = arith.subi %sign3A_671, %sign3A_674 : i32
          %sign3A_676 = arith.constant 0 : i32
          %sign3A_677 = arith.cmpi sgt, %jit3A_667, %sign3A_676 : i32
          %sign3A_678 = arith.extui %sign3A_677 : i1 to i32
          %sign3A_679 = arith.constant 0 : i32
          %sign3A_680 = arith.cmpi slt, %jit3A_667, %sign3A_679 : i32
          %sign3A_681 = arith.extui %sign3A_680 : i1 to i32
          %sign3A_682 = arith.subi %sign3A_678, %sign3A_681 : i32
          %ne3A_683 = arith.cmpi ne, %sign3A_675, %sign3A_682 : i32
          %rem3A_684 = arith.remsi %scan3A_666, %jit3A_667 : i32
          %ne3A_685 = arith.constant 0 : i32
          %ne3A_686 = arith.cmpi ne, %rem3A_684, %ne3A_685 : i32
          %and3A_687 = arith.andi %ne3A_683, %ne3A_686 : i1
          %sub3A_688 = arith.constant 1 : i32
          %sub3A_689 = arith.subi %div3A_668, %sub3A_688 : i32
          %select_n3A_690 = arith.select %and3A_687, %sub3A_689, %div3A_668 : i32
          %jit3A_691 = arith.constant 32 : i32
          %eq3A_692 = arith.constant 0 : i32
          %eq3A_693 = arith.cmpi eq, %jit3A_691, %eq3A_692 : i32
          %jit3A_694 = arith.constant 1 : i32
          %select_n3A_695 = arith.select %eq3A_693, %jit3A_694, %jit3A_691 : i32
          %rem3A_696 = arith.remsi %scan3A_666, %select_n3A_695 : i32
          %ne3A_697 = arith.constant 0 : i32
          %ne3A_698 = arith.cmpi ne, %rem3A_696, %ne3A_697 : i32
          %lt3A_699 = arith.constant 0 : i32
          %lt3A_700 = arith.cmpi slt, %rem3A_696, %lt3A_699 : i32
          %lt3A_701 = arith.constant 0 : i32
          %lt3A_702 = arith.cmpi slt, %select_n3A_695, %lt3A_701 : i32
          %ne3A_703 = arith.xori %lt3A_700, %lt3A_702 : i1
          %and3A_704 = arith.andi %ne3A_703, %ne3A_698 : i1
          %add3A_705 = arith.addi %rem3A_696, %select_n3A_695 : i32
          %select_n3A_706 = arith.select %and3A_704, %add3A_705, %rem3A_696 : i32
          %mul3A_707 = arith.constant 16 : i32
          %mul3A_708 = arith.muli %select_n3A_706, %mul3A_707 : i32
          %get3A_709 = arith.index_cast %select_n3A_690 : i32 to index
          %get3A_710 = arith.index_cast %mul3A_708 : i32 to index
          %get3A_711 = tpu.vector_load %arg19[%get3A_709, %get3A_710] {strides = array<i32>} : memref<16x512xf32, #tpu.memory_space<vmem>>, vector<16xf32>,
          %mul3A_712 = arith.constant 16 : i32
          %mul3A_713 = arith.muli %select_n3A_706, %mul3A_712 : i32
          %swap3A_714 = arith.index_cast %select_n3A_690 : i32 to index
          %swap3A_715 = arith.index_cast %mul3A_713 : i32 to index
          %swap3A_716 = tpu.vector_load %arg18[%swap3A_714, %swap3A_715] {strides = array<i32>} : memref<16x512xf32, #tpu.memory_space<vmem>>, vector<16xf32>,
          tpu.vector_store %arg18[%swap3A_714, %swap3A_715], %get3A_711 {add = true, strides = array<i32>} : memref<16x512xf32, #tpu.memory_space<vmem>>, vector<16xf32>,
          %scan3A_717 = arith.constant 10 : i32
          %scan3A_718 = arith.addi %scan3A_198, %scan3A_717 : i32
          %jit3A_719 = arith.constant 32 : i32
          %div3A_720 = arith.divsi %scan3A_718, %jit3A_719 : i32
          %sign3A_721 = arith.constant 0 : i32
          %sign3A_722 = arith.cmpi sgt, %scan3A_718, %sign3A_721 : i32
          %sign3A_723 = arith.extui %sign3A_722 : i1 to i32
          %sign3A_724 = arith.constant 0 : i32
          %sign3A_725 = arith.cmpi slt, %scan3A_718, %sign3A_724 : i32
          %sign3A_726 = arith.extui %sign3A_725 : i1 to i32
          %sign3A_727 = arith.subi %sign3A_723, %sign3A_726 : i32
          %sign3A_728 = arith.constant 0 : i32
          %sign3A_729 = arith.cmpi sgt, %jit3A_719, %sign3A_728 : i32
          %sign3A_730 = arith.extui %sign3A_729 : i1 to i32
          %sign3A_731 = arith.constant 0 : i32
          %sign3A_732 = arith.cmpi slt, %jit3A_719, %sign3A_731 : i32
          %sign3A_733 = arith.extui %sign3A_732 : i1 to i32
          %sign3A_734 = arith.subi %sign3A_730, %sign3A_733 : i32
          %ne3A_735 = arith.cmpi ne, %sign3A_727, %sign3A_734 : i32
          %rem3A_736 = arith.remsi %scan3A_718, %jit3A_719 : i32
          %ne3A_737 = arith.constant 0 : i32
          %ne3A_738 = arith.cmpi ne, %rem3A_736, %ne3A_737 : i32
          %and3A_739 = arith.andi %ne3A_735, %ne3A_738 : i1
          %sub3A_740 = arith.constant 1 : i32
          %sub3A_741 = arith.subi %div3A_720, %sub3A_740 : i32
          %select_n3A_742 = arith.select %and3A_739, %sub3A_741, %div3A_720 : i32
          %jit3A_743 = arith.constant 32 : i32
          %eq3A_744 = arith.constant 0 : i32
          %eq3A_745 = arith.cmpi eq, %jit3A_743, %eq3A_744 : i32
          %jit3A_746 = arith.constant 1 : i32
          %select_n3A_747 = arith.select %eq3A_745, %jit3A_746, %jit3A_743 : i32
          %rem3A_748 = arith.remsi %scan3A_718, %select_n3A_747 : i32
          %ne3A_749 = arith.constant 0 : i32
          %ne3A_750 = arith.cmpi ne, %rem3A_748, %ne3A_749 : i32
          %lt3A_751 = arith.constant 0 : i32
          %lt3A_752 = arith.cmpi slt, %rem3A_748, %lt3A_751 : i32
          %lt3A_753 = arith.constant 0 : i32
          %lt3A_754 = arith.cmpi slt, %select_n3A_747, %lt3A_753 : i32
          %ne3A_755 = arith.xori %lt3A_752, %lt3A_754 : i1
          %and3A_756 = arith.andi %ne3A_755, %ne3A_750 : i1
          %add3A_757 = arith.addi %rem3A_748, %select_n3A_747 : i32
          %select_n3A_758 = arith.select %and3A_756, %add3A_757, %rem3A_748 : i32
          %mul3A_759 = arith.constant 16 : i32
          %mul3A_760 = arith.muli %select_n3A_758, %mul3A_759 : i32
          %get3A_761 = arith.index_cast %select_n3A_742 : i32 to index
          %get3A_762 = arith.index_cast %mul3A_760 : i32 to index
          %get3A_763 = tpu.vector_load %arg19[%get3A_761, %get3A_762] {strides = array<i32>} : memref<16x512xf32, #tpu.memory_space<vmem>>, vector<16xf32>,
          %mul3A_764 = arith.constant 16 : i32
          %mul3A_765 = arith.muli %select_n3A_758, %mul3A_764 : i32
          %swap3A_766 = arith.index_cast %select_n3A_742 : i32 to index
          %swap3A_767 = arith.index_cast %mul3A_765 : i32 to index
          %swap3A_768 = tpu.vector_load %arg18[%swap3A_766, %swap3A_767] {strides = array<i32>} : memref<16x512xf32, #tpu.memory_space<vmem>>, vector<16xf32>,
          tpu.vector_store %arg18[%swap3A_766, %swap3A_767], %get3A_763 {add = true, strides = array<i32>} : memref<16x512xf32, #tpu.memory_space<vmem>>, vector<16xf32>,
          %scan3A_769 = arith.constant 11 : i32
          %scan3A_770 = arith.addi %scan3A_198, %scan3A_769 : i32
          %jit3A_771 = arith.constant 32 : i32
          %div3A_772 = arith.divsi %scan3A_770, %jit3A_771 : i32
          %sign3A_773 = arith.constant 0 : i32
          %sign3A_774 = arith.cmpi sgt, %scan3A_770, %sign3A_773 : i32
          %sign3A_775 = arith.extui %sign3A_774 : i1 to i32
          %sign3A_776 = arith.constant 0 : i32
          %sign3A_777 = arith.cmpi slt, %scan3A_770, %sign3A_776 : i32
          %sign3A_778 = arith.extui %sign3A_777 : i1 to i32
          %sign3A_779 = arith.subi %sign3A_775, %sign3A_778 : i32
          %sign3A_780 = arith.constant 0 : i32
          %sign3A_781 = arith.cmpi sgt, %jit3A_771, %sign3A_780 : i32
          %sign3A_782 = arith.extui %sign3A_781 : i1 to i32
          %sign3A_783 = arith.constant 0 : i32
          %sign3A_784 = arith.cmpi slt, %jit3A_771, %sign3A_783 : i32
          %sign3A_785 = arith.extui %sign3A_784 : i1 to i32
          %sign3A_786 = arith.subi %sign3A_782, %sign3A_785 : i32
          %ne3A_787 = arith.cmpi ne, %sign3A_779, %sign3A_786 : i32
          %rem3A_788 = arith.remsi %scan3A_770, %jit3A_771 : i32
          %ne3A_789 = arith.constant 0 : i32
          %ne3A_790 = arith.cmpi ne, %rem3A_788, %ne3A_789 : i32
          %and3A_791 = arith.andi %ne3A_787, %ne3A_790 : i1
          %sub3A_792 = arith.constant 1 : i32
          %sub3A_793 = arith.subi %div3A_772, %sub3A_792 : i32
          %select_n3A_794 = arith.select %and3A_791, %sub3A_793, %div3A_772 : i32
          %jit3A_795 = arith.constant 32 : i32
          %eq3A_796 = arith.constant 0 : i32
          %eq3A_797 = arith.cmpi eq, %jit3A_795, %eq3A_796 : i32
          %jit3A_798 = arith.constant 1 : i32
          %select_n3A_799 = arith.select %eq3A_797, %jit3A_798, %jit3A_795 : i32
          %rem3A_800 = arith.remsi %scan3A_770, %select_n3A_799 : i32
          %ne3A_801 = arith.constant 0 : i32
          %ne3A_802 = arith.cmpi ne, %rem3A_800, %ne3A_801 : i32
          %lt3A_803 = arith.constant 0 : i32
          %lt3A_804 = arith.cmpi slt, %rem3A_800, %lt3A_803 : i32
          %lt3A_805 = arith.constant 0 : i32
          %lt3A_806 = arith.cmpi slt, %select_n3A_799, %lt3A_805 : i32
          %ne3A_807 = arith.xori %lt3A_804, %lt3A_806 : i1
          %and3A_808 = arith.andi %ne3A_807, %ne3A_802 : i1
          %add3A_809 = arith.addi %rem3A_800, %select_n3A_799 : i32
          %select_n3A_810 = arith.select %and3A_808, %add3A_809, %rem3A_800 : i32
          %mul3A_811 = arith.constant 16 : i32
          %mul3A_812 = arith.muli %select_n3A_810, %mul3A_811 : i32
          %get3A_813 = arith.index_cast %select_n3A_794 : i32 to index
          %get3A_814 = arith.index_cast %mul3A_812 : i32 to index
          %get3A_815 = tpu.vector_load %arg19[%get3A_813, %get3A_814] {strides = array<i32>} : memref<16x512xf32, #tpu.memory_space<vmem>>, vector<16xf32>,
          %mul3A_816 = arith.constant 16 : i32
          %mul3A_817 = arith.muli %select_n3A_810, %mul3A_816 : i32
          %swap3A_818 = arith.index_cast %select_n3A_794 : i32 to index
          %swap3A_819 = arith.index_cast %mul3A_817 : i32 to index
          %swap3A_820 = tpu.vector_load %arg18[%swap3A_818, %swap3A_819] {strides = array<i32>} : memref<16x512xf32, #tpu.memory_space<vmem>>, vector<16xf32>,
          tpu.vector_store %arg18[%swap3A_818, %swap3A_819], %get3A_815 {add = true, strides = array<i32>} : memref<16x512xf32, #tpu.memory_space<vmem>>, vector<16xf32>,
          %scan3A_821 = arith.constant 12 : i32
          %scan3A_822 = arith.addi %scan3A_198, %scan3A_821 : i32
          %jit3A_823 = arith.constant 32 : i32
          %div3A_824 = arith.divsi %scan3A_822, %jit3A_823 : i32
          %sign3A_825 = arith.constant 0 : i32
          %sign3A_826 = arith.cmpi sgt, %scan3A_822, %sign3A_825 : i32
          %sign3A_827 = arith.extui %sign3A_826 : i1 to i32
          %sign3A_828 = arith.constant 0 : i32
          %sign3A_829 = arith.cmpi slt, %scan3A_822, %sign3A_828 : i32
          %sign3A_830 = arith.extui %sign3A_829 : i1 to i32
          %sign3A_831 = arith.subi %sign3A_827, %sign3A_830 : i32
          %sign3A_832 = arith.constant 0 : i32
          %sign3A_833 = arith.cmpi sgt, %jit3A_823, %sign3A_832 : i32
          %sign3A_834 = arith.extui %sign3A_833 : i1 to i32
          %sign3A_835 = arith.constant 0 : i32
          %sign3A_836 = arith.cmpi slt, %jit3A_823, %sign3A_835 : i32
          %sign3A_837 = arith.extui %sign3A_836 : i1 to i32
          %sign3A_838 = arith.subi %sign3A_834, %sign3A_837 : i32
          %ne3A_839 = arith.cmpi ne, %sign3A_831, %sign3A_838 : i32
          %rem3A_840 = arith.remsi %scan3A_822, %jit3A_823 : i32
          %ne3A_841 = arith.constant 0 : i32
          %ne3A_842 = arith.cmpi ne, %rem3A_840, %ne3A_841 : i32
          %and3A_843 = arith.andi %ne3A_839, %ne3A_842 : i1
          %sub3A_844 = arith.constant 1 : i32
          %sub3A_845 = arith.subi %div3A_824, %sub3A_844 : i32
          %select_n3A_846 = arith.select %and3A_843, %sub3A_845, %div3A_824 : i32
          %jit3A_847 = arith.constant 32 : i32
          %eq3A_848 = arith.constant 0 : i32
          %eq3A_849 = arith.cmpi eq, %jit3A_847, %eq3A_848 : i32
          %jit3A_850 = arith.constant 1 : i32
          %select_n3A_851 = arith.select %eq3A_849, %jit3A_850, %jit3A_847 : i32
          %rem3A_852 = arith.remsi %scan3A_822, %select_n3A_851 : i32
          %ne3A_853 = arith.constant 0 : i32
          %ne3A_854 = arith.cmpi ne, %rem3A_852, %ne3A_853 : i32
          %lt3A_855 = arith.constant 0 : i32
          %lt3A_856 = arith.cmpi slt, %rem3A_852, %lt3A_855 : i32
          %lt3A_857 = arith.constant 0 : i32
          %lt3A_858 = arith.cmpi slt, %select_n3A_851, %lt3A_857 : i32
          %ne3A_859 = arith.xori %lt3A_856, %lt3A_858 : i1
          %and3A_860 = arith.andi %ne3A_859, %ne3A_854 : i1
          %add3A_861 = arith.addi %rem3A_852, %select_n3A_851 : i32
          %select_n3A_862 = arith.select %and3A_860, %add3A_861, %rem3A_852 : i32
          %mul3A_863 = arith.constant 16 : i32
          %mul3A_864 = arith.muli %select_n3A_862, %mul3A_863 : i32
          %get3A_865 = arith.index_cast %select_n3A_846 : i32 to index
          %get3A_866 = arith.index_cast %mul3A_864 : i32 to index
          %get3A_867 = tpu.vector_load %arg19[%get3A_865, %get3A_866] {strides = array<i32>} : memref<16x512xf32, #tpu.memory_space<vmem>>, vector<16xf32>,
          %mul3A_868 = arith.constant 16 : i32
          %mul3A_869 = arith.muli %select_n3A_862, %mul3A_868 : i32
          %swap3A_870 = arith.index_cast %select_n3A_846 : i32 to index
          %swap3A_871 = arith.index_cast %mul3A_869 : i32 to index
          %swap3A_872 = tpu.vector_load %arg18[%swap3A_870, %swap3A_871] {strides = array<i32>} : memref<16x512xf32, #tpu.memory_space<vmem>>, vector<16xf32>,
          tpu.vector_store %arg18[%swap3A_870, %swap3A_871], %get3A_867 {add = true, strides = array<i32>} : memref<16x512xf32, #tpu.memory_space<vmem>>, vector<16xf32>,
          %scan3A_873 = arith.constant 13 : i32
          %scan3A_874 = arith.addi %scan3A_198, %scan3A_873 : i32
          %jit3A_875 = arith.constant 32 : i32
          %div3A_876 = arith.divsi %scan3A_874, %jit3A_875 : i32
          %sign3A_877 = arith.constant 0 : i32
          %sign3A_878 = arith.cmpi sgt, %scan3A_874, %sign3A_877 : i32
          %sign3A_879 = arith.extui %sign3A_878 : i1 to i32
          %sign3A_880 = arith.constant 0 : i32
          %sign3A_881 = arith.cmpi slt, %scan3A_874, %sign3A_880 : i32
          %sign3A_882 = arith.extui %sign3A_881 : i1 to i32
          %sign3A_883 = arith.subi %sign3A_879, %sign3A_882 : i32
          %sign3A_884 = arith.constant 0 : i32
          %sign3A_885 = arith.cmpi sgt, %jit3A_875, %sign3A_884 : i32
          %sign3A_886 = arith.extui %sign3A_885 : i1 to i32
          %sign3A_887 = arith.constant 0 : i32
          %sign3A_888 = arith.cmpi slt, %jit3A_875, %sign3A_887 : i32
          %sign3A_889 = arith.extui %sign3A_888 : i1 to i32
          %sign3A_890 = arith.subi %sign3A_886, %sign3A_889 : i32
          %ne3A_891 = arith.cmpi ne, %sign3A_883, %sign3A_890 : i32
          %rem3A_892 = arith.remsi %scan3A_874, %jit3A_875 : i32
          %ne3A_893 = arith.constant 0 : i32
          %ne3A_894 = arith.cmpi ne, %rem3A_892, %ne3A_893 : i32
          %and3A_895 = arith.andi %ne3A_891, %ne3A_894 : i1
          %sub3A_896 = arith.constant 1 : i32
          %sub3A_897 = arith.subi %div3A_876, %sub3A_896 : i32
          %select_n3A_898 = arith.select %and3A_895, %sub3A_897, %div3A_876 : i32
          %jit3A_899 = arith.constant 32 : i32
          %eq3A_900 = arith.constant 0 : i32
          %eq3A_901 = arith.cmpi eq, %jit3A_899, %eq3A_900 : i32
          %jit3A_902 = arith.constant 1 : i32
          %select_n3A_903 = arith.select %eq3A_901, %jit3A_902, %jit3A_899 : i32
          %rem3A_904 = arith.remsi %scan3A_874, %select_n3A_903 : i32
          %ne3A_905 = arith.constant 0 : i32
          %ne3A_906 = arith.cmpi ne, %rem3A_904, %ne3A_905 : i32
          %lt3A_907 = arith.constant 0 : i32
          %lt3A_908 = arith.cmpi slt, %rem3A_904, %lt3A_907 : i32
          %lt3A_909 = arith.constant 0 : i32
          %lt3A_910 = arith.cmpi slt, %select_n3A_903, %lt3A_909 : i32
          %ne3A_911 = arith.xori %lt3A_908, %lt3A_910 : i1
          %and3A_912 = arith.andi %ne3A_911, %ne3A_906 : i1
          %add3A_913 = arith.addi %rem3A_904, %select_n3A_903 : i32
          %select_n3A_914 = arith.select %and3A_912, %add3A_913, %rem3A_904 : i32
          %mul3A_915 = arith.constant 16 : i32
          %mul3A_916 = arith.muli %select_n3A_914, %mul3A_915 : i32
          %get3A_917 = arith.index_cast %select_n3A_898 : i32 to index
          %get3A_918 = arith.index_cast %mul3A_916 : i32 to index
          %get3A_919 = tpu.vector_load %arg19[%get3A_917, %get3A_918] {strides = array<i32>} : memref<16x512xf32, #tpu.memory_space<vmem>>, vector<16xf32>,
          %mul3A_920 = arith.constant 16 : i32
          %mul3A_921 = arith.muli %select_n3A_914, %mul3A_920 : i32
          %swap3A_922 = arith.index_cast %select_n3A_898 : i32 to index
          %swap3A_923 = arith.index_cast %mul3A_921 : i32 to index
          %swap3A_924 = tpu.vector_load %arg18[%swap3A_922, %swap3A_923] {strides = array<i32>} : memref<16x512xf32, #tpu.memory_space<vmem>>, vector<16xf32>,
          tpu.vector_store %arg18[%swap3A_922, %swap3A_923], %get3A_919 {add = true, strides = array<i32>} : memref<16x512xf32, #tpu.memory_space<vmem>>, vector<16xf32>,
          %scan3A_925 = arith.constant 14 : i32
          %scan3A_926 = arith.addi %scan3A_198, %scan3A_925 : i32
          %jit3A_927 = arith.constant 32 : i32
          %div3A_928 = arith.divsi %scan3A_926, %jit3A_927 : i32
          %sign3A_929 = arith.constant 0 : i32
          %sign3A_930 = arith.cmpi sgt, %scan3A_926, %sign3A_929 : i32
          %sign3A_931 = arith.extui %sign3A_930 : i1 to i32
          %sign3A_932 = arith.constant 0 : i32
          %sign3A_933 = arith.cmpi slt, %scan3A_926, %sign3A_932 : i32
          %sign3A_934 = arith.extui %sign3A_933 : i1 to i32
          %sign3A_935 = arith.subi %sign3A_931, %sign3A_934 : i32
          %sign3A_936 = arith.constant 0 : i32
          %sign3A_937 = arith.cmpi sgt, %jit3A_927, %sign3A_936 : i32
          %sign3A_938 = arith.extui %sign3A_937 : i1 to i32
          %sign3A_939 = arith.constant 0 : i32
          %sign3A_940 = arith.cmpi slt, %jit3A_927, %sign3A_939 : i32
          %sign3A_941 = arith.extui %sign3A_940 : i1 to i32
          %sign3A_942 = arith.subi %sign3A_938, %sign3A_941 : i32
          %ne3A_943 = arith.cmpi ne, %sign3A_935, %sign3A_942 : i32
          %rem3A_944 = arith.remsi %scan3A_926, %jit3A_927 : i32
          %ne3A_945 = arith.constant 0 : i32
          %ne3A_946 = arith.cmpi ne, %rem3A_944, %ne3A_945 : i32
          %and3A_947 = arith.andi %ne3A_943, %ne3A_946 : i1
          %sub3A_948 = arith.constant 1 : i32
          %sub3A_949 = arith.subi %div3A_928, %sub3A_948 : i32
          %select_n3A_950 = arith.select %and3A_947, %sub3A_949, %div3A_928 : i32
          %jit3A_951 = arith.constant 32 : i32
          %eq3A_952 = arith.constant 0 : i32
          %eq3A_953 = arith.cmpi eq, %jit3A_951, %eq3A_952 : i32
          %jit3A_954 = arith.constant 1 : i32
          %select_n3A_955 = arith.select %eq3A_953, %jit3A_954, %jit3A_951 : i32
          %rem3A_956 = arith.remsi %scan3A_926, %select_n3A_955 : i32
          %ne3A_957 = arith.constant 0 : i32
          %ne3A_958 = arith.cmpi ne, %rem3A_956, %ne3A_957 : i32
          %lt3A_959 = arith.constant 0 : i32
          %lt3A_960 = arith.cmpi slt, %rem3A_956, %lt3A_959 : i32
          %lt3A_961 = arith.constant 0 : i32
          %lt3A_962 = arith.cmpi slt, %select_n3A_955, %lt3A_961 : i32
          %ne3A_963 = arith.xori %lt3A_960, %lt3A_962 : i1
          %and3A_964 = arith.andi %ne3A_963, %ne3A_958 : i1
          %add3A_965 = arith.addi %rem3A_956, %select_n3A_955 : i32
          %select_n3A_966 = arith.select %and3A_964, %add3A_965, %rem3A_956 : i32
          %mul3A_967 = arith.constant 16 : i32
          %mul3A_968 = arith.muli %select_n3A_966, %mul3A_967 : i32
          %get3A_969 = arith.index_cast %select_n3A_950 : i32 to index
          %get3A_970 = arith.index_cast %mul3A_968 : i32 to index
          %get3A_971 = tpu.vector_load %arg19[%get3A_969, %get3A_970] {strides = array<i32>} : memref<16x512xf32, #tpu.memory_space<vmem>>, vector<16xf32>,
          %mul3A_972 = arith.constant 16 : i32
          %mul3A_973 = arith.muli %select_n3A_966, %mul3A_972 : i32
          %swap3A_974 = arith.index_cast %select_n3A_950 : i32 to index
          %swap3A_975 = arith.index_cast %mul3A_973 : i32 to index
          %swap3A_976 = tpu.vector_load %arg18[%swap3A_974, %swap3A_975] {strides = array<i32>} : memref<16x512xf32, #tpu.memory_space<vmem>>, vector<16xf32>,
          tpu.vector_store %arg18[%swap3A_974, %swap3A_975], %get3A_971 {add = true, strides = array<i32>} : memref<16x512xf32, #tpu.memory_space<vmem>>, vector<16xf32>,
          %scan3A_977 = arith.constant 15 : i32
          %scan3A_978 = arith.addi %scan3A_198, %scan3A_977 : i32
          %jit3A_979 = arith.constant 32 : i32
          %div3A_980 = arith.divsi %scan3A_978, %jit3A_979 : i32
          %sign3A_981 = arith.constant 0 : i32
          %sign3A_982 = arith.cmpi sgt, %scan3A_978, %sign3A_981 : i32
          %sign3A_983 = arith.extui %sign3A_982 : i1 to i32
          %sign3A_984 = arith.constant 0 : i32
          %sign3A_985 = arith.cmpi slt, %scan3A_978, %sign3A_984 : i32
          %sign3A_986 = arith.extui %sign3A_985 : i1 to i32
          %sign3A_987 = arith.subi %sign3A_983, %sign3A_986 : i32
          %sign3A_988 = arith.constant 0 : i32
          %sign3A_989 = arith.cmpi sgt, %jit3A_979, %sign3A_988 : i32
          %sign3A_990 = arith.extui %sign3A_989 : i1 to i32
          %sign3A_991 = arith.constant 0 : i32
          %sign3A_992 = arith.cmpi slt, %jit3A_979, %sign3A_991 : i32
          %sign3A_993 = arith.extui %sign3A_992 : i1 to i32
          %sign3A_994 = arith.subi %sign3A_990, %sign3A_993 : i32
          %ne3A_995 = arith.cmpi ne, %sign3A_987, %sign3A_994 : i32
          %rem3A_996 = arith.remsi %scan3A_978, %jit3A_979 : i32
          %ne3A_997 = arith.constant 0 : i32
          %ne3A_998 = arith.cmpi ne, %rem3A_996, %ne3A_997 : i32
          %and3A_999 = arith.andi %ne3A_995, %ne3A_998 : i1
          %sub3A_1000 = arith.constant 1 : i32
          %sub3A_1001 = arith.subi %div3A_980, %sub3A_1000 : i32
          %select_n3A_1002 = arith.select %and3A_999, %sub3A_1001, %div3A_980 : i32
          %jit3A_1003 = arith.constant 32 : i32
          %eq3A_1004 = arith.constant 0 : i32
          %eq3A_1005 = arith.cmpi eq, %jit3A_1003, %eq3A_1004 : i32
          %jit3A_1006 = arith.constant 1 : i32
          %select_n3A_1007 = arith.select %eq3A_1005, %jit3A_1006, %jit3A_1003 : i32
          %rem3A_1008 = arith.remsi %scan3A_978, %select_n3A_1007 : i32
          %ne3A_1009 = arith.constant 0 : i32
          %ne3A_1010 = arith.cmpi ne, %rem3A_1008, %ne3A_1009 : i32
          %lt3A_1011 = arith.constant 0 : i32
          %lt3A_1012 = arith.cmpi slt, %rem3A_1008, %lt3A_1011 : i32
          %lt3A_1013 = arith.constant 0 : i32
          %lt3A_1014 = arith.cmpi slt, %select_n3A_1007, %lt3A_1013 : i32
          %ne3A_1015 = arith.xori %lt3A_1012, %lt3A_1014 : i1
          %and3A_1016 = arith.andi %ne3A_1015, %ne3A_1010 : i1
          %add3A_1017 = arith.addi %rem3A_1008, %select_n3A_1007 : i32
          %select_n3A_1018 = arith.select %and3A_1016, %add3A_1017, %rem3A_1008 : i32
          %mul3A_1019 = arith.constant 16 : i32
          %mul3A_1020 = arith.muli %select_n3A_1018, %mul3A_1019 : i32
          %get3A_1021 = arith.index_cast %select_n3A_1002 : i32 to index
          %get3A_1022 = arith.index_cast %mul3A_1020 : i32 to index
          %get3A_1023 = tpu.vector_load %arg19[%get3A_1021, %get3A_1022] {strides = array<i32>} : memref<16x512xf32, #tpu.memory_space<vmem>>, vector<16xf32>,
          %mul3A_1024 = arith.constant 16 : i32
          %mul3A_1025 = arith.muli %select_n3A_1018, %mul3A_1024 : i32
          %swap3A_1026 = arith.index_cast %select_n3A_1002 : i32 to index
          %swap3A_1027 = arith.index_cast %mul3A_1025 : i32 to index
          %swap3A_1028 = tpu.vector_load %arg18[%swap3A_1026, %swap3A_1027] {strides = array<i32>} : memref<16x512xf32, #tpu.memory_space<vmem>>, vector<16xf32>,
          tpu.vector_store %arg18[%swap3A_1026, %swap3A_1027], %get3A_1023 {add = true, strides = array<i32>} : memref<16x512xf32, #tpu.memory_space<vmem>>, vector<16xf32>,
        }
        %scan3A_191 = arith.constant 512 : i32
        %dma_start3A_192 = arith.constant 0 : i32
        %dma_start3A_193 = arith.constant 0 : i32
        %dma_start3A_194 = tpu.memref_slice %arg2[%dma_start3A_192, %dma_start3A_193] : memref<100000x512xf32, #tpu.memory_space<hbm>> -> memref<100000x512xf32, #tpu.memory_space<hbm>>
        tpu.enqueue_indirect_dma source(%arg18 : memref<16x512xf32, #tpu.memory_space<vmem>>) target(%dma_start3A_194 : memref<100000x512xf32, #tpu.memory_space<hbm>>) offsets(%arg20 : memref<16xi32, #tpu.memory_space<vmem>>) semaphore(%arg23 : memref<!tpu.dma_semaphore, #tpu.memory_space<semaphore_mem>>)
        %dma_wait3A_195 = arith.constant 0 : i32
        %dma_wait3A_196 = arith.constant 0 : i32
        %dma_wait3A_197 = tpu.memref_slice %arg2[%dma_wait3A_195, %dma_wait3A_196] : memref<100000x512xf32, #tpu.memory_space<hbm>> -> memref<100000x512xf32, #tpu.memory_space<hbm>>
        tpu.wait_indirect_dma semaphore(%arg23 : memref<!tpu.dma_semaphore, #tpu.memory_space<semaphore_mem>>) src(%arg18 : memref<16x512xf32, #tpu.memory_space<vmem>>) dst(%dma_wait3A_197 : memref<100000x512xf32, #tpu.memory_space<hbm>>)
      }
    }
    return
  }
}

</mosaic_0001>

<sc_bundles>
// kernel: kernel.3.cloned.1.call-start
scs
__scs_entry_jumppad:
0x0: {  	(pc) =	sbr.rel $0x88, $3  }
0x1: {  	(tag) =	ssettag $0x0;
	lr =	simm.s32 $0x1  }
0x2: {  	[smem:$0x3F9C] =	sst lr;
	_ =	strace $0xD0000000  }
0x3: {  	_ = 	snop  }
0x4: {  	_ = 	snop  }
0x5: {  	_ = 	snop  }
0x6: {  	_ = 	snop  }
0x7: {  	_ = 	snop  }
__scs_overlays_trampoline_lowered:
0x8: {  	[smem:$0x3FAB] =	sst s0  }
0x9: {  	[smem:$0x3FAC] =	sst s1  }
0xa: {  	[smem:$0x3FAD] =	sst s2  }
0xb: {  	[smem:$0x3FAE] =	sst s3  }
0xc: {  	[smem:$0x3FAF] =	sst s4  }
0xd: {  	[smem:$0x3FB0] =	sst s5  }
0xe: {  	[smem:$0x3FB1] =	sst s6  }
0xf: {  	[smem:$0x3FB2] =	sst s7  }
0x10: {  	[smem:$0x3FB3] =	sst s8  }
0x11: {  	[smem:$0x3FB4] =	sst s9;
	s0 =	simm.s32 @!p0 $0x0  }
0x12: {  	s1 =	sld [smem:$0x3F9A];
	s0 =	simm.s32 @p0 $0x1  }
0x13: {  	[smem:$0x3FB5] =	sst s0;
	s0 =	simm.s32 @!p1 $0x0  }
0x14: {  	s2 =	sld [smem:$0x3F99];
	s0 =	simm.s32 @p1 $0x1  }
0x15: {  	[smem:$0x3FB6] =	sst s0;
	s0 =	simm.s32 @!p2 $0x0  }
0x16: {  	s3 =	sld [smem:$0x3FDB];
	s0 =	simm.s32 @p2 $0x1  }
0x17: {  	s4 =	simm.s32 $0x1BF5;
	[smem:$0x3FB8] =	sst s0  }
0x18: {  	s0 =	sld [smem:$0x3F9B];
	_ =	swait.ge [sflag:s4], $0x0  }
0x19: {  	s7 =	sld [smem:$0x3F9C]  }
0x1a: {  	s8 =	sadd.s32 $0xFFFFE003, lr  }
0x1b: {  	s9 =	sadd.s32 $0xFFFFFEF7, lr;
	s5 =	simm.s32 $0xFFFFFFFF;
	p2 =	slt.u32 s8, $0xFFFFF086  }
0x1c: {  	p1 =	slt.u32 s9, $0xF7A;
	s5 =	simm.s32 @!p2 $0x0  }
0x1d: {  	s5 =	simm.s32 @p1 $0x1;
	p0 =	seq.s32 s7, s2  }
0x1e: {  	s7 =	smul.u32 @!p0 $0xF7A, s2;
	p2 =	seq.s32 @!p0 s5, $0x0  }
0x1f: {  	s9 =	smul.u32 $0xF7A, s1;
	s8 =	simm.s32 @!p0 $0x1BF5;
	p2 =	por !p2, p0  }
0x20: {  	[sflag:s8] =	ssyncset.s32 @!p0 $0xFFFFF086;
	s6 =	sadd.s32 @!p0 s3, s7;
	s7 =	simm.s32 @!p0 $0x108  }
0x21: {  	s3 =	sadd.s32 s3, s9;
	s6 =	sadd.s32 @!p0 $0x88, s6;
	s7 =	simm.s32 @p2 $0x1082  }
0x22: {  	[simem:s7], [sflag:s8] =	dma.local @!p0 [hbm:s6], $0xF7A  }
0x23: {  	s9 =	sor.u32 $0xD0000000, s2;
	s6 =	simm.s32 $0x108;
	_ =	swait.ge @!p0 [sflag:s8], $0x0  }
0x24: {  	s3 =	sadd.s32 $0x88, s3;
	s6 =	simm.s32 @!p1 $0x1082;
	[sflag:s4] =	ssyncset.s32 $0xFFFFF086  }
0x25: {  	[simem:s6], [sflag:s4] =	dma.local [hbm:s3], $0xF7A  }
0x26: {  	[smem:$0x3F9C] =	sst s1;
	(tag) =	ssettag s2;
	_ =	strace s9  }
0x27: {  	s1 =	sld [smem:$0x3FAC]  }
0x28: {  	s2 =	sld [smem:$0x3FAD]  }
0x29: {  	s4 =	sld [smem:$0x3FAF]  }
0x2a: {  	p0 =	seq.s32 s5, $0x0;
	s5 =	sld [smem:$0x3FB0]  }
0x2b: {  	s6 =	sld [smem:$0x3FB1]  }
0x2c: {  	s7 =	sld [smem:$0x3FB2]  }
0x2d: {  	s3 =	simm.s32 $0x108;
	s8 =	sld [smem:$0x3FB3]  }
0x2e: {  	s3 =	simm.s32 @!p0 $0x1082;
	s9 =	sld [smem:$0x3FB4]  }
0x2f: {  	lr =	sadd.s32 s0, s3;
	s0 =	sld [smem:$0x3FAB]  }
0x30: {  	s3 =	sld [smem:$0x3FAE]  }
0x31: {  	[smem:$0x3FB7] =	sst s10  }
0x32: {  	s10 =	sld [smem:$0x3FB5];
	_ =	sdelay $0x3  }
0x33: {  	p0 =	seq.s32 s10, $0x1;
	s10 =	sld [smem:$0x3FB7];
	_ =	sdelay $0x3  }
0x34: {  	[smem:$0x3FB7] =	sst s10  }
0x35: {  	s10 =	sld [smem:$0x3FB6];
	_ =	sdelay $0x3  }
0x36: {  	p1 =	seq.s32 s10, $0x1;
	s10 =	sld [smem:$0x3FB7];
	_ =	sdelay $0x3  }
0x37: {  	[smem:$0x3FB7] =	sst s10  }
0x38: {  	s10 =	sld [smem:$0x3FB8]  }
0x39: {  	_ = 	snop;
	(pc) =	sbr.ind lr, $3  }
0x3a: {  	_ = 	snop  }
0x3b: {  	_ = 	snop  }
0x3c: {  	p2 =	seq.s32 s10, $0x1;
	s10 =	sld [smem:$0x3FB7]  }
0x3d: {  	_ =	shalt  }
0x3e: {  	_ =	shalt  }
0x3f: {  	_ =	shalt  }
0x40: {  	_ =	shalt  }
0x41: {  	_ =	shalt  }
0x42: {  	_ =	shalt  }
0x43: {  	_ =	shalt  }
0x44: {  	_ =	shalt  }
0x45: {  	_ =	shalt  }
0x46: {  	_ =	shalt  }
0x47: {  	_ =	shalt  }
0x48: {  	_ =	shalt  }
0x49: {  	_ =	shalt  }
0x4a: {  	_ =	shalt  }
0x4b: {  	_ =	shalt  }
0x4c: {  	_ =	shalt  }
0x4d: {  	_ =	shalt  }
0x4e: {  	_ =	shalt  }
0x4f: {  	_ =	shalt  }
0x50: {  	_ =	shalt  }
0x51: {  	_ =	shalt  }
0x52: {  	_ =	shalt  }
0x53: {  	_ =	shalt  }
0x54: {  	_ =	shalt  }
0x55: {  	_ =	shalt  }
0x56: {  	_ =	shalt  }
0x57: {  	_ =	shalt  }
0x58: {  	_ =	shalt  }
0x59: {  	_ =	shalt  }
0x5a: {  	_ =	shalt  }
0x5b: {  	_ =	shalt  }
0x5c: {  	_ =	shalt  }
0x5d: {  	_ =	shalt  }
0x5e: {  	_ =	shalt  }
0x5f: {  	_ =	shalt  }
0x60: {  	_ =	shalt  }
0x61: {  	_ =	shalt  }
0x62: {  	_ =	shalt  }
0x63: {  	_ =	shalt  }
0x64: {  	_ =	shalt  }
0x65: {  	_ =	shalt  }
0x66: {  	_ =	shalt  }
0x67: {  	_ =	shalt  }
0x68: {  	_ =	shalt  }
0x69: {  	_ =	shalt  }
0x6a: {  	_ =	shalt  }
0x6b: {  	_ =	shalt  }
0x6c: {  	_ =	shalt  }
0x6d: {  	_ =	shalt  }
0x6e: {  	_ =	shalt  }
0x6f: {  	_ =	shalt  }
0x70: {  	_ =	shalt  }
0x71: {  	_ =	shalt  }
0x72: {  	_ =	shalt  }
0x73: {  	_ =	shalt  }
0x74: {  	_ =	shalt  }
0x75: {  	_ =	shalt  }
0x76: {  	_ =	shalt  }
0x77: {  	_ =	shalt  }
0x78: {  	_ =	shalt  }
0x79: {  	_ =	shalt  }
0x7a: {  	_ =	shalt  }
0x7b: {  	_ =	shalt  }
0x7c: {  	_ =	shalt  }
0x7d: {  	_ =	shalt  }
0x7e: {  	_ =	shalt  }
0x7f: {  	_ =	shalt  }
0x80: {  	_ =	shalt  }
0x81: {  	_ =	shalt  }
0x82: {  	_ =	shalt  }
0x83: {  	_ =	shalt  }
0x84: {  	_ =	shalt  }
0x85: {  	_ =	shalt  }
0x86: {  	_ =	shalt  }
0x87: {  	_ =	shalt  }
.Lfunc_end0:
.L_simem_size_0:
called_computation_lowered:
.L_overlay_start_0:
0x88: {  	s2 =	sld [smem:$0x3FD9]  }
0x89: {  	s3 =	sld [smem:$0x3FFE];
	_ =	sdelay $0x1  }
0x8a: {  	s1 =	srdreg.scid  }
0x8b: {  	s0 =	sand.u32 $0x1, s1  }
0x8c: {  	s17 =	sshll.u32 s0, $0xA;
	s2 =	sadd.s32 s3, s2  }
0x8d: {  	s2 =	sadd.s32 s2, s17  }
0x8e: {  	[smem:$0x3FC3] =	sst s2  }
0x8f: {  	_ = 	snop  }
0x90: {  	s2 =	sld [smem:$0x3FC7]  }
0x91: {  	s18 =	sld [smem:$0x3FD0];
	(tm) =	ssettm $0x1  }
0x92: {  	s4 =	sld [smem:$0x3FFB];
	_ =	sdelay $0x3  }
0x93: {  	_ =	strace s4  }
0x94: {  	s4 =	sld [smem:$0x3FFC];
	_ =	sdelay $0x3  }
0x95: {  	_ =	strace s4  }
0x96: {  	s4 =	sld [smem:$0x3FFD];
	_ =	sdelay $0x3  }
0x97: {  	_ =	strace s4  }
0x98: {  	_ =	strace $0x8FFFFFFF  }
0x99: {  	s19 =	sld [smem:$0x3FDB];
	_ =	sdelay $0x1  }
0x9a: {  	s5 =	simm.s32 $_scs_section_size  }
0x9b: {  	s6 =	simm.s32 $_size__tile_overlayer_lowered;
	s7 =	simm.s32 $_tile_overlayer_lowered  }
0x9c: {  	s22 =	simm.s32 $0x1BFF;
	s21 =	sshll.u32 s7, $0x1;
	s4 =	sadd.s32 s5, s19  }
0x9d: {  	s8 =	simm.s32 $0x0;
	s20 =	sshll.u32 s6, $0x1;
	s6 =	sadd.s32 s21, s4  }
0x9e: {  	[timem:s8], [sflag:s22] =	dma.local [hbm:s6], s20  }
0x9f: {  	_ =	swait.ge [sflag:s22], s20  }
0xa0: {  	s5 =	ssub.s32 $0x0, s20;
	[sflag:s22] =	ssyncset.done $0x0  }
0xa1: {  	[sflag:s22] =	ssyncadd.s32 s5;
	_ =	sdelay $0x1  }
0xa2: {  	s23 =	simm.s32 $0x1B8B  }
0xa3: {  	_ =	swait.ge [sflag:s23], $0x1  }
0xa4: {  	[sflag:s23] =	ssyncset.done $0x0  }
0xa5: {  	s25 =	simm.s32 $0x1B8E;
	s24 =	sld [smem:$0x3FFE];
	[sflag:s23] =	ssyncadd.s32 $0xFFFFFFFF  }
0xa6: {  	s26 =	simm.s32 $execute0_lowered;
	[smem:$0x3FD2] =	sst s25  }
0xa7: {  	s6 =	sshll.u32 s26, $0x1;
	_ =	strace $0x80000046;
	[dreg:$0x1] =	wrdreg $0xFFFFFFFF  }
0xa8: {  	s28 =	simm.s32 $_size_execute0_lowered;
	s4 =	sadd.s32 s4, s6;
	[dreg:$0x0] =	wrdreg $0x0  }
0xa9: {  	s6 =	sshll.u32 s28, $0x1;
	[dreg:$0x2] =	wrdreg s4  }
0xaa: {  	[dreg:$0x3] =	wrdreg s6  }
0xab: {  	[dreg:$0x4] =	wrdreg $0xC0  }
0xac: {  	_ =	task [dreg:s8], $0x5FFFF  }
0xad: {  	[dreg:$0x1] =	wrdreg $0xFFFFFFFF  }
0xae: {  	[dreg:$0x0] =	wrdreg $0x60  }
0xaf: {  	[dreg:$0x2] =	wrdreg s18  }
0xb0: {  	[dreg:$0x3] =	wrdreg s24  }
0xb1: {  	[dreg:$0x4] =	wrdreg s2  }
0xb2: {  	[dreg:$0x5] =	wrdreg $0x9  }
0xb3: {  	_ =	task.clear_ibuf [dreg:s8], $0x6FFFF;
	_ =	strace $0x90000046  }
0xb4: {  	s29 =	simm.s32 $0x9;
	_ =	strace $0x80000048  }
0xb5: {  	_ =	swait.ge [sflag:s29], $0x1  }
0xb6: {  	[sflag:s29] =	ssyncadd.s32 $0xFFFFFFFF  }
0xb7: {  	_ =	strace $0x90000048  }
0xb8: {  	_ =	sfence  }
0xb9: {  	s30 =	sld [smem:$0x0];
	_ =	sdelay $0x2  }
0xba: {  	s31 =	sshll.u32 s1, $0xD;
	s1 =	sshrl.u32 s1, $0x2  }
0xbb: {  	s3 =	sand.u32 $0x4000, s31;
	s1 =	sadd.s32 s1, s30  }
0xbc: {  	s0 =	sor.u32 s3, s0;
	s1 =	sshll.u32 s1, $0x11  }
0xbd: {  	s0 =	sor.u32 s1, s0  }
0xbe: {  	s0 =	sadd.s32 $0x8F2B, s0  }
0xbf: {  	[sflag:s0] =	ssyncadd.remote.s32 $0x1  }
0xc0: {  	_ =	sfence.sel $0xFFFF  }
0xc1: {  	[dreg:$0x0] =	wrdreg $0xFFFFFFFF;
	(pc) =	sbr.abs _section_cstart, $3  }
0xc2: {  	[dreg:$0x1] =	wrdreg $0xFFFFFFFF  }
0xc3: {  	_ =	task.clear_ibuf [dreg:s8], $0x2FFFF;
	_ =	strace $0x9FFFFFFF  }
0xc4: {  	(tm) =	ssettm $0x7FFFFFFF  }
0xc5: {  	_ =	shalt  }
tec
execute0_lowered:
.L_overlay_start_1:
0x0: {  	(tag) =	ssettag $0x1  }
0x1: {  	s1 =	rddreg [dreg:$0x0];
	s0 =	srdreg.scid  }
0x2: {  	s3 =	stileid.u32;
	s2 =	rddreg [dreg:$0x1]  }
0x3: {  	s9 =	simm.s32 $0x0;
	s11 =	simm.s32 $0x4000;
	s12 =	simm.s32 $0x11900  }
0x4: {  	s13 =	simm.s32 $0x1;
	s14 =	simm.s32 $0x8000;
	s15 =	simm.s32 $0x8C80  }
0x5: {  	s16 =	simm.s32 $0x9900;
	s17 =	simm.s32 $0xD900;
	s21 =	simm.s32 $0x12580  }
0x6: {  	s20 =	simm.s32 $0x12D80;
	s26 =	simm.s32 $0x2;
	s28 =	simm.s32 $0x16680  }
0x7: {  	s29 =	simm.s32 $0x16E80;
	s30 =	simm.s32 $0x17680;
	s31 =	simm.s32 $0x17E80  }
0x8: {  	s10 =	simm.s32 $0x0;
	s0 =	sand.u32 $0x1, s0;
	s4 =	sshll.u32 s3, $0x1  }
0x9: {  	s3 =	rddreg [dreg:$0x2];
	_ =	strace $0x80000047;
	s5 =	sadd.s32 $0x1200, s2  }
0xa: {  	s2 =	sadd.s32 $0xA00, s2;
	s6 =	sadd.s32 $0x100, s1;
	s4 =	sor.u32 s0, s4  }
.Ltmp0:
0xb: {  	s0 =	ssub.s32 $0x2, s0;
	[dreg:$0x4] =	wrdreg s5;
	(pc) =	sbr.rel .LBB2_1-.Ltmp0, $4  }
0xc: {  	v1 =	vlaneseq.u32;
	v3 =	vimm.s32 $0x0;
	[dreg:$0x5] =	wrdreg s2;
	s4 =	smul.u32 $0xC35, s4;
	s24 =	sshrl.u32 s0, $0x1  }
0xd: {  	vm0 =	vmmov $0xffff;
	v4 =	vadd.s32 $0x1, v1;
	v5 =	vand.u32 $0x7, v1;
	s7 =	sadd.s32 $0x100, s3;
	s2 =	simm.s32 $0x18680;
	s0 =	ssub.s32 s0, s24  }
0xe: {  	v6 =	vshrl.u32 v1, $0x3;
	v7 =	vor.u32 $0x8, v1;
	v8 =	vor.u32 $0x186A0, v1;
	s5 =	simm.s32 $0x19E80;
	s25 =	sadd.s32 $0xC35, s4;
	s0 =	smax.u32 s0, $0x1  }
0xf: {  	v6 =	vmul.u32 $0x8, v6;
	v0 =	vmov s4;
	s4 =	simm.s32 $0x19680;
	[dreg:$0x6] =	wrdreg s0;
	v2 =	vmov s25;
	s0 =	simm.s32 $0x18E80  }
.LBB2_26:
0x10: {  	s10 =	rddreg [dreg:$0x7]  }
0x11: {  	s8 =	rddreg [dreg:$0x6];
	s10 =	sadd.s32 $0x1, s10  }
0x12: {  	p0 =	sne.s32 s10, s8  }
.Ltmp1:
0x13: {  	_ = 	snop;
	(pc) =	sbr.rel @!p0 .LBB2_27-.Ltmp1, $2  }
0x14: {  	_ =	sdelay $0x2  }
0x15: {  	s21 =	simm.s32 $0x12580;
	s20 =	simm.s32 $0x12D80  }
.LBB2_1:
0x16: {  	[dreg:$0x7] =	wrdreg s10  }
0x17: {  	s8 =	rddreg [dreg:$0x4];
	s24 =	simm.s32 $0x3  }
0x18: {  	[tilespmem:s9], [sflag:$0x3] =	stream.linear.gather [hbm4b:s8+s9], $0x4000, $0x38;
	[tilespmem:$0x1A780] =	vst v63  }
0x19: {  	_ =	swait.ge [sflag:s24], $0x4000  }
0x1a: {  	[sflag:s24] =	ssyncset.done $0x0  }
0x1b: {  	s25 =	rddreg [dreg:$0x5];
	[sflag:s24] =	ssyncadd.s32 $0xFFFFC000  }
0x1c: {  	[tilespmem:s11], [sflag:$0x3] =	stream.linear.gather [hbm4b:s25+s9], $0x4000, $0x38;
	[tilespmem:$0x1A780] =	vst v63  }
0x1d: {  	_ =	swait.ge [sflag:s24], $0x4000  }
0x1e: {  	[sflag:s24] =	ssyncset.done $0x0  }
0x1f: {  	s8 =	simm.s32 $0x0;
	[sflag:s24] =	ssyncadd.s32 $0xFFFFC000  }
.LBB2_2:
0x20: {  	p0 =	sne.s32 s8, $0x30C0  }
.Ltmp2:
0x21: {  	_ = 	snop;
	(pc) =	sbr.rel @p0 .LBB2_2-.Ltmp2, $3  }
0x22: {  	_ =	sdelay $0x1  }
0x23: {  	s10 =	sshra.s32 s8, $0x2  }
0x24: {  	s8 =	sadd.s32 $0x40, s8;
	[tilespmem:s10+$0x11900] =	vst v3  }
0x25: {  	s10 =	simm.s32 $0x0  }
0x26: {  	s8 =	simm.s32 $0x4000;
	v9 =	vld [tilespmem:s10+$0x0]  }
0x27: {  	v10 =	vld [tilespmem:s8+$0x0];
	_ =	sdelay $0x3  }
0x28: {  	vm1 =	vge.s32 v9, v0;
	vm2 =	vlt.s32 v9, v2  }
0x29: {  	vm1 =	vmand vm1, vm2;
	vm2 =	vne.s32 v10, $0x0  }
0x2a: {  	vm1 =	vmand vm1, vm2  }
0x2b: {  	v10 =	vsel vm1, $0x1, v3  }
0x2c: {  	(xrf0) =	vadd.scan.msk.s32 $0xffff, v10;
	_ =	sdelay $0x5  }
0x2d: {  	v10 =	vsub.s32 v9, v0;
	v11, _, _ =	vpop (xrf0)  }
0x2e: {  	v10 =	vnsel vm1, $0x0, v10;
	v12 =	vadd.s32 s10, v11;
	(v2sf) =	vpush v11, $0xF  }
0x2f: {  	v13 =	vadd.s32 $0xFFFFFFFF, v12;
	_ =	sdelay $0x3  }
0x30: {  	[tilespmem:v10+s12+$0x0] =	vst.idx.msk vm1, v12  }
0x31: {  	[tilespmem:v13+s9+$0x0] =	vst.idx.msk vm1, v9;
	v9 =	vor.u32 s10, v1  }
0x32: {  	s8 =	simm.s32 $0x10;
	[tilespmem:v13+s11+$0x0] =	vst.idx.msk vm1, v9  }
0x33: {  	s19 =	simm.s32 $0x20;
	s18 =	simm.s32 $0x4010;
	s22 =	simm.s32 $0x10;
	v9 =	vld [tilespmem:s8+$0x0]  }
.LBB2_4:
0x34: {  	p0 =	sne.s32 s19, $0x3FF0;
	v10 =	vld [tilespmem:s18+$0x0];
	_ =	sdelay $0x3  }
0x35: {  	vm1 =	vge.s32 v9, v0;
	vm2 =	vlt.s32 v9, v2;
	v11 =	vsub.s32 v9, v0  }
0x36: {  	vm1 =	vmand vm1, vm2;
	vm2 =	vne.s32 v10, $0x0  }
0x37: {  	vm1 =	vmand vm1, vm2;
	s23 =	spop (v2sf)  }
0x38: {  	v10 =	vnsel vm1, $0x0, v11;
	v11 =	vsel vm1, $0x1, v3;
	s10 =	sadd.s32 s10, s23  }
0x39: {  	(xrf0) =	vadd.scan.msk.s32 $0xffff, v11;
	_ =	sdelay $0x5  }
0x3a: {  	v11, _, _ =	vpop (xrf0)  }
0x3b: {  	v12 =	vadd.s32 s10, v11;
	(v2sf) =	vpush v11, $0xF  }
0x3c: {  	v11 =	vadd.s32 $0xFFFFFFFF, v12;
	[tilespmem:v10+s12+$0x0] =	vst.idx.msk vm1, v12;
	_ =	sdelay $0x2  }
.Ltmp3:
0x3d: {  	(pc) =	sbr.rel @p0 .LBB2_4-.Ltmp3, $4  }
0x3e: {  	_ = 	snop  }
0x3f: {  	[tilespmem:v11+s9+$0x0] =	vst.idx.msk vm1, v9;
	v9 =	vor.u32 s8, v1;
	s8 =	smov.u32 s19  }
0x40: {  	s22 =	sadd.s32 $0x10, s22;
	[tilespmem:v11+s11+$0x0] =	vst.idx.msk vm1, v9  }
0x41: {  	s18 =	sadd.s32 $0x10, s18;
	s19 =	sadd.s32 $0x10, s19;
	v9 =	vld [tilespmem:s22+$0x0]  }
0x42: {  	v10 =	vld [tilespmem:s18+$0x0];
	_ =	sdelay $0x3  }
0x43: {  	vm1 =	vge.s32 v9, v0;
	vm2 =	vlt.s32 v9, v2  }
0x44: {  	vm1 =	vmand vm1, vm2;
	vm2 =	vne.s32 v10, $0x0  }
0x45: {  	vm1 =	vmand vm1, vm2  }
0x46: {  	v10 =	vsel vm1, $0x1, v3  }
0x47: {  	(xrf0) =	vadd.scan.msk.s32 $0xffff, v10;
	_ =	sdelay $0x5  }
0x48: {  	v10, _, _ =	vpop (xrf0)  }
0x49: {  	(v2sf) =	vpush v10, $0xF;
	_ =	sdelay $0xd  }
0x4a: {  	s22 =	spop (v2sf)  }
0x4b: {  	s18 =	sadd.s32 s10, s22;
	s23 =	spop (v2sf)  }
0x4c: {  	s10 =	sadd.s32 s18, s23  }
0x4d: {  	s19 =	sadd.s32 $0xF, s10  }
0x4e: {  	s24 =	sand.u32 $0xF, s19  }
0x4f: {  	s25 =	sshra.s32 s19, $0x1F;
	p1 =	slt.s32 s19, $0x1;
	p0 =	sne.s32 s24, $0x0  }
0x50: {  	v10 =	vadd.s32 s18, v10;
	s18 =	sshrl.u32 s25, $0x1C;
	p0 =	por !p1, !p0  }
0x51: {  	v11 =	vsub.s32 v9, v0;
	s18 =	sadd.s32 s18, s19;
	s19 =	simm.s32 $0x1;
	p0 =	por !p0, !p0  }
0x52: {  	v11 =	vnsel vm1, $0x0, v11;
	s18 =	sshra.s32 s18, $0x4;
	s19 =	simm.s32 @!p0 $0x0  }
0x53: {  	v12 =	vadd.s32 $0xFFFFFFFF, v10;
	s18 =	ssub.s32 s18, s19  }
0x54: {  	p0 =	slt.s32 s18, $0x1  }
.Ltmp4:
0x55: {  	_ = 	snop;
	(pc) =	sbr.rel @p0 .LBB2_6-.Ltmp4, $4  }
0x56: {  	_ = 	snop  }
0x57: {  	[tilespmem:v11+s12+$0x0] =	vst.idx.msk vm1, v10  }
0x58: {  	[tilespmem:v12+s9+$0x0] =	vst.idx.msk vm1, v9;
	v9 =	vor.u32 s8, v1  }
0x59: {  	[tilespmem:v12+s11+$0x0] =	vst.idx.msk vm1, v9  }
0x5a: {  	s8 =	simm.s32 $0x0  }
0x5b: {  	v9 =	vld [tilespmem:s8+$0x0]  }
0x5c: {  	p1 =	sne.s32 s18, $0x1  }
.Ltmp5:
0x5d: {  	_ = 	snop;
	(pc) =	sbr.rel @!p1 .LBB2_8-.Ltmp5, $4  }
0x5e: {  	_ = 	snop  }
0x5f: {  	v10 =	vmov s10;
	v11 =	vor.u32 s8, v1  }
0x60: {  	vm1 =	vlt.s32 v11, v10;
	v11 =	vsub.s32 v9, v0  }
0x61: {  	s19 =	simm.s32 $0x4000;
	s10 =	sadd.s32 $0xFFFFFFFF, s18;
	p0 =	por $0x0, $0x0;
	v11 =	vnsel vm1, $0x0, v11  }
0x62: {  	_ =	sdelay $0x3  }
0x63: {  	v11 =	vld.idx.msk [tilespmem:v11+s12+$0x0], $0xffff;
	_ =	sdelay $0x3  }
0x64: {  	v12 =	vadd.s32 s8, v4  }
0x65: {  	vm2 =	veq.s32 v11, v12  }
0x66: {  	vm2 =	vmand vm1, vm2  }
0x67: {  	vm1 =	vmxor vm1, vm2;
	v11 =	vsel vm2, $0x1, v3  }
0x68: {  	v62 =	vsel vm1, $0x1, v3;
	(xrf0) =	vadd.scan.msk.s32 $0xffff, v11  }
0x69: {  	(xrf0) =	vadd.scan.msk.s32 $0xffff, v62;
	_ =	sdelay $0x1  }
0x6a: {  	v11 =	vmov s8  }
0x6b: {  	v11 =	vadd.s32 $0xFFFFFFFF, v11  }
0x6c: {  	v11 =	vbroadcast v11, $0x0  }
0x6d: {  	v63, _, _ =	vpop (xrf0)  }
0x6e: {  	v13, _, _ =	vpop (xrf0);
	(v2sf) =	vpush v63, $0xF;
	v12 =	vadd.s32 v63, v11  }
0x6f: {  	v14 =	vld [tilespmem:s19+$0x0];
	(v2sf) =	vpush v13, $0xF  }
0x70: {  	v11 =	vadd.s32 v13, v11;
	_ =	sdelay $0x2  }
0x71: {  	[tilespmem:v12+s14+$0x0] =	vst.idx.msk vm2, v9  }
0x72: {  	[tilespmem:v12+s15+$0x0] =	vst.idx.msk vm2, v14  }
0x73: {  	[tilespmem:v11+s16+$0x0] =	vst.idx.msk vm1, v9  }
0x74: {  	s25 =	simm.s32 $0x10;
	[tilespmem:v11+s17+$0x0] =	vst.idx.msk vm1, v14  }
0x75: {  	v9 =	vld [tilespmem:s25+$0x0];
	_ =	sdelay $0x1  }
0x76: {  	p1 =	sne.s32 s10, $0x1  }
.Ltmp6:
0x77: {  	_ = 	snop;
	(pc) =	sbr.rel @!p1 .LBB2_10-.Ltmp6, $4  }
0x78: {  	v11 =	vor.u32 s25, v1  }
0x79: {  	s10 =	sadd.s32 $0xFFFFFFFF, s10;
	p0 =	por $0x1, $0x1;
	vm1 =	vlt.s32 v11, v10;
	v11 =	vsub.s32 v9, v0  }
0x7a: {  	s24 =	simm.s32 $0x0;
	s23 =	simm.s32 $0x4000;
	s18 =	spop (v2sf);
	v11 =	vnsel vm1, $0x0, v11  }
0x7b: {  	s22 =	sadd.s32 $0x0, s18;
	s19 =	spop (v2sf);
	s18 =	simm.s32 $0x10  }
.LBB2_11:
0x7c: {  	p1 =	sne.s32 s10, $0x1;
	s24 =	sadd.s32 s24, s19;
	s23 =	sadd.s32 $0x10, s23  }
0x7d: {  	s10 =	sadd.s32 $0xFFFFFFFF, s10;
	v12 =	vmov s24  }
0x7e: {  	v12 =	vadd.s32 $0xFFFFFFFF, v12  }
0x7f: {  	v11 =	vld.idx.msk [tilespmem:v11+s12+$0x0], $0xffff;
	_ =	sdelay $0x4  }
0x80: {  	v13 =	vadd.s32 s25, v4  }
0x81: {  	vm2 =	veq.s32 v11, v13  }
0x82: {  	vm2 =	vmand vm1, vm2  }
0x83: {  	vm1 =	vmxor vm1, vm2;
	v11 =	vsel vm2, $0x1, v3  }
0x84: {  	v13 =	vsel vm1, $0x1, v3;
	(xrf0) =	vadd.scan.msk.s32 $0xffff, v11  }
0x85: {  	(xrf0) =	vadd.scan.msk.s32 $0xffff, v13;
	_ =	sdelay $0x1  }
0x86: {  	v11 =	vmov s22  }
0x87: {  	v11 =	vadd.s32 $0xFFFFFFFF, v11  }
0x88: {  	v11 =	vbroadcast v11, $0x0  }
0x89: {  	v13, _, _ =	vpop (xrf0)  }
0x8a: {  	v12 =	vbroadcast v12, $0x0;
	v11 =	vadd.s32 v13, v11;
	v14, _, _ =	vpop (xrf0);
	(v2sf) =	vpush v13, $0xF  }
0x8b: {  	v13 =	vld [tilespmem:s23+$0x0];
	(v2sf) =	vpush v14, $0xF  }
0x8c: {  	v12 =	vadd.s32 v14, v12;
	_ =	sdelay $0x2  }
0x8d: {  	[tilespmem:v11+s14+$0x0] =	vst.idx.msk vm2, v9  }
0x8e: {  	[tilespmem:v11+s15+$0x0] =	vst.idx.msk vm2, v13  }
0x8f: {  	[tilespmem:v12+s16+$0x0] =	vst.idx.msk vm1, v9  }
0x90: {  	s18 =	sadd.s32 $0x10, s18;
	[tilespmem:v12+s17+$0x0] =	vst.idx.msk vm1, v13  }
0x91: {  	v9 =	vld [tilespmem:s18+$0x0];
	_ =	sdelay $0x2  }
.Ltmp7:
0x92: {  	s25 =	sadd.s32 $0x10, s25;
	(pc) =	sbr.rel @p1 .LBB2_11-.Ltmp7, $4  }
0x93: {  	v11 =	vor.u32 s25, v1  }
0x94: {  	vm1 =	vlt.s32 v11, v10;
	v11 =	vsub.s32 v9, v0  }
0x95: {  	v11 =	vnsel vm1, $0x0, v11;
	s19 =	spop (v2sf)  }
0x96: {  	s22 =	sadd.s32 s22, s19;
	s19 =	spop (v2sf)  }
.LBB2_12:
0x97: {  	_ =	sdelay $0x3  }
0x98: {  	v10 =	vld.idx.msk [tilespmem:v11+s12+$0x0], $0xffff;
	_ =	sdelay $0x3  }
0x99: {  	v11 =	vadd.s32 s25, v4  }
0x9a: {  	vm2 =	veq.s32 v10, v11  }
0x9b: {  	vm2 =	vmand vm1, vm2  }
0x9c: {  	vm1 =	vmxor vm1, vm2;
	v10 =	vsel vm2, $0x1, v3  }
0x9d: {  	v11 =	vsel vm1, $0x1, v3;
	(xrf0) =	vadd.scan.msk.s32 $0xffff, v10  }
0x9e: {  	(xrf0) =	vadd.scan.msk.s32 $0xffff, v11;
	_ =	sdelay $0x4  }
0x9f: {  	v10, _, _ =	vpop (xrf0)  }
0xa0: {  	v11, _, _ =	vpop (xrf0);
	(v2sf) =	vpush v10, $0xF  }
0xa1: {  	(v2sf) =	vpush v11, $0xF;
	_ =	sdelay $0x4  }
0xa2: {  	s10 =	sadd.s32 @p0 s24, s19;
	v12 =	vmov s22  }
0xa3: {  	s8 =	smov.u32 @p0 s10;
	v12 =	vadd.s32 $0xFFFFFFFF, v12  }
0xa4: {  	v13 =	vmov s8;
	v12 =	vbroadcast v12, $0x0  }
0xa5: {  	s18 =	simm.s32 $0x4000;
	s10 =	sadd.s32 @p0 $0x10, s23;
	v13 =	vadd.s32 $0xFFFFFFFF, v13  }
0xa6: {  	s18 =	smov.u32 @p0 s10;
	v62 =	vbroadcast v13, $0x0;
	v10 =	vadd.s32 v10, v12  }
0xa7: {  	v63 =	vld [tilespmem:s18+$0x0]  }
0xa8: {  	v11 =	vadd.s32 v11, v62;
	_ =	sdelay $0x1  }
.Ltmp8:
0xa9: {  	_ = 	snop;
	(pc) =	sbr.rel .LBB2_13-.Ltmp8, $4  }
0xaa: {  	[tilespmem:v10+s14+$0x0] =	vst.idx.msk vm2, v9;
	s24 =	spop (v2sf)  }
0xab: {  	[tilespmem:v10+s15+$0x0] =	vst.idx.msk vm2, v63;
	s25 =	spop (v2sf)  }
0xac: {  	[tilespmem:v11+s16+$0x0] =	vst.idx.msk vm1, v9;
	s8 =	sadd.s32 s8, s25  }
0xad: {  	[tilespmem:v11+s17+$0x0] =	vst.idx.msk vm1, v63;
	s18 =	sadd.s32 s22, s24;
	[dreg:$0x8] =	wrdreg s8  }
.LBB2_6:
0xae: {  	s8 =	simm.s32 $0x0  }
0xaf: {  	s18 =	simm.s32 $0x0;
	[dreg:$0x8] =	wrdreg s8  }
.LBB2_13:
0xb0: {  	s8 =	sadd.s32 $0xF, s18  }
0xb1: {  	s19 =	sand.u32 $0xF, s8  }
0xb2: {  	s22 =	sshra.s32 s8, $0x1F;
	p0 =	slt.s32 s8, $0x1;
	p1 =	sne.s32 s19, $0x0  }
0xb3: {  	s25 =	sshrl.u32 s22, $0x1C;
	p0 =	por !p0, !p1  }
0xb4: {  	s19 =	simm.s32 $0x1;
	s8 =	sadd.s32 s25, s8;
	p0 =	por !p0, !p0  }
0xb5: {  	s8 =	sshra.s32 s8, $0x4;
	s19 =	simm.s32 @!p0 $0x0  }
0xb6: {  	s8 =	ssub.s32 s8, s19  }
0xb7: {  	p0 =	slt.s32 s8, $0x1  }
.Ltmp9:
0xb8: {  	_ = 	snop;
	(pc) =	sbr.rel @p0 .LBB2_18-.Ltmp9, $2  }
0xb9: {  	_ =	sdelay $0x2  }
0xba: {  	s10 =	simm.s32 $0x13580;
	s19 =	simm.s32 $0x13D80  }
0xbb: {  	v9 =	vmov s18;
	s22 =	simm.s32 $0x0;
	s23 =	simm.s32 $0x0  }
.LBB2_15:
0xbc: {  	s18 =	sshll.u32 s23, $0x4  }
0xbd: {  	v10 =	vmov s18;
	_ =	sdelay $0x3  }
0xbe: {  	v12 =	vld [tilespmem:s18+$0x8000]  }
0xbf: {  	v11 =	vld.idx.msk [tilespmem:v10+s14+$0x0], $0xffff;
	_ =	sdelay $0x2  }
0xc0: {  	v13 =	vor.u32 s18, v1  }
0xc1: {  	vm1 =	vlt.s32 v13, v9  }
0xc2: {  	v13 =	vld [tilespmem:s18+$0x8C80];
	v11 =	vsel vm1, v12, v11  }
0xc3: {  	v10 =	vld.idx.msk [tilespmem:v10+s15+$0x0], $0xffff;
	[tilespmem:$0x16580] =	vst v11  }
0xc4: {  	v11 =	vld [tilespmem:$0x16580];
	_ =	sdelay $0x4  }
0xc5: {  	v12 =	vshll.u32 v11, $0x2  }
0xc6: {  	v11 =	vand.u32 $0x7, v11;
	v12 =	vand.u32 $0xFFFFFFE0, v12  }
0xc7: {  	v11 =	vor.u32 v11, v12  }
0xc8: {  	v12 =	vperm.xlane v11, v5;
	_ =	sdelay $0x1  }
0xc9: {  	v12 =	vadd.s32 v6, v12;
	_ =	sdelay $0x1  }
0xca: {  	v11 =	vperm.xlane v11, v7  }
0xcb: {  	v10 =	vsel vm1, v13, v10  }
0xcc: {  	[tilespmem:$0x16600] =	vst v10;
	v10 =	vadd.s32 v6, v11  }
0xcd: {  	[tilespmem:s21], [sflag:$0x1] =	stream.indirect_vreg.gather [hbm4b:s1+s22], $0x80, v12, vm0, $0xb8;
	[tilespmem:$0x1A780] =	vst v63  }
0xce: {  	_ = 	snop  }
0xcf: {  	[tilespmem:s20], [sflag:$0x1] =	stream.indirect_vreg.gather [hbm4b:s6+s22], $0x80, v12, vm0, $0xb8;
	[tilespmem:$0x1A780] =	vst v63  }
0xd0: {  	_ = 	snop  }
0xd1: {  	[tilespmem:s10], [sflag:$0x1] =	stream.indirect_vreg.gather [hbm4b:s1+s22], $0x80, v10, vm0, $0xb8;
	[tilespmem:$0x1A780] =	vst v63  }
0xd2: {  	_ = 	snop  }
0xd3: {  	[tilespmem:s19], [sflag:$0x1] =	stream.indirect_vreg.gather [hbm4b:s6+s22], $0x80, v10, vm0, $0xb8;
	[tilespmem:$0x1A780] =	vst v63  }
0xd4: {  	v10 =	vld [tilespmem:$0x16600];
	_ =	sdelay $0x4  }
0xd5: {  	v11 =	vshll.u32 v10, $0x2  }
0xd6: {  	v10 =	vand.u32 $0x7, v10;
	v11 =	vand.u32 $0xFFFFFFE0, v11  }
0xd7: {  	v10 =	vor.u32 v10, v11  }
0xd8: {  	v11 =	vperm.xlane v10, v5;
	_ =	sdelay $0x1  }
0xd9: {  	v11 =	vadd.s32 v6, v11;
	_ =	sdelay $0x1  }
0xda: {  	v10 =	vperm.xlane v10, v7;
	_ =	sdelay $0x1  }
0xdb: {  	s20 =	simm.s32 $0x14580;
	v10 =	vadd.s32 v6, v10  }
0xdc: {  	[tilespmem:s20], [sflag:$0x1] =	stream.indirect_vreg.gather [hbm4b:s3+s22], $0x80, v11, vm0, $0xb8;
	[tilespmem:$0x1A780] =	vst v63  }
0xdd: {  	s24 =	simm.s32 $0x14D80  }
0xde: {  	[tilespmem:s24], [sflag:$0x1] =	stream.indirect_vreg.gather [hbm4b:s7+s22], $0x80, v11, vm0, $0xb8;
	[tilespmem:$0x1A780] =	vst v63  }
0xdf: {  	s25 =	simm.s32 $0x15580  }
0xe0: {  	[tilespmem:s25], [sflag:$0x1] =	stream.indirect_vreg.gather [hbm4b:s3+s22], $0x80, v10, vm0, $0xb8;
	[tilespmem:$0x1A780] =	vst v63  }
0xe1: {  	s18 =	simm.s32 $0x15D80  }
0xe2: {  	[tilespmem:s18], [sflag:$0x1] =	stream.indirect_vreg.gather [hbm4b:s7+s22], $0x80, v10, vm0, $0xb8;
	[tilespmem:$0x1A780] =	vst v63  }
0xe3: {  	_ =	swait.ge [sflag:s13], $0x2000  }
0xe4: {  	[sflag:s13] =	ssyncset.done $0x0  }
0xe5: {  	s19 =	simm.s32 $0x0;
	s20 =	sand.u32 $0x800, s22;
	[sflag:s13] =	ssyncadd.s32 $0xFFFFE000  }
0xe6: {  	s24 =	simm.s32 $0x0;
	s18 =	sand.u32 $0x1000, s19;
	_ =	swait.ge [sflag:s13], $0x2000  }
0xe7: {  	s25 =	sand.u32 $0x380, s24;
	s18 =	sor.u32 s20, s18;
	[sflag:s13] =	ssyncset.done $0x0  }
0xe8: {  	s24 =	sor.u32 s25, s18;
	[sflag:s13] =	ssyncadd.s32 $0xFFFFE000  }
0xe9: {  	v10 =	vld [tilespmem:s24+$0x149F0]  }
0xea: {  	v15 =	vld [tilespmem:s24+$0x14580]  }
0xeb: {  	v16 =	vld [tilespmem:s24+$0x14590]  }
0xec: {  	v17 =	vld [tilespmem:s24+$0x145A0]  }
0xed: {  	v18 =	vld [tilespmem:s24+$0x145B0]  }
0xee: {  	v19 =	vld [tilespmem:s24+$0x145C0]  }
0xef: {  	v20 =	vld [tilespmem:s24+$0x145D0]  }
0xf0: {  	v21 =	vld [tilespmem:s24+$0x145E0]  }
0xf1: {  	v22 =	vld [tilespmem:s24+$0x145F0]  }
0xf2: {  	v23 =	vld [tilespmem:s24+$0x14980]  }
0xf3: {  	v24 =	vld [tilespmem:s24+$0x14990]  }
0xf4: {  	v14 =	vld [tilespmem:s24+$0x149A0]  }
0xf5: {  	v13 =	vld [tilespmem:s24+$0x149B0]  }
0xf6: {  	v12 =	vld [tilespmem:s24+$0x149C0]  }
0xf7: {  	v11 =	vld [tilespmem:s24+$0x149E0]  }
0xf8: {  	[tilespmem:s24+$0x129F0] =	vst.add.f32.msk $0xffff, v10  }
0xf9: {  	v10 =	vld [tilespmem:s24+$0x149D0]  }
0xfa: {  	[tilespmem:s24+$0x12580] =	vst.add.f32.msk $0xffff, v15  }
0xfb: {  	[tilespmem:s24+$0x12590] =	vst.add.f32.msk $0xffff, v16  }
0xfc: {  	[tilespmem:s24+$0x125A0] =	vst.add.f32.msk $0xffff, v17  }
0xfd: {  	[tilespmem:s24+$0x125B0] =	vst.add.f32.msk $0xffff, v18  }
0xfe: {  	[tilespmem:s24+$0x125C0] =	vst.add.f32.msk $0xffff, v19  }
0xff: {  	[tilespmem:s24+$0x125D0] =	vst.add.f32.msk $0xffff, v20  }
0x100: {  	[tilespmem:s24+$0x125E0] =	vst.add.f32.msk $0xffff, v21  }
0x101: {  	[tilespmem:s24+$0x125F0] =	vst.add.f32.msk $0xffff, v22  }
0x102: {  	[tilespmem:s24+$0x12980] =	vst.add.f32.msk $0xffff, v23  }
0x103: {  	s18 =	simm.s32 $0x0;
	s25 =	simm.s32 $0x0;
	[tilespmem:s24+$0x12990] =	vst.add.f32.msk $0xffff, v24  }
.LBB2_16:
0x104: {  	s18 =	sadd.s32 $0x10, s18;
	[tilespmem:s24+$0x129A0] =	vst.add.f32.msk $0xffff, v14  }
0x105: {  	s25 =	sadd.s32 $0x800, s25;
	s19 =	sshll.u32 s18, $0x4;
	p0 =	slt.u32 s18, $0x1F0;
	[tilespmem:s24+$0x129B0] =	vst.add.f32.msk $0xffff, v13  }
0x106: {  	s10 =	sand.u32 $0x800, s25;
	s20 =	sshll.u32 s18, $0x2;
	s19 =	sand.u32 $0x1000, s19;
	[tilespmem:s24+$0x129C0] =	vst.add.f32.msk $0xffff, v12  }
0x107: {  	s10 =	sor.u32 s10, s19;
	s19 =	sand.u32 $0x380, s20;
	[tilespmem:s24+$0x129D0] =	vst.add.f32.msk $0xffff, v10  }
0x108: {  	[tilespmem:s24+$0x129E0] =	vst.add.f32.msk $0xffff, v11;
	s24 =	sor.u32 s19, s10  }
0x109: {  	v10 =	vld [tilespmem:s24+$0x149F0]  }
0x10a: {  	v15 =	vld [tilespmem:s24+$0x14580]  }
0x10b: {  	v16 =	vld [tilespmem:s24+$0x14590]  }
0x10c: {  	v17 =	vld [tilespmem:s24+$0x145A0]  }
0x10d: {  	v18 =	vld [tilespmem:s24+$0x145B0]  }
0x10e: {  	[tilespmem:s24+$0x129F0] =	vst.add.f32.msk $0xffff, v10  }
0x10f: {  	v19 =	vld [tilespmem:s24+$0x145C0]  }
0x110: {  	v20 =	vld [tilespmem:s24+$0x145D0]  }
0x111: {  	v21 =	vld [tilespmem:s24+$0x145E0]  }
0x112: {  	v22 =	vld [tilespmem:s24+$0x145F0]  }
0x113: {  	v23 =	vld [tilespmem:s24+$0x14980]  }
0x114: {  	v24 =	vld [tilespmem:s24+$0x14990]  }
0x115: {  	v14 =	vld [tilespmem:s24+$0x149A0]  }
0x116: {  	v13 =	vld [tilespmem:s24+$0x149B0]  }
0x117: {  	v12 =	vld [tilespmem:s24+$0x149C0]  }
0x118: {  	v10 =	vld [tilespmem:s24+$0x149D0]  }
0x119: {  	v11 =	vld [tilespmem:s24+$0x149E0]  }
0x11a: {  	[tilespmem:s24+$0x12580] =	vst.add.f32.msk $0xffff, v15  }
0x11b: {  	[tilespmem:s24+$0x12590] =	vst.add.f32.msk $0xffff, v16  }
0x11c: {  	[tilespmem:s24+$0x125A0] =	vst.add.f32.msk $0xffff, v17  }
0x11d: {  	[tilespmem:s24+$0x125B0] =	vst.add.f32.msk $0xffff, v18  }
0x11e: {  	[tilespmem:s24+$0x125C0] =	vst.add.f32.msk $0xffff, v19  }
.Ltmp10:
0x11f: {  	[tilespmem:s24+$0x125D0] =	vst.add.f32.msk $0xffff, v20;
	(pc) =	sbr.rel @p0 .LBB2_16-.Ltmp10, $4  }
0x120: {  	[tilespmem:s24+$0x125E0] =	vst.add.f32.msk $0xffff, v21  }
0x121: {  	[tilespmem:s24+$0x125F0] =	vst.add.f32.msk $0xffff, v22  }
0x122: {  	[tilespmem:s24+$0x12980] =	vst.add.f32.msk $0xffff, v23  }
0x123: {  	[tilespmem:s24+$0x12990] =	vst.add.f32.msk $0xffff, v24  }
0x124: {  	[tilespmem:s24+$0x129A0] =	vst.add.f32.msk $0xffff, v14  }
0x125: {  	[tilespmem:s24+$0x129B0] =	vst.add.f32.msk $0xffff, v13  }
0x126: {  	[tilespmem:s24+$0x129C0] =	vst.add.f32.msk $0xffff, v12  }
0x127: {  	[tilespmem:s24+$0x129D0] =	vst.add.f32.msk $0xffff, v10  }
0x128: {  	[tilespmem:s24+$0x129E0] =	vst.add.f32.msk $0xffff, v11  }
0x129: {  	v10 =	vld [tilespmem:$0x16580];
	_ =	sdelay $0x4  }
0x12a: {  	v11 =	vshll.u32 v10, $0x2  }
0x12b: {  	v10 =	vand.u32 $0x7, v10;
	v11 =	vand.u32 $0xFFFFFFE0, v11  }
0x12c: {  	v10 =	vor.u32 v10, v11  }
0x12d: {  	v11 =	vperm.xlane v10, v5;
	_ =	sdelay $0x1  }
0x12e: {  	v11 =	vadd.s32 v6, v11;
	_ =	sdelay $0x1  }
0x12f: {  	v10 =	vperm.xlane v10, v7;
	_ =	sdelay $0x1  }
0x130: {  	v10 =	vadd.s32 v6, v10  }
0x131: {  	[hbm4b:s1+s9] =	stream.indirect_vreg.scatter [tilespmem:s21], [sflag:$0x2], $0x80, v11, vm0, $0xb8;
	[tilespmem:$0x1A780] =	vst v63  }
0x132: {  	s20 =	simm.s32 $0x12D80;
	s23 =	sadd.s32 $0x1, s23  }
0x133: {  	[hbm4b:s6+s9] =	stream.indirect_vreg.scatter [tilespmem:s20], [sflag:$0x2], $0x80, v11, vm0, $0xb8;
	[tilespmem:$0x1A780] =	vst v63  }
0x134: {  	s10 =	simm.s32 $0x13580;
	p0 =	sne.s32 s23, s8  }
0x135: {  	[hbm4b:s1+s9] =	stream.indirect_vreg.scatter [tilespmem:s10], [sflag:$0x2], $0x80, v10, vm0, $0xb8;
	[tilespmem:$0x1A780] =	vst v63  }
.Ltmp11:
0x136: {  	s19 =	simm.s32 $0x13D80;
	(pc) =	sbr.rel @p0 .LBB2_15-.Ltmp11, $4  }
0x137: {  	[hbm4b:s6+s9] =	stream.indirect_vreg.scatter [tilespmem:s19], [sflag:$0x2], $0x80, v10, vm0, $0xb8;
	[tilespmem:$0x1A780] =	vst v63  }
0x138: {  	_ =	swait.ge [sflag:s26], $0x2000  }
0x139: {  	[sflag:s26] =	ssyncset.done $0x0  }
0x13a: {  	[sflag:s26] =	ssyncadd.s32 $0xFFFFE000  }
.LBB2_18:
0x13b: {  	s19 =	rddreg [dreg:$0x8]  }
0x13c: {  	s8 =	sadd.s32 $0xF, s19  }
0x13d: {  	s10 =	sand.u32 $0xF, s8  }
0x13e: {  	s18 =	sshra.s32 s8, $0x1F;
	p0 =	slt.s32 s8, $0x1;
	p1 =	sne.s32 s10, $0x0  }
0x13f: {  	s25 =	sshrl.u32 s18, $0x1C;
	p0 =	por !p0, !p1  }
0x140: {  	s10 =	simm.s32 $0x1;
	s8 =	sadd.s32 s25, s8;
	p0 =	por !p0, !p0  }
0x141: {  	s8 =	sshra.s32 s8, $0x4;
	s10 =	simm.s32 @!p0 $0x0  }
0x142: {  	s8 =	ssub.s32 s8, s10  }
0x143: {  	p0 =	slt.s32 s8, $0x1  }
.Ltmp12:
0x144: {  	_ = 	snop;
	(pc) =	sbr.rel @p0 .LBB2_26-.Ltmp12, $2  }
0x145: {  	_ =	sdelay $0x2  }
0x146: {  	[dreg:$0x9] =	wrdreg s8  }
.Ltmp13:
0x147: {  	(pc) =	sbr.rel .LBB2_20-.Ltmp13, $2  }
0x148: {  	_ =	sdelay $0x2  }
0x149: {  	v9 =	vmov s19;
	s10 =	simm.s32 $0x0  }
.LBB2_25:
0x14a: {  	s10 =	sadd.s32 $0x1, s10;
	s8 =	rddreg [dreg:$0x9]  }
0x14b: {  	p0 =	sne.s32 s10, s8  }
.Ltmp14:
0x14c: {  	_ = 	snop;
	(pc) =	sbr.rel @!p0 .LBB2_26-.Ltmp14, $1  }
0x14d: {  	_ =	sdelay $0x3  }
.LBB2_20:
0x14e: {  	s18 =	sshll.u32 s10, $0x4  }
0x14f: {  	v10 =	vld [tilespmem:s18+$0x9900];
	_ =	sdelay $0x2  }
0x150: {  	v11 =	vor.u32 s18, v1  }
0x151: {  	vm1 =	vlt.s32 v11, v9  }
0x152: {  	v11 =	vsel vm1, v10, v8  }
0x153: {  	(xrf1) =	vunique.msk.u32 $0xffff, v11;
	_ =	sdelay $0xd  }
0x154: {  	_, v13, _ =	vpop (xrf1)  }
0x155: {  	v11 =	vadd.s32 $0x7FFFFFFF, v13  }
0x156: {  	v11 =	vnsel vm1, $0x80000000, v11  }
0x157: {  	(xrf0) =	vmax.scan.msk.u32 $0xffff, v11;
	_ =	sdelay $0x5  }
0x158: {  	v11, _, _ =	vpop (xrf0)  }
0x159: {  	(v2sf) =	vpush v11, $0xF;
	_ =	sdelay $0xe  }
0x15a: {  	s19 =	spop (v2sf)  }
0x15b: {  	p0 =	sgt.s32 s19, $0xFFFFFFFE  }
.Ltmp15:
0x15c: {  	_ = 	snop;
	(pc) =	sbr.rel @p0 .LBB2_25-.Ltmp15, $2  }
0x15d: {  	_ =	sdelay $0x2  }
0x15e: {  	v11 =	vld [tilespmem:s18+$0xD900]  }
0x15f: {  	v12 =	vmov s18;
	v13 =	vadd.s32 $0xFFFFFFFF, v13;
	s22 =	sand.u32 $0x7FFFFFFF, s19;
	s23 =	simm.s32 $0x0;
	s24 =	simm.s32 $0x0  }
.LBB2_22:
0x160: {  	vm2 =	veq.s32 v13, s24  }
0x161: {  	vm2 =	vmand vm1, vm2  }
0x162: {  	v14 =	vmctz.xlane vm2;
	_ =	sdelay $0x1  }
0x163: {  	v14 =	vadd.s32 v12, v14;
	_ =	sdelay $0x4  }
0x164: {  	v15 =	vld.idx.msk [tilespmem:v14+s16+$0x0], $0xffff;
	_ =	sdelay $0x4  }
0x165: {  	v15 =	vsel vm2, v10, v15  }
0x166: {  	[tilespmem:$0x1A680] =	vst v15  }
0x167: {  	v15 =	vld [tilespmem:$0x1A680];
	_ =	sdelay $0x4  }
0x168: {  	v16 =	vshll.u32 v15, $0x2  }
0x169: {  	v15 =	vand.u32 $0x7, v15;
	v16 =	vand.u32 $0xFFFFFFE0, v16  }
0x16a: {  	v15 =	vor.u32 v15, v16  }
0x16b: {  	v14 =	vld.idx.msk [tilespmem:v14+s17+$0x0], $0xffff;
	v16 =	vperm.xlane v15, v5;
	_ =	sdelay $0x1  }
0x16c: {  	v16 =	vadd.s32 v6, v16;
	_ =	sdelay $0x1  }
0x16d: {  	v15 =	vperm.xlane v15, v7  }
0x16e: {  	v14 =	vsel vm2, v11, v14  }
0x16f: {  	[tilespmem:$0x1A700] =	vst v14;
	v14 =	vadd.s32 v6, v15  }
0x170: {  	[tilespmem:s28], [sflag:$0x1] =	stream.indirect_vreg.gather [hbm4b:s1+s23], $0x80, v16, vm0, $0xb8;
	[tilespmem:$0x1A780] =	vst v63  }
0x171: {  	_ = 	snop  }
0x172: {  	[tilespmem:s29], [sflag:$0x1] =	stream.indirect_vreg.gather [hbm4b:s6+s23], $0x80, v16, vm0, $0xb8;
	[tilespmem:$0x1A780] =	vst v63  }
0x173: {  	_ = 	snop  }
0x174: {  	[tilespmem:s30], [sflag:$0x1] =	stream.indirect_vreg.gather [hbm4b:s1+s23], $0x80, v14, vm0, $0xb8;
	[tilespmem:$0x1A780] =	vst v63  }
0x175: {  	_ = 	snop  }
0x176: {  	[tilespmem:s31], [sflag:$0x1] =	stream.indirect_vreg.gather [hbm4b:s6+s23], $0x80, v14, vm0, $0xb8;
	[tilespmem:$0x1A780] =	vst v63  }
0x177: {  	v14 =	vld [tilespmem:$0x1A700];
	_ =	sdelay $0x4  }
0x178: {  	v15 =	vshll.u32 v14, $0x2  }
0x179: {  	v14 =	vand.u32 $0x7, v14;
	v15 =	vand.u32 $0xFFFFFFE0, v15  }
0x17a: {  	v14 =	vor.u32 v14, v15  }
0x17b: {  	v15 =	vperm.xlane v14, v5;
	_ =	sdelay $0x1  }
0x17c: {  	v15 =	vadd.s32 v6, v15;
	_ =	sdelay $0x1  }
0x17d: {  	v14 =	vperm.xlane v14, v7;
	_ =	sdelay $0x1  }
0x17e: {  	v14 =	vadd.s32 v6, v14  }
0x17f: {  	[tilespmem:s2], [sflag:$0x1] =	stream.indirect_vreg.gather [hbm4b:s3+s23], $0x80, v15, vm0, $0xb8;
	[tilespmem:$0x1A780] =	vst v63  }
0x180: {  	_ = 	snop  }
0x181: {  	[tilespmem:s0], [sflag:$0x1] =	stream.indirect_vreg.gather [hbm4b:s7+s23], $0x80, v15, vm0, $0xb8;
	[tilespmem:$0x1A780] =	vst v63  }
0x182: {  	_ = 	snop  }
0x183: {  	[tilespmem:s4], [sflag:$0x1] =	stream.indirect_vreg.gather [hbm4b:s3+s23], $0x80, v14, vm0, $0xb8;
	[tilespmem:$0x1A780] =	vst v63  }
0x184: {  	_ = 	snop  }
0x185: {  	[tilespmem:s5], [sflag:$0x1] =	stream.indirect_vreg.gather [hbm4b:s7+s23], $0x80, v14, vm0, $0xb8;
	[tilespmem:$0x1A780] =	vst v63  }
0x186: {  	_ =	swait.ge [sflag:s13], $0x2000  }
0x187: {  	[sflag:s13] =	ssyncset.done $0x0  }
0x188: {  	s18 =	simm.s32 $0x0;
	s19 =	sand.u32 $0x800, s23;
	[sflag:s13] =	ssyncadd.s32 $0xFFFFE000  }
0x189: {  	s20 =	simm.s32 $0x0;
	s18 =	sand.u32 $0x1000, s18;
	_ =	swait.ge [sflag:s13], $0x2000  }
0x18a: {  	s25 =	sand.u32 $0x380, s20;
	s18 =	sor.u32 s19, s18;
	[sflag:s13] =	ssyncset.done $0x0  }
0x18b: {  	s25 =	sor.u32 s25, s18;
	[sflag:s13] =	ssyncadd.s32 $0xFFFFE000  }
0x18c: {  	v14 =	vld [tilespmem:s25+$0x18AF0]  }
0x18d: {  	v19 =	vld [tilespmem:s25+$0x18680]  }
0x18e: {  	v20 =	vld [tilespmem:s25+$0x18690]  }
0x18f: {  	v21 =	vld [tilespmem:s25+$0x186A0]  }
0x190: {  	v22 =	vld [tilespmem:s25+$0x186B0]  }
0x191: {  	v23 =	vld [tilespmem:s25+$0x186C0]  }
0x192: {  	v24 =	vld [tilespmem:s25+$0x186D0]  }
0x193: {  	v25 =	vld [tilespmem:s25+$0x186E0]  }
0x194: {  	v26 =	vld [tilespmem:s25+$0x186F0]  }
0x195: {  	v27 =	vld [tilespmem:s25+$0x18A80]  }
0x196: {  	v28 =	vld [tilespmem:s25+$0x18A90]  }
0x197: {  	v18 =	vld [tilespmem:s25+$0x18AA0]  }
0x198: {  	v17 =	vld [tilespmem:s25+$0x18AB0]  }
0x199: {  	v16 =	vld [tilespmem:s25+$0x18AC0]  }
0x19a: {  	v15 =	vld [tilespmem:s25+$0x18AE0]  }
0x19b: {  	[tilespmem:s25+$0x16AF0] =	vst.add.f32.msk $0xffff, v14  }
0x19c: {  	v14 =	vld [tilespmem:s25+$0x18AD0]  }
0x19d: {  	[tilespmem:s25+$0x16680] =	vst.add.f32.msk $0xffff, v19  }
0x19e: {  	[tilespmem:s25+$0x16690] =	vst.add.f32.msk $0xffff, v20  }
0x19f: {  	[tilespmem:s25+$0x166A0] =	vst.add.f32.msk $0xffff, v21  }
0x1a0: {  	[tilespmem:s25+$0x166B0] =	vst.add.f32.msk $0xffff, v22  }
0x1a1: {  	[tilespmem:s25+$0x166C0] =	vst.add.f32.msk $0xffff, v23  }
0x1a2: {  	[tilespmem:s25+$0x166D0] =	vst.add.f32.msk $0xffff, v24  }
0x1a3: {  	[tilespmem:s25+$0x166E0] =	vst.add.f32.msk $0xffff, v25  }
0x1a4: {  	[tilespmem:s25+$0x166F0] =	vst.add.f32.msk $0xffff, v26  }
0x1a5: {  	[tilespmem:s25+$0x16A80] =	vst.add.f32.msk $0xffff, v27  }
0x1a6: {  	s19 =	simm.s32 $0x0;
	s18 =	simm.s32 $0x0;
	[tilespmem:s25+$0x16A90] =	vst.add.f32.msk $0xffff, v28  }
.LBB2_23:
0x1a7: {  	s18 =	sadd.s32 $0x10, s18;
	[tilespmem:s25+$0x16AA0] =	vst.add.f32.msk $0xffff, v18  }
0x1a8: {  	s19 =	sadd.s32 $0x800, s19;
	s20 =	sshll.u32 s18, $0x4;
	p0 =	slt.u32 s18, $0x1F0;
	[tilespmem:s25+$0x16AB0] =	vst.add.f32.msk $0xffff, v17  }
0x1a9: {  	s21 =	sand.u32 $0x800, s19;
	s8 =	sshll.u32 s18, $0x2;
	s20 =	sand.u32 $0x1000, s20;
	[tilespmem:s25+$0x16AC0] =	vst.add.f32.msk $0xffff, v16  }
0x1aa: {  	s8 =	sand.u32 $0x380, s8;
	s20 =	sor.u32 s21, s20;
	[tilespmem:s25+$0x16AD0] =	vst.add.f32.msk $0xffff, v14  }
0x1ab: {  	[tilespmem:s25+$0x16AE0] =	vst.add.f32.msk $0xffff, v15;
	s25 =	sor.u32 s8, s20  }
0x1ac: {  	v14 =	vld [tilespmem:s25+$0x18AF0]  }
0x1ad: {  	v19 =	vld [tilespmem:s25+$0x18680]  }
0x1ae: {  	v20 =	vld [tilespmem:s25+$0x18690]  }
0x1af: {  	v21 =	vld [tilespmem:s25+$0x186A0]  }
0x1b0: {  	v22 =	vld [tilespmem:s25+$0x186B0]  }
0x1b1: {  	[tilespmem:s25+$0x16AF0] =	vst.add.f32.msk $0xffff, v14  }
0x1b2: {  	v23 =	vld [tilespmem:s25+$0x186C0]  }
0x1b3: {  	v24 =	vld [tilespmem:s25+$0x186D0]  }
0x1b4: {  	v25 =	vld [tilespmem:s25+$0x186E0]  }
0x1b5: {  	v26 =	vld [tilespmem:s25+$0x186F0]  }
0x1b6: {  	v27 =	vld [tilespmem:s25+$0x18A80]  }
0x1b7: {  	v28 =	vld [tilespmem:s25+$0x18A90]  }
0x1b8: {  	v18 =	vld [tilespmem:s25+$0x18AA0]  }
0x1b9: {  	v17 =	vld [tilespmem:s25+$0x18AB0]  }
0x1ba: {  	v16 =	vld [tilespmem:s25+$0x18AC0]  }
0x1bb: {  	v14 =	vld [tilespmem:s25+$0x18AD0]  }
0x1bc: {  	v15 =	vld [tilespmem:s25+$0x18AE0]  }
0x1bd: {  	[tilespmem:s25+$0x16680] =	vst.add.f32.msk $0xffff, v19  }
0x1be: {  	[tilespmem:s25+$0x16690] =	vst.add.f32.msk $0xffff, v20  }
0x1bf: {  	[tilespmem:s25+$0x166A0] =	vst.add.f32.msk $0xffff, v21  }
0x1c0: {  	[tilespmem:s25+$0x166B0] =	vst.add.f32.msk $0xffff, v22  }
0x1c1: {  	[tilespmem:s25+$0x166C0] =	vst.add.f32.msk $0xffff, v23  }
.Ltmp16:
0x1c2: {  	[tilespmem:s25+$0x166D0] =	vst.add.f32.msk $0xffff, v24;
	(pc) =	sbr.rel @p0 .LBB2_23-.Ltmp16, $4  }
0x1c3: {  	[tilespmem:s25+$0x166E0] =	vst.add.f32.msk $0xffff, v25  }
0x1c4: {  	[tilespmem:s25+$0x166F0] =	vst.add.f32.msk $0xffff, v26  }
0x1c5: {  	[tilespmem:s25+$0x16A80] =	vst.add.f32.msk $0xffff, v27  }
0x1c6: {  	[tilespmem:s25+$0x16A90] =	vst.add.f32.msk $0xffff, v28  }
0x1c7: {  	[tilespmem:s25+$0x16AA0] =	vst.add.f32.msk $0xffff, v18  }
0x1c8: {  	[tilespmem:s25+$0x16AB0] =	vst.add.f32.msk $0xffff, v17  }
0x1c9: {  	[tilespmem:s25+$0x16AC0] =	vst.add.f32.msk $0xffff, v16  }
0x1ca: {  	[tilespmem:s25+$0x16AD0] =	vst.add.f32.msk $0xffff, v14  }
0x1cb: {  	[tilespmem:s25+$0x16AE0] =	vst.add.f32.msk $0xffff, v15  }
0x1cc: {  	v14 =	vld [tilespmem:$0x1A680];
	_ =	sdelay $0x4  }
0x1cd: {  	v15 =	vshll.u32 v14, $0x2  }
0x1ce: {  	v14 =	vand.u32 $0x7, v14;
	v15 =	vand.u32 $0xFFFFFFE0, v15  }
0x1cf: {  	v14 =	vor.u32 v14, v15  }
0x1d0: {  	v15 =	vperm.xlane v14, v5;
	_ =	sdelay $0x1  }
0x1d1: {  	v15 =	vadd.s32 v6, v15;
	_ =	sdelay $0x1  }
0x1d2: {  	v14 =	vperm.xlane v14, v7;
	_ =	sdelay $0x1  }
0x1d3: {  	v14 =	vadd.s32 v6, v14  }
0x1d4: {  	[hbm4b:s1+s9] =	stream.indirect_vreg.scatter [tilespmem:s28], [sflag:$0x2], $0x80, v15, vm0, $0xb8;
	[tilespmem:$0x1A780] =	vst v63  }
0x1d5: {  	_ = 	snop  }
0x1d6: {  	[hbm4b:s6+s9] =	stream.indirect_vreg.scatter [tilespmem:s29], [sflag:$0x2], $0x80, v15, vm0, $0xb8;
	[tilespmem:$0x1A780] =	vst v63  }
0x1d7: {  	_ = 	snop  }
0x1d8: {  	[hbm4b:s1+s9] =	stream.indirect_vreg.scatter [tilespmem:s30], [sflag:$0x2], $0x80, v14, vm0, $0xb8;
	[tilespmem:$0x1A780] =	vst v63  }
0x1d9: {  	p0 =	sne.s32 s24, s22  }
0x1da: {  	[hbm4b:s6+s9] =	stream.indirect_vreg.scatter [tilespmem:s31], [sflag:$0x2], $0x80, v14, vm0, $0xb8;
	[tilespmem:$0x1A780] =	vst v63  }
.Ltmp17:
0x1db: {  	_ = 	snop;
	(pc) =	sbr.rel @p0 .LBB2_22-.Ltmp17, $4  }
.Ltmp18:
0x1dc: {  	_ = 	snop;
	(pc) =	sbr.rel @!p0 .LBB2_25-.Ltmp18, $4  }
0x1dd: {  	_ =	swait.ge [sflag:s26], $0x2000  }
0x1de: {  	s8 =	sadd.s32 $0x1, s24;
	[sflag:s26] =	ssyncset.done $0x0  }
0x1df: {  	s24 =	smov.u32 s8;
	[sflag:s26] =	ssyncadd.s32 $0xFFFFE000  }
0x1e0: {  	_ = 	snop  }
.LBB2_8:
.Ltmp19:
0x1e1: {  	(pc) =	sbr.rel .LBB2_12-.Ltmp19, $3  }
0x1e2: {  	_ =	sdelay $0x1  }
0x1e3: {  	s24 =	simm.s32 $0x0  }
0x1e4: {  	s23 =	simm.s32 $0x4000;
	s25 =	simm.s32 $0x0;
	s22 =	simm.s32 $0x0  }
.LBB2_10:
.Ltmp20:
0x1e5: {  	(pc) =	sbr.rel .LBB2_12-.Ltmp20, $2  }
0x1e6: {  	_ =	sdelay $0x2  }
0x1e7: {  	s24 =	simm.s32 $0x0;
	s23 =	simm.s32 $0x4000  }
.LBB2_27:
0x1e8: {  	_ =	sfence.sel $0x180000  }
0x1e9: {  	[bflag:$0x0] =	sbarrier.arrive $0xFFFF  }
0x1ea: {  	_ =	strace $0x90000047  }
0x1eb: {  	s0 =	stileid.u32;
	[bflag:$0x2] =	sbarrier.arrive $0xFFFF  }
0x1ec: {  	p0 =	sne.s32 s0, $0x0;
	s0 =	rddreg [dreg:$0x3]  }
0x1ed: {  	s0 =	sadd.s32 @!p0 $0x100000, s0  }
0x1ee: {  	[sflag:s0] =	ssyncadd.tile.s32 @!p0 $0x1;
	_ =	shalt  }
.Lfunc_end2:
_tile_overlayer_lowered:
.L_overlay_start_2:
0x1ef: {  	(tag) =	ssettag $0x2  }
0x1f0: {  	s0 =	rddreg [dreg:$0x0];
	s2 =	stileid.u32  }
0x1f1: {  	s1 =	rddreg [dreg:$0x1];
	p0 =	sne.s32 s2, $0x0  }
0x1f2: {  	s3 =	rddreg [dreg:$0x2];
	[bflag:$0x3] =	sbarrier.arrive $0xFFFF;
	s2 =	simm.s32 @!p0 $0x1C03  }
0x1f3: {  	[timem:s3], [sflag:s2] =	dma.local @!p0 [hbm:s0], s1  }
0x1f4: {  	s0 =	simm.s32 @!p0 $0x3  }
0x1f5: {  	_ =	swait.ge @!p0 [sflag:s0], s1  }
0x1f6: {  	s1 =	ssub.s32 @!p0 $0x0, s1;
	[sflag:s0] =	ssyncset.done @!p0 $0x0  }
0x1f7: {  	[sflag:s0] =	ssyncadd.s32 @!p0 s1  }
0x1f8: {  	[bflag:$0x3] =	sbarrier.arrive $0xFFFF  }
0x1f9: {  	_ =	shalt  }

</sc_bundles>
